<compile_context>
chip_gen: v7x
topology: tpu7x:2x2x1
jax: 0.10.2.dev20260603
libtpu: 0.0.44.dev20260713+nightly
codegen_flags: <defaults>
</compile_context>

<pallas_src>
import functools

import jax
import jax.numpy as jnp
from jax import lax
from jax.experimental import pallas as pl
from jax.experimental.pallas import tpu as pltpu
from jax.experimental.pallas import tpu_sc as plsc

N = 10000
D = 256
E = 160000
HALF = D // 2
NS = 16
EPT = E // NS
K = 100
NHALVES = 2
HCHUNK = 50
RPT = N // NS

_mesh = plsc.VectorSubcoreMesh(core_axis_name="c", subcore_axis_name="s")


@functools.partial(
    pl.kernel,
    out_type=(
        jax.ShapeDtypeStruct((N, HALF), jnp.float32),
        jax.ShapeDtypeStruct((N, HALF), jnp.float32),
    ),
    mesh=_mesh,
    scratch_types=[
        pltpu.VMEM((HCHUNK, K), jnp.int32),
        pltpu.VMEM((HCHUNK, K), jnp.int32),
        pltpu.VMEM((K, HALF), jnp.float32),
        pltpu.VMEM((K, HALF), jnp.float32),
        pltpu.VMEM((K, HALF), jnp.float32),
        pltpu.VMEM_SHARED((N, HALF), jnp.float32),
        pltpu.SemaphoreType.DMA,
        pltpu.SemaphoreType.DMA,
        pltpu.SemaphoreType.DMA,
        pltpu.SemaphoreType.DMA,
        pltpu.SemaphoreType.DMA,
        pltpu.SemaphoreType.DMA,
    ],
    compiler_params=pltpu.CompilerParams(use_tc_tiling_on_sc=False),
)
def _segsum(xw_lo, xw_hi, zeros_hbm, src_hbm, dst_hbm, out_lo, out_hi,
            src_v, dst_v, buf0, buf1, buf2, acc, g0, g1, g2, s0, s1, s2):
    c = lax.axis_index("c")
    s = lax.axis_index("s")
    bufs = (buf0, buf1, buf2)
    gsem = (g0, g1, g2)
    ssem = (s0, s1, s2)

    def gather(q, slot):
        @pl.when(c == 0)
        def _():
            pltpu.async_copy(xw_lo.at[src_v.at[q]], bufs[slot], gsem[slot])

        @pl.when(c == 1)
        def _():
            pltpu.async_copy(xw_hi.at[src_v.at[q]], bufs[slot], gsem[slot])

    def scatter(q, slot):
        pltpu.async_copy(bufs[slot], acc.at[dst_v.at[q]], ssem[slot],
                         add=True)

    def drain(slot, sems):
        pltpu.make_async_copy(xw_lo.at[pl.ds(0, K)], bufs[slot],
                              sems[slot]).wait()

    rows = pl.ds(s * RPT, RPT)

    for h in range(NHALVES):
        pltpu.sync_copy(src_hbm.at[s, h], src_v)
        pltpu.sync_copy(dst_hbm.at[s, h], dst_v)

        gather(0, 0)
        gather(1, 1)
        if h == 0:
            pltpu.sync_copy(zeros_hbm.at[rows], acc.at[rows])
            plsc.subcore_barrier()

        def visit(q, b, n, tail):
            drain(b, gsem)
            if tail:
                drain(n, ssem)
            else:
                @pl.when(q >= 1)
                def _():
                    drain(n, ssem)

                gather(q + 2, n)
            scatter(q, b)

        @pl.loop(0, HCHUNK - 2, step=3)
        def _(j):
            for b in range(3):
                visit(j + b, b, (b + 2) % 3, False)

        visit(HCHUNK - 2, (HCHUNK - 2) % 3, HCHUNK % 3, True)
        visit(HCHUNK - 1, (HCHUNK - 1) % 3, (HCHUNK + 1) % 3, True)
        drain((HCHUNK - 1) % 3, ssem)

    plsc.subcore_barrier()

    @pl.when(c == 0)
    def _():
        pltpu.sync_copy(acc.at[rows], out_lo.at[rows])

    @pl.when(c == 1)
    def _():
        pltpu.sync_copy(acc.at[rows], out_hi.at[rows])


def _mm_body(xlo_ref, xhi_ref, w_ref, b_ref, ylo_ref, yhi_ref, *, relu):
    xlo = xlo_ref[...]
    xhi = xhi_ref[...]
    if relu:
        xlo = jnp.maximum(xlo, 0.0)
        xhi = jnp.maximum(xhi, 0.0)
    y = (
        jnp.dot(xlo, w_ref[:HALF, :], preferred_element_type=jnp.float32)
        + jnp.dot(xhi, w_ref[HALF:, :], preferred_element_type=jnp.float32)
        + b_ref[...]
    )
    ylo_ref[...] = y[:, :HALF]
    yhi_ref[...] = y[:, HALF:]


_MM_ROWS = 1000


def _mm(xlo, xhi, W, b, relu):
    return pl.pallas_call(
        functools.partial(_mm_body, relu=relu),
        grid=(N // _MM_ROWS,),
        in_specs=[
            pl.BlockSpec((_MM_ROWS, HALF), lambda i: (i, 0)),
            pl.BlockSpec((_MM_ROWS, HALF), lambda i: (i, 0)),
            pl.BlockSpec((D, D), lambda i: (0, 0)),
            pl.BlockSpec((1, D), lambda i: (0, 0)),
        ],
        out_specs=[
            pl.BlockSpec((_MM_ROWS, HALF), lambda i: (i, 0)),
            pl.BlockSpec((_MM_ROWS, HALF), lambda i: (i, 0)),
        ],
        out_shape=[
            jax.ShapeDtypeStruct((N, HALF), jnp.float32),
            jax.ShapeDtypeStruct((N, HALF), jnp.float32),
        ],
    )(xlo, xhi, W, b.reshape(1, D))


def kernel(x, adj_t, edge_weight, W1, b1, W2, b2, W3, b3):
    src = adj_t[0].astype(jnp.int32).reshape(NS, NHALVES, HCHUNK, K)
    dst = adj_t[1].astype(jnp.int32).reshape(NS, NHALVES, HCHUNK, K)
    zeros = jnp.zeros((N, HALF), jnp.float32)

    hlo, hhi = x[:, :HALF], x[:, HALF:]
    for W, b, relu in ((W1, b1, False), (W2, b2, True), (W3, b3, True)):
        ylo, yhi = _mm(hlo, hhi, W, b, relu)
        hlo, hhi = _segsum(ylo, yhi, zeros, src, dst)
    return jnp.concatenate([hlo, hhi], axis=1)

# --- scband reference (transcript-rebuilt; emitter-appended) ---
"""Pipeline reference for scband-base-gnn-38405597560911 (READ-ONLY COPY).

The authoritative reference and input builder live on the scoring server;
editing this copy changes nothing except your own understanding.
"""

import jax, jax.numpy as jnp
import numpy as np

N = 10000
E = 160000
D = 256
NUM_LAYERS = 3

def setup_inputs(seed: int = 0) -> dict:
    key = jax.random.key(seed)
    ks = jax.random.split(key, 10)
    x = jax.random.normal(ks[0], (N, D), dtype=jnp.float32)
    adj_t = jax.random.randint(ks[1], (2, E), 0, N, dtype=jnp.int64)
    edge_weight = jax.random.uniform(ks[2], (E,), dtype=jnp.float32)
    # GCN-style conv parameters for each of the num_layers convs (in=out=D)
    scale = 1.0 / np.sqrt(D)
    W1 = jax.random.normal(ks[3], (D, D), dtype=jnp.float32) * scale
    b1 = jnp.zeros((D,), dtype=jnp.float32)
    W2 = jax.random.normal(ks[4], (D, D), dtype=jnp.float32) * scale
    b2 = jnp.zeros((D,), dtype=jnp.float32)
    W3 = jax.random.normal(ks[5], (D, D), dtype=jnp.float32) * scale
    b3 = jnp.zeros((D,), dtype=jnp.float32)
    return {"x": x, "adj_t": adj_t, "edge_weight": edge_weight,
            "W1": W1, "b1": b1, "W2": W2, "b2": b2, "W3": W3, "b3": b3}

def _conv(x, src, dst, W, b, n_nodes):
    # GCNConv-like: linear transform then sparse aggregation dst <- sum over src
    xw = x @ W + b
    msgs = jnp.take(xw, src, axis=0)
    return jax.ops.segment_sum(msgs, dst, num_segments=n_nodes)

def reference(x, adj_t, edge_weight, W1, b1, W2, b2, W3, b3):
    # BaseGNN.forward in eval mode (dropout inactive): relu between convs,
    # no activation after the last conv (num_layers=3). edge_weight is passed
    # to forward but unused by the original forward body.
    n_nodes = x.shape[0]
    src = adj_t[0]
    dst = adj_t[1]
    h = _conv(x, src, dst, W1, b1, n_nodes)
    h = jax.nn.relu(h)
    h = _conv(h, src, dst, W2, b2, n_nodes)
    h = jax.nn.relu(h)
    h = _conv(h, src, dst, W3, b3, n_nodes)
    return h

if __name__ == "__main__":
    import jax
    _d = setup_inputs()
    print(jax.jit(kernel)(*tuple(_d.values())))

</pallas_src>

<mosaic_0001>
#map = affine_map<(d0, d1) -> (0, 0)>
#map1 = affine_map<(d0, d1) -> (0, 0, 0, 0)>
module attributes {stable_mosaic.version = 14 : i64} {
  func.func @_segsum(%arg0: i32, %arg1: i32, %arg2: memref<10000x128xf32, #tpu.memory_space<hbm>>, %arg3: memref<10000x128xf32, #tpu.memory_space<hbm>>, %arg4: memref<10000x128xf32, #tpu.memory_space<hbm>>, %arg5: memref<16x2x50x100xi32, #tpu.memory_space<hbm>>, %arg6: memref<16x2x50x100xi32, #tpu.memory_space<hbm>>, %arg7: memref<10000x128xf32, #tpu.memory_space<hbm>>, %arg8: memref<10000x128xf32, #tpu.memory_space<hbm>>, %arg9: memref<50x100xi32, #tpu.memory_space<vmem>>, %arg10: memref<50x100xi32, #tpu.memory_space<vmem>>, %arg11: memref<100x128xf32, #tpu.memory_space<vmem>>, %arg12: memref<100x128xf32, #tpu.memory_space<vmem>>, %arg13: memref<100x128xf32, #tpu.memory_space<vmem>>, %arg14: memref<10000x128xf32, #tpu.memory_space<vmem_shared>>, %arg15: memref<!tpu.dma_semaphore, #tpu.memory_space<semaphore_mem>>, %arg16: memref<!tpu.dma_semaphore, #tpu.memory_space<semaphore_mem>>, %arg17: memref<!tpu.dma_semaphore, #tpu.memory_space<semaphore_mem>>, %arg18: memref<!tpu.dma_semaphore, #tpu.memory_space<semaphore_mem>>, %arg19: memref<!tpu.dma_semaphore, #tpu.memory_space<semaphore_mem>>, %arg20: memref<!tpu.dma_semaphore, #tpu.memory_space<semaphore_mem>>) attributes {dimension_semantics = [#tpu.dimension_semantics<core_parallel>, #tpu.dimension_semantics<subcore_parallel>], iteration_bounds = array<i64: 2, 16>, scalar_prefetch = 0 : i64, scratch_operands = 12 : i64, tpu.core_type = #tpu.core_type<sc_vector_subcore>, window_params = [{transform_indices = #map}, {transform_indices = #map}, {transform_indices = #map}, {transform_indices = #map1}, {transform_indices = #map1}, {transform_indices = #map}, {transform_indices = #map}]} {
    %mul3A = arith.constant 625 : i32
    %mul3A_0 = arith.muli %arg1, %mul3A : i32
    %run_scoped3A = arith.constant 0 : i32
    "tpu.region"() ({
      %run_scoped3A_147 = tpu.sem_alloc : memref<!tpu.dma_semaphore, #tpu.memory_space<semaphore_mem>>
      %dma_start3A_148 = arith.constant 0 : i32
      %dma_start3A_149 = arith.constant 0 : i32
      %dma_start3A_150 = tpu.memref_slice %arg5[%arg1, %run_scoped3A, %dma_start3A_148, %dma_start3A_149] : memref<16x2x50x100xi32, #tpu.memory_space<hbm>> -> memref<1x1x50x100xi32, #tpu.memory_space<hbm>>
      %dma_start3A_151 = tpu.memref_squeeze %dma_start3A_150 : memref<1x1x50x100xi32, #tpu.memory_space<hbm>> -> memref<50x100xi32, #tpu.memory_space<hbm>>
      %dma_start3A_152 = arith.constant 0 : i32
      %dma_start3A_153 = arith.constant 0 : i32
      %dma_start3A_154 = tpu.memref_slice %arg5[%arg1, %run_scoped3A, %dma_start3A_152, %dma_start3A_153] : memref<16x2x50x100xi32, #tpu.memory_space<hbm>> -> memref<1x1x50x100xi32, #tpu.memory_space<hbm>>
      %dma_start3A_155 = tpu.memref_squeeze %dma_start3A_154 : memref<1x1x50x100xi32, #tpu.memory_space<hbm>> -> memref<50x100xi32, #tpu.memory_space<hbm>>
      tpu.enqueue_dma source(%dma_start3A_155 : memref<50x100xi32, #tpu.memory_space<hbm>>) target(%arg9 : memref<50x100xi32, #tpu.memory_space<vmem>>) target_semaphore(%run_scoped3A_147 : memref<!tpu.dma_semaphore, #tpu.memory_space<semaphore_mem>>)
      %dma_wait3A_156 = arith.constant 0 : i32
      %dma_wait3A_157 = arith.constant 0 : i32
      %dma_wait3A_158 = tpu.memref_slice %arg5[%arg1, %run_scoped3A, %dma_wait3A_156, %dma_wait3A_157] : memref<16x2x50x100xi32, #tpu.memory_space<hbm>> -> memref<1x1x50x100xi32, #tpu.memory_space<hbm>>
      %dma_wait3A_159 = tpu.memref_squeeze %dma_wait3A_158 : memref<1x1x50x100xi32, #tpu.memory_space<hbm>> -> memref<50x100xi32, #tpu.memory_space<hbm>>
      %dma_wait3A_160 = arith.constant 0 : i32
      %dma_wait3A_161 = arith.constant 0 : i32
      %dma_wait3A_162 = tpu.memref_slice %arg5[%arg1, %run_scoped3A, %dma_wait3A_160, %dma_wait3A_161] : memref<16x2x50x100xi32, #tpu.memory_space<hbm>> -> memref<1x1x50x100xi32, #tpu.memory_space<hbm>>
      %dma_wait3A_163 = tpu.memref_squeeze %dma_wait3A_162 : memref<1x1x50x100xi32, #tpu.memory_space<hbm>> -> memref<50x100xi32, #tpu.memory_space<hbm>>
      tpu.wait_dma2 semaphore(%run_scoped3A_147 : memref<!tpu.dma_semaphore, #tpu.memory_space<semaphore_mem>>) src(%dma_wait3A_163 : memref<50x100xi32, #tpu.memory_space<hbm>>) dst(%arg9 : memref<50x100xi32, #tpu.memory_space<vmem>>)
      tpu.yield
    }) : () -> ()
    %run_scoped3A_1 = arith.constant 0 : i32
    "tpu.region"() ({
      %run_scoped3A_147 = tpu.sem_alloc : memref<!tpu.dma_semaphore, #tpu.memory_space<semaphore_mem>>
      %dma_start3A_148 = arith.constant 0 : i32
      %dma_start3A_149 = arith.constant 0 : i32
      %dma_start3A_150 = tpu.memref_slice %arg6[%arg1, %run_scoped3A_1, %dma_start3A_148, %dma_start3A_149] : memref<16x2x50x100xi32, #tpu.memory_space<hbm>> -> memref<1x1x50x100xi32, #tpu.memory_space<hbm>>
      %dma_start3A_151 = tpu.memref_squeeze %dma_start3A_150 : memref<1x1x50x100xi32, #tpu.memory_space<hbm>> -> memref<50x100xi32, #tpu.memory_space<hbm>>
      %dma_start3A_152 = arith.constant 0 : i32
      %dma_start3A_153 = arith.constant 0 : i32
      %dma_start3A_154 = tpu.memref_slice %arg6[%arg1, %run_scoped3A_1, %dma_start3A_152, %dma_start3A_153] : memref<16x2x50x100xi32, #tpu.memory_space<hbm>> -> memref<1x1x50x100xi32, #tpu.memory_space<hbm>>
      %dma_start3A_155 = tpu.memref_squeeze %dma_start3A_154 : memref<1x1x50x100xi32, #tpu.memory_space<hbm>> -> memref<50x100xi32, #tpu.memory_space<hbm>>
      tpu.enqueue_dma source(%dma_start3A_155 : memref<50x100xi32, #tpu.memory_space<hbm>>) target(%arg10 : memref<50x100xi32, #tpu.memory_space<vmem>>) target_semaphore(%run_scoped3A_147 : memref<!tpu.dma_semaphore, #tpu.memory_space<semaphore_mem>>)
      %dma_wait3A_156 = arith.constant 0 : i32
      %dma_wait3A_157 = arith.constant 0 : i32
      %dma_wait3A_158 = tpu.memref_slice %arg6[%arg1, %run_scoped3A_1, %dma_wait3A_156, %dma_wait3A_157] : memref<16x2x50x100xi32, #tpu.memory_space<hbm>> -> memref<1x1x50x100xi32, #tpu.memory_space<hbm>>
      %dma_wait3A_159 = tpu.memref_squeeze %dma_wait3A_158 : memref<1x1x50x100xi32, #tpu.memory_space<hbm>> -> memref<50x100xi32, #tpu.memory_space<hbm>>
      %dma_wait3A_160 = arith.constant 0 : i32
      %dma_wait3A_161 = arith.constant 0 : i32
      %dma_wait3A_162 = tpu.memref_slice %arg6[%arg1, %run_scoped3A_1, %dma_wait3A_160, %dma_wait3A_161] : memref<16x2x50x100xi32, #tpu.memory_space<hbm>> -> memref<1x1x50x100xi32, #tpu.memory_space<hbm>>
      %dma_wait3A_163 = tpu.memref_squeeze %dma_wait3A_162 : memref<1x1x50x100xi32, #tpu.memory_space<hbm>> -> memref<50x100xi32, #tpu.memory_space<hbm>>
      tpu.wait_dma2 semaphore(%run_scoped3A_147 : memref<!tpu.dma_semaphore, #tpu.memory_space<semaphore_mem>>) src(%dma_wait3A_163 : memref<50x100xi32, #tpu.memory_space<hbm>>) dst(%arg10 : memref<50x100xi32, #tpu.memory_space<vmem>>)
      tpu.yield
    }) : () -> ()
    %eq3A = arith.constant 0 : i32
    %eq3A_2 = arith.cmpi eq, %arg0, %eq3A : i32
    %convert_element_type3A = arith.extui %eq3A_2 : i1 to i32
    %cond3A = arith.constant 0 : i32
    %cond3A_3 = arith.cmpi ne, %convert_element_type3A, %cond3A : i32
    scf.if %cond3A_3 {
      %dma_start3A_147 = arith.constant 0 : i32
      %dma_start3A_148 = arith.constant 0 : i32
      %dma_start3A_149 = tpu.memref_slice %arg9[%dma_start3A_147, %dma_start3A_148] : memref<50x100xi32, #tpu.memory_space<vmem>> -> memref<1x100xi32, #tpu.memory_space<vmem>>
      %dma_start3A_150 = tpu.memref_squeeze %dma_start3A_149 : memref<1x100xi32, #tpu.memory_space<vmem>> -> memref<100xi32, #tpu.memory_space<vmem>>
      %dma_start3A_151 = arith.constant 0 : i32
      %dma_start3A_152 = arith.constant 0 : i32
      %dma_start3A_153 = tpu.memref_slice %arg2[%dma_start3A_151, %dma_start3A_152] : memref<10000x128xf32, #tpu.memory_space<hbm>> -> memref<10000x128xf32, #tpu.memory_space<hbm>>
      tpu.enqueue_indirect_dma source(%dma_start3A_153 : memref<10000x128xf32, #tpu.memory_space<hbm>>) target(%arg11 : memref<100x128xf32, #tpu.memory_space<vmem>>) offsets(%dma_start3A_150 : memref<100xi32, #tpu.memory_space<vmem>>) semaphore(%arg15 : memref<!tpu.dma_semaphore, #tpu.memory_space<semaphore_mem>>)
    } else {
    }
    %eq3A_4 = arith.constant 1 : i32
    %eq3A_5 = arith.cmpi eq, %arg0, %eq3A_4 : i32
    %convert_element_type3A_6 = arith.extui %eq3A_5 : i1 to i32
    %cond3A_7 = arith.constant 0 : i32
    %cond3A_8 = arith.cmpi ne, %convert_element_type3A_6, %cond3A_7 : i32
    scf.if %cond3A_8 {
      %dma_start3A_147 = arith.constant 0 : i32
      %dma_start3A_148 = arith.constant 0 : i32
      %dma_start3A_149 = tpu.memref_slice %arg9[%dma_start3A_147, %dma_start3A_148] : memref<50x100xi32, #tpu.memory_space<vmem>> -> memref<1x100xi32, #tpu.memory_space<vmem>>
      %dma_start3A_150 = tpu.memref_squeeze %dma_start3A_149 : memref<1x100xi32, #tpu.memory_space<vmem>> -> memref<100xi32, #tpu.memory_space<vmem>>
      %dma_start3A_151 = arith.constant 0 : i32
      %dma_start3A_152 = arith.constant 0 : i32
      %dma_start3A_153 = tpu.memref_slice %arg3[%dma_start3A_151, %dma_start3A_152] : memref<10000x128xf32, #tpu.memory_space<hbm>> -> memref<10000x128xf32, #tpu.memory_space<hbm>>
      tpu.enqueue_indirect_dma source(%dma_start3A_153 : memref<10000x128xf32, #tpu.memory_space<hbm>>) target(%arg11 : memref<100x128xf32, #tpu.memory_space<vmem>>) offsets(%dma_start3A_150 : memref<100xi32, #tpu.memory_space<vmem>>) semaphore(%arg15 : memref<!tpu.dma_semaphore, #tpu.memory_space<semaphore_mem>>)
    } else {
    }
    %eq3A_9 = arith.constant 0 : i32
    %eq3A_10 = arith.cmpi eq, %arg0, %eq3A_9 : i32
    %convert_element_type3A_11 = arith.extui %eq3A_10 : i1 to i32
    %cond3A_12 = arith.constant 0 : i32
    %cond3A_13 = arith.cmpi ne, %convert_element_type3A_11, %cond3A_12 : i32
    scf.if %cond3A_13 {
      %dma_start3A_147 = arith.constant 1 : i32
      %dma_start3A_148 = arith.constant 0 : i32
      %dma_start3A_149 = tpu.memref_slice %arg9[%dma_start3A_147, %dma_start3A_148] : memref<50x100xi32, #tpu.memory_space<vmem>> -> memref<1x100xi32, #tpu.memory_space<vmem>>
      %dma_start3A_150 = tpu.memref_squeeze %dma_start3A_149 : memref<1x100xi32, #tpu.memory_space<vmem>> -> memref<100xi32, #tpu.memory_space<vmem>>
      %dma_start3A_151 = arith.constant 0 : i32
      %dma_start3A_152 = arith.constant 0 : i32
      %dma_start3A_153 = tpu.memref_slice %arg2[%dma_start3A_151, %dma_start3A_152] : memref<10000x128xf32, #tpu.memory_space<hbm>> -> memref<10000x128xf32, #tpu.memory_space<hbm>>
      tpu.enqueue_indirect_dma source(%dma_start3A_153 : memref<10000x128xf32, #tpu.memory_space<hbm>>) target(%arg12 : memref<100x128xf32, #tpu.memory_space<vmem>>) offsets(%dma_start3A_150 : memref<100xi32, #tpu.memory_space<vmem>>) semaphore(%arg16 : memref<!tpu.dma_semaphore, #tpu.memory_space<semaphore_mem>>)
    } else {
    }
    %eq3A_14 = arith.constant 1 : i32
    %eq3A_15 = arith.cmpi eq, %arg0, %eq3A_14 : i32
    %convert_element_type3A_16 = arith.extui %eq3A_15 : i1 to i32
    %cond3A_17 = arith.constant 0 : i32
    %cond3A_18 = arith.cmpi ne, %convert_element_type3A_16, %cond3A_17 : i32
    scf.if %cond3A_18 {
      %dma_start3A_147 = arith.constant 1 : i32
      %dma_start3A_148 = arith.constant 0 : i32
      %dma_start3A_149 = tpu.memref_slice %arg9[%dma_start3A_147, %dma_start3A_148] : memref<50x100xi32, #tpu.memory_space<vmem>> -> memref<1x100xi32, #tpu.memory_space<vmem>>
      %dma_start3A_150 = tpu.memref_squeeze %dma_start3A_149 : memref<1x100xi32, #tpu.memory_space<vmem>> -> memref<100xi32, #tpu.memory_space<vmem>>
      %dma_start3A_151 = arith.constant 0 : i32
      %dma_start3A_152 = arith.constant 0 : i32
      %dma_start3A_153 = tpu.memref_slice %arg3[%dma_start3A_151, %dma_start3A_152] : memref<10000x128xf32, #tpu.memory_space<hbm>> -> memref<10000x128xf32, #tpu.memory_space<hbm>>
      tpu.enqueue_indirect_dma source(%dma_start3A_153 : memref<10000x128xf32, #tpu.memory_space<hbm>>) target(%arg12 : memref<100x128xf32, #tpu.memory_space<vmem>>) offsets(%dma_start3A_150 : memref<100xi32, #tpu.memory_space<vmem>>) semaphore(%arg16 : memref<!tpu.dma_semaphore, #tpu.memory_space<semaphore_mem>>)
    } else {
    }
    "tpu.region"() ({
      %run_scoped3A_147 = tpu.sem_alloc : memref<!tpu.dma_semaphore, #tpu.memory_space<semaphore_mem>>
      %dma_start3A_148 = arith.constant 0 : i32
      %dma_start3A_149 = tpu.memref_slice %arg14[%mul3A_0, %dma_start3A_148] : memref<10000x128xf32, #tpu.memory_space<vmem_shared>> -> memref<625x128xf32, #tpu.memory_space<vmem_shared>>
      %dma_start3A_150 = arith.constant 0 : i32
      %dma_start3A_151 = tpu.memref_slice %arg4[%mul3A_0, %dma_start3A_150] : memref<10000x128xf32, #tpu.memory_space<hbm>> -> memref<625x128xf32, #tpu.memory_space<hbm>>
      tpu.enqueue_dma source(%dma_start3A_151 : memref<625x128xf32, #tpu.memory_space<hbm>>) target(%dma_start3A_149 : memref<625x128xf32, #tpu.memory_space<vmem_shared>>) target_semaphore(%run_scoped3A_147 : memref<!tpu.dma_semaphore, #tpu.memory_space<semaphore_mem>>)
      %dma_wait3A_152 = arith.constant 0 : i32
      %dma_wait3A_153 = tpu.memref_slice %arg14[%mul3A_0, %dma_wait3A_152] : memref<10000x128xf32, #tpu.memory_space<vmem_shared>> -> memref<625x128xf32, #tpu.memory_space<vmem_shared>>
      %dma_wait3A_154 = arith.constant 0 : i32
      %dma_wait3A_155 = tpu.memref_slice %arg4[%mul3A_0, %dma_wait3A_154] : memref<10000x128xf32, #tpu.memory_space<hbm>> -> memref<625x128xf32, #tpu.memory_space<hbm>>
      tpu.wait_dma2 semaphore(%run_scoped3A_147 : memref<!tpu.dma_semaphore, #tpu.memory_space<semaphore_mem>>) src(%dma_wait3A_155 : memref<625x128xf32, #tpu.memory_space<hbm>>) dst(%dma_wait3A_153 : memref<625x128xf32, #tpu.memory_space<vmem_shared>>)
      tpu.yield
    }) : () -> ()
    %barrier3A = arith.constant 0 : index
    tpu.barrier barrier_id(%barrier3A)
    %scan3A = arith.constant 0 : i32
    %scan3A_19 = arith.constant 16 : i32
    %scan3A_20 = arith.addi %scan3A, %scan3A_19 : i32
    %scan3A_21 = arith.constant 1 : i32
    scf.for %scan3A_147 = %scan3A to %scan3A_20 step %scan3A_21  : i32 {
      %mul3A_148 = arith.constant 3 : i32
      %mul3A_149 = arith.muli %scan3A_147, %mul3A_148 : i32
      %add3A = arith.constant 0 : i32
      %add3A_150 = arith.addi %add3A, %mul3A_149 : i32
      %add3A_151 = arith.constant 0 : i32
      %add3A_152 = arith.addi %add3A_150, %add3A_151 : i32
      %dma_wait3A_153 = arith.constant 0 : i32
      %dma_wait3A_154 = arith.constant 0 : i32
      %dma_wait3A_155 = tpu.memref_slice %arg2[%dma_wait3A_153, %dma_wait3A_154] : memref<10000x128xf32, #tpu.memory_space<hbm>> -> memref<100x128xf32, #tpu.memory_space<hbm>>
      %dma_wait3A_156 = arith.constant 0 : i32
      %dma_wait3A_157 = arith.constant 0 : i32
      %dma_wait3A_158 = tpu.memref_slice %arg2[%dma_wait3A_156, %dma_wait3A_157] : memref<10000x128xf32, #tpu.memory_space<hbm>> -> memref<100x128xf32, #tpu.memory_space<hbm>>
      tpu.wait_dma2 semaphore(%arg15 : memref<!tpu.dma_semaphore, #tpu.memory_space<semaphore_mem>>) src(%dma_wait3A_158 : memref<100x128xf32, #tpu.memory_space<hbm>>) dst(%arg11 : memref<100x128xf32, #tpu.memory_space<vmem>>)
      %ge3A = arith.constant 1 : i32
      %ge3A_159 = arith.cmpi sge, %add3A_152, %ge3A : i32
      %convert_element_type3A_160 = arith.extui %ge3A_159 : i1 to i32
      %cond3A_161 = arith.constant 0 : i32
      %cond3A_162 = arith.cmpi ne, %convert_element_type3A_160, %cond3A_161 : i32
      scf.if %cond3A_162 {
        %dma_wait3A_243 = arith.constant 0 : i32
        %dma_wait3A_244 = arith.constant 0 : i32
        %dma_wait3A_245 = tpu.memref_slice %arg2[%dma_wait3A_243, %dma_wait3A_244] : memref<10000x128xf32, #tpu.memory_space<hbm>> -> memref<100x128xf32, #tpu.memory_space<hbm>>
        %dma_wait3A_246 = arith.constant 0 : i32
        %dma_wait3A_247 = arith.constant 0 : i32
        %dma_wait3A_248 = tpu.memref_slice %arg2[%dma_wait3A_246, %dma_wait3A_247] : memref<10000x128xf32, #tpu.memory_space<hbm>> -> memref<100x128xf32, #tpu.memory_space<hbm>>
        tpu.wait_dma2 semaphore(%arg20 : memref<!tpu.dma_semaphore, #tpu.memory_space<semaphore_mem>>) src(%dma_wait3A_248 : memref<100x128xf32, #tpu.memory_space<hbm>>) dst(%arg13 : memref<100x128xf32, #tpu.memory_space<vmem>>)
      } else {
      }
      %add3A_163 = arith.constant 2 : i32
      %add3A_164 = arith.addi %add3A_152, %add3A_163 : i32
      %eq3A_165 = arith.constant 0 : i32
      %eq3A_166 = arith.cmpi eq, %arg0, %eq3A_165 : i32
      %convert_element_type3A_167 = arith.extui %eq3A_166 : i1 to i32
      %cond3A_168 = arith.constant 0 : i32
      %cond3A_169 = arith.cmpi ne, %convert_element_type3A_167, %cond3A_168 : i32
      scf.if %cond3A_169 {
        %dma_start3A_243 = arith.constant 0 : i32
        %dma_start3A_244 = tpu.memref_slice %arg9[%add3A_164, %dma_start3A_243] : memref<50x100xi32, #tpu.memory_space<vmem>> -> memref<1x100xi32, #tpu.memory_space<vmem>>
        %dma_start3A_245 = tpu.memref_squeeze %dma_start3A_244 : memref<1x100xi32, #tpu.memory_space<vmem>> -> memref<100xi32, #tpu.memory_space<vmem>>
        %dma_start3A_246 = arith.constant 0 : i32
        %dma_start3A_247 = arith.constant 0 : i32
        %dma_start3A_248 = tpu.memref_slice %arg2[%dma_start3A_246, %dma_start3A_247] : memref<10000x128xf32, #tpu.memory_space<hbm>> -> memref<10000x128xf32, #tpu.memory_space<hbm>>
        tpu.enqueue_indirect_dma source(%dma_start3A_248 : memref<10000x128xf32, #tpu.memory_space<hbm>>) target(%arg13 : memref<100x128xf32, #tpu.memory_space<vmem>>) offsets(%dma_start3A_245 : memref<100xi32, #tpu.memory_space<vmem>>) semaphore(%arg17 : memref<!tpu.dma_semaphore, #tpu.memory_space<semaphore_mem>>)
      } else {
      }
      %eq3A_170 = arith.constant 1 : i32
      %eq3A_171 = arith.cmpi eq, %arg0, %eq3A_170 : i32
      %convert_element_type3A_172 = arith.extui %eq3A_171 : i1 to i32
      %cond3A_173 = arith.constant 0 : i32
      %cond3A_174 = arith.cmpi ne, %convert_element_type3A_172, %cond3A_173 : i32
      scf.if %cond3A_174 {
        %dma_start3A_243 = arith.constant 0 : i32
        %dma_start3A_244 = tpu.memref_slice %arg9[%add3A_164, %dma_start3A_243] : memref<50x100xi32, #tpu.memory_space<vmem>> -> memref<1x100xi32, #tpu.memory_space<vmem>>
        %dma_start3A_245 = tpu.memref_squeeze %dma_start3A_244 : memref<1x100xi32, #tpu.memory_space<vmem>> -> memref<100xi32, #tpu.memory_space<vmem>>
        %dma_start3A_246 = arith.constant 0 : i32
        %dma_start3A_247 = arith.constant 0 : i32
        %dma_start3A_248 = tpu.memref_slice %arg3[%dma_start3A_246, %dma_start3A_247] : memref<10000x128xf32, #tpu.memory_space<hbm>> -> memref<10000x128xf32, #tpu.memory_space<hbm>>
        tpu.enqueue_indirect_dma source(%dma_start3A_248 : memref<10000x128xf32, #tpu.memory_space<hbm>>) target(%arg13 : memref<100x128xf32, #tpu.memory_space<vmem>>) offsets(%dma_start3A_245 : memref<100xi32, #tpu.memory_space<vmem>>) semaphore(%arg17 : memref<!tpu.dma_semaphore, #tpu.memory_space<semaphore_mem>>)
      } else {
      }
      %dma_start3A_175 = arith.constant 0 : i32
      %dma_start3A_176 = tpu.memref_slice %arg10[%add3A_152, %dma_start3A_175] : memref<50x100xi32, #tpu.memory_space<vmem>> -> memref<1x100xi32, #tpu.memory_space<vmem>>
      %dma_start3A_177 = tpu.memref_squeeze %dma_start3A_176 : memref<1x100xi32, #tpu.memory_space<vmem>> -> memref<100xi32, #tpu.memory_space<vmem>>
      %dma_start3A_178 = arith.constant 0 : i32
      %dma_start3A_179 = arith.constant 0 : i32
      %dma_start3A_180 = tpu.memref_slice %arg14[%dma_start3A_178, %dma_start3A_179] : memref<10000x128xf32, #tpu.memory_space<vmem_shared>> -> memref<10000x128xf32, #tpu.memory_space<vmem_shared>>
      tpu.enqueue_indirect_dma source(%arg11 : memref<100x128xf32, #tpu.memory_space<vmem>>) target(%dma_start3A_180 : memref<10000x128xf32, #tpu.memory_space<vmem_shared>>) offsets(%dma_start3A_177 : memref<100xi32, #tpu.memory_space<vmem>>) semaphore(%arg18 : memref<!tpu.dma_semaphore, #tpu.memory_space<semaphore_mem>>) {add = true}
      %add3A_181 = arith.constant 1 : i32
      %add3A_182 = arith.addi %add3A_150, %add3A_181 : i32
      %dma_wait3A_183 = arith.constant 0 : i32
      %dma_wait3A_184 = arith.constant 0 : i32
      %dma_wait3A_185 = tpu.memref_slice %arg2[%dma_wait3A_183, %dma_wait3A_184] : memref<10000x128xf32, #tpu.memory_space<hbm>> -> memref<100x128xf32, #tpu.memory_space<hbm>>
      %dma_wait3A_186 = arith.constant 0 : i32
      %dma_wait3A_187 = arith.constant 0 : i32
      %dma_wait3A_188 = tpu.memref_slice %arg2[%dma_wait3A_186, %dma_wait3A_187] : memref<10000x128xf32, #tpu.memory_space<hbm>> -> memref<100x128xf32, #tpu.memory_space<hbm>>
      tpu.wait_dma2 semaphore(%arg16 : memref<!tpu.dma_semaphore, #tpu.memory_space<semaphore_mem>>) src(%dma_wait3A_188 : memref<100x128xf32, #tpu.memory_space<hbm>>) dst(%arg12 : memref<100x128xf32, #tpu.memory_space<vmem>>)
      %ge3A_189 = arith.constant 1 : i32
      %ge3A_190 = arith.cmpi sge, %add3A_182, %ge3A_189 : i32
      %convert_element_type3A_191 = arith.extui %ge3A_190 : i1 to i32
      %cond3A_192 = arith.constant 0 : i32
      %cond3A_193 = arith.cmpi ne, %convert_element_type3A_191, %cond3A_192 : i32
      scf.if %cond3A_193 {
        %dma_wait3A_243 = arith.constant 0 : i32
        %dma_wait3A_244 = arith.constant 0 : i32
        %dma_wait3A_245 = tpu.memref_slice %arg2[%dma_wait3A_243, %dma_wait3A_244] : memref<10000x128xf32, #tpu.memory_space<hbm>> -> memref<100x128xf32, #tpu.memory_space<hbm>>
        %dma_wait3A_246 = arith.constant 0 : i32
        %dma_wait3A_247 = arith.constant 0 : i32
        %dma_wait3A_248 = tpu.memref_slice %arg2[%dma_wait3A_246, %dma_wait3A_247] : memref<10000x128xf32, #tpu.memory_space<hbm>> -> memref<100x128xf32, #tpu.memory_space<hbm>>
        tpu.wait_dma2 semaphore(%arg18 : memref<!tpu.dma_semaphore, #tpu.memory_space<semaphore_mem>>) src(%dma_wait3A_248 : memref<100x128xf32, #tpu.memory_space<hbm>>) dst(%arg11 : memref<100x128xf32, #tpu.memory_space<vmem>>)
      } else {
      }
      %add3A_194 = arith.constant 2 : i32
      %add3A_195 = arith.addi %add3A_182, %add3A_194 : i32
      %eq3A_196 = arith.constant 0 : i32
      %eq3A_197 = arith.cmpi eq, %arg0, %eq3A_196 : i32
      %convert_element_type3A_198 = arith.extui %eq3A_197 : i1 to i32
      %cond3A_199 = arith.constant 0 : i32
      %cond3A_200 = arith.cmpi ne, %convert_element_type3A_198, %cond3A_199 : i32
      scf.if %cond3A_200 {
        %dma_start3A_243 = arith.constant 0 : i32
        %dma_start3A_244 = tpu.memref_slice %arg9[%add3A_195, %dma_start3A_243] : memref<50x100xi32, #tpu.memory_space<vmem>> -> memref<1x100xi32, #tpu.memory_space<vmem>>
        %dma_start3A_245 = tpu.memref_squeeze %dma_start3A_244 : memref<1x100xi32, #tpu.memory_space<vmem>> -> memref<100xi32, #tpu.memory_space<vmem>>
        %dma_start3A_246 = arith.constant 0 : i32
        %dma_start3A_247 = arith.constant 0 : i32
        %dma_start3A_248 = tpu.memref_slice %arg2[%dma_start3A_246, %dma_start3A_247] : memref<10000x128xf32, #tpu.memory_space<hbm>> -> memref<10000x128xf32, #tpu.memory_space<hbm>>
        tpu.enqueue_indirect_dma source(%dma_start3A_248 : memref<10000x128xf32, #tpu.memory_space<hbm>>) target(%arg11 : memref<100x128xf32, #tpu.memory_space<vmem>>) offsets(%dma_start3A_245 : memref<100xi32, #tpu.memory_space<vmem>>) semaphore(%arg15 : memref<!tpu.dma_semaphore, #tpu.memory_space<semaphore_mem>>)
      } else {
      }
      %eq3A_201 = arith.constant 1 : i32
      %eq3A_202 = arith.cmpi eq, %arg0, %eq3A_201 : i32
      %convert_element_type3A_203 = arith.extui %eq3A_202 : i1 to i32
      %cond3A_204 = arith.constant 0 : i32
      %cond3A_205 = arith.cmpi ne, %convert_element_type3A_203, %cond3A_204 : i32
      scf.if %cond3A_205 {
        %dma_start3A_243 = arith.constant 0 : i32
        %dma_start3A_244 = tpu.memref_slice %arg9[%add3A_195, %dma_start3A_243] : memref<50x100xi32, #tpu.memory_space<vmem>> -> memref<1x100xi32, #tpu.memory_space<vmem>>
        %dma_start3A_245 = tpu.memref_squeeze %dma_start3A_244 : memref<1x100xi32, #tpu.memory_space<vmem>> -> memref<100xi32, #tpu.memory_space<vmem>>
        %dma_start3A_246 = arith.constant 0 : i32
        %dma_start3A_247 = arith.constant 0 : i32
        %dma_start3A_248 = tpu.memref_slice %arg3[%dma_start3A_246, %dma_start3A_247] : memref<10000x128xf32, #tpu.memory_space<hbm>> -> memref<10000x128xf32, #tpu.memory_space<hbm>>
        tpu.enqueue_indirect_dma source(%dma_start3A_248 : memref<10000x128xf32, #tpu.memory_space<hbm>>) target(%arg11 : memref<100x128xf32, #tpu.memory_space<vmem>>) offsets(%dma_start3A_245 : memref<100xi32, #tpu.memory_space<vmem>>) semaphore(%arg15 : memref<!tpu.dma_semaphore, #tpu.memory_space<semaphore_mem>>)
      } else {
      }
      %dma_start3A_206 = arith.constant 0 : i32
      %dma_start3A_207 = tpu.memref_slice %arg10[%add3A_182, %dma_start3A_206] : memref<50x100xi32, #tpu.memory_space<vmem>> -> memref<1x100xi32, #tpu.memory_space<vmem>>
      %dma_start3A_208 = tpu.memref_squeeze %dma_start3A_207 : memref<1x100xi32, #tpu.memory_space<vmem>> -> memref<100xi32, #tpu.memory_space<vmem>>
      %dma_start3A_209 = arith.constant 0 : i32
      %dma_start3A_210 = arith.constant 0 : i32
      %dma_start3A_211 = tpu.memref_slice %arg14[%dma_start3A_209, %dma_start3A_210] : memref<10000x128xf32, #tpu.memory_space<vmem_shared>> -> memref<10000x128xf32, #tpu.memory_space<vmem_shared>>
      tpu.enqueue_indirect_dma source(%arg12 : memref<100x128xf32, #tpu.memory_space<vmem>>) target(%dma_start3A_211 : memref<10000x128xf32, #tpu.memory_space<vmem_shared>>) offsets(%dma_start3A_208 : memref<100xi32, #tpu.memory_space<vmem>>) semaphore(%arg19 : memref<!tpu.dma_semaphore, #tpu.memory_space<semaphore_mem>>) {add = true}
      %add3A_212 = arith.constant 2 : i32
      %add3A_213 = arith.addi %add3A_150, %add3A_212 : i32
      %dma_wait3A_214 = arith.constant 0 : i32
      %dma_wait3A_215 = arith.constant 0 : i32
      %dma_wait3A_216 = tpu.memref_slice %arg2[%dma_wait3A_214, %dma_wait3A_215] : memref<10000x128xf32, #tpu.memory_space<hbm>> -> memref<100x128xf32, #tpu.memory_space<hbm>>
      %dma_wait3A_217 = arith.constant 0 : i32
      %dma_wait3A_218 = arith.constant 0 : i32
      %dma_wait3A_219 = tpu.memref_slice %arg2[%dma_wait3A_217, %dma_wait3A_218] : memref<10000x128xf32, #tpu.memory_space<hbm>> -> memref<100x128xf32, #tpu.memory_space<hbm>>
      tpu.wait_dma2 semaphore(%arg17 : memref<!tpu.dma_semaphore, #tpu.memory_space<semaphore_mem>>) src(%dma_wait3A_219 : memref<100x128xf32, #tpu.memory_space<hbm>>) dst(%arg13 : memref<100x128xf32, #tpu.memory_space<vmem>>)
      %ge3A_220 = arith.constant 1 : i32
      %ge3A_221 = arith.cmpi sge, %add3A_213, %ge3A_220 : i32
      %convert_element_type3A_222 = arith.extui %ge3A_221 : i1 to i32
      %cond3A_223 = arith.constant 0 : i32
      %cond3A_224 = arith.cmpi ne, %convert_element_type3A_222, %cond3A_223 : i32
      scf.if %cond3A_224 {
        %dma_wait3A_243 = arith.constant 0 : i32
        %dma_wait3A_244 = arith.constant 0 : i32
        %dma_wait3A_245 = tpu.memref_slice %arg2[%dma_wait3A_243, %dma_wait3A_244] : memref<10000x128xf32, #tpu.memory_space<hbm>> -> memref<100x128xf32, #tpu.memory_space<hbm>>
        %dma_wait3A_246 = arith.constant 0 : i32
        %dma_wait3A_247 = arith.constant 0 : i32
        %dma_wait3A_248 = tpu.memref_slice %arg2[%dma_wait3A_246, %dma_wait3A_247] : memref<10000x128xf32, #tpu.memory_space<hbm>> -> memref<100x128xf32, #tpu.memory_space<hbm>>
        tpu.wait_dma2 semaphore(%arg19 : memref<!tpu.dma_semaphore, #tpu.memory_space<semaphore_mem>>) src(%dma_wait3A_248 : memref<100x128xf32, #tpu.memory_space<hbm>>) dst(%arg12 : memref<100x128xf32, #tpu.memory_space<vmem>>)
      } else {
      }
      %add3A_225 = arith.constant 2 : i32
      %add3A_226 = arith.addi %add3A_213, %add3A_225 : i32
      %eq3A_227 = arith.constant 0 : i32
      %eq3A_228 = arith.cmpi eq, %arg0, %eq3A_227 : i32
      %convert_element_type3A_229 = arith.extui %eq3A_228 : i1 to i32
      %cond3A_230 = arith.constant 0 : i32
      %cond3A_231 = arith.cmpi ne, %convert_element_type3A_229, %cond3A_230 : i32
      scf.if %cond3A_231 {
        %dma_start3A_243 = arith.constant 0 : i32
        %dma_start3A_244 = tpu.memref_slice %arg9[%add3A_226, %dma_start3A_243] : memref<50x100xi32, #tpu.memory_space<vmem>> -> memref<1x100xi32, #tpu.memory_space<vmem>>
        %dma_start3A_245 = tpu.memref_squeeze %dma_start3A_244 : memref<1x100xi32, #tpu.memory_space<vmem>> -> memref<100xi32, #tpu.memory_space<vmem>>
        %dma_start3A_246 = arith.constant 0 : i32
        %dma_start3A_247 = arith.constant 0 : i32
        %dma_start3A_248 = tpu.memref_slice %arg2[%dma_start3A_246, %dma_start3A_247] : memref<10000x128xf32, #tpu.memory_space<hbm>> -> memref<10000x128xf32, #tpu.memory_space<hbm>>
        tpu.enqueue_indirect_dma source(%dma_start3A_248 : memref<10000x128xf32, #tpu.memory_space<hbm>>) target(%arg12 : memref<100x128xf32, #tpu.memory_space<vmem>>) offsets(%dma_start3A_245 : memref<100xi32, #tpu.memory_space<vmem>>) semaphore(%arg16 : memref<!tpu.dma_semaphore, #tpu.memory_space<semaphore_mem>>)
      } else {
      }
      %eq3A_232 = arith.constant 1 : i32
      %eq3A_233 = arith.cmpi eq, %arg0, %eq3A_232 : i32
      %convert_element_type3A_234 = arith.extui %eq3A_233 : i1 to i32
      %cond3A_235 = arith.constant 0 : i32
      %cond3A_236 = arith.cmpi ne, %convert_element_type3A_234, %cond3A_235 : i32
      scf.if %cond3A_236 {
        %dma_start3A_243 = arith.constant 0 : i32
        %dma_start3A_244 = tpu.memref_slice %arg9[%add3A_226, %dma_start3A_243] : memref<50x100xi32, #tpu.memory_space<vmem>> -> memref<1x100xi32, #tpu.memory_space<vmem>>
        %dma_start3A_245 = tpu.memref_squeeze %dma_start3A_244 : memref<1x100xi32, #tpu.memory_space<vmem>> -> memref<100xi32, #tpu.memory_space<vmem>>
        %dma_start3A_246 = arith.constant 0 : i32
        %dma_start3A_247 = arith.constant 0 : i32
        %dma_start3A_248 = tpu.memref_slice %arg3[%dma_start3A_246, %dma_start3A_247] : memref<10000x128xf32, #tpu.memory_space<hbm>> -> memref<10000x128xf32, #tpu.memory_space<hbm>>
        tpu.enqueue_indirect_dma source(%dma_start3A_248 : memref<10000x128xf32, #tpu.memory_space<hbm>>) target(%arg12 : memref<100x128xf32, #tpu.memory_space<vmem>>) offsets(%dma_start3A_245 : memref<100xi32, #tpu.memory_space<vmem>>) semaphore(%arg16 : memref<!tpu.dma_semaphore, #tpu.memory_space<semaphore_mem>>)
      } else {
      }
      %dma_start3A_237 = arith.constant 0 : i32
      %dma_start3A_238 = tpu.memref_slice %arg10[%add3A_213, %dma_start3A_237] : memref<50x100xi32, #tpu.memory_space<vmem>> -> memref<1x100xi32, #tpu.memory_space<vmem>>
      %dma_start3A_239 = tpu.memref_squeeze %dma_start3A_238 : memref<1x100xi32, #tpu.memory_space<vmem>> -> memref<100xi32, #tpu.memory_space<vmem>>
      %dma_start3A_240 = arith.constant 0 : i32
      %dma_start3A_241 = arith.constant 0 : i32
      %dma_start3A_242 = tpu.memref_slice %arg14[%dma_start3A_240, %dma_start3A_241] : memref<10000x128xf32, #tpu.memory_space<vmem_shared>> -> memref<10000x128xf32, #tpu.memory_space<vmem_shared>>
      tpu.enqueue_indirect_dma source(%arg13 : memref<100x128xf32, #tpu.memory_space<vmem>>) target(%dma_start3A_242 : memref<10000x128xf32, #tpu.memory_space<vmem_shared>>) offsets(%dma_start3A_239 : memref<100xi32, #tpu.memory_space<vmem>>) semaphore(%arg20 : memref<!tpu.dma_semaphore, #tpu.memory_space<semaphore_mem>>) {add = true}
    }
    %scan3A_22 = arith.constant 16 : i32
    %dma_wait3A = arith.constant 0 : i32
    %dma_wait3A_23 = arith.constant 0 : i32
    %dma_wait3A_24 = tpu.memref_slice %arg2[%dma_wait3A, %dma_wait3A_23] : memref<10000x128xf32, #tpu.memory_space<hbm>> -> memref<100x128xf32, #tpu.memory_space<hbm>>
    %dma_wait3A_25 = arith.constant 0 : i32
    %dma_wait3A_26 = arith.constant 0 : i32
    %dma_wait3A_27 = tpu.memref_slice %arg2[%dma_wait3A_25, %dma_wait3A_26] : memref<10000x128xf32, #tpu.memory_space<hbm>> -> memref<100x128xf32, #tpu.memory_space<hbm>>
    tpu.wait_dma2 semaphore(%arg15 : memref<!tpu.dma_semaphore, #tpu.memory_space<semaphore_mem>>) src(%dma_wait3A_27 : memref<100x128xf32, #tpu.memory_space<hbm>>) dst(%arg11 : memref<100x128xf32, #tpu.memory_space<vmem>>)
    %dma_wait3A_28 = arith.constant 0 : i32
    %dma_wait3A_29 = arith.constant 0 : i32
    %dma_wait3A_30 = tpu.memref_slice %arg2[%dma_wait3A_28, %dma_wait3A_29] : memref<10000x128xf32, #tpu.memory_space<hbm>> -> memref<100x128xf32, #tpu.memory_space<hbm>>
    %dma_wait3A_31 = arith.constant 0 : i32
    %dma_wait3A_32 = arith.constant 0 : i32
    %dma_wait3A_33 = tpu.memref_slice %arg2[%dma_wait3A_31, %dma_wait3A_32] : memref<10000x128xf32, #tpu.memory_space<hbm>> -> memref<100x128xf32, #tpu.memory_space<hbm>>
    tpu.wait_dma2 semaphore(%arg20 : memref<!tpu.dma_semaphore, #tpu.memory_space<semaphore_mem>>) src(%dma_wait3A_33 : memref<100x128xf32, #tpu.memory_space<hbm>>) dst(%arg13 : memref<100x128xf32, #tpu.memory_space<vmem>>)
    %dma_start3A = arith.constant 48 : i32
    %dma_start3A_34 = arith.constant 0 : i32
    %dma_start3A_35 = tpu.memref_slice %arg10[%dma_start3A, %dma_start3A_34] : memref<50x100xi32, #tpu.memory_space<vmem>> -> memref<1x100xi32, #tpu.memory_space<vmem>>
    %dma_start3A_36 = tpu.memref_squeeze %dma_start3A_35 : memref<1x100xi32, #tpu.memory_space<vmem>> -> memref<100xi32, #tpu.memory_space<vmem>>
    %dma_start3A_37 = arith.constant 0 : i32
    %dma_start3A_38 = arith.constant 0 : i32
    %dma_start3A_39 = tpu.memref_slice %arg14[%dma_start3A_37, %dma_start3A_38] : memref<10000x128xf32, #tpu.memory_space<vmem_shared>> -> memref<10000x128xf32, #tpu.memory_space<vmem_shared>>
    tpu.enqueue_indirect_dma source(%arg11 : memref<100x128xf32, #tpu.memory_space<vmem>>) target(%dma_start3A_39 : memref<10000x128xf32, #tpu.memory_space<vmem_shared>>) offsets(%dma_start3A_36 : memref<100xi32, #tpu.memory_space<vmem>>) semaphore(%arg18 : memref<!tpu.dma_semaphore, #tpu.memory_space<semaphore_mem>>) {add = true}
    %dma_wait3A_40 = arith.constant 0 : i32
    %dma_wait3A_41 = arith.constant 0 : i32
    %dma_wait3A_42 = tpu.memref_slice %arg2[%dma_wait3A_40, %dma_wait3A_41] : memref<10000x128xf32, #tpu.memory_space<hbm>> -> memref<100x128xf32, #tpu.memory_space<hbm>>
    %dma_wait3A_43 = arith.constant 0 : i32
    %dma_wait3A_44 = arith.constant 0 : i32
    %dma_wait3A_45 = tpu.memref_slice %arg2[%dma_wait3A_43, %dma_wait3A_44] : memref<10000x128xf32, #tpu.memory_space<hbm>> -> memref<100x128xf32, #tpu.memory_space<hbm>>
    tpu.wait_dma2 semaphore(%arg16 : memref<!tpu.dma_semaphore, #tpu.memory_space<semaphore_mem>>) src(%dma_wait3A_45 : memref<100x128xf32, #tpu.memory_space<hbm>>) dst(%arg12 : memref<100x128xf32, #tpu.memory_space<vmem>>)
    %dma_wait3A_46 = arith.constant 0 : i32
    %dma_wait3A_47 = arith.constant 0 : i32
    %dma_wait3A_48 = tpu.memref_slice %arg2[%dma_wait3A_46, %dma_wait3A_47] : memref<10000x128xf32, #tpu.memory_space<hbm>> -> memref<100x128xf32, #tpu.memory_space<hbm>>
    %dma_wait3A_49 = arith.constant 0 : i32
    %dma_wait3A_50 = arith.constant 0 : i32
    %dma_wait3A_51 = tpu.memref_slice %arg2[%dma_wait3A_49, %dma_wait3A_50] : memref<10000x128xf32, #tpu.memory_space<hbm>> -> memref<100x128xf32, #tpu.memory_space<hbm>>
    tpu.wait_dma2 semaphore(%arg18 : memref<!tpu.dma_semaphore, #tpu.memory_space<semaphore_mem>>) src(%dma_wait3A_51 : memref<100x128xf32, #tpu.memory_space<hbm>>) dst(%arg11 : memref<100x128xf32, #tpu.memory_space<vmem>>)
    %dma_start3A_52 = arith.constant 49 : i32
    %dma_start3A_53 = arith.constant 0 : i32
    %dma_start3A_54 = tpu.memref_slice %arg10[%dma_start3A_52, %dma_start3A_53] : memref<50x100xi32, #tpu.memory_space<vmem>> -> memref<1x100xi32, #tpu.memory_space<vmem>>
    %dma_start3A_55 = tpu.memref_squeeze %dma_start3A_54 : memref<1x100xi32, #tpu.memory_space<vmem>> -> memref<100xi32, #tpu.memory_space<vmem>>
    %dma_start3A_56 = arith.constant 0 : i32
    %dma_start3A_57 = arith.constant 0 : i32
    %dma_start3A_58 = tpu.memref_slice %arg14[%dma_start3A_56, %dma_start3A_57] : memref<10000x128xf32, #tpu.memory_space<vmem_shared>> -> memref<10000x128xf32, #tpu.memory_space<vmem_shared>>
    tpu.enqueue_indirect_dma source(%arg12 : memref<100x128xf32, #tpu.memory_space<vmem>>) target(%dma_start3A_58 : memref<10000x128xf32, #tpu.memory_space<vmem_shared>>) offsets(%dma_start3A_55 : memref<100xi32, #tpu.memory_space<vmem>>) semaphore(%arg19 : memref<!tpu.dma_semaphore, #tpu.memory_space<semaphore_mem>>) {add = true}
    %dma_wait3A_59 = arith.constant 0 : i32
    %dma_wait3A_60 = arith.constant 0 : i32
    %dma_wait3A_61 = tpu.memref_slice %arg2[%dma_wait3A_59, %dma_wait3A_60] : memref<10000x128xf32, #tpu.memory_space<hbm>> -> memref<100x128xf32, #tpu.memory_space<hbm>>
    %dma_wait3A_62 = arith.constant 0 : i32
    %dma_wait3A_63 = arith.constant 0 : i32
    %dma_wait3A_64 = tpu.memref_slice %arg2[%dma_wait3A_62, %dma_wait3A_63] : memref<10000x128xf32, #tpu.memory_space<hbm>> -> memref<100x128xf32, #tpu.memory_space<hbm>>
    tpu.wait_dma2 semaphore(%arg19 : memref<!tpu.dma_semaphore, #tpu.memory_space<semaphore_mem>>) src(%dma_wait3A_64 : memref<100x128xf32, #tpu.memory_space<hbm>>) dst(%arg12 : memref<100x128xf32, #tpu.memory_space<vmem>>)
    %run_scoped3A_65 = arith.constant 1 : i32
    "tpu.region"() ({
      %run_scoped3A_147 = tpu.sem_alloc : memref<!tpu.dma_semaphore, #tpu.memory_space<semaphore_mem>>
      %dma_start3A_148 = arith.constant 0 : i32
      %dma_start3A_149 = arith.constant 0 : i32
      %dma_start3A_150 = tpu.memref_slice %arg5[%arg1, %run_scoped3A_65, %dma_start3A_148, %dma_start3A_149] : memref<16x2x50x100xi32, #tpu.memory_space<hbm>> -> memref<1x1x50x100xi32, #tpu.memory_space<hbm>>
      %dma_start3A_151 = tpu.memref_squeeze %dma_start3A_150 : memref<1x1x50x100xi32, #tpu.memory_space<hbm>> -> memref<50x100xi32, #tpu.memory_space<hbm>>
      %dma_start3A_152 = arith.constant 0 : i32
      %dma_start3A_153 = arith.constant 0 : i32
      %dma_start3A_154 = tpu.memref_slice %arg5[%arg1, %run_scoped3A_65, %dma_start3A_152, %dma_start3A_153] : memref<16x2x50x100xi32, #tpu.memory_space<hbm>> -> memref<1x1x50x100xi32, #tpu.memory_space<hbm>>
      %dma_start3A_155 = tpu.memref_squeeze %dma_start3A_154 : memref<1x1x50x100xi32, #tpu.memory_space<hbm>> -> memref<50x100xi32, #tpu.memory_space<hbm>>
      tpu.enqueue_dma source(%dma_start3A_155 : memref<50x100xi32, #tpu.memory_space<hbm>>) target(%arg9 : memref<50x100xi32, #tpu.memory_space<vmem>>) target_semaphore(%run_scoped3A_147 : memref<!tpu.dma_semaphore, #tpu.memory_space<semaphore_mem>>)
      %dma_wait3A_156 = arith.constant 0 : i32
      %dma_wait3A_157 = arith.constant 0 : i32
      %dma_wait3A_158 = tpu.memref_slice %arg5[%arg1, %run_scoped3A_65, %dma_wait3A_156, %dma_wait3A_157] : memref<16x2x50x100xi32, #tpu.memory_space<hbm>> -> memref<1x1x50x100xi32, #tpu.memory_space<hbm>>
      %dma_wait3A_159 = tpu.memref_squeeze %dma_wait3A_158 : memref<1x1x50x100xi32, #tpu.memory_space<hbm>> -> memref<50x100xi32, #tpu.memory_space<hbm>>
      %dma_wait3A_160 = arith.constant 0 : i32
      %dma_wait3A_161 = arith.constant 0 : i32
      %dma_wait3A_162 = tpu.memref_slice %arg5[%arg1, %run_scoped3A_65, %dma_wait3A_160, %dma_wait3A_161] : memref<16x2x50x100xi32, #tpu.memory_space<hbm>> -> memref<1x1x50x100xi32, #tpu.memory_space<hbm>>
      %dma_wait3A_163 = tpu.memref_squeeze %dma_wait3A_162 : memref<1x1x50x100xi32, #tpu.memory_space<hbm>> -> memref<50x100xi32, #tpu.memory_space<hbm>>
      tpu.wait_dma2 semaphore(%run_scoped3A_147 : memref<!tpu.dma_semaphore, #tpu.memory_space<semaphore_mem>>) src(%dma_wait3A_163 : memref<50x100xi32, #tpu.memory_space<hbm>>) dst(%arg9 : memref<50x100xi32, #tpu.memory_space<vmem>>)
      tpu.yield
    }) : () -> ()
    %run_scoped3A_66 = arith.constant 1 : i32
    "tpu.region"() ({
      %run_scoped3A_147 = tpu.sem_alloc : memref<!tpu.dma_semaphore, #tpu.memory_space<semaphore_mem>>
      %dma_start3A_148 = arith.constant 0 : i32
      %dma_start3A_149 = arith.constant 0 : i32
      %dma_start3A_150 = tpu.memref_slice %arg6[%arg1, %run_scoped3A_66, %dma_start3A_148, %dma_start3A_149] : memref<16x2x50x100xi32, #tpu.memory_space<hbm>> -> memref<1x1x50x100xi32, #tpu.memory_space<hbm>>
      %dma_start3A_151 = tpu.memref_squeeze %dma_start3A_150 : memref<1x1x50x100xi32, #tpu.memory_space<hbm>> -> memref<50x100xi32, #tpu.memory_space<hbm>>
      %dma_start3A_152 = arith.constant 0 : i32
      %dma_start3A_153 = arith.constant 0 : i32
      %dma_start3A_154 = tpu.memref_slice %arg6[%arg1, %run_scoped3A_66, %dma_start3A_152, %dma_start3A_153] : memref<16x2x50x100xi32, #tpu.memory_space<hbm>> -> memref<1x1x50x100xi32, #tpu.memory_space<hbm>>
      %dma_start3A_155 = tpu.memref_squeeze %dma_start3A_154 : memref<1x1x50x100xi32, #tpu.memory_space<hbm>> -> memref<50x100xi32, #tpu.memory_space<hbm>>
      tpu.enqueue_dma source(%dma_start3A_155 : memref<50x100xi32, #tpu.memory_space<hbm>>) target(%arg10 : memref<50x100xi32, #tpu.memory_space<vmem>>) target_semaphore(%run_scoped3A_147 : memref<!tpu.dma_semaphore, #tpu.memory_space<semaphore_mem>>)
      %dma_wait3A_156 = arith.constant 0 : i32
      %dma_wait3A_157 = arith.constant 0 : i32
      %dma_wait3A_158 = tpu.memref_slice %arg6[%arg1, %run_scoped3A_66, %dma_wait3A_156, %dma_wait3A_157] : memref<16x2x50x100xi32, #tpu.memory_space<hbm>> -> memref<1x1x50x100xi32, #tpu.memory_space<hbm>>
      %dma_wait3A_159 = tpu.memref_squeeze %dma_wait3A_158 : memref<1x1x50x100xi32, #tpu.memory_space<hbm>> -> memref<50x100xi32, #tpu.memory_space<hbm>>
      %dma_wait3A_160 = arith.constant 0 : i32
      %dma_wait3A_161 = arith.constant 0 : i32
      %dma_wait3A_162 = tpu.memref_slice %arg6[%arg1, %run_scoped3A_66, %dma_wait3A_160, %dma_wait3A_161] : memref<16x2x50x100xi32, #tpu.memory_space<hbm>> -> memref<1x1x50x100xi32, #tpu.memory_space<hbm>>
      %dma_wait3A_163 = tpu.memref_squeeze %dma_wait3A_162 : memref<1x1x50x100xi32, #tpu.memory_space<hbm>> -> memref<50x100xi32, #tpu.memory_space<hbm>>
      tpu.wait_dma2 semaphore(%run_scoped3A_147 : memref<!tpu.dma_semaphore, #tpu.memory_space<semaphore_mem>>) src(%dma_wait3A_163 : memref<50x100xi32, #tpu.memory_space<hbm>>) dst(%arg10 : memref<50x100xi32, #tpu.memory_space<vmem>>)
      tpu.yield
    }) : () -> ()
    %eq3A_67 = arith.constant 0 : i32
    %eq3A_68 = arith.cmpi eq, %arg0, %eq3A_67 : i32
    %convert_element_type3A_69 = arith.extui %eq3A_68 : i1 to i32
    %cond3A_70 = arith.constant 0 : i32
    %cond3A_71 = arith.cmpi ne, %convert_element_type3A_69, %cond3A_70 : i32
    scf.if %cond3A_71 {
      %dma_start3A_147 = arith.constant 0 : i32
      %dma_start3A_148 = arith.constant 0 : i32
      %dma_start3A_149 = tpu.memref_slice %arg9[%dma_start3A_147, %dma_start3A_148] : memref<50x100xi32, #tpu.memory_space<vmem>> -> memref<1x100xi32, #tpu.memory_space<vmem>>
      %dma_start3A_150 = tpu.memref_squeeze %dma_start3A_149 : memref<1x100xi32, #tpu.memory_space<vmem>> -> memref<100xi32, #tpu.memory_space<vmem>>
      %dma_start3A_151 = arith.constant 0 : i32
      %dma_start3A_152 = arith.constant 0 : i32
      %dma_start3A_153 = tpu.memref_slice %arg2[%dma_start3A_151, %dma_start3A_152] : memref<10000x128xf32, #tpu.memory_space<hbm>> -> memref<10000x128xf32, #tpu.memory_space<hbm>>
      tpu.enqueue_indirect_dma source(%dma_start3A_153 : memref<10000x128xf32, #tpu.memory_space<hbm>>) target(%arg11 : memref<100x128xf32, #tpu.memory_space<vmem>>) offsets(%dma_start3A_150 : memref<100xi32, #tpu.memory_space<vmem>>) semaphore(%arg15 : memref<!tpu.dma_semaphore, #tpu.memory_space<semaphore_mem>>)
    } else {
    }
    %eq3A_72 = arith.constant 1 : i32
    %eq3A_73 = arith.cmpi eq, %arg0, %eq3A_72 : i32
    %convert_element_type3A_74 = arith.extui %eq3A_73 : i1 to i32
    %cond3A_75 = arith.constant 0 : i32
    %cond3A_76 = arith.cmpi ne, %convert_element_type3A_74, %cond3A_75 : i32
    scf.if %cond3A_76 {
      %dma_start3A_147 = arith.constant 0 : i32
      %dma_start3A_148 = arith.constant 0 : i32
      %dma_start3A_149 = tpu.memref_slice %arg9[%dma_start3A_147, %dma_start3A_148] : memref<50x100xi32, #tpu.memory_space<vmem>> -> memref<1x100xi32, #tpu.memory_space<vmem>>
      %dma_start3A_150 = tpu.memref_squeeze %dma_start3A_149 : memref<1x100xi32, #tpu.memory_space<vmem>> -> memref<100xi32, #tpu.memory_space<vmem>>
      %dma_start3A_151 = arith.constant 0 : i32
      %dma_start3A_152 = arith.constant 0 : i32
      %dma_start3A_153 = tpu.memref_slice %arg3[%dma_start3A_151, %dma_start3A_152] : memref<10000x128xf32, #tpu.memory_space<hbm>> -> memref<10000x128xf32, #tpu.memory_space<hbm>>
      tpu.enqueue_indirect_dma source(%dma_start3A_153 : memref<10000x128xf32, #tpu.memory_space<hbm>>) target(%arg11 : memref<100x128xf32, #tpu.memory_space<vmem>>) offsets(%dma_start3A_150 : memref<100xi32, #tpu.memory_space<vmem>>) semaphore(%arg15 : memref<!tpu.dma_semaphore, #tpu.memory_space<semaphore_mem>>)
    } else {
    }
    %eq3A_77 = arith.constant 0 : i32
    %eq3A_78 = arith.cmpi eq, %arg0, %eq3A_77 : i32
    %convert_element_type3A_79 = arith.extui %eq3A_78 : i1 to i32
    %cond3A_80 = arith.constant 0 : i32
    %cond3A_81 = arith.cmpi ne, %convert_element_type3A_79, %cond3A_80 : i32
    scf.if %cond3A_81 {
      %dma_start3A_147 = arith.constant 1 : i32
      %dma_start3A_148 = arith.constant 0 : i32
      %dma_start3A_149 = tpu.memref_slice %arg9[%dma_start3A_147, %dma_start3A_148] : memref<50x100xi32, #tpu.memory_space<vmem>> -> memref<1x100xi32, #tpu.memory_space<vmem>>
      %dma_start3A_150 = tpu.memref_squeeze %dma_start3A_149 : memref<1x100xi32, #tpu.memory_space<vmem>> -> memref<100xi32, #tpu.memory_space<vmem>>
      %dma_start3A_151 = arith.constant 0 : i32
      %dma_start3A_152 = arith.constant 0 : i32
      %dma_start3A_153 = tpu.memref_slice %arg2[%dma_start3A_151, %dma_start3A_152] : memref<10000x128xf32, #tpu.memory_space<hbm>> -> memref<10000x128xf32, #tpu.memory_space<hbm>>
      tpu.enqueue_indirect_dma source(%dma_start3A_153 : memref<10000x128xf32, #tpu.memory_space<hbm>>) target(%arg12 : memref<100x128xf32, #tpu.memory_space<vmem>>) offsets(%dma_start3A_150 : memref<100xi32, #tpu.memory_space<vmem>>) semaphore(%arg16 : memref<!tpu.dma_semaphore, #tpu.memory_space<semaphore_mem>>)
    } else {
    }
    %eq3A_82 = arith.constant 1 : i32
    %eq3A_83 = arith.cmpi eq, %arg0, %eq3A_82 : i32
    %convert_element_type3A_84 = arith.extui %eq3A_83 : i1 to i32
    %cond3A_85 = arith.constant 0 : i32
    %cond3A_86 = arith.cmpi ne, %convert_element_type3A_84, %cond3A_85 : i32
    scf.if %cond3A_86 {
      %dma_start3A_147 = arith.constant 1 : i32
      %dma_start3A_148 = arith.constant 0 : i32
      %dma_start3A_149 = tpu.memref_slice %arg9[%dma_start3A_147, %dma_start3A_148] : memref<50x100xi32, #tpu.memory_space<vmem>> -> memref<1x100xi32, #tpu.memory_space<vmem>>
      %dma_start3A_150 = tpu.memref_squeeze %dma_start3A_149 : memref<1x100xi32, #tpu.memory_space<vmem>> -> memref<100xi32, #tpu.memory_space<vmem>>
      %dma_start3A_151 = arith.constant 0 : i32
      %dma_start3A_152 = arith.constant 0 : i32
      %dma_start3A_153 = tpu.memref_slice %arg3[%dma_start3A_151, %dma_start3A_152] : memref<10000x128xf32, #tpu.memory_space<hbm>> -> memref<10000x128xf32, #tpu.memory_space<hbm>>
      tpu.enqueue_indirect_dma source(%dma_start3A_153 : memref<10000x128xf32, #tpu.memory_space<hbm>>) target(%arg12 : memref<100x128xf32, #tpu.memory_space<vmem>>) offsets(%dma_start3A_150 : memref<100xi32, #tpu.memory_space<vmem>>) semaphore(%arg16 : memref<!tpu.dma_semaphore, #tpu.memory_space<semaphore_mem>>)
    } else {
    }
    %scan3A_87 = arith.constant 0 : i32
    %scan3A_88 = arith.constant 16 : i32
    %scan3A_89 = arith.addi %scan3A_87, %scan3A_88 : i32
    %scan3A_90 = arith.constant 1 : i32
    scf.for %scan3A_147 = %scan3A_87 to %scan3A_89 step %scan3A_90  : i32 {
      %mul3A_148 = arith.constant 3 : i32
      %mul3A_149 = arith.muli %scan3A_147, %mul3A_148 : i32
      %add3A = arith.constant 0 : i32
      %add3A_150 = arith.addi %add3A, %mul3A_149 : i32
      %add3A_151 = arith.constant 0 : i32
      %add3A_152 = arith.addi %add3A_150, %add3A_151 : i32
      %dma_wait3A_153 = arith.constant 0 : i32
      %dma_wait3A_154 = arith.constant 0 : i32
      %dma_wait3A_155 = tpu.memref_slice %arg2[%dma_wait3A_153, %dma_wait3A_154] : memref<10000x128xf32, #tpu.memory_space<hbm>> -> memref<100x128xf32, #tpu.memory_space<hbm>>
      %dma_wait3A_156 = arith.constant 0 : i32
      %dma_wait3A_157 = arith.constant 0 : i32
      %dma_wait3A_158 = tpu.memref_slice %arg2[%dma_wait3A_156, %dma_wait3A_157] : memref<10000x128xf32, #tpu.memory_space<hbm>> -> memref<100x128xf32, #tpu.memory_space<hbm>>
      tpu.wait_dma2 semaphore(%arg15 : memref<!tpu.dma_semaphore, #tpu.memory_space<semaphore_mem>>) src(%dma_wait3A_158 : memref<100x128xf32, #tpu.memory_space<hbm>>) dst(%arg11 : memref<100x128xf32, #tpu.memory_space<vmem>>)
      %ge3A = arith.constant 1 : i32
      %ge3A_159 = arith.cmpi sge, %add3A_152, %ge3A : i32
      %convert_element_type3A_160 = arith.extui %ge3A_159 : i1 to i32
      %cond3A_161 = arith.constant 0 : i32
      %cond3A_162 = arith.cmpi ne, %convert_element_type3A_160, %cond3A_161 : i32
      scf.if %cond3A_162 {
        %dma_wait3A_243 = arith.constant 0 : i32
        %dma_wait3A_244 = arith.constant 0 : i32
        %dma_wait3A_245 = tpu.memref_slice %arg2[%dma_wait3A_243, %dma_wait3A_244] : memref<10000x128xf32, #tpu.memory_space<hbm>> -> memref<100x128xf32, #tpu.memory_space<hbm>>
        %dma_wait3A_246 = arith.constant 0 : i32
        %dma_wait3A_247 = arith.constant 0 : i32
        %dma_wait3A_248 = tpu.memref_slice %arg2[%dma_wait3A_246, %dma_wait3A_247] : memref<10000x128xf32, #tpu.memory_space<hbm>> -> memref<100x128xf32, #tpu.memory_space<hbm>>
        tpu.wait_dma2 semaphore(%arg20 : memref<!tpu.dma_semaphore, #tpu.memory_space<semaphore_mem>>) src(%dma_wait3A_248 : memref<100x128xf32, #tpu.memory_space<hbm>>) dst(%arg13 : memref<100x128xf32, #tpu.memory_space<vmem>>)
      } else {
      }
      %add3A_163 = arith.constant 2 : i32
      %add3A_164 = arith.addi %add3A_152, %add3A_163 : i32
      %eq3A_165 = arith.constant 0 : i32
      %eq3A_166 = arith.cmpi eq, %arg0, %eq3A_165 : i32
      %convert_element_type3A_167 = arith.extui %eq3A_166 : i1 to i32
      %cond3A_168 = arith.constant 0 : i32
      %cond3A_169 = arith.cmpi ne, %convert_element_type3A_167, %cond3A_168 : i32
      scf.if %cond3A_169 {
        %dma_start3A_243 = arith.constant 0 : i32
        %dma_start3A_244 = tpu.memref_slice %arg9[%add3A_164, %dma_start3A_243] : memref<50x100xi32, #tpu.memory_space<vmem>> -> memref<1x100xi32, #tpu.memory_space<vmem>>
        %dma_start3A_245 = tpu.memref_squeeze %dma_start3A_244 : memref<1x100xi32, #tpu.memory_space<vmem>> -> memref<100xi32, #tpu.memory_space<vmem>>
        %dma_start3A_246 = arith.constant 0 : i32
        %dma_start3A_247 = arith.constant 0 : i32
        %dma_start3A_248 = tpu.memref_slice %arg2[%dma_start3A_246, %dma_start3A_247] : memref<10000x128xf32, #tpu.memory_space<hbm>> -> memref<10000x128xf32, #tpu.memory_space<hbm>>
        tpu.enqueue_indirect_dma source(%dma_start3A_248 : memref<10000x128xf32, #tpu.memory_space<hbm>>) target(%arg13 : memref<100x128xf32, #tpu.memory_space<vmem>>) offsets(%dma_start3A_245 : memref<100xi32, #tpu.memory_space<vmem>>) semaphore(%arg17 : memref<!tpu.dma_semaphore, #tpu.memory_space<semaphore_mem>>)
      } else {
      }
      %eq3A_170 = arith.constant 1 : i32
      %eq3A_171 = arith.cmpi eq, %arg0, %eq3A_170 : i32
      %convert_element_type3A_172 = arith.extui %eq3A_171 : i1 to i32
      %cond3A_173 = arith.constant 0 : i32
      %cond3A_174 = arith.cmpi ne, %convert_element_type3A_172, %cond3A_173 : i32
      scf.if %cond3A_174 {
        %dma_start3A_243 = arith.constant 0 : i32
        %dma_start3A_244 = tpu.memref_slice %arg9[%add3A_164, %dma_start3A_243] : memref<50x100xi32, #tpu.memory_space<vmem>> -> memref<1x100xi32, #tpu.memory_space<vmem>>
        %dma_start3A_245 = tpu.memref_squeeze %dma_start3A_244 : memref<1x100xi32, #tpu.memory_space<vmem>> -> memref<100xi32, #tpu.memory_space<vmem>>
        %dma_start3A_246 = arith.constant 0 : i32
        %dma_start3A_247 = arith.constant 0 : i32
        %dma_start3A_248 = tpu.memref_slice %arg3[%dma_start3A_246, %dma_start3A_247] : memref<10000x128xf32, #tpu.memory_space<hbm>> -> memref<10000x128xf32, #tpu.memory_space<hbm>>
        tpu.enqueue_indirect_dma source(%dma_start3A_248 : memref<10000x128xf32, #tpu.memory_space<hbm>>) target(%arg13 : memref<100x128xf32, #tpu.memory_space<vmem>>) offsets(%dma_start3A_245 : memref<100xi32, #tpu.memory_space<vmem>>) semaphore(%arg17 : memref<!tpu.dma_semaphore, #tpu.memory_space<semaphore_mem>>)
      } else {
      }
      %dma_start3A_175 = arith.constant 0 : i32
      %dma_start3A_176 = tpu.memref_slice %arg10[%add3A_152, %dma_start3A_175] : memref<50x100xi32, #tpu.memory_space<vmem>> -> memref<1x100xi32, #tpu.memory_space<vmem>>
      %dma_start3A_177 = tpu.memref_squeeze %dma_start3A_176 : memref<1x100xi32, #tpu.memory_space<vmem>> -> memref<100xi32, #tpu.memory_space<vmem>>
      %dma_start3A_178 = arith.constant 0 : i32
      %dma_start3A_179 = arith.constant 0 : i32
      %dma_start3A_180 = tpu.memref_slice %arg14[%dma_start3A_178, %dma_start3A_179] : memref<10000x128xf32, #tpu.memory_space<vmem_shared>> -> memref<10000x128xf32, #tpu.memory_space<vmem_shared>>
      tpu.enqueue_indirect_dma source(%arg11 : memref<100x128xf32, #tpu.memory_space<vmem>>) target(%dma_start3A_180 : memref<10000x128xf32, #tpu.memory_space<vmem_shared>>) offsets(%dma_start3A_177 : memref<100xi32, #tpu.memory_space<vmem>>) semaphore(%arg18 : memref<!tpu.dma_semaphore, #tpu.memory_space<semaphore_mem>>) {add = true}
      %add3A_181 = arith.constant 1 : i32
      %add3A_182 = arith.addi %add3A_150, %add3A_181 : i32
      %dma_wait3A_183 = arith.constant 0 : i32
      %dma_wait3A_184 = arith.constant 0 : i32
      %dma_wait3A_185 = tpu.memref_slice %arg2[%dma_wait3A_183, %dma_wait3A_184] : memref<10000x128xf32, #tpu.memory_space<hbm>> -> memref<100x128xf32, #tpu.memory_space<hbm>>
      %dma_wait3A_186 = arith.constant 0 : i32
      %dma_wait3A_187 = arith.constant 0 : i32
      %dma_wait3A_188 = tpu.memref_slice %arg2[%dma_wait3A_186, %dma_wait3A_187] : memref<10000x128xf32, #tpu.memory_space<hbm>> -> memref<100x128xf32, #tpu.memory_space<hbm>>
      tpu.wait_dma2 semaphore(%arg16 : memref<!tpu.dma_semaphore, #tpu.memory_space<semaphore_mem>>) src(%dma_wait3A_188 : memref<100x128xf32, #tpu.memory_space<hbm>>) dst(%arg12 : memref<100x128xf32, #tpu.memory_space<vmem>>)
      %ge3A_189 = arith.constant 1 : i32
      %ge3A_190 = arith.cmpi sge, %add3A_182, %ge3A_189 : i32
      %convert_element_type3A_191 = arith.extui %ge3A_190 : i1 to i32
      %cond3A_192 = arith.constant 0 : i32
      %cond3A_193 = arith.cmpi ne, %convert_element_type3A_191, %cond3A_192 : i32
      scf.if %cond3A_193 {
        %dma_wait3A_243 = arith.constant 0 : i32
        %dma_wait3A_244 = arith.constant 0 : i32
        %dma_wait3A_245 = tpu.memref_slice %arg2[%dma_wait3A_243, %dma_wait3A_244] : memref<10000x128xf32, #tpu.memory_space<hbm>> -> memref<100x128xf32, #tpu.memory_space<hbm>>
        %dma_wait3A_246 = arith.constant 0 : i32
        %dma_wait3A_247 = arith.constant 0 : i32
        %dma_wait3A_248 = tpu.memref_slice %arg2[%dma_wait3A_246, %dma_wait3A_247] : memref<10000x128xf32, #tpu.memory_space<hbm>> -> memref<100x128xf32, #tpu.memory_space<hbm>>
        tpu.wait_dma2 semaphore(%arg18 : memref<!tpu.dma_semaphore, #tpu.memory_space<semaphore_mem>>) src(%dma_wait3A_248 : memref<100x128xf32, #tpu.memory_space<hbm>>) dst(%arg11 : memref<100x128xf32, #tpu.memory_space<vmem>>)
      } else {
      }
      %add3A_194 = arith.constant 2 : i32
      %add3A_195 = arith.addi %add3A_182, %add3A_194 : i32
      %eq3A_196 = arith.constant 0 : i32
      %eq3A_197 = arith.cmpi eq, %arg0, %eq3A_196 : i32
      %convert_element_type3A_198 = arith.extui %eq3A_197 : i1 to i32
      %cond3A_199 = arith.constant 0 : i32
      %cond3A_200 = arith.cmpi ne, %convert_element_type3A_198, %cond3A_199 : i32
      scf.if %cond3A_200 {
        %dma_start3A_243 = arith.constant 0 : i32
        %dma_start3A_244 = tpu.memref_slice %arg9[%add3A_195, %dma_start3A_243] : memref<50x100xi32, #tpu.memory_space<vmem>> -> memref<1x100xi32, #tpu.memory_space<vmem>>
        %dma_start3A_245 = tpu.memref_squeeze %dma_start3A_244 : memref<1x100xi32, #tpu.memory_space<vmem>> -> memref<100xi32, #tpu.memory_space<vmem>>
        %dma_start3A_246 = arith.constant 0 : i32
        %dma_start3A_247 = arith.constant 0 : i32
        %dma_start3A_248 = tpu.memref_slice %arg2[%dma_start3A_246, %dma_start3A_247] : memref<10000x128xf32, #tpu.memory_space<hbm>> -> memref<10000x128xf32, #tpu.memory_space<hbm>>
        tpu.enqueue_indirect_dma source(%dma_start3A_248 : memref<10000x128xf32, #tpu.memory_space<hbm>>) target(%arg11 : memref<100x128xf32, #tpu.memory_space<vmem>>) offsets(%dma_start3A_245 : memref<100xi32, #tpu.memory_space<vmem>>) semaphore(%arg15 : memref<!tpu.dma_semaphore, #tpu.memory_space<semaphore_mem>>)
      } else {
      }
      %eq3A_201 = arith.constant 1 : i32
      %eq3A_202 = arith.cmpi eq, %arg0, %eq3A_201 : i32
      %convert_element_type3A_203 = arith.extui %eq3A_202 : i1 to i32
      %cond3A_204 = arith.constant 0 : i32
      %cond3A_205 = arith.cmpi ne, %convert_element_type3A_203, %cond3A_204 : i32
      scf.if %cond3A_205 {
        %dma_start3A_243 = arith.constant 0 : i32
        %dma_start3A_244 = tpu.memref_slice %arg9[%add3A_195, %dma_start3A_243] : memref<50x100xi32, #tpu.memory_space<vmem>> -> memref<1x100xi32, #tpu.memory_space<vmem>>
        %dma_start3A_245 = tpu.memref_squeeze %dma_start3A_244 : memref<1x100xi32, #tpu.memory_space<vmem>> -> memref<100xi32, #tpu.memory_space<vmem>>
        %dma_start3A_246 = arith.constant 0 : i32
        %dma_start3A_247 = arith.constant 0 : i32
        %dma_start3A_248 = tpu.memref_slice %arg3[%dma_start3A_246, %dma_start3A_247] : memref<10000x128xf32, #tpu.memory_space<hbm>> -> memref<10000x128xf32, #tpu.memory_space<hbm>>
        tpu.enqueue_indirect_dma source(%dma_start3A_248 : memref<10000x128xf32, #tpu.memory_space<hbm>>) target(%arg11 : memref<100x128xf32, #tpu.memory_space<vmem>>) offsets(%dma_start3A_245 : memref<100xi32, #tpu.memory_space<vmem>>) semaphore(%arg15 : memref<!tpu.dma_semaphore, #tpu.memory_space<semaphore_mem>>)
      } else {
      }
      %dma_start3A_206 = arith.constant 0 : i32
      %dma_start3A_207 = tpu.memref_slice %arg10[%add3A_182, %dma_start3A_206] : memref<50x100xi32, #tpu.memory_space<vmem>> -> memref<1x100xi32, #tpu.memory_space<vmem>>
      %dma_start3A_208 = tpu.memref_squeeze %dma_start3A_207 : memref<1x100xi32, #tpu.memory_space<vmem>> -> memref<100xi32, #tpu.memory_space<vmem>>
      %dma_start3A_209 = arith.constant 0 : i32
      %dma_start3A_210 = arith.constant 0 : i32
      %dma_start3A_211 = tpu.memref_slice %arg14[%dma_start3A_209, %dma_start3A_210] : memref<10000x128xf32, #tpu.memory_space<vmem_shared>> -> memref<10000x128xf32, #tpu.memory_space<vmem_shared>>
      tpu.enqueue_indirect_dma source(%arg12 : memref<100x128xf32, #tpu.memory_space<vmem>>) target(%dma_start3A_211 : memref<10000x128xf32, #tpu.memory_space<vmem_shared>>) offsets(%dma_start3A_208 : memref<100xi32, #tpu.memory_space<vmem>>) semaphore(%arg19 : memref<!tpu.dma_semaphore, #tpu.memory_space<semaphore_mem>>) {add = true}
      %add3A_212 = arith.constant 2 : i32
      %add3A_213 = arith.addi %add3A_150, %add3A_212 : i32
      %dma_wait3A_214 = arith.constant 0 : i32
      %dma_wait3A_215 = arith.constant 0 : i32
      %dma_wait3A_216 = tpu.memref_slice %arg2[%dma_wait3A_214, %dma_wait3A_215] : memref<10000x128xf32, #tpu.memory_space<hbm>> -> memref<100x128xf32, #tpu.memory_space<hbm>>
      %dma_wait3A_217 = arith.constant 0 : i32
      %dma_wait3A_218 = arith.constant 0 : i32
      %dma_wait3A_219 = tpu.memref_slice %arg2[%dma_wait3A_217, %dma_wait3A_218] : memref<10000x128xf32, #tpu.memory_space<hbm>> -> memref<100x128xf32, #tpu.memory_space<hbm>>
      tpu.wait_dma2 semaphore(%arg17 : memref<!tpu.dma_semaphore, #tpu.memory_space<semaphore_mem>>) src(%dma_wait3A_219 : memref<100x128xf32, #tpu.memory_space<hbm>>) dst(%arg13 : memref<100x128xf32, #tpu.memory_space<vmem>>)
      %ge3A_220 = arith.constant 1 : i32
      %ge3A_221 = arith.cmpi sge, %add3A_213, %ge3A_220 : i32
      %convert_element_type3A_222 = arith.extui %ge3A_221 : i1 to i32
      %cond3A_223 = arith.constant 0 : i32
      %cond3A_224 = arith.cmpi ne, %convert_element_type3A_222, %cond3A_223 : i32
      scf.if %cond3A_224 {
        %dma_wait3A_243 = arith.constant 0 : i32
        %dma_wait3A_244 = arith.constant 0 : i32
        %dma_wait3A_245 = tpu.memref_slice %arg2[%dma_wait3A_243, %dma_wait3A_244] : memref<10000x128xf32, #tpu.memory_space<hbm>> -> memref<100x128xf32, #tpu.memory_space<hbm>>
        %dma_wait3A_246 = arith.constant 0 : i32
        %dma_wait3A_247 = arith.constant 0 : i32
        %dma_wait3A_248 = tpu.memref_slice %arg2[%dma_wait3A_246, %dma_wait3A_247] : memref<10000x128xf32, #tpu.memory_space<hbm>> -> memref<100x128xf32, #tpu.memory_space<hbm>>
        tpu.wait_dma2 semaphore(%arg19 : memref<!tpu.dma_semaphore, #tpu.memory_space<semaphore_mem>>) src(%dma_wait3A_248 : memref<100x128xf32, #tpu.memory_space<hbm>>) dst(%arg12 : memref<100x128xf32, #tpu.memory_space<vmem>>)
      } else {
      }
      %add3A_225 = arith.constant 2 : i32
      %add3A_226 = arith.addi %add3A_213, %add3A_225 : i32
      %eq3A_227 = arith.constant 0 : i32
      %eq3A_228 = arith.cmpi eq, %arg0, %eq3A_227 : i32
      %convert_element_type3A_229 = arith.extui %eq3A_228 : i1 to i32
      %cond3A_230 = arith.constant 0 : i32
      %cond3A_231 = arith.cmpi ne, %convert_element_type3A_229, %cond3A_230 : i32
      scf.if %cond3A_231 {
        %dma_start3A_243 = arith.constant 0 : i32
        %dma_start3A_244 = tpu.memref_slice %arg9[%add3A_226, %dma_start3A_243] : memref<50x100xi32, #tpu.memory_space<vmem>> -> memref<1x100xi32, #tpu.memory_space<vmem>>
        %dma_start3A_245 = tpu.memref_squeeze %dma_start3A_244 : memref<1x100xi32, #tpu.memory_space<vmem>> -> memref<100xi32, #tpu.memory_space<vmem>>
        %dma_start3A_246 = arith.constant 0 : i32
        %dma_start3A_247 = arith.constant 0 : i32
        %dma_start3A_248 = tpu.memref_slice %arg2[%dma_start3A_246, %dma_start3A_247] : memref<10000x128xf32, #tpu.memory_space<hbm>> -> memref<10000x128xf32, #tpu.memory_space<hbm>>
        tpu.enqueue_indirect_dma source(%dma_start3A_248 : memref<10000x128xf32, #tpu.memory_space<hbm>>) target(%arg12 : memref<100x128xf32, #tpu.memory_space<vmem>>) offsets(%dma_start3A_245 : memref<100xi32, #tpu.memory_space<vmem>>) semaphore(%arg16 : memref<!tpu.dma_semaphore, #tpu.memory_space<semaphore_mem>>)
      } else {
      }
      %eq3A_232 = arith.constant 1 : i32
      %eq3A_233 = arith.cmpi eq, %arg0, %eq3A_232 : i32
      %convert_element_type3A_234 = arith.extui %eq3A_233 : i1 to i32
      %cond3A_235 = arith.constant 0 : i32
      %cond3A_236 = arith.cmpi ne, %convert_element_type3A_234, %cond3A_235 : i32
      scf.if %cond3A_236 {
        %dma_start3A_243 = arith.constant 0 : i32
        %dma_start3A_244 = tpu.memref_slice %arg9[%add3A_226, %dma_start3A_243] : memref<50x100xi32, #tpu.memory_space<vmem>> -> memref<1x100xi32, #tpu.memory_space<vmem>>
        %dma_start3A_245 = tpu.memref_squeeze %dma_start3A_244 : memref<1x100xi32, #tpu.memory_space<vmem>> -> memref<100xi32, #tpu.memory_space<vmem>>
        %dma_start3A_246 = arith.constant 0 : i32
        %dma_start3A_247 = arith.constant 0 : i32
        %dma_start3A_248 = tpu.memref_slice %arg3[%dma_start3A_246, %dma_start3A_247] : memref<10000x128xf32, #tpu.memory_space<hbm>> -> memref<10000x128xf32, #tpu.memory_space<hbm>>
        tpu.enqueue_indirect_dma source(%dma_start3A_248 : memref<10000x128xf32, #tpu.memory_space<hbm>>) target(%arg12 : memref<100x128xf32, #tpu.memory_space<vmem>>) offsets(%dma_start3A_245 : memref<100xi32, #tpu.memory_space<vmem>>) semaphore(%arg16 : memref<!tpu.dma_semaphore, #tpu.memory_space<semaphore_mem>>)
      } else {
      }
      %dma_start3A_237 = arith.constant 0 : i32
      %dma_start3A_238 = tpu.memref_slice %arg10[%add3A_213, %dma_start3A_237] : memref<50x100xi32, #tpu.memory_space<vmem>> -> memref<1x100xi32, #tpu.memory_space<vmem>>
      %dma_start3A_239 = tpu.memref_squeeze %dma_start3A_238 : memref<1x100xi32, #tpu.memory_space<vmem>> -> memref<100xi32, #tpu.memory_space<vmem>>
      %dma_start3A_240 = arith.constant 0 : i32
      %dma_start3A_241 = arith.constant 0 : i32
      %dma_start3A_242 = tpu.memref_slice %arg14[%dma_start3A_240, %dma_start3A_241] : memref<10000x128xf32, #tpu.memory_space<vmem_shared>> -> memref<10000x128xf32, #tpu.memory_space<vmem_shared>>
      tpu.enqueue_indirect_dma source(%arg13 : memref<100x128xf32, #tpu.memory_space<vmem>>) target(%dma_start3A_242 : memref<10000x128xf32, #tpu.memory_space<vmem_shared>>) offsets(%dma_start3A_239 : memref<100xi32, #tpu.memory_space<vmem>>) semaphore(%arg20 : memref<!tpu.dma_semaphore, #tpu.memory_space<semaphore_mem>>) {add = true}
    }
    %scan3A_91 = arith.constant 16 : i32
    %dma_wait3A_92 = arith.constant 0 : i32
    %dma_wait3A_93 = arith.constant 0 : i32
    %dma_wait3A_94 = tpu.memref_slice %arg2[%dma_wait3A_92, %dma_wait3A_93] : memref<10000x128xf32, #tpu.memory_space<hbm>> -> memref<100x128xf32, #tpu.memory_space<hbm>>
    %dma_wait3A_95 = arith.constant 0 : i32
    %dma_wait3A_96 = arith.constant 0 : i32
    %dma_wait3A_97 = tpu.memref_slice %arg2[%dma_wait3A_95, %dma_wait3A_96] : memref<10000x128xf32, #tpu.memory_space<hbm>> -> memref<100x128xf32, #tpu.memory_space<hbm>>
    tpu.wait_dma2 semaphore(%arg15 : memref<!tpu.dma_semaphore, #tpu.memory_space<semaphore_mem>>) src(%dma_wait3A_97 : memref<100x128xf32, #tpu.memory_space<hbm>>) dst(%arg11 : memref<100x128xf32, #tpu.memory_space<vmem>>)
    %dma_wait3A_98 = arith.constant 0 : i32
    %dma_wait3A_99 = arith.constant 0 : i32
    %dma_wait3A_100 = tpu.memref_slice %arg2[%dma_wait3A_98, %dma_wait3A_99] : memref<10000x128xf32, #tpu.memory_space<hbm>> -> memref<100x128xf32, #tpu.memory_space<hbm>>
    %dma_wait3A_101 = arith.constant 0 : i32
    %dma_wait3A_102 = arith.constant 0 : i32
    %dma_wait3A_103 = tpu.memref_slice %arg2[%dma_wait3A_101, %dma_wait3A_102] : memref<10000x128xf32, #tpu.memory_space<hbm>> -> memref<100x128xf32, #tpu.memory_space<hbm>>
    tpu.wait_dma2 semaphore(%arg20 : memref<!tpu.dma_semaphore, #tpu.memory_space<semaphore_mem>>) src(%dma_wait3A_103 : memref<100x128xf32, #tpu.memory_space<hbm>>) dst(%arg13 : memref<100x128xf32, #tpu.memory_space<vmem>>)
    %dma_start3A_104 = arith.constant 48 : i32
    %dma_start3A_105 = arith.constant 0 : i32
    %dma_start3A_106 = tpu.memref_slice %arg10[%dma_start3A_104, %dma_start3A_105] : memref<50x100xi32, #tpu.memory_space<vmem>> -> memref<1x100xi32, #tpu.memory_space<vmem>>
    %dma_start3A_107 = tpu.memref_squeeze %dma_start3A_106 : memref<1x100xi32, #tpu.memory_space<vmem>> -> memref<100xi32, #tpu.memory_space<vmem>>
    %dma_start3A_108 = arith.constant 0 : i32
    %dma_start3A_109 = arith.constant 0 : i32
    %dma_start3A_110 = tpu.memref_slice %arg14[%dma_start3A_108, %dma_start3A_109] : memref<10000x128xf32, #tpu.memory_space<vmem_shared>> -> memref<10000x128xf32, #tpu.memory_space<vmem_shared>>
    tpu.enqueue_indirect_dma source(%arg11 : memref<100x128xf32, #tpu.memory_space<vmem>>) target(%dma_start3A_110 : memref<10000x128xf32, #tpu.memory_space<vmem_shared>>) offsets(%dma_start3A_107 : memref<100xi32, #tpu.memory_space<vmem>>) semaphore(%arg18 : memref<!tpu.dma_semaphore, #tpu.memory_space<semaphore_mem>>) {add = true}
    %dma_wait3A_111 = arith.constant 0 : i32
    %dma_wait3A_112 = arith.constant 0 : i32
    %dma_wait3A_113 = tpu.memref_slice %arg2[%dma_wait3A_111, %dma_wait3A_112] : memref<10000x128xf32, #tpu.memory_space<hbm>> -> memref<100x128xf32, #tpu.memory_space<hbm>>
    %dma_wait3A_114 = arith.constant 0 : i32
    %dma_wait3A_115 = arith.constant 0 : i32
    %dma_wait3A_116 = tpu.memref_slice %arg2[%dma_wait3A_114, %dma_wait3A_115] : memref<10000x128xf32, #tpu.memory_space<hbm>> -> memref<100x128xf32, #tpu.memory_space<hbm>>
    tpu.wait_dma2 semaphore(%arg16 : memref<!tpu.dma_semaphore, #tpu.memory_space<semaphore_mem>>) src(%dma_wait3A_116 : memref<100x128xf32, #tpu.memory_space<hbm>>) dst(%arg12 : memref<100x128xf32, #tpu.memory_space<vmem>>)
    %dma_wait3A_117 = arith.constant 0 : i32
    %dma_wait3A_118 = arith.constant 0 : i32
    %dma_wait3A_119 = tpu.memref_slice %arg2[%dma_wait3A_117, %dma_wait3A_118] : memref<10000x128xf32, #tpu.memory_space<hbm>> -> memref<100x128xf32, #tpu.memory_space<hbm>>
    %dma_wait3A_120 = arith.constant 0 : i32
    %dma_wait3A_121 = arith.constant 0 : i32
    %dma_wait3A_122 = tpu.memref_slice %arg2[%dma_wait3A_120, %dma_wait3A_121] : memref<10000x128xf32, #tpu.memory_space<hbm>> -> memref<100x128xf32, #tpu.memory_space<hbm>>
    tpu.wait_dma2 semaphore(%arg18 : memref<!tpu.dma_semaphore, #tpu.memory_space<semaphore_mem>>) src(%dma_wait3A_122 : memref<100x128xf32, #tpu.memory_space<hbm>>) dst(%arg11 : memref<100x128xf32, #tpu.memory_space<vmem>>)
    %dma_start3A_123 = arith.constant 49 : i32
    %dma_start3A_124 = arith.constant 0 : i32
    %dma_start3A_125 = tpu.memref_slice %arg10[%dma_start3A_123, %dma_start3A_124] : memref<50x100xi32, #tpu.memory_space<vmem>> -> memref<1x100xi32, #tpu.memory_space<vmem>>
    %dma_start3A_126 = tpu.memref_squeeze %dma_start3A_125 : memref<1x100xi32, #tpu.memory_space<vmem>> -> memref<100xi32, #tpu.memory_space<vmem>>
    %dma_start3A_127 = arith.constant 0 : i32
    %dma_start3A_128 = arith.constant 0 : i32
    %dma_start3A_129 = tpu.memref_slice %arg14[%dma_start3A_127, %dma_start3A_128] : memref<10000x128xf32, #tpu.memory_space<vmem_shared>> -> memref<10000x128xf32, #tpu.memory_space<vmem_shared>>
    tpu.enqueue_indirect_dma source(%arg12 : memref<100x128xf32, #tpu.memory_space<vmem>>) target(%dma_start3A_129 : memref<10000x128xf32, #tpu.memory_space<vmem_shared>>) offsets(%dma_start3A_126 : memref<100xi32, #tpu.memory_space<vmem>>) semaphore(%arg19 : memref<!tpu.dma_semaphore, #tpu.memory_space<semaphore_mem>>) {add = true}
    %dma_wait3A_130 = arith.constant 0 : i32
    %dma_wait3A_131 = arith.constant 0 : i32
    %dma_wait3A_132 = tpu.memref_slice %arg2[%dma_wait3A_130, %dma_wait3A_131] : memref<10000x128xf32, #tpu.memory_space<hbm>> -> memref<100x128xf32, #tpu.memory_space<hbm>>
    %dma_wait3A_133 = arith.constant 0 : i32
    %dma_wait3A_134 = arith.constant 0 : i32
    %dma_wait3A_135 = tpu.memref_slice %arg2[%dma_wait3A_133, %dma_wait3A_134] : memref<10000x128xf32, #tpu.memory_space<hbm>> -> memref<100x128xf32, #tpu.memory_space<hbm>>
    tpu.wait_dma2 semaphore(%arg19 : memref<!tpu.dma_semaphore, #tpu.memory_space<semaphore_mem>>) src(%dma_wait3A_135 : memref<100x128xf32, #tpu.memory_space<hbm>>) dst(%arg12 : memref<100x128xf32, #tpu.memory_space<vmem>>)
    %barrier3A_136 = arith.constant 0 : index
    tpu.barrier barrier_id(%barrier3A_136)
    %eq3A_137 = arith.constant 0 : i32
    %eq3A_138 = arith.cmpi eq, %arg0, %eq3A_137 : i32
    %convert_element_type3A_139 = arith.extui %eq3A_138 : i1 to i32
    %cond3A_140 = arith.constant 0 : i32
    %cond3A_141 = arith.cmpi ne, %convert_element_type3A_139, %cond3A_140 : i32
    scf.if %cond3A_141 {
      "tpu.region"() ({
        %run_scoped3A_147 = tpu.sem_alloc : memref<!tpu.dma_semaphore, #tpu.memory_space<semaphore_mem>>
        %dma_start3A_148 = arith.constant 0 : i32
        %dma_start3A_149 = tpu.memref_slice %arg7[%mul3A_0, %dma_start3A_148] : memref<10000x128xf32, #tpu.memory_space<hbm>> -> memref<625x128xf32, #tpu.memory_space<hbm>>
        %dma_start3A_150 = arith.constant 0 : i32
        %dma_start3A_151 = tpu.memref_slice %arg14[%mul3A_0, %dma_start3A_150] : memref<10000x128xf32, #tpu.memory_space<vmem_shared>> -> memref<625x128xf32, #tpu.memory_space<vmem_shared>>
        tpu.enqueue_dma source(%dma_start3A_151 : memref<625x128xf32, #tpu.memory_space<vmem_shared>>) target(%dma_start3A_149 : memref<625x128xf32, #tpu.memory_space<hbm>>) target_semaphore(%run_scoped3A_147 : memref<!tpu.dma_semaphore, #tpu.memory_space<semaphore_mem>>)
        %dma_wait3A_152 = arith.constant 0 : i32
        %dma_wait3A_153 = tpu.memref_slice %arg7[%mul3A_0, %dma_wait3A_152] : memref<10000x128xf32, #tpu.memory_space<hbm>> -> memref<625x128xf32, #tpu.memory_space<hbm>>
        %dma_wait3A_154 = arith.constant 0 : i32
        %dma_wait3A_155 = tpu.memref_slice %arg14[%mul3A_0, %dma_wait3A_154] : memref<10000x128xf32, #tpu.memory_space<vmem_shared>> -> memref<625x128xf32, #tpu.memory_space<vmem_shared>>
        tpu.wait_dma2 semaphore(%run_scoped3A_147 : memref<!tpu.dma_semaphore, #tpu.memory_space<semaphore_mem>>) src(%dma_wait3A_155 : memref<625x128xf32, #tpu.memory_space<vmem_shared>>) dst(%dma_wait3A_153 : memref<625x128xf32, #tpu.memory_space<hbm>>)
        tpu.yield
      }) : () -> ()
    } else {
    }
    %eq3A_142 = arith.constant 1 : i32
    %eq3A_143 = arith.cmpi eq, %arg0, %eq3A_142 : i32
    %convert_element_type3A_144 = arith.extui %eq3A_143 : i1 to i32
    %cond3A_145 = arith.constant 0 : i32
    %cond3A_146 = arith.cmpi ne, %convert_element_type3A_144, %cond3A_145 : i32
    scf.if %cond3A_146 {
      "tpu.region"() ({
        %run_scoped3A_147 = tpu.sem_alloc : memref<!tpu.dma_semaphore, #tpu.memory_space<semaphore_mem>>
        %dma_start3A_148 = arith.constant 0 : i32
        %dma_start3A_149 = tpu.memref_slice %arg8[%mul3A_0, %dma_start3A_148] : memref<10000x128xf32, #tpu.memory_space<hbm>> -> memref<625x128xf32, #tpu.memory_space<hbm>>
        %dma_start3A_150 = arith.constant 0 : i32
        %dma_start3A_151 = tpu.memref_slice %arg14[%mul3A_0, %dma_start3A_150] : memref<10000x128xf32, #tpu.memory_space<vmem_shared>> -> memref<625x128xf32, #tpu.memory_space<vmem_shared>>
        tpu.enqueue_dma source(%dma_start3A_151 : memref<625x128xf32, #tpu.memory_space<vmem_shared>>) target(%dma_start3A_149 : memref<625x128xf32, #tpu.memory_space<hbm>>) target_semaphore(%run_scoped3A_147 : memref<!tpu.dma_semaphore, #tpu.memory_space<semaphore_mem>>)
        %dma_wait3A_152 = arith.constant 0 : i32
        %dma_wait3A_153 = tpu.memref_slice %arg8[%mul3A_0, %dma_wait3A_152] : memref<10000x128xf32, #tpu.memory_space<hbm>> -> memref<625x128xf32, #tpu.memory_space<hbm>>
        %dma_wait3A_154 = arith.constant 0 : i32
        %dma_wait3A_155 = tpu.memref_slice %arg14[%mul3A_0, %dma_wait3A_154] : memref<10000x128xf32, #tpu.memory_space<vmem_shared>> -> memref<625x128xf32, #tpu.memory_space<vmem_shared>>
        tpu.wait_dma2 semaphore(%run_scoped3A_147 : memref<!tpu.dma_semaphore, #tpu.memory_space<semaphore_mem>>) src(%dma_wait3A_155 : memref<625x128xf32, #tpu.memory_space<vmem_shared>>) dst(%dma_wait3A_153 : memref<625x128xf32, #tpu.memory_space<hbm>>)
        tpu.yield
      }) : () -> ()
    } else {
    }
    return
  }
}

#map = affine_map<(d0, d1) -> (0, 0)>
#map1 = affine_map<(d0, d1) -> (0, 0, 0, 0)>
module attributes {stable_mosaic.version = 14 : i64} {
  func.func @_segsum(%arg0: i32, %arg1: i32, %arg2: memref<10000x128xf32, #tpu.memory_space<hbm>>, %arg3: memref<10000x128xf32, #tpu.memory_space<hbm>>, %arg4: memref<10000x128xf32, #tpu.memory_space<hbm>>, %arg5: memref<16x2x50x100xi32, #tpu.memory_space<hbm>>, %arg6: memref<16x2x50x100xi32, #tpu.memory_space<hbm>>, %arg7: memref<10000x128xf32, #tpu.memory_space<hbm>>, %arg8: memref<10000x128xf32, #tpu.memory_space<hbm>>, %arg9: memref<50x100xi32, #tpu.memory_space<vmem>>, %arg10: memref<50x100xi32, #tpu.memory_space<vmem>>, %arg11: memref<100x128xf32, #tpu.memory_space<vmem>>, %arg12: memref<100x128xf32, #tpu.memory_space<vmem>>, %arg13: memref<100x128xf32, #tpu.memory_space<vmem>>, %arg14: memref<10000x128xf32, #tpu.memory_space<vmem_shared>>, %arg15: memref<!tpu.dma_semaphore, #tpu.memory_space<semaphore_mem>>, %arg16: memref<!tpu.dma_semaphore, #tpu.memory_space<semaphore_mem>>, %arg17: memref<!tpu.dma_semaphore, #tpu.memory_space<semaphore_mem>>, %arg18: memref<!tpu.dma_semaphore, #tpu.memory_space<semaphore_mem>>, %arg19: memref<!tpu.dma_semaphore, #tpu.memory_space<semaphore_mem>>, %arg20: memref<!tpu.dma_semaphore, #tpu.memory_space<semaphore_mem>>) attributes {dimension_semantics = [#tpu.dimension_semantics<core_parallel>, #tpu.dimension_semantics<subcore_parallel>], iteration_bounds = array<i64: 2, 16>, scalar_prefetch = 0 : i64, scratch_operands = 12 : i64, tpu.core_type = #tpu.core_type<sc_vector_subcore>, window_params = [{transform_indices = #map}, {transform_indices = #map}, {transform_indices = #map}, {transform_indices = #map1}, {transform_indices = #map1}, {transform_indices = #map}, {transform_indices = #map}]} {
    %mul3A = arith.constant 625 : i32
    %mul3A_0 = arith.muli %arg1, %mul3A : i32
    %run_scoped3A = arith.constant 0 : i32
    "tpu.region"() ({
      %run_scoped3A_147 = tpu.sem_alloc : memref<!tpu.dma_semaphore, #tpu.memory_space<semaphore_mem>>
      %dma_start3A_148 = arith.constant 0 : i32
      %dma_start3A_149 = arith.constant 0 : i32
      %dma_start3A_150 = tpu.memref_slice %arg5[%arg1, %run_scoped3A, %dma_start3A_148, %dma_start3A_149] : memref<16x2x50x100xi32, #tpu.memory_space<hbm>> -> memref<1x1x50x100xi32, #tpu.memory_space<hbm>>
      %dma_start3A_151 = tpu.memref_squeeze %dma_start3A_150 : memref<1x1x50x100xi32, #tpu.memory_space<hbm>> -> memref<50x100xi32, #tpu.memory_space<hbm>>
      %dma_start3A_152 = arith.constant 0 : i32
      %dma_start3A_153 = arith.constant 0 : i32
      %dma_start3A_154 = tpu.memref_slice %arg5[%arg1, %run_scoped3A, %dma_start3A_152, %dma_start3A_153] : memref<16x2x50x100xi32, #tpu.memory_space<hbm>> -> memref<1x1x50x100xi32, #tpu.memory_space<hbm>>
      %dma_start3A_155 = tpu.memref_squeeze %dma_start3A_154 : memref<1x1x50x100xi32, #tpu.memory_space<hbm>> -> memref<50x100xi32, #tpu.memory_space<hbm>>
      tpu.enqueue_dma source(%dma_start3A_155 : memref<50x100xi32, #tpu.memory_space<hbm>>) target(%arg9 : memref<50x100xi32, #tpu.memory_space<vmem>>) target_semaphore(%run_scoped3A_147 : memref<!tpu.dma_semaphore, #tpu.memory_space<semaphore_mem>>)
      %dma_wait3A_156 = arith.constant 0 : i32
      %dma_wait3A_157 = arith.constant 0 : i32
      %dma_wait3A_158 = tpu.memref_slice %arg5[%arg1, %run_scoped3A, %dma_wait3A_156, %dma_wait3A_157] : memref<16x2x50x100xi32, #tpu.memory_space<hbm>> -> memref<1x1x50x100xi32, #tpu.memory_space<hbm>>
      %dma_wait3A_159 = tpu.memref_squeeze %dma_wait3A_158 : memref<1x1x50x100xi32, #tpu.memory_space<hbm>> -> memref<50x100xi32, #tpu.memory_space<hbm>>
      %dma_wait3A_160 = arith.constant 0 : i32
      %dma_wait3A_161 = arith.constant 0 : i32
      %dma_wait3A_162 = tpu.memref_slice %arg5[%arg1, %run_scoped3A, %dma_wait3A_160, %dma_wait3A_161] : memref<16x2x50x100xi32, #tpu.memory_space<hbm>> -> memref<1x1x50x100xi32, #tpu.memory_space<hbm>>
      %dma_wait3A_163 = tpu.memref_squeeze %dma_wait3A_162 : memref<1x1x50x100xi32, #tpu.memory_space<hbm>> -> memref<50x100xi32, #tpu.memory_space<hbm>>
      tpu.wait_dma2 semaphore(%run_scoped3A_147 : memref<!tpu.dma_semaphore, #tpu.memory_space<semaphore_mem>>) src(%dma_wait3A_163 : memref<50x100xi32, #tpu.memory_space<hbm>>) dst(%arg9 : memref<50x100xi32, #tpu.memory_space<vmem>>)
      tpu.yield
    }) : () -> ()
    %run_scoped3A_1 = arith.constant 0 : i32
    "tpu.region"() ({
      %run_scoped3A_147 = tpu.sem_alloc : memref<!tpu.dma_semaphore, #tpu.memory_space<semaphore_mem>>
      %dma_start3A_148 = arith.constant 0 : i32
      %dma_start3A_149 = arith.constant 0 : i32
      %dma_start3A_150 = tpu.memref_slice %arg6[%arg1, %run_scoped3A_1, %dma_start3A_148, %dma_start3A_149] : memref<16x2x50x100xi32, #tpu.memory_space<hbm>> -> memref<1x1x50x100xi32, #tpu.memory_space<hbm>>
      %dma_start3A_151 = tpu.memref_squeeze %dma_start3A_150 : memref<1x1x50x100xi32, #tpu.memory_space<hbm>> -> memref<50x100xi32, #tpu.memory_space<hbm>>
      %dma_start3A_152 = arith.constant 0 : i32
      %dma_start3A_153 = arith.constant 0 : i32
      %dma_start3A_154 = tpu.memref_slice %arg6[%arg1, %run_scoped3A_1, %dma_start3A_152, %dma_start3A_153] : memref<16x2x50x100xi32, #tpu.memory_space<hbm>> -> memref<1x1x50x100xi32, #tpu.memory_space<hbm>>
      %dma_start3A_155 = tpu.memref_squeeze %dma_start3A_154 : memref<1x1x50x100xi32, #tpu.memory_space<hbm>> -> memref<50x100xi32, #tpu.memory_space<hbm>>
      tpu.enqueue_dma source(%dma_start3A_155 : memref<50x100xi32, #tpu.memory_space<hbm>>) target(%arg10 : memref<50x100xi32, #tpu.memory_space<vmem>>) target_semaphore(%run_scoped3A_147 : memref<!tpu.dma_semaphore, #tpu.memory_space<semaphore_mem>>)
      %dma_wait3A_156 = arith.constant 0 : i32
      %dma_wait3A_157 = arith.constant 0 : i32
      %dma_wait3A_158 = tpu.memref_slice %arg6[%arg1, %run_scoped3A_1, %dma_wait3A_156, %dma_wait3A_157] : memref<16x2x50x100xi32, #tpu.memory_space<hbm>> -> memref<1x1x50x100xi32, #tpu.memory_space<hbm>>
      %dma_wait3A_159 = tpu.memref_squeeze %dma_wait3A_158 : memref<1x1x50x100xi32, #tpu.memory_space<hbm>> -> memref<50x100xi32, #tpu.memory_space<hbm>>
      %dma_wait3A_160 = arith.constant 0 : i32
      %dma_wait3A_161 = arith.constant 0 : i32
      %dma_wait3A_162 = tpu.memref_slice %arg6[%arg1, %run_scoped3A_1, %dma_wait3A_160, %dma_wait3A_161] : memref<16x2x50x100xi32, #tpu.memory_space<hbm>> -> memref<1x1x50x100xi32, #tpu.memory_space<hbm>>
      %dma_wait3A_163 = tpu.memref_squeeze %dma_wait3A_162 : memref<1x1x50x100xi32, #tpu.memory_space<hbm>> -> memref<50x100xi32, #tpu.memory_space<hbm>>
      tpu.wait_dma2 semaphore(%run_scoped3A_147 : memref<!tpu.dma_semaphore, #tpu.memory_space<semaphore_mem>>) src(%dma_wait3A_163 : memref<50x100xi32, #tpu.memory_space<hbm>>) dst(%arg10 : memref<50x100xi32, #tpu.memory_space<vmem>>)
      tpu.yield
    }) : () -> ()
    %eq3A = arith.constant 0 : i32
    %eq3A_2 = arith.cmpi eq, %arg0, %eq3A : i32
    %convert_element_type3A = arith.extui %eq3A_2 : i1 to i32
    %cond3A = arith.constant 0 : i32
    %cond3A_3 = arith.cmpi ne, %convert_element_type3A, %cond3A : i32
    scf.if %cond3A_3 {
      %dma_start3A_147 = arith.constant 0 : i32
      %dma_start3A_148 = arith.constant 0 : i32
      %dma_start3A_149 = tpu.memref_slice %arg9[%dma_start3A_147, %dma_start3A_148] : memref<50x100xi32, #tpu.memory_space<vmem>> -> memref<1x100xi32, #tpu.memory_space<vmem>>
      %dma_start3A_150 = tpu.memref_squeeze %dma_start3A_149 : memref<1x100xi32, #tpu.memory_space<vmem>> -> memref<100xi32, #tpu.memory_space<vmem>>
      %dma_start3A_151 = arith.constant 0 : i32
      %dma_start3A_152 = arith.constant 0 : i32
      %dma_start3A_153 = tpu.memref_slice %arg2[%dma_start3A_151, %dma_start3A_152] : memref<10000x128xf32, #tpu.memory_space<hbm>> -> memref<10000x128xf32, #tpu.memory_space<hbm>>
      tpu.enqueue_indirect_dma source(%dma_start3A_153 : memref<10000x128xf32, #tpu.memory_space<hbm>>) target(%arg11 : memref<100x128xf32, #tpu.memory_space<vmem>>) offsets(%dma_start3A_150 : memref<100xi32, #tpu.memory_space<vmem>>) semaphore(%arg15 : memref<!tpu.dma_semaphore, #tpu.memory_space<semaphore_mem>>)
    } else {
    }
    %eq3A_4 = arith.constant 1 : i32
    %eq3A_5 = arith.cmpi eq, %arg0, %eq3A_4 : i32
    %convert_element_type3A_6 = arith.extui %eq3A_5 : i1 to i32
    %cond3A_7 = arith.constant 0 : i32
    %cond3A_8 = arith.cmpi ne, %convert_element_type3A_6, %cond3A_7 : i32
    scf.if %cond3A_8 {
      %dma_start3A_147 = arith.constant 0 : i32
      %dma_start3A_148 = arith.constant 0 : i32
      %dma_start3A_149 = tpu.memref_slice %arg9[%dma_start3A_147, %dma_start3A_148] : memref<50x100xi32, #tpu.memory_space<vmem>> -> memref<1x100xi32, #tpu.memory_space<vmem>>
      %dma_start3A_150 = tpu.memref_squeeze %dma_start3A_149 : memref<1x100xi32, #tpu.memory_space<vmem>> -> memref<100xi32, #tpu.memory_space<vmem>>
      %dma_start3A_151 = arith.constant 0 : i32
      %dma_start3A_152 = arith.constant 0 : i32
      %dma_start3A_153 = tpu.memref_slice %arg3[%dma_start3A_151, %dma_start3A_152] : memref<10000x128xf32, #tpu.memory_space<hbm>> -> memref<10000x128xf32, #tpu.memory_space<hbm>>
      tpu.enqueue_indirect_dma source(%dma_start3A_153 : memref<10000x128xf32, #tpu.memory_space<hbm>>) target(%arg11 : memref<100x128xf32, #tpu.memory_space<vmem>>) offsets(%dma_start3A_150 : memref<100xi32, #tpu.memory_space<vmem>>) semaphore(%arg15 : memref<!tpu.dma_semaphore, #tpu.memory_space<semaphore_mem>>)
    } else {
    }
    %eq3A_9 = arith.constant 0 : i32
    %eq3A_10 = arith.cmpi eq, %arg0, %eq3A_9 : i32
    %convert_element_type3A_11 = arith.extui %eq3A_10 : i1 to i32
    %cond3A_12 = arith.constant 0 : i32
    %cond3A_13 = arith.cmpi ne, %convert_element_type3A_11, %cond3A_12 : i32
    scf.if %cond3A_13 {
      %dma_start3A_147 = arith.constant 1 : i32
      %dma_start3A_148 = arith.constant 0 : i32
      %dma_start3A_149 = tpu.memref_slice %arg9[%dma_start3A_147, %dma_start3A_148] : memref<50x100xi32, #tpu.memory_space<vmem>> -> memref<1x100xi32, #tpu.memory_space<vmem>>
      %dma_start3A_150 = tpu.memref_squeeze %dma_start3A_149 : memref<1x100xi32, #tpu.memory_space<vmem>> -> memref<100xi32, #tpu.memory_space<vmem>>
      %dma_start3A_151 = arith.constant 0 : i32
      %dma_start3A_152 = arith.constant 0 : i32
      %dma_start3A_153 = tpu.memref_slice %arg2[%dma_start3A_151, %dma_start3A_152] : memref<10000x128xf32, #tpu.memory_space<hbm>> -> memref<10000x128xf32, #tpu.memory_space<hbm>>
      tpu.enqueue_indirect_dma source(%dma_start3A_153 : memref<10000x128xf32, #tpu.memory_space<hbm>>) target(%arg12 : memref<100x128xf32, #tpu.memory_space<vmem>>) offsets(%dma_start3A_150 : memref<100xi32, #tpu.memory_space<vmem>>) semaphore(%arg16 : memref<!tpu.dma_semaphore, #tpu.memory_space<semaphore_mem>>)
    } else {
    }
    %eq3A_14 = arith.constant 1 : i32
    %eq3A_15 = arith.cmpi eq, %arg0, %eq3A_14 : i32
    %convert_element_type3A_16 = arith.extui %eq3A_15 : i1 to i32
    %cond3A_17 = arith.constant 0 : i32
    %cond3A_18 = arith.cmpi ne, %convert_element_type3A_16, %cond3A_17 : i32
    scf.if %cond3A_18 {
      %dma_start3A_147 = arith.constant 1 : i32
      %dma_start3A_148 = arith.constant 0 : i32
      %dma_start3A_149 = tpu.memref_slice %arg9[%dma_start3A_147, %dma_start3A_148] : memref<50x100xi32, #tpu.memory_space<vmem>> -> memref<1x100xi32, #tpu.memory_space<vmem>>
      %dma_start3A_150 = tpu.memref_squeeze %dma_start3A_149 : memref<1x100xi32, #tpu.memory_space<vmem>> -> memref<100xi32, #tpu.memory_space<vmem>>
      %dma_start3A_151 = arith.constant 0 : i32
      %dma_start3A_152 = arith.constant 0 : i32
      %dma_start3A_153 = tpu.memref_slice %arg3[%dma_start3A_151, %dma_start3A_152] : memref<10000x128xf32, #tpu.memory_space<hbm>> -> memref<10000x128xf32, #tpu.memory_space<hbm>>
      tpu.enqueue_indirect_dma source(%dma_start3A_153 : memref<10000x128xf32, #tpu.memory_space<hbm>>) target(%arg12 : memref<100x128xf32, #tpu.memory_space<vmem>>) offsets(%dma_start3A_150 : memref<100xi32, #tpu.memory_space<vmem>>) semaphore(%arg16 : memref<!tpu.dma_semaphore, #tpu.memory_space<semaphore_mem>>)
    } else {
    }
    "tpu.region"() ({
      %run_scoped3A_147 = tpu.sem_alloc : memref<!tpu.dma_semaphore, #tpu.memory_space<semaphore_mem>>
      %dma_start3A_148 = arith.constant 0 : i32
      %dma_start3A_149 = tpu.memref_slice %arg14[%mul3A_0, %dma_start3A_148] : memref<10000x128xf32, #tpu.memory_space<vmem_shared>> -> memref<625x128xf32, #tpu.memory_space<vmem_shared>>
      %dma_start3A_150 = arith.constant 0 : i32
      %dma_start3A_151 = tpu.memref_slice %arg4[%mul3A_0, %dma_start3A_150] : memref<10000x128xf32, #tpu.memory_space<hbm>> -> memref<625x128xf32, #tpu.memory_space<hbm>>
      tpu.enqueue_dma source(%dma_start3A_151 : memref<625x128xf32, #tpu.memory_space<hbm>>) target(%dma_start3A_149 : memref<625x128xf32, #tpu.memory_space<vmem_shared>>) target_semaphore(%run_scoped3A_147 : memref<!tpu.dma_semaphore, #tpu.memory_space<semaphore_mem>>)
      %dma_wait3A_152 = arith.constant 0 : i32
      %dma_wait3A_153 = tpu.memref_slice %arg14[%mul3A_0, %dma_wait3A_152] : memref<10000x128xf32, #tpu.memory_space<vmem_shared>> -> memref<625x128xf32, #tpu.memory_space<vmem_shared>>
      %dma_wait3A_154 = arith.constant 0 : i32
      %dma_wait3A_155 = tpu.memref_slice %arg4[%mul3A_0, %dma_wait3A_154] : memref<10000x128xf32, #tpu.memory_space<hbm>> -> memref<625x128xf32, #tpu.memory_space<hbm>>
      tpu.wait_dma2 semaphore(%run_scoped3A_147 : memref<!tpu.dma_semaphore, #tpu.memory_space<semaphore_mem>>) src(%dma_wait3A_155 : memref<625x128xf32, #tpu.memory_space<hbm>>) dst(%dma_wait3A_153 : memref<625x128xf32, #tpu.memory_space<vmem_shared>>)
      tpu.yield
    }) : () -> ()
    %barrier3A = arith.constant 0 : index
    tpu.barrier barrier_id(%barrier3A)
    %scan3A = arith.constant 0 : i32
    %scan3A_19 = arith.constant 16 : i32
    %scan3A_20 = arith.addi %scan3A, %scan3A_19 : i32
    %scan3A_21 = arith.constant 1 : i32
    scf.for %scan3A_147 = %scan3A to %scan3A_20 step %scan3A_21  : i32 {
      %mul3A_148 = arith.constant 3 : i32
      %mul3A_149 = arith.muli %scan3A_147, %mul3A_148 : i32
      %add3A = arith.constant 0 : i32
      %add3A_150 = arith.addi %add3A, %mul3A_149 : i32
      %add3A_151 = arith.constant 0 : i32
      %add3A_152 = arith.addi %add3A_150, %add3A_151 : i32
      %dma_wait3A_153 = arith.constant 0 : i32
      %dma_wait3A_154 = arith.constant 0 : i32
      %dma_wait3A_155 = tpu.memref_slice %arg2[%dma_wait3A_153, %dma_wait3A_154] : memref<10000x128xf32, #tpu.memory_space<hbm>> -> memref<100x128xf32, #tpu.memory_space<hbm>>
      %dma_wait3A_156 = arith.constant 0 : i32
      %dma_wait3A_157 = arith.constant 0 : i32
      %dma_wait3A_158 = tpu.memref_slice %arg2[%dma_wait3A_156, %dma_wait3A_157] : memref<10000x128xf32, #tpu.memory_space<hbm>> -> memref<100x128xf32, #tpu.memory_space<hbm>>
      tpu.wait_dma2 semaphore(%arg15 : memref<!tpu.dma_semaphore, #tpu.memory_space<semaphore_mem>>) src(%dma_wait3A_158 : memref<100x128xf32, #tpu.memory_space<hbm>>) dst(%arg11 : memref<100x128xf32, #tpu.memory_space<vmem>>)
      %ge3A = arith.constant 1 : i32
      %ge3A_159 = arith.cmpi sge, %add3A_152, %ge3A : i32
      %convert_element_type3A_160 = arith.extui %ge3A_159 : i1 to i32
      %cond3A_161 = arith.constant 0 : i32
      %cond3A_162 = arith.cmpi ne, %convert_element_type3A_160, %cond3A_161 : i32
      scf.if %cond3A_162 {
        %dma_wait3A_243 = arith.constant 0 : i32
        %dma_wait3A_244 = arith.constant 0 : i32
        %dma_wait3A_245 = tpu.memref_slice %arg2[%dma_wait3A_243, %dma_wait3A_244] : memref<10000x128xf32, #tpu.memory_space<hbm>> -> memref<100x128xf32, #tpu.memory_space<hbm>>
        %dma_wait3A_246 = arith.constant 0 : i32
        %dma_wait3A_247 = arith.constant 0 : i32
        %dma_wait3A_248 = tpu.memref_slice %arg2[%dma_wait3A_246, %dma_wait3A_247] : memref<10000x128xf32, #tpu.memory_space<hbm>> -> memref<100x128xf32, #tpu.memory_space<hbm>>
        tpu.wait_dma2 semaphore(%arg20 : memref<!tpu.dma_semaphore, #tpu.memory_space<semaphore_mem>>) src(%dma_wait3A_248 : memref<100x128xf32, #tpu.memory_space<hbm>>) dst(%arg13 : memref<100x128xf32, #tpu.memory_space<vmem>>)
      } else {
      }
      %add3A_163 = arith.constant 2 : i32
      %add3A_164 = arith.addi %add3A_152, %add3A_163 : i32
      %eq3A_165 = arith.constant 0 : i32
      %eq3A_166 = arith.cmpi eq, %arg0, %eq3A_165 : i32
      %convert_element_type3A_167 = arith.extui %eq3A_166 : i1 to i32
      %cond3A_168 = arith.constant 0 : i32
      %cond3A_169 = arith.cmpi ne, %convert_element_type3A_167, %cond3A_168 : i32
      scf.if %cond3A_169 {
        %dma_start3A_243 = arith.constant 0 : i32
        %dma_start3A_244 = tpu.memref_slice %arg9[%add3A_164, %dma_start3A_243] : memref<50x100xi32, #tpu.memory_space<vmem>> -> memref<1x100xi32, #tpu.memory_space<vmem>>
        %dma_start3A_245 = tpu.memref_squeeze %dma_start3A_244 : memref<1x100xi32, #tpu.memory_space<vmem>> -> memref<100xi32, #tpu.memory_space<vmem>>
        %dma_start3A_246 = arith.constant 0 : i32
        %dma_start3A_247 = arith.constant 0 : i32
        %dma_start3A_248 = tpu.memref_slice %arg2[%dma_start3A_246, %dma_start3A_247] : memref<10000x128xf32, #tpu.memory_space<hbm>> -> memref<10000x128xf32, #tpu.memory_space<hbm>>
        tpu.enqueue_indirect_dma source(%dma_start3A_248 : memref<10000x128xf32, #tpu.memory_space<hbm>>) target(%arg13 : memref<100x128xf32, #tpu.memory_space<vmem>>) offsets(%dma_start3A_245 : memref<100xi32, #tpu.memory_space<vmem>>) semaphore(%arg17 : memref<!tpu.dma_semaphore, #tpu.memory_space<semaphore_mem>>)
      } else {
      }
      %eq3A_170 = arith.constant 1 : i32
      %eq3A_171 = arith.cmpi eq, %arg0, %eq3A_170 : i32
      %convert_element_type3A_172 = arith.extui %eq3A_171 : i1 to i32
      %cond3A_173 = arith.constant 0 : i32
      %cond3A_174 = arith.cmpi ne, %convert_element_type3A_172, %cond3A_173 : i32
      scf.if %cond3A_174 {
        %dma_start3A_243 = arith.constant 0 : i32
        %dma_start3A_244 = tpu.memref_slice %arg9[%add3A_164, %dma_start3A_243] : memref<50x100xi32, #tpu.memory_space<vmem>> -> memref<1x100xi32, #tpu.memory_space<vmem>>
        %dma_start3A_245 = tpu.memref_squeeze %dma_start3A_244 : memref<1x100xi32, #tpu.memory_space<vmem>> -> memref<100xi32, #tpu.memory_space<vmem>>
        %dma_start3A_246 = arith.constant 0 : i32
        %dma_start3A_247 = arith.constant 0 : i32
        %dma_start3A_248 = tpu.memref_slice %arg3[%dma_start3A_246, %dma_start3A_247] : memref<10000x128xf32, #tpu.memory_space<hbm>> -> memref<10000x128xf32, #tpu.memory_space<hbm>>
        tpu.enqueue_indirect_dma source(%dma_start3A_248 : memref<10000x128xf32, #tpu.memory_space<hbm>>) target(%arg13 : memref<100x128xf32, #tpu.memory_space<vmem>>) offsets(%dma_start3A_245 : memref<100xi32, #tpu.memory_space<vmem>>) semaphore(%arg17 : memref<!tpu.dma_semaphore, #tpu.memory_space<semaphore_mem>>)
      } else {
      }
      %dma_start3A_175 = arith.constant 0 : i32
      %dma_start3A_176 = tpu.memref_slice %arg10[%add3A_152, %dma_start3A_175] : memref<50x100xi32, #tpu.memory_space<vmem>> -> memref<1x100xi32, #tpu.memory_space<vmem>>
      %dma_start3A_177 = tpu.memref_squeeze %dma_start3A_176 : memref<1x100xi32, #tpu.memory_space<vmem>> -> memref<100xi32, #tpu.memory_space<vmem>>
      %dma_start3A_178 = arith.constant 0 : i32
      %dma_start3A_179 = arith.constant 0 : i32
      %dma_start3A_180 = tpu.memref_slice %arg14[%dma_start3A_178, %dma_start3A_179] : memref<10000x128xf32, #tpu.memory_space<vmem_shared>> -> memref<10000x128xf32, #tpu.memory_space<vmem_shared>>
      tpu.enqueue_indirect_dma source(%arg11 : memref<100x128xf32, #tpu.memory_space<vmem>>) target(%dma_start3A_180 : memref<10000x128xf32, #tpu.memory_space<vmem_shared>>) offsets(%dma_start3A_177 : memref<100xi32, #tpu.memory_space<vmem>>) semaphore(%arg18 : memref<!tpu.dma_semaphore, #tpu.memory_space<semaphore_mem>>) {add = true}
      %add3A_181 = arith.constant 1 : i32
      %add3A_182 = arith.addi %add3A_150, %add3A_181 : i32
      %dma_wait3A_183 = arith.constant 0 : i32
      %dma_wait3A_184 = arith.constant 0 : i32
      %dma_wait3A_185 = tpu.memref_slice %arg2[%dma_wait3A_183, %dma_wait3A_184] : memref<10000x128xf32, #tpu.memory_space<hbm>> -> memref<100x128xf32, #tpu.memory_space<hbm>>
      %dma_wait3A_186 = arith.constant 0 : i32
      %dma_wait3A_187 = arith.constant 0 : i32
      %dma_wait3A_188 = tpu.memref_slice %arg2[%dma_wait3A_186, %dma_wait3A_187] : memref<10000x128xf32, #tpu.memory_space<hbm>> -> memref<100x128xf32, #tpu.memory_space<hbm>>
      tpu.wait_dma2 semaphore(%arg16 : memref<!tpu.dma_semaphore, #tpu.memory_space<semaphore_mem>>) src(%dma_wait3A_188 : memref<100x128xf32, #tpu.memory_space<hbm>>) dst(%arg12 : memref<100x128xf32, #tpu.memory_space<vmem>>)
      %ge3A_189 = arith.constant 1 : i32
      %ge3A_190 = arith.cmpi sge, %add3A_182, %ge3A_189 : i32
      %convert_element_type3A_191 = arith.extui %ge3A_190 : i1 to i32
      %cond3A_192 = arith.constant 0 : i32
      %cond3A_193 = arith.cmpi ne, %convert_element_type3A_191, %cond3A_192 : i32
      scf.if %cond3A_193 {
        %dma_wait3A_243 = arith.constant 0 : i32
        %dma_wait3A_244 = arith.constant 0 : i32
        %dma_wait3A_245 = tpu.memref_slice %arg2[%dma_wait3A_243, %dma_wait3A_244] : memref<10000x128xf32, #tpu.memory_space<hbm>> -> memref<100x128xf32, #tpu.memory_space<hbm>>
        %dma_wait3A_246 = arith.constant 0 : i32
        %dma_wait3A_247 = arith.constant 0 : i32
        %dma_wait3A_248 = tpu.memref_slice %arg2[%dma_wait3A_246, %dma_wait3A_247] : memref<10000x128xf32, #tpu.memory_space<hbm>> -> memref<100x128xf32, #tpu.memory_space<hbm>>
        tpu.wait_dma2 semaphore(%arg18 : memref<!tpu.dma_semaphore, #tpu.memory_space<semaphore_mem>>) src(%dma_wait3A_248 : memref<100x128xf32, #tpu.memory_space<hbm>>) dst(%arg11 : memref<100x128xf32, #tpu.memory_space<vmem>>)
      } else {
      }
      %add3A_194 = arith.constant 2 : i32
      %add3A_195 = arith.addi %add3A_182, %add3A_194 : i32
      %eq3A_196 = arith.constant 0 : i32
      %eq3A_197 = arith.cmpi eq, %arg0, %eq3A_196 : i32
      %convert_element_type3A_198 = arith.extui %eq3A_197 : i1 to i32
      %cond3A_199 = arith.constant 0 : i32
      %cond3A_200 = arith.cmpi ne, %convert_element_type3A_198, %cond3A_199 : i32
      scf.if %cond3A_200 {
        %dma_start3A_243 = arith.constant 0 : i32
        %dma_start3A_244 = tpu.memref_slice %arg9[%add3A_195, %dma_start3A_243] : memref<50x100xi32, #tpu.memory_space<vmem>> -> memref<1x100xi32, #tpu.memory_space<vmem>>
        %dma_start3A_245 = tpu.memref_squeeze %dma_start3A_244 : memref<1x100xi32, #tpu.memory_space<vmem>> -> memref<100xi32, #tpu.memory_space<vmem>>
        %dma_start3A_246 = arith.constant 0 : i32
        %dma_start3A_247 = arith.constant 0 : i32
        %dma_start3A_248 = tpu.memref_slice %arg2[%dma_start3A_246, %dma_start3A_247] : memref<10000x128xf32, #tpu.memory_space<hbm>> -> memref<10000x128xf32, #tpu.memory_space<hbm>>
        tpu.enqueue_indirect_dma source(%dma_start3A_248 : memref<10000x128xf32, #tpu.memory_space<hbm>>) target(%arg11 : memref<100x128xf32, #tpu.memory_space<vmem>>) offsets(%dma_start3A_245 : memref<100xi32, #tpu.memory_space<vmem>>) semaphore(%arg15 : memref<!tpu.dma_semaphore, #tpu.memory_space<semaphore_mem>>)
      } else {
      }
      %eq3A_201 = arith.constant 1 : i32
      %eq3A_202 = arith.cmpi eq, %arg0, %eq3A_201 : i32
      %convert_element_type3A_203 = arith.extui %eq3A_202 : i1 to i32
      %cond3A_204 = arith.constant 0 : i32
      %cond3A_205 = arith.cmpi ne, %convert_element_type3A_203, %cond3A_204 : i32
      scf.if %cond3A_205 {
        %dma_start3A_243 = arith.constant 0 : i32
        %dma_start3A_244 = tpu.memref_slice %arg9[%add3A_195, %dma_start3A_243] : memref<50x100xi32, #tpu.memory_space<vmem>> -> memref<1x100xi32, #tpu.memory_space<vmem>>
        %dma_start3A_245 = tpu.memref_squeeze %dma_start3A_244 : memref<1x100xi32, #tpu.memory_space<vmem>> -> memref<100xi32, #tpu.memory_space<vmem>>
        %dma_start3A_246 = arith.constant 0 : i32
        %dma_start3A_247 = arith.constant 0 : i32
        %dma_start3A_248 = tpu.memref_slice %arg3[%dma_start3A_246, %dma_start3A_247] : memref<10000x128xf32, #tpu.memory_space<hbm>> -> memref<10000x128xf32, #tpu.memory_space<hbm>>
        tpu.enqueue_indirect_dma source(%dma_start3A_248 : memref<10000x128xf32, #tpu.memory_space<hbm>>) target(%arg11 : memref<100x128xf32, #tpu.memory_space<vmem>>) offsets(%dma_start3A_245 : memref<100xi32, #tpu.memory_space<vmem>>) semaphore(%arg15 : memref<!tpu.dma_semaphore, #tpu.memory_space<semaphore_mem>>)
      } else {
      }
      %dma_start3A_206 = arith.constant 0 : i32
      %dma_start3A_207 = tpu.memref_slice %arg10[%add3A_182, %dma_start3A_206] : memref<50x100xi32, #tpu.memory_space<vmem>> -> memref<1x100xi32, #tpu.memory_space<vmem>>
      %dma_start3A_208 = tpu.memref_squeeze %dma_start3A_207 : memref<1x100xi32, #tpu.memory_space<vmem>> -> memref<100xi32, #tpu.memory_space<vmem>>
      %dma_start3A_209 = arith.constant 0 : i32
      %dma_start3A_210 = arith.constant 0 : i32
      %dma_start3A_211 = tpu.memref_slice %arg14[%dma_start3A_209, %dma_start3A_210] : memref<10000x128xf32, #tpu.memory_space<vmem_shared>> -> memref<10000x128xf32, #tpu.memory_space<vmem_shared>>
      tpu.enqueue_indirect_dma source(%arg12 : memref<100x128xf32, #tpu.memory_space<vmem>>) target(%dma_start3A_211 : memref<10000x128xf32, #tpu.memory_space<vmem_shared>>) offsets(%dma_start3A_208 : memref<100xi32, #tpu.memory_space<vmem>>) semaphore(%arg19 : memref<!tpu.dma_semaphore, #tpu.memory_space<semaphore_mem>>) {add = true}
      %add3A_212 = arith.constant 2 : i32
      %add3A_213 = arith.addi %add3A_150, %add3A_212 : i32
      %dma_wait3A_214 = arith.constant 0 : i32
      %dma_wait3A_215 = arith.constant 0 : i32
      %dma_wait3A_216 = tpu.memref_slice %arg2[%dma_wait3A_214, %dma_wait3A_215] : memref<10000x128xf32, #tpu.memory_space<hbm>> -> memref<100x128xf32, #tpu.memory_space<hbm>>
      %dma_wait3A_217 = arith.constant 0 : i32
      %dma_wait3A_218 = arith.constant 0 : i32
      %dma_wait3A_219 = tpu.memref_slice %arg2[%dma_wait3A_217, %dma_wait3A_218] : memref<10000x128xf32, #tpu.memory_space<hbm>> -> memref<100x128xf32, #tpu.memory_space<hbm>>
      tpu.wait_dma2 semaphore(%arg17 : memref<!tpu.dma_semaphore, #tpu.memory_space<semaphore_mem>>) src(%dma_wait3A_219 : memref<100x128xf32, #tpu.memory_space<hbm>>) dst(%arg13 : memref<100x128xf32, #tpu.memory_space<vmem>>)
      %ge3A_220 = arith.constant 1 : i32
      %ge3A_221 = arith.cmpi sge, %add3A_213, %ge3A_220 : i32
      %convert_element_type3A_222 = arith.extui %ge3A_221 : i1 to i32
      %cond3A_223 = arith.constant 0 : i32
      %cond3A_224 = arith.cmpi ne, %convert_element_type3A_222, %cond3A_223 : i32
      scf.if %cond3A_224 {
        %dma_wait3A_243 = arith.constant 0 : i32
        %dma_wait3A_244 = arith.constant 0 : i32
        %dma_wait3A_245 = tpu.memref_slice %arg2[%dma_wait3A_243, %dma_wait3A_244] : memref<10000x128xf32, #tpu.memory_space<hbm>> -> memref<100x128xf32, #tpu.memory_space<hbm>>
        %dma_wait3A_246 = arith.constant 0 : i32
        %dma_wait3A_247 = arith.constant 0 : i32
        %dma_wait3A_248 = tpu.memref_slice %arg2[%dma_wait3A_246, %dma_wait3A_247] : memref<10000x128xf32, #tpu.memory_space<hbm>> -> memref<100x128xf32, #tpu.memory_space<hbm>>
        tpu.wait_dma2 semaphore(%arg19 : memref<!tpu.dma_semaphore, #tpu.memory_space<semaphore_mem>>) src(%dma_wait3A_248 : memref<100x128xf32, #tpu.memory_space<hbm>>) dst(%arg12 : memref<100x128xf32, #tpu.memory_space<vmem>>)
      } else {
      }
      %add3A_225 = arith.constant 2 : i32
      %add3A_226 = arith.addi %add3A_213, %add3A_225 : i32
      %eq3A_227 = arith.constant 0 : i32
      %eq3A_228 = arith.cmpi eq, %arg0, %eq3A_227 : i32
      %convert_element_type3A_229 = arith.extui %eq3A_228 : i1 to i32
      %cond3A_230 = arith.constant 0 : i32
      %cond3A_231 = arith.cmpi ne, %convert_element_type3A_229, %cond3A_230 : i32
      scf.if %cond3A_231 {
        %dma_start3A_243 = arith.constant 0 : i32
        %dma_start3A_244 = tpu.memref_slice %arg9[%add3A_226, %dma_start3A_243] : memref<50x100xi32, #tpu.memory_space<vmem>> -> memref<1x100xi32, #tpu.memory_space<vmem>>
        %dma_start3A_245 = tpu.memref_squeeze %dma_start3A_244 : memref<1x100xi32, #tpu.memory_space<vmem>> -> memref<100xi32, #tpu.memory_space<vmem>>
        %dma_start3A_246 = arith.constant 0 : i32
        %dma_start3A_247 = arith.constant 0 : i32
        %dma_start3A_248 = tpu.memref_slice %arg2[%dma_start3A_246, %dma_start3A_247] : memref<10000x128xf32, #tpu.memory_space<hbm>> -> memref<10000x128xf32, #tpu.memory_space<hbm>>
        tpu.enqueue_indirect_dma source(%dma_start3A_248 : memref<10000x128xf32, #tpu.memory_space<hbm>>) target(%arg12 : memref<100x128xf32, #tpu.memory_space<vmem>>) offsets(%dma_start3A_245 : memref<100xi32, #tpu.memory_space<vmem>>) semaphore(%arg16 : memref<!tpu.dma_semaphore, #tpu.memory_space<semaphore_mem>>)
      } else {
      }
      %eq3A_232 = arith.constant 1 : i32
      %eq3A_233 = arith.cmpi eq, %arg0, %eq3A_232 : i32
      %convert_element_type3A_234 = arith.extui %eq3A_233 : i1 to i32
      %cond3A_235 = arith.constant 0 : i32
      %cond3A_236 = arith.cmpi ne, %convert_element_type3A_234, %cond3A_235 : i32
      scf.if %cond3A_236 {
        %dma_start3A_243 = arith.constant 0 : i32
        %dma_start3A_244 = tpu.memref_slice %arg9[%add3A_226, %dma_start3A_243] : memref<50x100xi32, #tpu.memory_space<vmem>> -> memref<1x100xi32, #tpu.memory_space<vmem>>
        %dma_start3A_245 = tpu.memref_squeeze %dma_start3A_244 : memref<1x100xi32, #tpu.memory_space<vmem>> -> memref<100xi32, #tpu.memory_space<vmem>>
        %dma_start3A_246 = arith.constant 0 : i32
        %dma_start3A_247 = arith.constant 0 : i32
        %dma_start3A_248 = tpu.memref_slice %arg3[%dma_start3A_246, %dma_start3A_247] : memref<10000x128xf32, #tpu.memory_space<hbm>> -> memref<10000x128xf32, #tpu.memory_space<hbm>>
        tpu.enqueue_indirect_dma source(%dma_start3A_248 : memref<10000x128xf32, #tpu.memory_space<hbm>>) target(%arg12 : memref<100x128xf32, #tpu.memory_space<vmem>>) offsets(%dma_start3A_245 : memref<100xi32, #tpu.memory_space<vmem>>) semaphore(%arg16 : memref<!tpu.dma_semaphore, #tpu.memory_space<semaphore_mem>>)
      } else {
      }
      %dma_start3A_237 = arith.constant 0 : i32
      %dma_start3A_238 = tpu.memref_slice %arg10[%add3A_213, %dma_start3A_237] : memref<50x100xi32, #tpu.memory_space<vmem>> -> memref<1x100xi32, #tpu.memory_space<vmem>>
      %dma_start3A_239 = tpu.memref_squeeze %dma_start3A_238 : memref<1x100xi32, #tpu.memory_space<vmem>> -> memref<100xi32, #tpu.memory_space<vmem>>
      %dma_start3A_240 = arith.constant 0 : i32
      %dma_start3A_241 = arith.constant 0 : i32
      %dma_start3A_242 = tpu.memref_slice %arg14[%dma_start3A_240, %dma_start3A_241] : memref<10000x128xf32, #tpu.memory_space<vmem_shared>> -> memref<10000x128xf32, #tpu.memory_space<vmem_shared>>
      tpu.enqueue_indirect_dma source(%arg13 : memref<100x128xf32, #tpu.memory_space<vmem>>) target(%dma_start3A_242 : memref<10000x128xf32, #tpu.memory_space<vmem_shared>>) offsets(%dma_start3A_239 : memref<100xi32, #tpu.memory_space<vmem>>) semaphore(%arg20 : memref<!tpu.dma_semaphore, #tpu.memory_space<semaphore_mem>>) {add = true}
    }
    %scan3A_22 = arith.constant 16 : i32
    %dma_wait3A = arith.constant 0 : i32
    %dma_wait3A_23 = arith.constant 0 : i32
    %dma_wait3A_24 = tpu.memref_slice %arg2[%dma_wait3A, %dma_wait3A_23] : memref<10000x128xf32, #tpu.memory_space<hbm>> -> memref<100x128xf32, #tpu.memory_space<hbm>>
    %dma_wait3A_25 = arith.constant 0 : i32
    %dma_wait3A_26 = arith.constant 0 : i32
    %dma_wait3A_27 = tpu.memref_slice %arg2[%dma_wait3A_25, %dma_wait3A_26] : memref<10000x128xf32, #tpu.memory_space<hbm>> -> memref<100x128xf32, #tpu.memory_space<hbm>>
    tpu.wait_dma2 semaphore(%arg15 : memref<!tpu.dma_semaphore, #tpu.memory_space<semaphore_mem>>) src(%dma_wait3A_27 : memref<100x128xf32, #tpu.memory_space<hbm>>) dst(%arg11 : memref<100x128xf32, #tpu.memory_space<vmem>>)
    %dma_wait3A_28 = arith.constant 0 : i32
    %dma_wait3A_29 = arith.constant 0 : i32
    %dma_wait3A_30 = tpu.memref_slice %arg2[%dma_wait3A_28, %dma_wait3A_29] : memref<10000x128xf32, #tpu.memory_space<hbm>> -> memref<100x128xf32, #tpu.memory_space<hbm>>
    %dma_wait3A_31 = arith.constant 0 : i32
    %dma_wait3A_32 = arith.constant 0 : i32
    %dma_wait3A_33 = tpu.memref_slice %arg2[%dma_wait3A_31, %dma_wait3A_32] : memref<10000x128xf32, #tpu.memory_space<hbm>> -> memref<100x128xf32, #tpu.memory_space<hbm>>
    tpu.wait_dma2 semaphore(%arg20 : memref<!tpu.dma_semaphore, #tpu.memory_space<semaphore_mem>>) src(%dma_wait3A_33 : memref<100x128xf32, #tpu.memory_space<hbm>>) dst(%arg13 : memref<100x128xf32, #tpu.memory_space<vmem>>)
    %dma_start3A = arith.constant 48 : i32
    %dma_start3A_34 = arith.constant 0 : i32
    %dma_start3A_35 = tpu.memref_slice %arg10[%dma_start3A, %dma_start3A_34] : memref<50x100xi32, #tpu.memory_space<vmem>> -> memref<1x100xi32, #tpu.memory_space<vmem>>
    %dma_start3A_36 = tpu.memref_squeeze %dma_start3A_35 : memref<1x100xi32, #tpu.memory_space<vmem>> -> memref<100xi32, #tpu.memory_space<vmem>>
    %dma_start3A_37 = arith.constant 0 : i32
    %dma_start3A_38 = arith.constant 0 : i32
    %dma_start3A_39 = tpu.memref_slice %arg14[%dma_start3A_37, %dma_start3A_38] : memref<10000x128xf32, #tpu.memory_space<vmem_shared>> -> memref<10000x128xf32, #tpu.memory_space<vmem_shared>>
    tpu.enqueue_indirect_dma source(%arg11 : memref<100x128xf32, #tpu.memory_space<vmem>>) target(%dma_start3A_39 : memref<10000x128xf32, #tpu.memory_space<vmem_shared>>) offsets(%dma_start3A_36 : memref<100xi32, #tpu.memory_space<vmem>>) semaphore(%arg18 : memref<!tpu.dma_semaphore, #tpu.memory_space<semaphore_mem>>) {add = true}
    %dma_wait3A_40 = arith.constant 0 : i32
    %dma_wait3A_41 = arith.constant 0 : i32
    %dma_wait3A_42 = tpu.memref_slice %arg2[%dma_wait3A_40, %dma_wait3A_41] : memref<10000x128xf32, #tpu.memory_space<hbm>> -> memref<100x128xf32, #tpu.memory_space<hbm>>
    %dma_wait3A_43 = arith.constant 0 : i32
    %dma_wait3A_44 = arith.constant 0 : i32
    %dma_wait3A_45 = tpu.memref_slice %arg2[%dma_wait3A_43, %dma_wait3A_44] : memref<10000x128xf32, #tpu.memory_space<hbm>> -> memref<100x128xf32, #tpu.memory_space<hbm>>
    tpu.wait_dma2 semaphore(%arg16 : memref<!tpu.dma_semaphore, #tpu.memory_space<semaphore_mem>>) src(%dma_wait3A_45 : memref<100x128xf32, #tpu.memory_space<hbm>>) dst(%arg12 : memref<100x128xf32, #tpu.memory_space<vmem>>)
    %dma_wait3A_46 = arith.constant 0 : i32
    %dma_wait3A_47 = arith.constant 0 : i32
    %dma_wait3A_48 = tpu.memref_slice %arg2[%dma_wait3A_46, %dma_wait3A_47] : memref<10000x128xf32, #tpu.memory_space<hbm>> -> memref<100x128xf32, #tpu.memory_space<hbm>>
    %dma_wait3A_49 = arith.constant 0 : i32
    %dma_wait3A_50 = arith.constant 0 : i32
    %dma_wait3A_51 = tpu.memref_slice %arg2[%dma_wait3A_49, %dma_wait3A_50] : memref<10000x128xf32, #tpu.memory_space<hbm>> -> memref<100x128xf32, #tpu.memory_space<hbm>>
    tpu.wait_dma2 semaphore(%arg18 : memref<!tpu.dma_semaphore, #tpu.memory_space<semaphore_mem>>) src(%dma_wait3A_51 : memref<100x128xf32, #tpu.memory_space<hbm>>) dst(%arg11 : memref<100x128xf32, #tpu.memory_space<vmem>>)
    %dma_start3A_52 = arith.constant 49 : i32
    %dma_start3A_53 = arith.constant 0 : i32
    %dma_start3A_54 = tpu.memref_slice %arg10[%dma_start3A_52, %dma_start3A_53] : memref<50x100xi32, #tpu.memory_space<vmem>> -> memref<1x100xi32, #tpu.memory_space<vmem>>
    %dma_start3A_55 = tpu.memref_squeeze %dma_start3A_54 : memref<1x100xi32, #tpu.memory_space<vmem>> -> memref<100xi32, #tpu.memory_space<vmem>>
    %dma_start3A_56 = arith.constant 0 : i32
    %dma_start3A_57 = arith.constant 0 : i32
    %dma_start3A_58 = tpu.memref_slice %arg14[%dma_start3A_56, %dma_start3A_57] : memref<10000x128xf32, #tpu.memory_space<vmem_shared>> -> memref<10000x128xf32, #tpu.memory_space<vmem_shared>>
    tpu.enqueue_indirect_dma source(%arg12 : memref<100x128xf32, #tpu.memory_space<vmem>>) target(%dma_start3A_58 : memref<10000x128xf32, #tpu.memory_space<vmem_shared>>) offsets(%dma_start3A_55 : memref<100xi32, #tpu.memory_space<vmem>>) semaphore(%arg19 : memref<!tpu.dma_semaphore, #tpu.memory_space<semaphore_mem>>) {add = true}
    %dma_wait3A_59 = arith.constant 0 : i32
    %dma_wait3A_60 = arith.constant 0 : i32
    %dma_wait3A_61 = tpu.memref_slice %arg2[%dma_wait3A_59, %dma_wait3A_60] : memref<10000x128xf32, #tpu.memory_space<hbm>> -> memref<100x128xf32, #tpu.memory_space<hbm>>
    %dma_wait3A_62 = arith.constant 0 : i32
    %dma_wait3A_63 = arith.constant 0 : i32
    %dma_wait3A_64 = tpu.memref_slice %arg2[%dma_wait3A_62, %dma_wait3A_63] : memref<10000x128xf32, #tpu.memory_space<hbm>> -> memref<100x128xf32, #tpu.memory_space<hbm>>
    tpu.wait_dma2 semaphore(%arg19 : memref<!tpu.dma_semaphore, #tpu.memory_space<semaphore_mem>>) src(%dma_wait3A_64 : memref<100x128xf32, #tpu.memory_space<hbm>>) dst(%arg12 : memref<100x128xf32, #tpu.memory_space<vmem>>)
    %run_scoped3A_65 = arith.constant 1 : i32
    "tpu.region"() ({
      %run_scoped3A_147 = tpu.sem_alloc : memref<!tpu.dma_semaphore, #tpu.memory_space<semaphore_mem>>
      %dma_start3A_148 = arith.constant 0 : i32
      %dma_start3A_149 = arith.constant 0 : i32
      %dma_start3A_150 = tpu.memref_slice %arg5[%arg1, %run_scoped3A_65, %dma_start3A_148, %dma_start3A_149] : memref<16x2x50x100xi32, #tpu.memory_space<hbm>> -> memref<1x1x50x100xi32, #tpu.memory_space<hbm>>
      %dma_start3A_151 = tpu.memref_squeeze %dma_start3A_150 : memref<1x1x50x100xi32, #tpu.memory_space<hbm>> -> memref<50x100xi32, #tpu.memory_space<hbm>>
      %dma_start3A_152 = arith.constant 0 : i32
      %dma_start3A_153 = arith.constant 0 : i32
      %dma_start3A_154 = tpu.memref_slice %arg5[%arg1, %run_scoped3A_65, %dma_start3A_152, %dma_start3A_153] : memref<16x2x50x100xi32, #tpu.memory_space<hbm>> -> memref<1x1x50x100xi32, #tpu.memory_space<hbm>>
      %dma_start3A_155 = tpu.memref_squeeze %dma_start3A_154 : memref<1x1x50x100xi32, #tpu.memory_space<hbm>> -> memref<50x100xi32, #tpu.memory_space<hbm>>
      tpu.enqueue_dma source(%dma_start3A_155 : memref<50x100xi32, #tpu.memory_space<hbm>>) target(%arg9 : memref<50x100xi32, #tpu.memory_space<vmem>>) target_semaphore(%run_scoped3A_147 : memref<!tpu.dma_semaphore, #tpu.memory_space<semaphore_mem>>)
      %dma_wait3A_156 = arith.constant 0 : i32
      %dma_wait3A_157 = arith.constant 0 : i32
      %dma_wait3A_158 = tpu.memref_slice %arg5[%arg1, %run_scoped3A_65, %dma_wait3A_156, %dma_wait3A_157] : memref<16x2x50x100xi32, #tpu.memory_space<hbm>> -> memref<1x1x50x100xi32, #tpu.memory_space<hbm>>
      %dma_wait3A_159 = tpu.memref_squeeze %dma_wait3A_158 : memref<1x1x50x100xi32, #tpu.memory_space<hbm>> -> memref<50x100xi32, #tpu.memory_space<hbm>>
      %dma_wait3A_160 = arith.constant 0 : i32
      %dma_wait3A_161 = arith.constant 0 : i32
      %dma_wait3A_162 = tpu.memref_slice %arg5[%arg1, %run_scoped3A_65, %dma_wait3A_160, %dma_wait3A_161] : memref<16x2x50x100xi32, #tpu.memory_space<hbm>> -> memref<1x1x50x100xi32, #tpu.memory_space<hbm>>
      %dma_wait3A_163 = tpu.memref_squeeze %dma_wait3A_162 : memref<1x1x50x100xi32, #tpu.memory_space<hbm>> -> memref<50x100xi32, #tpu.memory_space<hbm>>
      tpu.wait_dma2 semaphore(%run_scoped3A_147 : memref<!tpu.dma_semaphore, #tpu.memory_space<semaphore_mem>>) src(%dma_wait3A_163 : memref<50x100xi32, #tpu.memory_space<hbm>>) dst(%arg9 : memref<50x100xi32, #tpu.memory_space<vmem>>)
      tpu.yield
    }) : () -> ()
    %run_scoped3A_66 = arith.constant 1 : i32
    "tpu.region"() ({
      %run_scoped3A_147 = tpu.sem_alloc : memref<!tpu.dma_semaphore, #tpu.memory_space<semaphore_mem>>
      %dma_start3A_148 = arith.constant 0 : i32
      %dma_start3A_149 = arith.constant 0 : i32
      %dma_start3A_150 = tpu.memref_slice %arg6[%arg1, %run_scoped3A_66, %dma_start3A_148, %dma_start3A_149] : memref<16x2x50x100xi32, #tpu.memory_space<hbm>> -> memref<1x1x50x100xi32, #tpu.memory_space<hbm>>
      %dma_start3A_151 = tpu.memref_squeeze %dma_start3A_150 : memref<1x1x50x100xi32, #tpu.memory_space<hbm>> -> memref<50x100xi32, #tpu.memory_space<hbm>>
      %dma_start3A_152 = arith.constant 0 : i32
      %dma_start3A_153 = arith.constant 0 : i32
      %dma_start3A_154 = tpu.memref_slice %arg6[%arg1, %run_scoped3A_66, %dma_start3A_152, %dma_start3A_153] : memref<16x2x50x100xi32, #tpu.memory_space<hbm>> -> memref<1x1x50x100xi32, #tpu.memory_space<hbm>>
      %dma_start3A_155 = tpu.memref_squeeze %dma_start3A_154 : memref<1x1x50x100xi32, #tpu.memory_space<hbm>> -> memref<50x100xi32, #tpu.memory_space<hbm>>
      tpu.enqueue_dma source(%dma_start3A_155 : memref<50x100xi32, #tpu.memory_space<hbm>>) target(%arg10 : memref<50x100xi32, #tpu.memory_space<vmem>>) target_semaphore(%run_scoped3A_147 : memref<!tpu.dma_semaphore, #tpu.memory_space<semaphore_mem>>)
      %dma_wait3A_156 = arith.constant 0 : i32
      %dma_wait3A_157 = arith.constant 0 : i32
      %dma_wait3A_158 = tpu.memref_slice %arg6[%arg1, %run_scoped3A_66, %dma_wait3A_156, %dma_wait3A_157] : memref<16x2x50x100xi32, #tpu.memory_space<hbm>> -> memref<1x1x50x100xi32, #tpu.memory_space<hbm>>
      %dma_wait3A_159 = tpu.memref_squeeze %dma_wait3A_158 : memref<1x1x50x100xi32, #tpu.memory_space<hbm>> -> memref<50x100xi32, #tpu.memory_space<hbm>>
      %dma_wait3A_160 = arith.constant 0 : i32
      %dma_wait3A_161 = arith.constant 0 : i32
      %dma_wait3A_162 = tpu.memref_slice %arg6[%arg1, %run_scoped3A_66, %dma_wait3A_160, %dma_wait3A_161] : memref<16x2x50x100xi32, #tpu.memory_space<hbm>> -> memref<1x1x50x100xi32, #tpu.memory_space<hbm>>
      %dma_wait3A_163 = tpu.memref_squeeze %dma_wait3A_162 : memref<1x1x50x100xi32, #tpu.memory_space<hbm>> -> memref<50x100xi32, #tpu.memory_space<hbm>>
      tpu.wait_dma2 semaphore(%run_scoped3A_147 : memref<!tpu.dma_semaphore, #tpu.memory_space<semaphore_mem>>) src(%dma_wait3A_163 : memref<50x100xi32, #tpu.memory_space<hbm>>) dst(%arg10 : memref<50x100xi32, #tpu.memory_space<vmem>>)
      tpu.yield
    }) : () -> ()
    %eq3A_67 = arith.constant 0 : i32
    %eq3A_68 = arith.cmpi eq, %arg0, %eq3A_67 : i32
    %convert_element_type3A_69 = arith.extui %eq3A_68 : i1 to i32
    %cond3A_70 = arith.constant 0 : i32
    %cond3A_71 = arith.cmpi ne, %convert_element_type3A_69, %cond3A_70 : i32
    scf.if %cond3A_71 {
      %dma_start3A_147 = arith.constant 0 : i32
      %dma_start3A_148 = arith.constant 0 : i32
      %dma_start3A_149 = tpu.memref_slice %arg9[%dma_start3A_147, %dma_start3A_148] : memref<50x100xi32, #tpu.memory_space<vmem>> -> memref<1x100xi32, #tpu.memory_space<vmem>>
      %dma_start3A_150 = tpu.memref_squeeze %dma_start3A_149 : memref<1x100xi32, #tpu.memory_space<vmem>> -> memref<100xi32, #tpu.memory_space<vmem>>
      %dma_start3A_151 = arith.constant 0 : i32
      %dma_start3A_152 = arith.constant 0 : i32
      %dma_start3A_153 = tpu.memref_slice %arg2[%dma_start3A_151, %dma_start3A_152] : memref<10000x128xf32, #tpu.memory_space<hbm>> -> memref<10000x128xf32, #tpu.memory_space<hbm>>
      tpu.enqueue_indirect_dma source(%dma_start3A_153 : memref<10000x128xf32, #tpu.memory_space<hbm>>) target(%arg11 : memref<100x128xf32, #tpu.memory_space<vmem>>) offsets(%dma_start3A_150 : memref<100xi32, #tpu.memory_space<vmem>>) semaphore(%arg15 : memref<!tpu.dma_semaphore, #tpu.memory_space<semaphore_mem>>)
    } else {
    }
    %eq3A_72 = arith.constant 1 : i32
    %eq3A_73 = arith.cmpi eq, %arg0, %eq3A_72 : i32
    %convert_element_type3A_74 = arith.extui %eq3A_73 : i1 to i32
    %cond3A_75 = arith.constant 0 : i32
    %cond3A_76 = arith.cmpi ne, %convert_element_type3A_74, %cond3A_75 : i32
    scf.if %cond3A_76 {
      %dma_start3A_147 = arith.constant 0 : i32
      %dma_start3A_148 = arith.constant 0 : i32
      %dma_start3A_149 = tpu.memref_slice %arg9[%dma_start3A_147, %dma_start3A_148] : memref<50x100xi32, #tpu.memory_space<vmem>> -> memref<1x100xi32, #tpu.memory_space<vmem>>
      %dma_start3A_150 = tpu.memref_squeeze %dma_start3A_149 : memref<1x100xi32, #tpu.memory_space<vmem>> -> memref<100xi32, #tpu.memory_space<vmem>>
      %dma_start3A_151 = arith.constant 0 : i32
      %dma_start3A_152 = arith.constant 0 : i32
      %dma_start3A_153 = tpu.memref_slice %arg3[%dma_start3A_151, %dma_start3A_152] : memref<10000x128xf32, #tpu.memory_space<hbm>> -> memref<10000x128xf32, #tpu.memory_space<hbm>>
      tpu.enqueue_indirect_dma source(%dma_start3A_153 : memref<10000x128xf32, #tpu.memory_space<hbm>>) target(%arg11 : memref<100x128xf32, #tpu.memory_space<vmem>>) offsets(%dma_start3A_150 : memref<100xi32, #tpu.memory_space<vmem>>) semaphore(%arg15 : memref<!tpu.dma_semaphore, #tpu.memory_space<semaphore_mem>>)
    } else {
    }
    %eq3A_77 = arith.constant 0 : i32
    %eq3A_78 = arith.cmpi eq, %arg0, %eq3A_77 : i32
    %convert_element_type3A_79 = arith.extui %eq3A_78 : i1 to i32
    %cond3A_80 = arith.constant 0 : i32
    %cond3A_81 = arith.cmpi ne, %convert_element_type3A_79, %cond3A_80 : i32
    scf.if %cond3A_81 {
      %dma_start3A_147 = arith.constant 1 : i32
      %dma_start3A_148 = arith.constant 0 : i32
      %dma_start3A_149 = tpu.memref_slice %arg9[%dma_start3A_147, %dma_start3A_148] : memref<50x100xi32, #tpu.memory_space<vmem>> -> memref<1x100xi32, #tpu.memory_space<vmem>>
      %dma_start3A_150 = tpu.memref_squeeze %dma_start3A_149 : memref<1x100xi32, #tpu.memory_space<vmem>> -> memref<100xi32, #tpu.memory_space<vmem>>
      %dma_start3A_151 = arith.constant 0 : i32
      %dma_start3A_152 = arith.constant 0 : i32
      %dma_start3A_153 = tpu.memref_slice %arg2[%dma_start3A_151, %dma_start3A_152] : memref<10000x128xf32, #tpu.memory_space<hbm>> -> memref<10000x128xf32, #tpu.memory_space<hbm>>
      tpu.enqueue_indirect_dma source(%dma_start3A_153 : memref<10000x128xf32, #tpu.memory_space<hbm>>) target(%arg12 : memref<100x128xf32, #tpu.memory_space<vmem>>) offsets(%dma_start3A_150 : memref<100xi32, #tpu.memory_space<vmem>>) semaphore(%arg16 : memref<!tpu.dma_semaphore, #tpu.memory_space<semaphore_mem>>)
    } else {
    }
    %eq3A_82 = arith.constant 1 : i32
    %eq3A_83 = arith.cmpi eq, %arg0, %eq3A_82 : i32
    %convert_element_type3A_84 = arith.extui %eq3A_83 : i1 to i32
    %cond3A_85 = arith.constant 0 : i32
    %cond3A_86 = arith.cmpi ne, %convert_element_type3A_84, %cond3A_85 : i32
    scf.if %cond3A_86 {
      %dma_start3A_147 = arith.constant 1 : i32
      %dma_start3A_148 = arith.constant 0 : i32
      %dma_start3A_149 = tpu.memref_slice %arg9[%dma_start3A_147, %dma_start3A_148] : memref<50x100xi32, #tpu.memory_space<vmem>> -> memref<1x100xi32, #tpu.memory_space<vmem>>
      %dma_start3A_150 = tpu.memref_squeeze %dma_start3A_149 : memref<1x100xi32, #tpu.memory_space<vmem>> -> memref<100xi32, #tpu.memory_space<vmem>>
      %dma_start3A_151 = arith.constant 0 : i32
      %dma_start3A_152 = arith.constant 0 : i32
      %dma_start3A_153 = tpu.memref_slice %arg3[%dma_start3A_151, %dma_start3A_152] : memref<10000x128xf32, #tpu.memory_space<hbm>> -> memref<10000x128xf32, #tpu.memory_space<hbm>>
      tpu.enqueue_indirect_dma source(%dma_start3A_153 : memref<10000x128xf32, #tpu.memory_space<hbm>>) target(%arg12 : memref<100x128xf32, #tpu.memory_space<vmem>>) offsets(%dma_start3A_150 : memref<100xi32, #tpu.memory_space<vmem>>) semaphore(%arg16 : memref<!tpu.dma_semaphore, #tpu.memory_space<semaphore_mem>>)
    } else {
    }
    %scan3A_87 = arith.constant 0 : i32
    %scan3A_88 = arith.constant 16 : i32
    %scan3A_89 = arith.addi %scan3A_87, %scan3A_88 : i32
    %scan3A_90 = arith.constant 1 : i32
    scf.for %scan3A_147 = %scan3A_87 to %scan3A_89 step %scan3A_90  : i32 {
      %mul3A_148 = arith.constant 3 : i32
      %mul3A_149 = arith.muli %scan3A_147, %mul3A_148 : i32
      %add3A = arith.constant 0 : i32
      %add3A_150 = arith.addi %add3A, %mul3A_149 : i32
      %add3A_151 = arith.constant 0 : i32
      %add3A_152 = arith.addi %add3A_150, %add3A_151 : i32
      %dma_wait3A_153 = arith.constant 0 : i32
      %dma_wait3A_154 = arith.constant 0 : i32
      %dma_wait3A_155 = tpu.memref_slice %arg2[%dma_wait3A_153, %dma_wait3A_154] : memref<10000x128xf32, #tpu.memory_space<hbm>> -> memref<100x128xf32, #tpu.memory_space<hbm>>
      %dma_wait3A_156 = arith.constant 0 : i32
      %dma_wait3A_157 = arith.constant 0 : i32
      %dma_wait3A_158 = tpu.memref_slice %arg2[%dma_wait3A_156, %dma_wait3A_157] : memref<10000x128xf32, #tpu.memory_space<hbm>> -> memref<100x128xf32, #tpu.memory_space<hbm>>
      tpu.wait_dma2 semaphore(%arg15 : memref<!tpu.dma_semaphore, #tpu.memory_space<semaphore_mem>>) src(%dma_wait3A_158 : memref<100x128xf32, #tpu.memory_space<hbm>>) dst(%arg11 : memref<100x128xf32, #tpu.memory_space<vmem>>)
      %ge3A = arith.constant 1 : i32
      %ge3A_159 = arith.cmpi sge, %add3A_152, %ge3A : i32
      %convert_element_type3A_160 = arith.extui %ge3A_159 : i1 to i32
      %cond3A_161 = arith.constant 0 : i32
      %cond3A_162 = arith.cmpi ne, %convert_element_type3A_160, %cond3A_161 : i32
      scf.if %cond3A_162 {
        %dma_wait3A_243 = arith.constant 0 : i32
        %dma_wait3A_244 = arith.constant 0 : i32
        %dma_wait3A_245 = tpu.memref_slice %arg2[%dma_wait3A_243, %dma_wait3A_244] : memref<10000x128xf32, #tpu.memory_space<hbm>> -> memref<100x128xf32, #tpu.memory_space<hbm>>
        %dma_wait3A_246 = arith.constant 0 : i32
        %dma_wait3A_247 = arith.constant 0 : i32
        %dma_wait3A_248 = tpu.memref_slice %arg2[%dma_wait3A_246, %dma_wait3A_247] : memref<10000x128xf32, #tpu.memory_space<hbm>> -> memref<100x128xf32, #tpu.memory_space<hbm>>
        tpu.wait_dma2 semaphore(%arg20 : memref<!tpu.dma_semaphore, #tpu.memory_space<semaphore_mem>>) src(%dma_wait3A_248 : memref<100x128xf32, #tpu.memory_space<hbm>>) dst(%arg13 : memref<100x128xf32, #tpu.memory_space<vmem>>)
      } else {
      }
      %add3A_163 = arith.constant 2 : i32
      %add3A_164 = arith.addi %add3A_152, %add3A_163 : i32
      %eq3A_165 = arith.constant 0 : i32
      %eq3A_166 = arith.cmpi eq, %arg0, %eq3A_165 : i32
      %convert_element_type3A_167 = arith.extui %eq3A_166 : i1 to i32
      %cond3A_168 = arith.constant 0 : i32
      %cond3A_169 = arith.cmpi ne, %convert_element_type3A_167, %cond3A_168 : i32
      scf.if %cond3A_169 {
        %dma_start3A_243 = arith.constant 0 : i32
        %dma_start3A_244 = tpu.memref_slice %arg9[%add3A_164, %dma_start3A_243] : memref<50x100xi32, #tpu.memory_space<vmem>> -> memref<1x100xi32, #tpu.memory_space<vmem>>
        %dma_start3A_245 = tpu.memref_squeeze %dma_start3A_244 : memref<1x100xi32, #tpu.memory_space<vmem>> -> memref<100xi32, #tpu.memory_space<vmem>>
        %dma_start3A_246 = arith.constant 0 : i32
        %dma_start3A_247 = arith.constant 0 : i32
        %dma_start3A_248 = tpu.memref_slice %arg2[%dma_start3A_246, %dma_start3A_247] : memref<10000x128xf32, #tpu.memory_space<hbm>> -> memref<10000x128xf32, #tpu.memory_space<hbm>>
        tpu.enqueue_indirect_dma source(%dma_start3A_248 : memref<10000x128xf32, #tpu.memory_space<hbm>>) target(%arg13 : memref<100x128xf32, #tpu.memory_space<vmem>>) offsets(%dma_start3A_245 : memref<100xi32, #tpu.memory_space<vmem>>) semaphore(%arg17 : memref<!tpu.dma_semaphore, #tpu.memory_space<semaphore_mem>>)
      } else {
      }
      %eq3A_170 = arith.constant 1 : i32
      %eq3A_171 = arith.cmpi eq, %arg0, %eq3A_170 : i32
      %convert_element_type3A_172 = arith.extui %eq3A_171 : i1 to i32
      %cond3A_173 = arith.constant 0 : i32
      %cond3A_174 = arith.cmpi ne, %convert_element_type3A_172, %cond3A_173 : i32
      scf.if %cond3A_174 {
        %dma_start3A_243 = arith.constant 0 : i32
        %dma_start3A_244 = tpu.memref_slice %arg9[%add3A_164, %dma_start3A_243] : memref<50x100xi32, #tpu.memory_space<vmem>> -> memref<1x100xi32, #tpu.memory_space<vmem>>
        %dma_start3A_245 = tpu.memref_squeeze %dma_start3A_244 : memref<1x100xi32, #tpu.memory_space<vmem>> -> memref<100xi32, #tpu.memory_space<vmem>>
        %dma_start3A_246 = arith.constant 0 : i32
        %dma_start3A_247 = arith.constant 0 : i32
        %dma_start3A_248 = tpu.memref_slice %arg3[%dma_start3A_246, %dma_start3A_247] : memref<10000x128xf32, #tpu.memory_space<hbm>> -> memref<10000x128xf32, #tpu.memory_space<hbm>>
        tpu.enqueue_indirect_dma source(%dma_start3A_248 : memref<10000x128xf32, #tpu.memory_space<hbm>>) target(%arg13 : memref<100x128xf32, #tpu.memory_space<vmem>>) offsets(%dma_start3A_245 : memref<100xi32, #tpu.memory_space<vmem>>) semaphore(%arg17 : memref<!tpu.dma_semaphore, #tpu.memory_space<semaphore_mem>>)
      } else {
      }
      %dma_start3A_175 = arith.constant 0 : i32
      %dma_start3A_176 = tpu.memref_slice %arg10[%add3A_152, %dma_start3A_175] : memref<50x100xi32, #tpu.memory_space<vmem>> -> memref<1x100xi32, #tpu.memory_space<vmem>>
      %dma_start3A_177 = tpu.memref_squeeze %dma_start3A_176 : memref<1x100xi32, #tpu.memory_space<vmem>> -> memref<100xi32, #tpu.memory_space<vmem>>
      %dma_start3A_178 = arith.constant 0 : i32
      %dma_start3A_179 = arith.constant 0 : i32
      %dma_start3A_180 = tpu.memref_slice %arg14[%dma_start3A_178, %dma_start3A_179] : memref<10000x128xf32, #tpu.memory_space<vmem_shared>> -> memref<10000x128xf32, #tpu.memory_space<vmem_shared>>
      tpu.enqueue_indirect_dma source(%arg11 : memref<100x128xf32, #tpu.memory_space<vmem>>) target(%dma_start3A_180 : memref<10000x128xf32, #tpu.memory_space<vmem_shared>>) offsets(%dma_start3A_177 : memref<100xi32, #tpu.memory_space<vmem>>) semaphore(%arg18 : memref<!tpu.dma_semaphore, #tpu.memory_space<semaphore_mem>>) {add = true}
      %add3A_181 = arith.constant 1 : i32
      %add3A_182 = arith.addi %add3A_150, %add3A_181 : i32
      %dma_wait3A_183 = arith.constant 0 : i32
      %dma_wait3A_184 = arith.constant 0 : i32
      %dma_wait3A_185 = tpu.memref_slice %arg2[%dma_wait3A_183, %dma_wait3A_184] : memref<10000x128xf32, #tpu.memory_space<hbm>> -> memref<100x128xf32, #tpu.memory_space<hbm>>
      %dma_wait3A_186 = arith.constant 0 : i32
      %dma_wait3A_187 = arith.constant 0 : i32
      %dma_wait3A_188 = tpu.memref_slice %arg2[%dma_wait3A_186, %dma_wait3A_187] : memref<10000x128xf32, #tpu.memory_space<hbm>> -> memref<100x128xf32, #tpu.memory_space<hbm>>
      tpu.wait_dma2 semaphore(%arg16 : memref<!tpu.dma_semaphore, #tpu.memory_space<semaphore_mem>>) src(%dma_wait3A_188 : memref<100x128xf32, #tpu.memory_space<hbm>>) dst(%arg12 : memref<100x128xf32, #tpu.memory_space<vmem>>)
      %ge3A_189 = arith.constant 1 : i32
      %ge3A_190 = arith.cmpi sge, %add3A_182, %ge3A_189 : i32
      %convert_element_type3A_191 = arith.extui %ge3A_190 : i1 to i32
      %cond3A_192 = arith.constant 0 : i32
      %cond3A_193 = arith.cmpi ne, %convert_element_type3A_191, %cond3A_192 : i32
      scf.if %cond3A_193 {
        %dma_wait3A_243 = arith.constant 0 : i32
        %dma_wait3A_244 = arith.constant 0 : i32
        %dma_wait3A_245 = tpu.memref_slice %arg2[%dma_wait3A_243, %dma_wait3A_244] : memref<10000x128xf32, #tpu.memory_space<hbm>> -> memref<100x128xf32, #tpu.memory_space<hbm>>
        %dma_wait3A_246 = arith.constant 0 : i32
        %dma_wait3A_247 = arith.constant 0 : i32
        %dma_wait3A_248 = tpu.memref_slice %arg2[%dma_wait3A_246, %dma_wait3A_247] : memref<10000x128xf32, #tpu.memory_space<hbm>> -> memref<100x128xf32, #tpu.memory_space<hbm>>
        tpu.wait_dma2 semaphore(%arg18 : memref<!tpu.dma_semaphore, #tpu.memory_space<semaphore_mem>>) src(%dma_wait3A_248 : memref<100x128xf32, #tpu.memory_space<hbm>>) dst(%arg11 : memref<100x128xf32, #tpu.memory_space<vmem>>)
      } else {
      }
      %add3A_194 = arith.constant 2 : i32
      %add3A_195 = arith.addi %add3A_182, %add3A_194 : i32
      %eq3A_196 = arith.constant 0 : i32
      %eq3A_197 = arith.cmpi eq, %arg0, %eq3A_196 : i32
      %convert_element_type3A_198 = arith.extui %eq3A_197 : i1 to i32
      %cond3A_199 = arith.constant 0 : i32
      %cond3A_200 = arith.cmpi ne, %convert_element_type3A_198, %cond3A_199 : i32
      scf.if %cond3A_200 {
        %dma_start3A_243 = arith.constant 0 : i32
        %dma_start3A_244 = tpu.memref_slice %arg9[%add3A_195, %dma_start3A_243] : memref<50x100xi32, #tpu.memory_space<vmem>> -> memref<1x100xi32, #tpu.memory_space<vmem>>
        %dma_start3A_245 = tpu.memref_squeeze %dma_start3A_244 : memref<1x100xi32, #tpu.memory_space<vmem>> -> memref<100xi32, #tpu.memory_space<vmem>>
        %dma_start3A_246 = arith.constant 0 : i32
        %dma_start3A_247 = arith.constant 0 : i32
        %dma_start3A_248 = tpu.memref_slice %arg2[%dma_start3A_246, %dma_start3A_247] : memref<10000x128xf32, #tpu.memory_space<hbm>> -> memref<10000x128xf32, #tpu.memory_space<hbm>>
        tpu.enqueue_indirect_dma source(%dma_start3A_248 : memref<10000x128xf32, #tpu.memory_space<hbm>>) target(%arg11 : memref<100x128xf32, #tpu.memory_space<vmem>>) offsets(%dma_start3A_245 : memref<100xi32, #tpu.memory_space<vmem>>) semaphore(%arg15 : memref<!tpu.dma_semaphore, #tpu.memory_space<semaphore_mem>>)
      } else {
      }
      %eq3A_201 = arith.constant 1 : i32
      %eq3A_202 = arith.cmpi eq, %arg0, %eq3A_201 : i32
      %convert_element_type3A_203 = arith.extui %eq3A_202 : i1 to i32
      %cond3A_204 = arith.constant 0 : i32
      %cond3A_205 = arith.cmpi ne, %convert_element_type3A_203, %cond3A_204 : i32
      scf.if %cond3A_205 {
        %dma_start3A_243 = arith.constant 0 : i32
        %dma_start3A_244 = tpu.memref_slice %arg9[%add3A_195, %dma_start3A_243] : memref<50x100xi32, #tpu.memory_space<vmem>> -> memref<1x100xi32, #tpu.memory_space<vmem>>
        %dma_start3A_245 = tpu.memref_squeeze %dma_start3A_244 : memref<1x100xi32, #tpu.memory_space<vmem>> -> memref<100xi32, #tpu.memory_space<vmem>>
        %dma_start3A_246 = arith.constant 0 : i32
        %dma_start3A_247 = arith.constant 0 : i32
        %dma_start3A_248 = tpu.memref_slice %arg3[%dma_start3A_246, %dma_start3A_247] : memref<10000x128xf32, #tpu.memory_space<hbm>> -> memref<10000x128xf32, #tpu.memory_space<hbm>>
        tpu.enqueue_indirect_dma source(%dma_start3A_248 : memref<10000x128xf32, #tpu.memory_space<hbm>>) target(%arg11 : memref<100x128xf32, #tpu.memory_space<vmem>>) offsets(%dma_start3A_245 : memref<100xi32, #tpu.memory_space<vmem>>) semaphore(%arg15 : memref<!tpu.dma_semaphore, #tpu.memory_space<semaphore_mem>>)
      } else {
      }
      %dma_start3A_206 = arith.constant 0 : i32
      %dma_start3A_207 = tpu.memref_slice %arg10[%add3A_182, %dma_start3A_206] : memref<50x100xi32, #tpu.memory_space<vmem>> -> memref<1x100xi32, #tpu.memory_space<vmem>>
      %dma_start3A_208 = tpu.memref_squeeze %dma_start3A_207 : memref<1x100xi32, #tpu.memory_space<vmem>> -> memref<100xi32, #tpu.memory_space<vmem>>
      %dma_start3A_209 = arith.constant 0 : i32
      %dma_start3A_210 = arith.constant 0 : i32
      %dma_start3A_211 = tpu.memref_slice %arg14[%dma_start3A_209, %dma_start3A_210] : memref<10000x128xf32, #tpu.memory_space<vmem_shared>> -> memref<10000x128xf32, #tpu.memory_space<vmem_shared>>
      tpu.enqueue_indirect_dma source(%arg12 : memref<100x128xf32, #tpu.memory_space<vmem>>) target(%dma_start3A_211 : memref<10000x128xf32, #tpu.memory_space<vmem_shared>>) offsets(%dma_start3A_208 : memref<100xi32, #tpu.memory_space<vmem>>) semaphore(%arg19 : memref<!tpu.dma_semaphore, #tpu.memory_space<semaphore_mem>>) {add = true}
      %add3A_212 = arith.constant 2 : i32
      %add3A_213 = arith.addi %add3A_150, %add3A_212 : i32
      %dma_wait3A_214 = arith.constant 0 : i32
      %dma_wait3A_215 = arith.constant 0 : i32
      %dma_wait3A_216 = tpu.memref_slice %arg2[%dma_wait3A_214, %dma_wait3A_215] : memref<10000x128xf32, #tpu.memory_space<hbm>> -> memref<100x128xf32, #tpu.memory_space<hbm>>
      %dma_wait3A_217 = arith.constant 0 : i32
      %dma_wait3A_218 = arith.constant 0 : i32
      %dma_wait3A_219 = tpu.memref_slice %arg2[%dma_wait3A_217, %dma_wait3A_218] : memref<10000x128xf32, #tpu.memory_space<hbm>> -> memref<100x128xf32, #tpu.memory_space<hbm>>
      tpu.wait_dma2 semaphore(%arg17 : memref<!tpu.dma_semaphore, #tpu.memory_space<semaphore_mem>>) src(%dma_wait3A_219 : memref<100x128xf32, #tpu.memory_space<hbm>>) dst(%arg13 : memref<100x128xf32, #tpu.memory_space<vmem>>)
      %ge3A_220 = arith.constant 1 : i32
      %ge3A_221 = arith.cmpi sge, %add3A_213, %ge3A_220 : i32
      %convert_element_type3A_222 = arith.extui %ge3A_221 : i1 to i32
      %cond3A_223 = arith.constant 0 : i32
      %cond3A_224 = arith.cmpi ne, %convert_element_type3A_222, %cond3A_223 : i32
      scf.if %cond3A_224 {
        %dma_wait3A_243 = arith.constant 0 : i32
        %dma_wait3A_244 = arith.constant 0 : i32
        %dma_wait3A_245 = tpu.memref_slice %arg2[%dma_wait3A_243, %dma_wait3A_244] : memref<10000x128xf32, #tpu.memory_space<hbm>> -> memref<100x128xf32, #tpu.memory_space<hbm>>
        %dma_wait3A_246 = arith.constant 0 : i32
        %dma_wait3A_247 = arith.constant 0 : i32
        %dma_wait3A_248 = tpu.memref_slice %arg2[%dma_wait3A_246, %dma_wait3A_247] : memref<10000x128xf32, #tpu.memory_space<hbm>> -> memref<100x128xf32, #tpu.memory_space<hbm>>
        tpu.wait_dma2 semaphore(%arg19 : memref<!tpu.dma_semaphore, #tpu.memory_space<semaphore_mem>>) src(%dma_wait3A_248 : memref<100x128xf32, #tpu.memory_space<hbm>>) dst(%arg12 : memref<100x128xf32, #tpu.memory_space<vmem>>)
      } else {
      }
      %add3A_225 = arith.constant 2 : i32
      %add3A_226 = arith.addi %add3A_213, %add3A_225 : i32
      %eq3A_227 = arith.constant 0 : i32
      %eq3A_228 = arith.cmpi eq, %arg0, %eq3A_227 : i32
      %convert_element_type3A_229 = arith.extui %eq3A_228 : i1 to i32
      %cond3A_230 = arith.constant 0 : i32
      %cond3A_231 = arith.cmpi ne, %convert_element_type3A_229, %cond3A_230 : i32
      scf.if %cond3A_231 {
        %dma_start3A_243 = arith.constant 0 : i32
        %dma_start3A_244 = tpu.memref_slice %arg9[%add3A_226, %dma_start3A_243] : memref<50x100xi32, #tpu.memory_space<vmem>> -> memref<1x100xi32, #tpu.memory_space<vmem>>
        %dma_start3A_245 = tpu.memref_squeeze %dma_start3A_244 : memref<1x100xi32, #tpu.memory_space<vmem>> -> memref<100xi32, #tpu.memory_space<vmem>>
        %dma_start3A_246 = arith.constant 0 : i32
        %dma_start3A_247 = arith.constant 0 : i32
        %dma_start3A_248 = tpu.memref_slice %arg2[%dma_start3A_246, %dma_start3A_247] : memref<10000x128xf32, #tpu.memory_space<hbm>> -> memref<10000x128xf32, #tpu.memory_space<hbm>>
        tpu.enqueue_indirect_dma source(%dma_start3A_248 : memref<10000x128xf32, #tpu.memory_space<hbm>>) target(%arg12 : memref<100x128xf32, #tpu.memory_space<vmem>>) offsets(%dma_start3A_245 : memref<100xi32, #tpu.memory_space<vmem>>) semaphore(%arg16 : memref<!tpu.dma_semaphore, #tpu.memory_space<semaphore_mem>>)
      } else {
      }
      %eq3A_232 = arith.constant 1 : i32
      %eq3A_233 = arith.cmpi eq, %arg0, %eq3A_232 : i32
      %convert_element_type3A_234 = arith.extui %eq3A_233 : i1 to i32
      %cond3A_235 = arith.constant 0 : i32
      %cond3A_236 = arith.cmpi ne, %convert_element_type3A_234, %cond3A_235 : i32
      scf.if %cond3A_236 {
        %dma_start3A_243 = arith.constant 0 : i32
        %dma_start3A_244 = tpu.memref_slice %arg9[%add3A_226, %dma_start3A_243] : memref<50x100xi32, #tpu.memory_space<vmem>> -> memref<1x100xi32, #tpu.memory_space<vmem>>
        %dma_start3A_245 = tpu.memref_squeeze %dma_start3A_244 : memref<1x100xi32, #tpu.memory_space<vmem>> -> memref<100xi32, #tpu.memory_space<vmem>>
        %dma_start3A_246 = arith.constant 0 : i32
        %dma_start3A_247 = arith.constant 0 : i32
        %dma_start3A_248 = tpu.memref_slice %arg3[%dma_start3A_246, %dma_start3A_247] : memref<10000x128xf32, #tpu.memory_space<hbm>> -> memref<10000x128xf32, #tpu.memory_space<hbm>>
        tpu.enqueue_indirect_dma source(%dma_start3A_248 : memref<10000x128xf32, #tpu.memory_space<hbm>>) target(%arg12 : memref<100x128xf32, #tpu.memory_space<vmem>>) offsets(%dma_start3A_245 : memref<100xi32, #tpu.memory_space<vmem>>) semaphore(%arg16 : memref<!tpu.dma_semaphore, #tpu.memory_space<semaphore_mem>>)
      } else {
      }
      %dma_start3A_237 = arith.constant 0 : i32
      %dma_start3A_238 = tpu.memref_slice %arg10[%add3A_213, %dma_start3A_237] : memref<50x100xi32, #tpu.memory_space<vmem>> -> memref<1x100xi32, #tpu.memory_space<vmem>>
      %dma_start3A_239 = tpu.memref_squeeze %dma_start3A_238 : memref<1x100xi32, #tpu.memory_space<vmem>> -> memref<100xi32, #tpu.memory_space<vmem>>
      %dma_start3A_240 = arith.constant 0 : i32
      %dma_start3A_241 = arith.constant 0 : i32
      %dma_start3A_242 = tpu.memref_slice %arg14[%dma_start3A_240, %dma_start3A_241] : memref<10000x128xf32, #tpu.memory_space<vmem_shared>> -> memref<10000x128xf32, #tpu.memory_space<vmem_shared>>
      tpu.enqueue_indirect_dma source(%arg13 : memref<100x128xf32, #tpu.memory_space<vmem>>) target(%dma_start3A_242 : memref<10000x128xf32, #tpu.memory_space<vmem_shared>>) offsets(%dma_start3A_239 : memref<100xi32, #tpu.memory_space<vmem>>) semaphore(%arg20 : memref<!tpu.dma_semaphore, #tpu.memory_space<semaphore_mem>>) {add = true}
    }
    %scan3A_91 = arith.constant 16 : i32
    %dma_wait3A_92 = arith.constant 0 : i32
    %dma_wait3A_93 = arith.constant 0 : i32
    %dma_wait3A_94 = tpu.memref_slice %arg2[%dma_wait3A_92, %dma_wait3A_93] : memref<10000x128xf32, #tpu.memory_space<hbm>> -> memref<100x128xf32, #tpu.memory_space<hbm>>
    %dma_wait3A_95 = arith.constant 0 : i32
    %dma_wait3A_96 = arith.constant 0 : i32
    %dma_wait3A_97 = tpu.memref_slice %arg2[%dma_wait3A_95, %dma_wait3A_96] : memref<10000x128xf32, #tpu.memory_space<hbm>> -> memref<100x128xf32, #tpu.memory_space<hbm>>
    tpu.wait_dma2 semaphore(%arg15 : memref<!tpu.dma_semaphore, #tpu.memory_space<semaphore_mem>>) src(%dma_wait3A_97 : memref<100x128xf32, #tpu.memory_space<hbm>>) dst(%arg11 : memref<100x128xf32, #tpu.memory_space<vmem>>)
    %dma_wait3A_98 = arith.constant 0 : i32
    %dma_wait3A_99 = arith.constant 0 : i32
    %dma_wait3A_100 = tpu.memref_slice %arg2[%dma_wait3A_98, %dma_wait3A_99] : memref<10000x128xf32, #tpu.memory_space<hbm>> -> memref<100x128xf32, #tpu.memory_space<hbm>>
    %dma_wait3A_101 = arith.constant 0 : i32
    %dma_wait3A_102 = arith.constant 0 : i32
    %dma_wait3A_103 = tpu.memref_slice %arg2[%dma_wait3A_101, %dma_wait3A_102] : memref<10000x128xf32, #tpu.memory_space<hbm>> -> memref<100x128xf32, #tpu.memory_space<hbm>>
    tpu.wait_dma2 semaphore(%arg20 : memref<!tpu.dma_semaphore, #tpu.memory_space<semaphore_mem>>) src(%dma_wait3A_103 : memref<100x128xf32, #tpu.memory_space<hbm>>) dst(%arg13 : memref<100x128xf32, #tpu.memory_space<vmem>>)
    %dma_start3A_104 = arith.constant 48 : i32
    %dma_start3A_105 = arith.constant 0 : i32
    %dma_start3A_106 = tpu.memref_slice %arg10[%dma_start3A_104, %dma_start3A_105] : memref<50x100xi32, #tpu.memory_space<vmem>> -> memref<1x100xi32, #tpu.memory_space<vmem>>
    %dma_start3A_107 = tpu.memref_squeeze %dma_start3A_106 : memref<1x100xi32, #tpu.memory_space<vmem>> -> memref<100xi32, #tpu.memory_space<vmem>>
    %dma_start3A_108 = arith.constant 0 : i32
    %dma_start3A_109 = arith.constant 0 : i32
    %dma_start3A_110 = tpu.memref_slice %arg14[%dma_start3A_108, %dma_start3A_109] : memref<10000x128xf32, #tpu.memory_space<vmem_shared>> -> memref<10000x128xf32, #tpu.memory_space<vmem_shared>>
    tpu.enqueue_indirect_dma source(%arg11 : memref<100x128xf32, #tpu.memory_space<vmem>>) target(%dma_start3A_110 : memref<10000x128xf32, #tpu.memory_space<vmem_shared>>) offsets(%dma_start3A_107 : memref<100xi32, #tpu.memory_space<vmem>>) semaphore(%arg18 : memref<!tpu.dma_semaphore, #tpu.memory_space<semaphore_mem>>) {add = true}
    %dma_wait3A_111 = arith.constant 0 : i32
    %dma_wait3A_112 = arith.constant 0 : i32
    %dma_wait3A_113 = tpu.memref_slice %arg2[%dma_wait3A_111, %dma_wait3A_112] : memref<10000x128xf32, #tpu.memory_space<hbm>> -> memref<100x128xf32, #tpu.memory_space<hbm>>
    %dma_wait3A_114 = arith.constant 0 : i32
    %dma_wait3A_115 = arith.constant 0 : i32
    %dma_wait3A_116 = tpu.memref_slice %arg2[%dma_wait3A_114, %dma_wait3A_115] : memref<10000x128xf32, #tpu.memory_space<hbm>> -> memref<100x128xf32, #tpu.memory_space<hbm>>
    tpu.wait_dma2 semaphore(%arg16 : memref<!tpu.dma_semaphore, #tpu.memory_space<semaphore_mem>>) src(%dma_wait3A_116 : memref<100x128xf32, #tpu.memory_space<hbm>>) dst(%arg12 : memref<100x128xf32, #tpu.memory_space<vmem>>)
    %dma_wait3A_117 = arith.constant 0 : i32
    %dma_wait3A_118 = arith.constant 0 : i32
    %dma_wait3A_119 = tpu.memref_slice %arg2[%dma_wait3A_117, %dma_wait3A_118] : memref<10000x128xf32, #tpu.memory_space<hbm>> -> memref<100x128xf32, #tpu.memory_space<hbm>>
    %dma_wait3A_120 = arith.constant 0 : i32
    %dma_wait3A_121 = arith.constant 0 : i32
    %dma_wait3A_122 = tpu.memref_slice %arg2[%dma_wait3A_120, %dma_wait3A_121] : memref<10000x128xf32, #tpu.memory_space<hbm>> -> memref<100x128xf32, #tpu.memory_space<hbm>>
    tpu.wait_dma2 semaphore(%arg18 : memref<!tpu.dma_semaphore, #tpu.memory_space<semaphore_mem>>) src(%dma_wait3A_122 : memref<100x128xf32, #tpu.memory_space<hbm>>) dst(%arg11 : memref<100x128xf32, #tpu.memory_space<vmem>>)
    %dma_start3A_123 = arith.constant 49 : i32
    %dma_start3A_124 = arith.constant 0 : i32
    %dma_start3A_125 = tpu.memref_slice %arg10[%dma_start3A_123, %dma_start3A_124] : memref<50x100xi32, #tpu.memory_space<vmem>> -> memref<1x100xi32, #tpu.memory_space<vmem>>
    %dma_start3A_126 = tpu.memref_squeeze %dma_start3A_125 : memref<1x100xi32, #tpu.memory_space<vmem>> -> memref<100xi32, #tpu.memory_space<vmem>>
    %dma_start3A_127 = arith.constant 0 : i32
    %dma_start3A_128 = arith.constant 0 : i32
    %dma_start3A_129 = tpu.memref_slice %arg14[%dma_start3A_127, %dma_start3A_128] : memref<10000x128xf32, #tpu.memory_space<vmem_shared>> -> memref<10000x128xf32, #tpu.memory_space<vmem_shared>>
    tpu.enqueue_indirect_dma source(%arg12 : memref<100x128xf32, #tpu.memory_space<vmem>>) target(%dma_start3A_129 : memref<10000x128xf32, #tpu.memory_space<vmem_shared>>) offsets(%dma_start3A_126 : memref<100xi32, #tpu.memory_space<vmem>>) semaphore(%arg19 : memref<!tpu.dma_semaphore, #tpu.memory_space<semaphore_mem>>) {add = true}
    %dma_wait3A_130 = arith.constant 0 : i32
    %dma_wait3A_131 = arith.constant 0 : i32
    %dma_wait3A_132 = tpu.memref_slice %arg2[%dma_wait3A_130, %dma_wait3A_131] : memref<10000x128xf32, #tpu.memory_space<hbm>> -> memref<100x128xf32, #tpu.memory_space<hbm>>
    %dma_wait3A_133 = arith.constant 0 : i32
    %dma_wait3A_134 = arith.constant 0 : i32
    %dma_wait3A_135 = tpu.memref_slice %arg2[%dma_wait3A_133, %dma_wait3A_134] : memref<10000x128xf32, #tpu.memory_space<hbm>> -> memref<100x128xf32, #tpu.memory_space<hbm>>
    tpu.wait_dma2 semaphore(%arg19 : memref<!tpu.dma_semaphore, #tpu.memory_space<semaphore_mem>>) src(%dma_wait3A_135 : memref<100x128xf32, #tpu.memory_space<hbm>>) dst(%arg12 : memref<100x128xf32, #tpu.memory_space<vmem>>)
    %barrier3A_136 = arith.constant 0 : index
    tpu.barrier barrier_id(%barrier3A_136)
    %eq3A_137 = arith.constant 0 : i32
    %eq3A_138 = arith.cmpi eq, %arg0, %eq3A_137 : i32
    %convert_element_type3A_139 = arith.extui %eq3A_138 : i1 to i32
    %cond3A_140 = arith.constant 0 : i32
    %cond3A_141 = arith.cmpi ne, %convert_element_type3A_139, %cond3A_140 : i32
    scf.if %cond3A_141 {
      "tpu.region"() ({
        %run_scoped3A_147 = tpu.sem_alloc : memref<!tpu.dma_semaphore, #tpu.memory_space<semaphore_mem>>
        %dma_start3A_148 = arith.constant 0 : i32
        %dma_start3A_149 = tpu.memref_slice %arg7[%mul3A_0, %dma_start3A_148] : memref<10000x128xf32, #tpu.memory_space<hbm>> -> memref<625x128xf32, #tpu.memory_space<hbm>>
        %dma_start3A_150 = arith.constant 0 : i32
        %dma_start3A_151 = tpu.memref_slice %arg14[%mul3A_0, %dma_start3A_150] : memref<10000x128xf32, #tpu.memory_space<vmem_shared>> -> memref<625x128xf32, #tpu.memory_space<vmem_shared>>
        tpu.enqueue_dma source(%dma_start3A_151 : memref<625x128xf32, #tpu.memory_space<vmem_shared>>) target(%dma_start3A_149 : memref<625x128xf32, #tpu.memory_space<hbm>>) target_semaphore(%run_scoped3A_147 : memref<!tpu.dma_semaphore, #tpu.memory_space<semaphore_mem>>)
        %dma_wait3A_152 = arith.constant 0 : i32
        %dma_wait3A_153 = tpu.memref_slice %arg7[%mul3A_0, %dma_wait3A_152] : memref<10000x128xf32, #tpu.memory_space<hbm>> -> memref<625x128xf32, #tpu.memory_space<hbm>>
        %dma_wait3A_154 = arith.constant 0 : i32
        %dma_wait3A_155 = tpu.memref_slice %arg14[%mul3A_0, %dma_wait3A_154] : memref<10000x128xf32, #tpu.memory_space<vmem_shared>> -> memref<625x128xf32, #tpu.memory_space<vmem_shared>>
        tpu.wait_dma2 semaphore(%run_scoped3A_147 : memref<!tpu.dma_semaphore, #tpu.memory_space<semaphore_mem>>) src(%dma_wait3A_155 : memref<625x128xf32, #tpu.memory_space<vmem_shared>>) dst(%dma_wait3A_153 : memref<625x128xf32, #tpu.memory_space<hbm>>)
        tpu.yield
      }) : () -> ()
    } else {
    }
    %eq3A_142 = arith.constant 1 : i32
    %eq3A_143 = arith.cmpi eq, %arg0, %eq3A_142 : i32
    %convert_element_type3A_144 = arith.extui %eq3A_143 : i1 to i32
    %cond3A_145 = arith.constant 0 : i32
    %cond3A_146 = arith.cmpi ne, %convert_element_type3A_144, %cond3A_145 : i32
    scf.if %cond3A_146 {
      "tpu.region"() ({
        %run_scoped3A_147 = tpu.sem_alloc : memref<!tpu.dma_semaphore, #tpu.memory_space<semaphore_mem>>
        %dma_start3A_148 = arith.constant 0 : i32
        %dma_start3A_149 = tpu.memref_slice %arg8[%mul3A_0, %dma_start3A_148] : memref<10000x128xf32, #tpu.memory_space<hbm>> -> memref<625x128xf32, #tpu.memory_space<hbm>>
        %dma_start3A_150 = arith.constant 0 : i32
        %dma_start3A_151 = tpu.memref_slice %arg14[%mul3A_0, %dma_start3A_150] : memref<10000x128xf32, #tpu.memory_space<vmem_shared>> -> memref<625x128xf32, #tpu.memory_space<vmem_shared>>
        tpu.enqueue_dma source(%dma_start3A_151 : memref<625x128xf32, #tpu.memory_space<vmem_shared>>) target(%dma_start3A_149 : memref<625x128xf32, #tpu.memory_space<hbm>>) target_semaphore(%run_scoped3A_147 : memref<!tpu.dma_semaphore, #tpu.memory_space<semaphore_mem>>)
        %dma_wait3A_152 = arith.constant 0 : i32
        %dma_wait3A_153 = tpu.memref_slice %arg8[%mul3A_0, %dma_wait3A_152] : memref<10000x128xf32, #tpu.memory_space<hbm>> -> memref<625x128xf32, #tpu.memory_space<hbm>>
        %dma_wait3A_154 = arith.constant 0 : i32
        %dma_wait3A_155 = tpu.memref_slice %arg14[%mul3A_0, %dma_wait3A_154] : memref<10000x128xf32, #tpu.memory_space<vmem_shared>> -> memref<625x128xf32, #tpu.memory_space<vmem_shared>>
        tpu.wait_dma2 semaphore(%run_scoped3A_147 : memref<!tpu.dma_semaphore, #tpu.memory_space<semaphore_mem>>) src(%dma_wait3A_155 : memref<625x128xf32, #tpu.memory_space<vmem_shared>>) dst(%dma_wait3A_153 : memref<625x128xf32, #tpu.memory_space<hbm>>)
        tpu.yield
      }) : () -> ()
    } else {
    }
    return
  }
}

#map = affine_map<(d0, d1) -> (0, 0)>
#map1 = affine_map<(d0, d1) -> (0, 0, 0, 0)>
module attributes {stable_mosaic.version = 14 : i64} {
  func.func @_segsum(%arg0: i32, %arg1: i32, %arg2: memref<10000x128xf32, #tpu.memory_space<hbm>>, %arg3: memref<10000x128xf32, #tpu.memory_space<hbm>>, %arg4: memref<10000x128xf32, #tpu.memory_space<hbm>>, %arg5: memref<16x2x50x100xi32, #tpu.memory_space<hbm>>, %arg6: memref<16x2x50x100xi32, #tpu.memory_space<hbm>>, %arg7: memref<10000x128xf32, #tpu.memory_space<hbm>>, %arg8: memref<10000x128xf32, #tpu.memory_space<hbm>>, %arg9: memref<50x100xi32, #tpu.memory_space<vmem>>, %arg10: memref<50x100xi32, #tpu.memory_space<vmem>>, %arg11: memref<100x128xf32, #tpu.memory_space<vmem>>, %arg12: memref<100x128xf32, #tpu.memory_space<vmem>>, %arg13: memref<100x128xf32, #tpu.memory_space<vmem>>, %arg14: memref<10000x128xf32, #tpu.memory_space<vmem_shared>>, %arg15: memref<!tpu.dma_semaphore, #tpu.memory_space<semaphore_mem>>, %arg16: memref<!tpu.dma_semaphore, #tpu.memory_space<semaphore_mem>>, %arg17: memref<!tpu.dma_semaphore, #tpu.memory_space<semaphore_mem>>, %arg18: memref<!tpu.dma_semaphore, #tpu.memory_space<semaphore_mem>>, %arg19: memref<!tpu.dma_semaphore, #tpu.memory_space<semaphore_mem>>, %arg20: memref<!tpu.dma_semaphore, #tpu.memory_space<semaphore_mem>>) attributes {dimension_semantics = [#tpu.dimension_semantics<core_parallel>, #tpu.dimension_semantics<subcore_parallel>], iteration_bounds = array<i64: 2, 16>, scalar_prefetch = 0 : i64, scratch_operands = 12 : i64, tpu.core_type = #tpu.core_type<sc_vector_subcore>, window_params = [{transform_indices = #map}, {transform_indices = #map}, {transform_indices = #map}, {transform_indices = #map1}, {transform_indices = #map1}, {transform_indices = #map}, {transform_indices = #map}]} {
    %mul3A = arith.constant 625 : i32
    %mul3A_0 = arith.muli %arg1, %mul3A : i32
    %run_scoped3A = arith.constant 0 : i32
    "tpu.region"() ({
      %run_scoped3A_147 = tpu.sem_alloc : memref<!tpu.dma_semaphore, #tpu.memory_space<semaphore_mem>>
      %dma_start3A_148 = arith.constant 0 : i32
      %dma_start3A_149 = arith.constant 0 : i32
      %dma_start3A_150 = tpu.memref_slice %arg5[%arg1, %run_scoped3A, %dma_start3A_148, %dma_start3A_149] : memref<16x2x50x100xi32, #tpu.memory_space<hbm>> -> memref<1x1x50x100xi32, #tpu.memory_space<hbm>>
      %dma_start3A_151 = tpu.memref_squeeze %dma_start3A_150 : memref<1x1x50x100xi32, #tpu.memory_space<hbm>> -> memref<50x100xi32, #tpu.memory_space<hbm>>
      %dma_start3A_152 = arith.constant 0 : i32
      %dma_start3A_153 = arith.constant 0 : i32
      %dma_start3A_154 = tpu.memref_slice %arg5[%arg1, %run_scoped3A, %dma_start3A_152, %dma_start3A_153] : memref<16x2x50x100xi32, #tpu.memory_space<hbm>> -> memref<1x1x50x100xi32, #tpu.memory_space<hbm>>
      %dma_start3A_155 = tpu.memref_squeeze %dma_start3A_154 : memref<1x1x50x100xi32, #tpu.memory_space<hbm>> -> memref<50x100xi32, #tpu.memory_space<hbm>>
      tpu.enqueue_dma source(%dma_start3A_155 : memref<50x100xi32, #tpu.memory_space<hbm>>) target(%arg9 : memref<50x100xi32, #tpu.memory_space<vmem>>) target_semaphore(%run_scoped3A_147 : memref<!tpu.dma_semaphore, #tpu.memory_space<semaphore_mem>>)
      %dma_wait3A_156 = arith.constant 0 : i32
      %dma_wait3A_157 = arith.constant 0 : i32
      %dma_wait3A_158 = tpu.memref_slice %arg5[%arg1, %run_scoped3A, %dma_wait3A_156, %dma_wait3A_157] : memref<16x2x50x100xi32, #tpu.memory_space<hbm>> -> memref<1x1x50x100xi32, #tpu.memory_space<hbm>>
      %dma_wait3A_159 = tpu.memref_squeeze %dma_wait3A_158 : memref<1x1x50x100xi32, #tpu.memory_space<hbm>> -> memref<50x100xi32, #tpu.memory_space<hbm>>
      %dma_wait3A_160 = arith.constant 0 : i32
      %dma_wait3A_161 = arith.constant 0 : i32
      %dma_wait3A_162 = tpu.memref_slice %arg5[%arg1, %run_scoped3A, %dma_wait3A_160, %dma_wait3A_161] : memref<16x2x50x100xi32, #tpu.memory_space<hbm>> -> memref<1x1x50x100xi32, #tpu.memory_space<hbm>>
      %dma_wait3A_163 = tpu.memref_squeeze %dma_wait3A_162 : memref<1x1x50x100xi32, #tpu.memory_space<hbm>> -> memref<50x100xi32, #tpu.memory_space<hbm>>
      tpu.wait_dma2 semaphore(%run_scoped3A_147 : memref<!tpu.dma_semaphore, #tpu.memory_space<semaphore_mem>>) src(%dma_wait3A_163 : memref<50x100xi32, #tpu.memory_space<hbm>>) dst(%arg9 : memref<50x100xi32, #tpu.memory_space<vmem>>)
      tpu.yield
    }) : () -> ()
    %run_scoped3A_1 = arith.constant 0 : i32
    "tpu.region"() ({
      %run_scoped3A_147 = tpu.sem_alloc : memref<!tpu.dma_semaphore, #tpu.memory_space<semaphore_mem>>
      %dma_start3A_148 = arith.constant 0 : i32
      %dma_start3A_149 = arith.constant 0 : i32
      %dma_start3A_150 = tpu.memref_slice %arg6[%arg1, %run_scoped3A_1, %dma_start3A_148, %dma_start3A_149] : memref<16x2x50x100xi32, #tpu.memory_space<hbm>> -> memref<1x1x50x100xi32, #tpu.memory_space<hbm>>
      %dma_start3A_151 = tpu.memref_squeeze %dma_start3A_150 : memref<1x1x50x100xi32, #tpu.memory_space<hbm>> -> memref<50x100xi32, #tpu.memory_space<hbm>>
      %dma_start3A_152 = arith.constant 0 : i32
      %dma_start3A_153 = arith.constant 0 : i32
      %dma_start3A_154 = tpu.memref_slice %arg6[%arg1, %run_scoped3A_1, %dma_start3A_152, %dma_start3A_153] : memref<16x2x50x100xi32, #tpu.memory_space<hbm>> -> memref<1x1x50x100xi32, #tpu.memory_space<hbm>>
      %dma_start3A_155 = tpu.memref_squeeze %dma_start3A_154 : memref<1x1x50x100xi32, #tpu.memory_space<hbm>> -> memref<50x100xi32, #tpu.memory_space<hbm>>
      tpu.enqueue_dma source(%dma_start3A_155 : memref<50x100xi32, #tpu.memory_space<hbm>>) target(%arg10 : memref<50x100xi32, #tpu.memory_space<vmem>>) target_semaphore(%run_scoped3A_147 : memref<!tpu.dma_semaphore, #tpu.memory_space<semaphore_mem>>)
      %dma_wait3A_156 = arith.constant 0 : i32
      %dma_wait3A_157 = arith.constant 0 : i32
      %dma_wait3A_158 = tpu.memref_slice %arg6[%arg1, %run_scoped3A_1, %dma_wait3A_156, %dma_wait3A_157] : memref<16x2x50x100xi32, #tpu.memory_space<hbm>> -> memref<1x1x50x100xi32, #tpu.memory_space<hbm>>
      %dma_wait3A_159 = tpu.memref_squeeze %dma_wait3A_158 : memref<1x1x50x100xi32, #tpu.memory_space<hbm>> -> memref<50x100xi32, #tpu.memory_space<hbm>>
      %dma_wait3A_160 = arith.constant 0 : i32
      %dma_wait3A_161 = arith.constant 0 : i32
      %dma_wait3A_162 = tpu.memref_slice %arg6[%arg1, %run_scoped3A_1, %dma_wait3A_160, %dma_wait3A_161] : memref<16x2x50x100xi32, #tpu.memory_space<hbm>> -> memref<1x1x50x100xi32, #tpu.memory_space<hbm>>
      %dma_wait3A_163 = tpu.memref_squeeze %dma_wait3A_162 : memref<1x1x50x100xi32, #tpu.memory_space<hbm>> -> memref<50x100xi32, #tpu.memory_space<hbm>>
      tpu.wait_dma2 semaphore(%run_scoped3A_147 : memref<!tpu.dma_semaphore, #tpu.memory_space<semaphore_mem>>) src(%dma_wait3A_163 : memref<50x100xi32, #tpu.memory_space<hbm>>) dst(%arg10 : memref<50x100xi32, #tpu.memory_space<vmem>>)
      tpu.yield
    }) : () -> ()
    %eq3A = arith.constant 0 : i32
    %eq3A_2 = arith.cmpi eq, %arg0, %eq3A : i32
    %convert_element_type3A = arith.extui %eq3A_2 : i1 to i32
    %cond3A = arith.constant 0 : i32
    %cond3A_3 = arith.cmpi ne, %convert_element_type3A, %cond3A : i32
    scf.if %cond3A_3 {
      %dma_start3A_147 = arith.constant 0 : i32
      %dma_start3A_148 = arith.constant 0 : i32
      %dma_start3A_149 = tpu.memref_slice %arg9[%dma_start3A_147, %dma_start3A_148] : memref<50x100xi32, #tpu.memory_space<vmem>> -> memref<1x100xi32, #tpu.memory_space<vmem>>
      %dma_start3A_150 = tpu.memref_squeeze %dma_start3A_149 : memref<1x100xi32, #tpu.memory_space<vmem>> -> memref<100xi32, #tpu.memory_space<vmem>>
      %dma_start3A_151 = arith.constant 0 : i32
      %dma_start3A_152 = arith.constant 0 : i32
      %dma_start3A_153 = tpu.memref_slice %arg2[%dma_start3A_151, %dma_start3A_152] : memref<10000x128xf32, #tpu.memory_space<hbm>> -> memref<10000x128xf32, #tpu.memory_space<hbm>>
      tpu.enqueue_indirect_dma source(%dma_start3A_153 : memref<10000x128xf32, #tpu.memory_space<hbm>>) target(%arg11 : memref<100x128xf32, #tpu.memory_space<vmem>>) offsets(%dma_start3A_150 : memref<100xi32, #tpu.memory_space<vmem>>) semaphore(%arg15 : memref<!tpu.dma_semaphore, #tpu.memory_space<semaphore_mem>>)
    } else {
    }
    %eq3A_4 = arith.constant 1 : i32
    %eq3A_5 = arith.cmpi eq, %arg0, %eq3A_4 : i32
    %convert_element_type3A_6 = arith.extui %eq3A_5 : i1 to i32
    %cond3A_7 = arith.constant 0 : i32
    %cond3A_8 = arith.cmpi ne, %convert_element_type3A_6, %cond3A_7 : i32
    scf.if %cond3A_8 {
      %dma_start3A_147 = arith.constant 0 : i32
      %dma_start3A_148 = arith.constant 0 : i32
      %dma_start3A_149 = tpu.memref_slice %arg9[%dma_start3A_147, %dma_start3A_148] : memref<50x100xi32, #tpu.memory_space<vmem>> -> memref<1x100xi32, #tpu.memory_space<vmem>>
      %dma_start3A_150 = tpu.memref_squeeze %dma_start3A_149 : memref<1x100xi32, #tpu.memory_space<vmem>> -> memref<100xi32, #tpu.memory_space<vmem>>
      %dma_start3A_151 = arith.constant 0 : i32
      %dma_start3A_152 = arith.constant 0 : i32
      %dma_start3A_153 = tpu.memref_slice %arg3[%dma_start3A_151, %dma_start3A_152] : memref<10000x128xf32, #tpu.memory_space<hbm>> -> memref<10000x128xf32, #tpu.memory_space<hbm>>
      tpu.enqueue_indirect_dma source(%dma_start3A_153 : memref<10000x128xf32, #tpu.memory_space<hbm>>) target(%arg11 : memref<100x128xf32, #tpu.memory_space<vmem>>) offsets(%dma_start3A_150 : memref<100xi32, #tpu.memory_space<vmem>>) semaphore(%arg15 : memref<!tpu.dma_semaphore, #tpu.memory_space<semaphore_mem>>)
    } else {
    }
    %eq3A_9 = arith.constant 0 : i32
    %eq3A_10 = arith.cmpi eq, %arg0, %eq3A_9 : i32
    %convert_element_type3A_11 = arith.extui %eq3A_10 : i1 to i32
    %cond3A_12 = arith.constant 0 : i32
    %cond3A_13 = arith.cmpi ne, %convert_element_type3A_11, %cond3A_12 : i32
    scf.if %cond3A_13 {
      %dma_start3A_147 = arith.constant 1 : i32
      %dma_start3A_148 = arith.constant 0 : i32
      %dma_start3A_149 = tpu.memref_slice %arg9[%dma_start3A_147, %dma_start3A_148] : memref<50x100xi32, #tpu.memory_space<vmem>> -> memref<1x100xi32, #tpu.memory_space<vmem>>
      %dma_start3A_150 = tpu.memref_squeeze %dma_start3A_149 : memref<1x100xi32, #tpu.memory_space<vmem>> -> memref<100xi32, #tpu.memory_space<vmem>>
      %dma_start3A_151 = arith.constant 0 : i32
      %dma_start3A_152 = arith.constant 0 : i32
      %dma_start3A_153 = tpu.memref_slice %arg2[%dma_start3A_151, %dma_start3A_152] : memref<10000x128xf32, #tpu.memory_space<hbm>> -> memref<10000x128xf32, #tpu.memory_space<hbm>>
      tpu.enqueue_indirect_dma source(%dma_start3A_153 : memref<10000x128xf32, #tpu.memory_space<hbm>>) target(%arg12 : memref<100x128xf32, #tpu.memory_space<vmem>>) offsets(%dma_start3A_150 : memref<100xi32, #tpu.memory_space<vmem>>) semaphore(%arg16 : memref<!tpu.dma_semaphore, #tpu.memory_space<semaphore_mem>>)
    } else {
    }
    %eq3A_14 = arith.constant 1 : i32
    %eq3A_15 = arith.cmpi eq, %arg0, %eq3A_14 : i32
    %convert_element_type3A_16 = arith.extui %eq3A_15 : i1 to i32
    %cond3A_17 = arith.constant 0 : i32
    %cond3A_18 = arith.cmpi ne, %convert_element_type3A_16, %cond3A_17 : i32
    scf.if %cond3A_18 {
      %dma_start3A_147 = arith.constant 1 : i32
      %dma_start3A_148 = arith.constant 0 : i32
      %dma_start3A_149 = tpu.memref_slice %arg9[%dma_start3A_147, %dma_start3A_148] : memref<50x100xi32, #tpu.memory_space<vmem>> -> memref<1x100xi32, #tpu.memory_space<vmem>>
      %dma_start3A_150 = tpu.memref_squeeze %dma_start3A_149 : memref<1x100xi32, #tpu.memory_space<vmem>> -> memref<100xi32, #tpu.memory_space<vmem>>
      %dma_start3A_151 = arith.constant 0 : i32
      %dma_start3A_152 = arith.constant 0 : i32
      %dma_start3A_153 = tpu.memref_slice %arg3[%dma_start3A_151, %dma_start3A_152] : memref<10000x128xf32, #tpu.memory_space<hbm>> -> memref<10000x128xf32, #tpu.memory_space<hbm>>
      tpu.enqueue_indirect_dma source(%dma_start3A_153 : memref<10000x128xf32, #tpu.memory_space<hbm>>) target(%arg12 : memref<100x128xf32, #tpu.memory_space<vmem>>) offsets(%dma_start3A_150 : memref<100xi32, #tpu.memory_space<vmem>>) semaphore(%arg16 : memref<!tpu.dma_semaphore, #tpu.memory_space<semaphore_mem>>)
    } else {
    }
    "tpu.region"() ({
      %run_scoped3A_147 = tpu.sem_alloc : memref<!tpu.dma_semaphore, #tpu.memory_space<semaphore_mem>>
      %dma_start3A_148 = arith.constant 0 : i32
      %dma_start3A_149 = tpu.memref_slice %arg14[%mul3A_0, %dma_start3A_148] : memref<10000x128xf32, #tpu.memory_space<vmem_shared>> -> memref<625x128xf32, #tpu.memory_space<vmem_shared>>
      %dma_start3A_150 = arith.constant 0 : i32
      %dma_start3A_151 = tpu.memref_slice %arg4[%mul3A_0, %dma_start3A_150] : memref<10000x128xf32, #tpu.memory_space<hbm>> -> memref<625x128xf32, #tpu.memory_space<hbm>>
      tpu.enqueue_dma source(%dma_start3A_151 : memref<625x128xf32, #tpu.memory_space<hbm>>) target(%dma_start3A_149 : memref<625x128xf32, #tpu.memory_space<vmem_shared>>) target_semaphore(%run_scoped3A_147 : memref<!tpu.dma_semaphore, #tpu.memory_space<semaphore_mem>>)
      %dma_wait3A_152 = arith.constant 0 : i32
      %dma_wait3A_153 = tpu.memref_slice %arg14[%mul3A_0, %dma_wait3A_152] : memref<10000x128xf32, #tpu.memory_space<vmem_shared>> -> memref<625x128xf32, #tpu.memory_space<vmem_shared>>
      %dma_wait3A_154 = arith.constant 0 : i32
      %dma_wait3A_155 = tpu.memref_slice %arg4[%mul3A_0, %dma_wait3A_154] : memref<10000x128xf32, #tpu.memory_space<hbm>> -> memref<625x128xf32, #tpu.memory_space<hbm>>
      tpu.wait_dma2 semaphore(%run_scoped3A_147 : memref<!tpu.dma_semaphore, #tpu.memory_space<semaphore_mem>>) src(%dma_wait3A_155 : memref<625x128xf32, #tpu.memory_space<hbm>>) dst(%dma_wait3A_153 : memref<625x128xf32, #tpu.memory_space<vmem_shared>>)
      tpu.yield
    }) : () -> ()
    %barrier3A = arith.constant 0 : index
    tpu.barrier barrier_id(%barrier3A)
    %scan3A = arith.constant 0 : i32
    %scan3A_19 = arith.constant 16 : i32
    %scan3A_20 = arith.addi %scan3A, %scan3A_19 : i32
    %scan3A_21 = arith.constant 1 : i32
    scf.for %scan3A_147 = %scan3A to %scan3A_20 step %scan3A_21  : i32 {
      %mul3A_148 = arith.constant 3 : i32
      %mul3A_149 = arith.muli %scan3A_147, %mul3A_148 : i32
      %add3A = arith.constant 0 : i32
      %add3A_150 = arith.addi %add3A, %mul3A_149 : i32
      %add3A_151 = arith.constant 0 : i32
      %add3A_152 = arith.addi %add3A_150, %add3A_151 : i32
      %dma_wait3A_153 = arith.constant 0 : i32
      %dma_wait3A_154 = arith.constant 0 : i32
      %dma_wait3A_155 = tpu.memref_slice %arg2[%dma_wait3A_153, %dma_wait3A_154] : memref<10000x128xf32, #tpu.memory_space<hbm>> -> memref<100x128xf32, #tpu.memory_space<hbm>>
      %dma_wait3A_156 = arith.constant 0 : i32
      %dma_wait3A_157 = arith.constant 0 : i32
      %dma_wait3A_158 = tpu.memref_slice %arg2[%dma_wait3A_156, %dma_wait3A_157] : memref<10000x128xf32, #tpu.memory_space<hbm>> -> memref<100x128xf32, #tpu.memory_space<hbm>>
      tpu.wait_dma2 semaphore(%arg15 : memref<!tpu.dma_semaphore, #tpu.memory_space<semaphore_mem>>) src(%dma_wait3A_158 : memref<100x128xf32, #tpu.memory_space<hbm>>) dst(%arg11 : memref<100x128xf32, #tpu.memory_space<vmem>>)
      %ge3A = arith.constant 1 : i32
      %ge3A_159 = arith.cmpi sge, %add3A_152, %ge3A : i32
      %convert_element_type3A_160 = arith.extui %ge3A_159 : i1 to i32
      %cond3A_161 = arith.constant 0 : i32
      %cond3A_162 = arith.cmpi ne, %convert_element_type3A_160, %cond3A_161 : i32
      scf.if %cond3A_162 {
        %dma_wait3A_243 = arith.constant 0 : i32
        %dma_wait3A_244 = arith.constant 0 : i32
        %dma_wait3A_245 = tpu.memref_slice %arg2[%dma_wait3A_243, %dma_wait3A_244] : memref<10000x128xf32, #tpu.memory_space<hbm>> -> memref<100x128xf32, #tpu.memory_space<hbm>>
        %dma_wait3A_246 = arith.constant 0 : i32
        %dma_wait3A_247 = arith.constant 0 : i32
        %dma_wait3A_248 = tpu.memref_slice %arg2[%dma_wait3A_246, %dma_wait3A_247] : memref<10000x128xf32, #tpu.memory_space<hbm>> -> memref<100x128xf32, #tpu.memory_space<hbm>>
        tpu.wait_dma2 semaphore(%arg20 : memref<!tpu.dma_semaphore, #tpu.memory_space<semaphore_mem>>) src(%dma_wait3A_248 : memref<100x128xf32, #tpu.memory_space<hbm>>) dst(%arg13 : memref<100x128xf32, #tpu.memory_space<vmem>>)
      } else {
      }
      %add3A_163 = arith.constant 2 : i32
      %add3A_164 = arith.addi %add3A_152, %add3A_163 : i32
      %eq3A_165 = arith.constant 0 : i32
      %eq3A_166 = arith.cmpi eq, %arg0, %eq3A_165 : i32
      %convert_element_type3A_167 = arith.extui %eq3A_166 : i1 to i32
      %cond3A_168 = arith.constant 0 : i32
      %cond3A_169 = arith.cmpi ne, %convert_element_type3A_167, %cond3A_168 : i32
      scf.if %cond3A_169 {
        %dma_start3A_243 = arith.constant 0 : i32
        %dma_start3A_244 = tpu.memref_slice %arg9[%add3A_164, %dma_start3A_243] : memref<50x100xi32, #tpu.memory_space<vmem>> -> memref<1x100xi32, #tpu.memory_space<vmem>>
        %dma_start3A_245 = tpu.memref_squeeze %dma_start3A_244 : memref<1x100xi32, #tpu.memory_space<vmem>> -> memref<100xi32, #tpu.memory_space<vmem>>
        %dma_start3A_246 = arith.constant 0 : i32
        %dma_start3A_247 = arith.constant 0 : i32
        %dma_start3A_248 = tpu.memref_slice %arg2[%dma_start3A_246, %dma_start3A_247] : memref<10000x128xf32, #tpu.memory_space<hbm>> -> memref<10000x128xf32, #tpu.memory_space<hbm>>
        tpu.enqueue_indirect_dma source(%dma_start3A_248 : memref<10000x128xf32, #tpu.memory_space<hbm>>) target(%arg13 : memref<100x128xf32, #tpu.memory_space<vmem>>) offsets(%dma_start3A_245 : memref<100xi32, #tpu.memory_space<vmem>>) semaphore(%arg17 : memref<!tpu.dma_semaphore, #tpu.memory_space<semaphore_mem>>)
      } else {
      }
      %eq3A_170 = arith.constant 1 : i32
      %eq3A_171 = arith.cmpi eq, %arg0, %eq3A_170 : i32
      %convert_element_type3A_172 = arith.extui %eq3A_171 : i1 to i32
      %cond3A_173 = arith.constant 0 : i32
      %cond3A_174 = arith.cmpi ne, %convert_element_type3A_172, %cond3A_173 : i32
      scf.if %cond3A_174 {
        %dma_start3A_243 = arith.constant 0 : i32
        %dma_start3A_244 = tpu.memref_slice %arg9[%add3A_164, %dma_start3A_243] : memref<50x100xi32, #tpu.memory_space<vmem>> -> memref<1x100xi32, #tpu.memory_space<vmem>>
        %dma_start3A_245 = tpu.memref_squeeze %dma_start3A_244 : memref<1x100xi32, #tpu.memory_space<vmem>> -> memref<100xi32, #tpu.memory_space<vmem>>
        %dma_start3A_246 = arith.constant 0 : i32
        %dma_start3A_247 = arith.constant 0 : i32
        %dma_start3A_248 = tpu.memref_slice %arg3[%dma_start3A_246, %dma_start3A_247] : memref<10000x128xf32, #tpu.memory_space<hbm>> -> memref<10000x128xf32, #tpu.memory_space<hbm>>
        tpu.enqueue_indirect_dma source(%dma_start3A_248 : memref<10000x128xf32, #tpu.memory_space<hbm>>) target(%arg13 : memref<100x128xf32, #tpu.memory_space<vmem>>) offsets(%dma_start3A_245 : memref<100xi32, #tpu.memory_space<vmem>>) semaphore(%arg17 : memref<!tpu.dma_semaphore, #tpu.memory_space<semaphore_mem>>)
      } else {
      }
      %dma_start3A_175 = arith.constant 0 : i32
      %dma_start3A_176 = tpu.memref_slice %arg10[%add3A_152, %dma_start3A_175] : memref<50x100xi32, #tpu.memory_space<vmem>> -> memref<1x100xi32, #tpu.memory_space<vmem>>
      %dma_start3A_177 = tpu.memref_squeeze %dma_start3A_176 : memref<1x100xi32, #tpu.memory_space<vmem>> -> memref<100xi32, #tpu.memory_space<vmem>>
      %dma_start3A_178 = arith.constant 0 : i32
      %dma_start3A_179 = arith.constant 0 : i32
      %dma_start3A_180 = tpu.memref_slice %arg14[%dma_start3A_178, %dma_start3A_179] : memref<10000x128xf32, #tpu.memory_space<vmem_shared>> -> memref<10000x128xf32, #tpu.memory_space<vmem_shared>>
      tpu.enqueue_indirect_dma source(%arg11 : memref<100x128xf32, #tpu.memory_space<vmem>>) target(%dma_start3A_180 : memref<10000x128xf32, #tpu.memory_space<vmem_shared>>) offsets(%dma_start3A_177 : memref<100xi32, #tpu.memory_space<vmem>>) semaphore(%arg18 : memref<!tpu.dma_semaphore, #tpu.memory_space<semaphore_mem>>) {add = true}
      %add3A_181 = arith.constant 1 : i32
      %add3A_182 = arith.addi %add3A_150, %add3A_181 : i32
      %dma_wait3A_183 = arith.constant 0 : i32
      %dma_wait3A_184 = arith.constant 0 : i32
      %dma_wait3A_185 = tpu.memref_slice %arg2[%dma_wait3A_183, %dma_wait3A_184] : memref<10000x128xf32, #tpu.memory_space<hbm>> -> memref<100x128xf32, #tpu.memory_space<hbm>>
      %dma_wait3A_186 = arith.constant 0 : i32
      %dma_wait3A_187 = arith.constant 0 : i32
      %dma_wait3A_188 = tpu.memref_slice %arg2[%dma_wait3A_186, %dma_wait3A_187] : memref<10000x128xf32, #tpu.memory_space<hbm>> -> memref<100x128xf32, #tpu.memory_space<hbm>>
      tpu.wait_dma2 semaphore(%arg16 : memref<!tpu.dma_semaphore, #tpu.memory_space<semaphore_mem>>) src(%dma_wait3A_188 : memref<100x128xf32, #tpu.memory_space<hbm>>) dst(%arg12 : memref<100x128xf32, #tpu.memory_space<vmem>>)
      %ge3A_189 = arith.constant 1 : i32
      %ge3A_190 = arith.cmpi sge, %add3A_182, %ge3A_189 : i32
      %convert_element_type3A_191 = arith.extui %ge3A_190 : i1 to i32
      %cond3A_192 = arith.constant 0 : i32
      %cond3A_193 = arith.cmpi ne, %convert_element_type3A_191, %cond3A_192 : i32
      scf.if %cond3A_193 {
        %dma_wait3A_243 = arith.constant 0 : i32
        %dma_wait3A_244 = arith.constant 0 : i32
        %dma_wait3A_245 = tpu.memref_slice %arg2[%dma_wait3A_243, %dma_wait3A_244] : memref<10000x128xf32, #tpu.memory_space<hbm>> -> memref<100x128xf32, #tpu.memory_space<hbm>>
        %dma_wait3A_246 = arith.constant 0 : i32
        %dma_wait3A_247 = arith.constant 0 : i32
        %dma_wait3A_248 = tpu.memref_slice %arg2[%dma_wait3A_246, %dma_wait3A_247] : memref<10000x128xf32, #tpu.memory_space<hbm>> -> memref<100x128xf32, #tpu.memory_space<hbm>>
        tpu.wait_dma2 semaphore(%arg18 : memref<!tpu.dma_semaphore, #tpu.memory_space<semaphore_mem>>) src(%dma_wait3A_248 : memref<100x128xf32, #tpu.memory_space<hbm>>) dst(%arg11 : memref<100x128xf32, #tpu.memory_space<vmem>>)
      } else {
      }
      %add3A_194 = arith.constant 2 : i32
      %add3A_195 = arith.addi %add3A_182, %add3A_194 : i32
      %eq3A_196 = arith.constant 0 : i32
      %eq3A_197 = arith.cmpi eq, %arg0, %eq3A_196 : i32
      %convert_element_type3A_198 = arith.extui %eq3A_197 : i1 to i32
      %cond3A_199 = arith.constant 0 : i32
      %cond3A_200 = arith.cmpi ne, %convert_element_type3A_198, %cond3A_199 : i32
      scf.if %cond3A_200 {
        %dma_start3A_243 = arith.constant 0 : i32
        %dma_start3A_244 = tpu.memref_slice %arg9[%add3A_195, %dma_start3A_243] : memref<50x100xi32, #tpu.memory_space<vmem>> -> memref<1x100xi32, #tpu.memory_space<vmem>>
        %dma_start3A_245 = tpu.memref_squeeze %dma_start3A_244 : memref<1x100xi32, #tpu.memory_space<vmem>> -> memref<100xi32, #tpu.memory_space<vmem>>
        %dma_start3A_246 = arith.constant 0 : i32
        %dma_start3A_247 = arith.constant 0 : i32
        %dma_start3A_248 = tpu.memref_slice %arg2[%dma_start3A_246, %dma_start3A_247] : memref<10000x128xf32, #tpu.memory_space<hbm>> -> memref<10000x128xf32, #tpu.memory_space<hbm>>
        tpu.enqueue_indirect_dma source(%dma_start3A_248 : memref<10000x128xf32, #tpu.memory_space<hbm>>) target(%arg11 : memref<100x128xf32, #tpu.memory_space<vmem>>) offsets(%dma_start3A_245 : memref<100xi32, #tpu.memory_space<vmem>>) semaphore(%arg15 : memref<!tpu.dma_semaphore, #tpu.memory_space<semaphore_mem>>)
      } else {
      }
      %eq3A_201 = arith.constant 1 : i32
      %eq3A_202 = arith.cmpi eq, %arg0, %eq3A_201 : i32
      %convert_element_type3A_203 = arith.extui %eq3A_202 : i1 to i32
      %cond3A_204 = arith.constant 0 : i32
      %cond3A_205 = arith.cmpi ne, %convert_element_type3A_203, %cond3A_204 : i32
      scf.if %cond3A_205 {
        %dma_start3A_243 = arith.constant 0 : i32
        %dma_start3A_244 = tpu.memref_slice %arg9[%add3A_195, %dma_start3A_243] : memref<50x100xi32, #tpu.memory_space<vmem>> -> memref<1x100xi32, #tpu.memory_space<vmem>>
        %dma_start3A_245 = tpu.memref_squeeze %dma_start3A_244 : memref<1x100xi32, #tpu.memory_space<vmem>> -> memref<100xi32, #tpu.memory_space<vmem>>
        %dma_start3A_246 = arith.constant 0 : i32
        %dma_start3A_247 = arith.constant 0 : i32
        %dma_start3A_248 = tpu.memref_slice %arg3[%dma_start3A_246, %dma_start3A_247] : memref<10000x128xf32, #tpu.memory_space<hbm>> -> memref<10000x128xf32, #tpu.memory_space<hbm>>
        tpu.enqueue_indirect_dma source(%dma_start3A_248 : memref<10000x128xf32, #tpu.memory_space<hbm>>) target(%arg11 : memref<100x128xf32, #tpu.memory_space<vmem>>) offsets(%dma_start3A_245 : memref<100xi32, #tpu.memory_space<vmem>>) semaphore(%arg15 : memref<!tpu.dma_semaphore, #tpu.memory_space<semaphore_mem>>)
      } else {
      }
      %dma_start3A_206 = arith.constant 0 : i32
      %dma_start3A_207 = tpu.memref_slice %arg10[%add3A_182, %dma_start3A_206] : memref<50x100xi32, #tpu.memory_space<vmem>> -> memref<1x100xi32, #tpu.memory_space<vmem>>
      %dma_start3A_208 = tpu.memref_squeeze %dma_start3A_207 : memref<1x100xi32, #tpu.memory_space<vmem>> -> memref<100xi32, #tpu.memory_space<vmem>>
      %dma_start3A_209 = arith.constant 0 : i32
      %dma_start3A_210 = arith.constant 0 : i32
      %dma_start3A_211 = tpu.memref_slice %arg14[%dma_start3A_209, %dma_start3A_210] : memref<10000x128xf32, #tpu.memory_space<vmem_shared>> -> memref<10000x128xf32, #tpu.memory_space<vmem_shared>>
      tpu.enqueue_indirect_dma source(%arg12 : memref<100x128xf32, #tpu.memory_space<vmem>>) target(%dma_start3A_211 : memref<10000x128xf32, #tpu.memory_space<vmem_shared>>) offsets(%dma_start3A_208 : memref<100xi32, #tpu.memory_space<vmem>>) semaphore(%arg19 : memref<!tpu.dma_semaphore, #tpu.memory_space<semaphore_mem>>) {add = true}
      %add3A_212 = arith.constant 2 : i32
      %add3A_213 = arith.addi %add3A_150, %add3A_212 : i32
      %dma_wait3A_214 = arith.constant 0 : i32
      %dma_wait3A_215 = arith.constant 0 : i32
      %dma_wait3A_216 = tpu.memref_slice %arg2[%dma_wait3A_214, %dma_wait3A_215] : memref<10000x128xf32, #tpu.memory_space<hbm>> -> memref<100x128xf32, #tpu.memory_space<hbm>>
      %dma_wait3A_217 = arith.constant 0 : i32
      %dma_wait3A_218 = arith.constant 0 : i32
      %dma_wait3A_219 = tpu.memref_slice %arg2[%dma_wait3A_217, %dma_wait3A_218] : memref<10000x128xf32, #tpu.memory_space<hbm>> -> memref<100x128xf32, #tpu.memory_space<hbm>>
      tpu.wait_dma2 semaphore(%arg17 : memref<!tpu.dma_semaphore, #tpu.memory_space<semaphore_mem>>) src(%dma_wait3A_219 : memref<100x128xf32, #tpu.memory_space<hbm>>) dst(%arg13 : memref<100x128xf32, #tpu.memory_space<vmem>>)
      %ge3A_220 = arith.constant 1 : i32
      %ge3A_221 = arith.cmpi sge, %add3A_213, %ge3A_220 : i32
      %convert_element_type3A_222 = arith.extui %ge3A_221 : i1 to i32
      %cond3A_223 = arith.constant 0 : i32
      %cond3A_224 = arith.cmpi ne, %convert_element_type3A_222, %cond3A_223 : i32
      scf.if %cond3A_224 {
        %dma_wait3A_243 = arith.constant 0 : i32
        %dma_wait3A_244 = arith.constant 0 : i32
        %dma_wait3A_245 = tpu.memref_slice %arg2[%dma_wait3A_243, %dma_wait3A_244] : memref<10000x128xf32, #tpu.memory_space<hbm>> -> memref<100x128xf32, #tpu.memory_space<hbm>>
        %dma_wait3A_246 = arith.constant 0 : i32
        %dma_wait3A_247 = arith.constant 0 : i32
        %dma_wait3A_248 = tpu.memref_slice %arg2[%dma_wait3A_246, %dma_wait3A_247] : memref<10000x128xf32, #tpu.memory_space<hbm>> -> memref<100x128xf32, #tpu.memory_space<hbm>>
        tpu.wait_dma2 semaphore(%arg19 : memref<!tpu.dma_semaphore, #tpu.memory_space<semaphore_mem>>) src(%dma_wait3A_248 : memref<100x128xf32, #tpu.memory_space<hbm>>) dst(%arg12 : memref<100x128xf32, #tpu.memory_space<vmem>>)
      } else {
      }
      %add3A_225 = arith.constant 2 : i32
      %add3A_226 = arith.addi %add3A_213, %add3A_225 : i32
      %eq3A_227 = arith.constant 0 : i32
      %eq3A_228 = arith.cmpi eq, %arg0, %eq3A_227 : i32
      %convert_element_type3A_229 = arith.extui %eq3A_228 : i1 to i32
      %cond3A_230 = arith.constant 0 : i32
      %cond3A_231 = arith.cmpi ne, %convert_element_type3A_229, %cond3A_230 : i32
      scf.if %cond3A_231 {
        %dma_start3A_243 = arith.constant 0 : i32
        %dma_start3A_244 = tpu.memref_slice %arg9[%add3A_226, %dma_start3A_243] : memref<50x100xi32, #tpu.memory_space<vmem>> -> memref<1x100xi32, #tpu.memory_space<vmem>>
        %dma_start3A_245 = tpu.memref_squeeze %dma_start3A_244 : memref<1x100xi32, #tpu.memory_space<vmem>> -> memref<100xi32, #tpu.memory_space<vmem>>
        %dma_start3A_246 = arith.constant 0 : i32
        %dma_start3A_247 = arith.constant 0 : i32
        %dma_start3A_248 = tpu.memref_slice %arg2[%dma_start3A_246, %dma_start3A_247] : memref<10000x128xf32, #tpu.memory_space<hbm>> -> memref<10000x128xf32, #tpu.memory_space<hbm>>
        tpu.enqueue_indirect_dma source(%dma_start3A_248 : memref<10000x128xf32, #tpu.memory_space<hbm>>) target(%arg12 : memref<100x128xf32, #tpu.memory_space<vmem>>) offsets(%dma_start3A_245 : memref<100xi32, #tpu.memory_space<vmem>>) semaphore(%arg16 : memref<!tpu.dma_semaphore, #tpu.memory_space<semaphore_mem>>)
      } else {
      }
      %eq3A_232 = arith.constant 1 : i32
      %eq3A_233 = arith.cmpi eq, %arg0, %eq3A_232 : i32
      %convert_element_type3A_234 = arith.extui %eq3A_233 : i1 to i32
      %cond3A_235 = arith.constant 0 : i32
      %cond3A_236 = arith.cmpi ne, %convert_element_type3A_234, %cond3A_235 : i32
      scf.if %cond3A_236 {
        %dma_start3A_243 = arith.constant 0 : i32
        %dma_start3A_244 = tpu.memref_slice %arg9[%add3A_226, %dma_start3A_243] : memref<50x100xi32, #tpu.memory_space<vmem>> -> memref<1x100xi32, #tpu.memory_space<vmem>>
        %dma_start3A_245 = tpu.memref_squeeze %dma_start3A_244 : memref<1x100xi32, #tpu.memory_space<vmem>> -> memref<100xi32, #tpu.memory_space<vmem>>
        %dma_start3A_246 = arith.constant 0 : i32
        %dma_start3A_247 = arith.constant 0 : i32
        %dma_start3A_248 = tpu.memref_slice %arg3[%dma_start3A_246, %dma_start3A_247] : memref<10000x128xf32, #tpu.memory_space<hbm>> -> memref<10000x128xf32, #tpu.memory_space<hbm>>
        tpu.enqueue_indirect_dma source(%dma_start3A_248 : memref<10000x128xf32, #tpu.memory_space<hbm>>) target(%arg12 : memref<100x128xf32, #tpu.memory_space<vmem>>) offsets(%dma_start3A_245 : memref<100xi32, #tpu.memory_space<vmem>>) semaphore(%arg16 : memref<!tpu.dma_semaphore, #tpu.memory_space<semaphore_mem>>)
      } else {
      }
      %dma_start3A_237 = arith.constant 0 : i32
      %dma_start3A_238 = tpu.memref_slice %arg10[%add3A_213, %dma_start3A_237] : memref<50x100xi32, #tpu.memory_space<vmem>> -> memref<1x100xi32, #tpu.memory_space<vmem>>
      %dma_start3A_239 = tpu.memref_squeeze %dma_start3A_238 : memref<1x100xi32, #tpu.memory_space<vmem>> -> memref<100xi32, #tpu.memory_space<vmem>>
      %dma_start3A_240 = arith.constant 0 : i32
      %dma_start3A_241 = arith.constant 0 : i32
      %dma_start3A_242 = tpu.memref_slice %arg14[%dma_start3A_240, %dma_start3A_241] : memref<10000x128xf32, #tpu.memory_space<vmem_shared>> -> memref<10000x128xf32, #tpu.memory_space<vmem_shared>>
      tpu.enqueue_indirect_dma source(%arg13 : memref<100x128xf32, #tpu.memory_space<vmem>>) target(%dma_start3A_242 : memref<10000x128xf32, #tpu.memory_space<vmem_shared>>) offsets(%dma_start3A_239 : memref<100xi32, #tpu.memory_space<vmem>>) semaphore(%arg20 : memref<!tpu.dma_semaphore, #tpu.memory_space<semaphore_mem>>) {add = true}
    }
    %scan3A_22 = arith.constant 16 : i32
    %dma_wait3A = arith.constant 0 : i32
    %dma_wait3A_23 = arith.constant 0 : i32
    %dma_wait3A_24 = tpu.memref_slice %arg2[%dma_wait3A, %dma_wait3A_23] : memref<10000x128xf32, #tpu.memory_space<hbm>> -> memref<100x128xf32, #tpu.memory_space<hbm>>
    %dma_wait3A_25 = arith.constant 0 : i32
    %dma_wait3A_26 = arith.constant 0 : i32
    %dma_wait3A_27 = tpu.memref_slice %arg2[%dma_wait3A_25, %dma_wait3A_26] : memref<10000x128xf32, #tpu.memory_space<hbm>> -> memref<100x128xf32, #tpu.memory_space<hbm>>
    tpu.wait_dma2 semaphore(%arg15 : memref<!tpu.dma_semaphore, #tpu.memory_space<semaphore_mem>>) src(%dma_wait3A_27 : memref<100x128xf32, #tpu.memory_space<hbm>>) dst(%arg11 : memref<100x128xf32, #tpu.memory_space<vmem>>)
    %dma_wait3A_28 = arith.constant 0 : i32
    %dma_wait3A_29 = arith.constant 0 : i32
    %dma_wait3A_30 = tpu.memref_slice %arg2[%dma_wait3A_28, %dma_wait3A_29] : memref<10000x128xf32, #tpu.memory_space<hbm>> -> memref<100x128xf32, #tpu.memory_space<hbm>>
    %dma_wait3A_31 = arith.constant 0 : i32
    %dma_wait3A_32 = arith.constant 0 : i32
    %dma_wait3A_33 = tpu.memref_slice %arg2[%dma_wait3A_31, %dma_wait3A_32] : memref<10000x128xf32, #tpu.memory_space<hbm>> -> memref<100x128xf32, #tpu.memory_space<hbm>>
    tpu.wait_dma2 semaphore(%arg20 : memref<!tpu.dma_semaphore, #tpu.memory_space<semaphore_mem>>) src(%dma_wait3A_33 : memref<100x128xf32, #tpu.memory_space<hbm>>) dst(%arg13 : memref<100x128xf32, #tpu.memory_space<vmem>>)
    %dma_start3A = arith.constant 48 : i32
    %dma_start3A_34 = arith.constant 0 : i32
    %dma_start3A_35 = tpu.memref_slice %arg10[%dma_start3A, %dma_start3A_34] : memref<50x100xi32, #tpu.memory_space<vmem>> -> memref<1x100xi32, #tpu.memory_space<vmem>>
    %dma_start3A_36 = tpu.memref_squeeze %dma_start3A_35 : memref<1x100xi32, #tpu.memory_space<vmem>> -> memref<100xi32, #tpu.memory_space<vmem>>
    %dma_start3A_37 = arith.constant 0 : i32
    %dma_start3A_38 = arith.constant 0 : i32
    %dma_start3A_39 = tpu.memref_slice %arg14[%dma_start3A_37, %dma_start3A_38] : memref<10000x128xf32, #tpu.memory_space<vmem_shared>> -> memref<10000x128xf32, #tpu.memory_space<vmem_shared>>
    tpu.enqueue_indirect_dma source(%arg11 : memref<100x128xf32, #tpu.memory_space<vmem>>) target(%dma_start3A_39 : memref<10000x128xf32, #tpu.memory_space<vmem_shared>>) offsets(%dma_start3A_36 : memref<100xi32, #tpu.memory_space<vmem>>) semaphore(%arg18 : memref<!tpu.dma_semaphore, #tpu.memory_space<semaphore_mem>>) {add = true}
    %dma_wait3A_40 = arith.constant 0 : i32
    %dma_wait3A_41 = arith.constant 0 : i32
    %dma_wait3A_42 = tpu.memref_slice %arg2[%dma_wait3A_40, %dma_wait3A_41] : memref<10000x128xf32, #tpu.memory_space<hbm>> -> memref<100x128xf32, #tpu.memory_space<hbm>>
    %dma_wait3A_43 = arith.constant 0 : i32
    %dma_wait3A_44 = arith.constant 0 : i32
    %dma_wait3A_45 = tpu.memref_slice %arg2[%dma_wait3A_43, %dma_wait3A_44] : memref<10000x128xf32, #tpu.memory_space<hbm>> -> memref<100x128xf32, #tpu.memory_space<hbm>>
    tpu.wait_dma2 semaphore(%arg16 : memref<!tpu.dma_semaphore, #tpu.memory_space<semaphore_mem>>) src(%dma_wait3A_45 : memref<100x128xf32, #tpu.memory_space<hbm>>) dst(%arg12 : memref<100x128xf32, #tpu.memory_space<vmem>>)
    %dma_wait3A_46 = arith.constant 0 : i32
    %dma_wait3A_47 = arith.constant 0 : i32
    %dma_wait3A_48 = tpu.memref_slice %arg2[%dma_wait3A_46, %dma_wait3A_47] : memref<10000x128xf32, #tpu.memory_space<hbm>> -> memref<100x128xf32, #tpu.memory_space<hbm>>
    %dma_wait3A_49 = arith.constant 0 : i32
    %dma_wait3A_50 = arith.constant 0 : i32
    %dma_wait3A_51 = tpu.memref_slice %arg2[%dma_wait3A_49, %dma_wait3A_50] : memref<10000x128xf32, #tpu.memory_space<hbm>> -> memref<100x128xf32, #tpu.memory_space<hbm>>
    tpu.wait_dma2 semaphore(%arg18 : memref<!tpu.dma_semaphore, #tpu.memory_space<semaphore_mem>>) src(%dma_wait3A_51 : memref<100x128xf32, #tpu.memory_space<hbm>>) dst(%arg11 : memref<100x128xf32, #tpu.memory_space<vmem>>)
    %dma_start3A_52 = arith.constant 49 : i32
    %dma_start3A_53 = arith.constant 0 : i32
    %dma_start3A_54 = tpu.memref_slice %arg10[%dma_start3A_52, %dma_start3A_53] : memref<50x100xi32, #tpu.memory_space<vmem>> -> memref<1x100xi32, #tpu.memory_space<vmem>>
    %dma_start3A_55 = tpu.memref_squeeze %dma_start3A_54 : memref<1x100xi32, #tpu.memory_space<vmem>> -> memref<100xi32, #tpu.memory_space<vmem>>
    %dma_start3A_56 = arith.constant 0 : i32
    %dma_start3A_57 = arith.constant 0 : i32
    %dma_start3A_58 = tpu.memref_slice %arg14[%dma_start3A_56, %dma_start3A_57] : memref<10000x128xf32, #tpu.memory_space<vmem_shared>> -> memref<10000x128xf32, #tpu.memory_space<vmem_shared>>
    tpu.enqueue_indirect_dma source(%arg12 : memref<100x128xf32, #tpu.memory_space<vmem>>) target(%dma_start3A_58 : memref<10000x128xf32, #tpu.memory_space<vmem_shared>>) offsets(%dma_start3A_55 : memref<100xi32, #tpu.memory_space<vmem>>) semaphore(%arg19 : memref<!tpu.dma_semaphore, #tpu.memory_space<semaphore_mem>>) {add = true}
    %dma_wait3A_59 = arith.constant 0 : i32
    %dma_wait3A_60 = arith.constant 0 : i32
    %dma_wait3A_61 = tpu.memref_slice %arg2[%dma_wait3A_59, %dma_wait3A_60] : memref<10000x128xf32, #tpu.memory_space<hbm>> -> memref<100x128xf32, #tpu.memory_space<hbm>>
    %dma_wait3A_62 = arith.constant 0 : i32
    %dma_wait3A_63 = arith.constant 0 : i32
    %dma_wait3A_64 = tpu.memref_slice %arg2[%dma_wait3A_62, %dma_wait3A_63] : memref<10000x128xf32, #tpu.memory_space<hbm>> -> memref<100x128xf32, #tpu.memory_space<hbm>>
    tpu.wait_dma2 semaphore(%arg19 : memref<!tpu.dma_semaphore, #tpu.memory_space<semaphore_mem>>) src(%dma_wait3A_64 : memref<100x128xf32, #tpu.memory_space<hbm>>) dst(%arg12 : memref<100x128xf32, #tpu.memory_space<vmem>>)
    %run_scoped3A_65 = arith.constant 1 : i32
    "tpu.region"() ({
      %run_scoped3A_147 = tpu.sem_alloc : memref<!tpu.dma_semaphore, #tpu.memory_space<semaphore_mem>>
      %dma_start3A_148 = arith.constant 0 : i32
      %dma_start3A_149 = arith.constant 0 : i32
      %dma_start3A_150 = tpu.memref_slice %arg5[%arg1, %run_scoped3A_65, %dma_start3A_148, %dma_start3A_149] : memref<16x2x50x100xi32, #tpu.memory_space<hbm>> -> memref<1x1x50x100xi32, #tpu.memory_space<hbm>>
      %dma_start3A_151 = tpu.memref_squeeze %dma_start3A_150 : memref<1x1x50x100xi32, #tpu.memory_space<hbm>> -> memref<50x100xi32, #tpu.memory_space<hbm>>
      %dma_start3A_152 = arith.constant 0 : i32
      %dma_start3A_153 = arith.constant 0 : i32
      %dma_start3A_154 = tpu.memref_slice %arg5[%arg1, %run_scoped3A_65, %dma_start3A_152, %dma_start3A_153] : memref<16x2x50x100xi32, #tpu.memory_space<hbm>> -> memref<1x1x50x100xi32, #tpu.memory_space<hbm>>
      %dma_start3A_155 = tpu.memref_squeeze %dma_start3A_154 : memref<1x1x50x100xi32, #tpu.memory_space<hbm>> -> memref<50x100xi32, #tpu.memory_space<hbm>>
      tpu.enqueue_dma source(%dma_start3A_155 : memref<50x100xi32, #tpu.memory_space<hbm>>) target(%arg9 : memref<50x100xi32, #tpu.memory_space<vmem>>) target_semaphore(%run_scoped3A_147 : memref<!tpu.dma_semaphore, #tpu.memory_space<semaphore_mem>>)
      %dma_wait3A_156 = arith.constant 0 : i32
      %dma_wait3A_157 = arith.constant 0 : i32
      %dma_wait3A_158 = tpu.memref_slice %arg5[%arg1, %run_scoped3A_65, %dma_wait3A_156, %dma_wait3A_157] : memref<16x2x50x100xi32, #tpu.memory_space<hbm>> -> memref<1x1x50x100xi32, #tpu.memory_space<hbm>>
      %dma_wait3A_159 = tpu.memref_squeeze %dma_wait3A_158 : memref<1x1x50x100xi32, #tpu.memory_space<hbm>> -> memref<50x100xi32, #tpu.memory_space<hbm>>
      %dma_wait3A_160 = arith.constant 0 : i32
      %dma_wait3A_161 = arith.constant 0 : i32
      %dma_wait3A_162 = tpu.memref_slice %arg5[%arg1, %run_scoped3A_65, %dma_wait3A_160, %dma_wait3A_161] : memref<16x2x50x100xi32, #tpu.memory_space<hbm>> -> memref<1x1x50x100xi32, #tpu.memory_space<hbm>>
      %dma_wait3A_163 = tpu.memref_squeeze %dma_wait3A_162 : memref<1x1x50x100xi32, #tpu.memory_space<hbm>> -> memref<50x100xi32, #tpu.memory_space<hbm>>
      tpu.wait_dma2 semaphore(%run_scoped3A_147 : memref<!tpu.dma_semaphore, #tpu.memory_space<semaphore_mem>>) src(%dma_wait3A_163 : memref<50x100xi32, #tpu.memory_space<hbm>>) dst(%arg9 : memref<50x100xi32, #tpu.memory_space<vmem>>)
      tpu.yield
    }) : () -> ()
    %run_scoped3A_66 = arith.constant 1 : i32
    "tpu.region"() ({
      %run_scoped3A_147 = tpu.sem_alloc : memref<!tpu.dma_semaphore, #tpu.memory_space<semaphore_mem>>
      %dma_start3A_148 = arith.constant 0 : i32
      %dma_start3A_149 = arith.constant 0 : i32
      %dma_start3A_150 = tpu.memref_slice %arg6[%arg1, %run_scoped3A_66, %dma_start3A_148, %dma_start3A_149] : memref<16x2x50x100xi32, #tpu.memory_space<hbm>> -> memref<1x1x50x100xi32, #tpu.memory_space<hbm>>
      %dma_start3A_151 = tpu.memref_squeeze %dma_start3A_150 : memref<1x1x50x100xi32, #tpu.memory_space<hbm>> -> memref<50x100xi32, #tpu.memory_space<hbm>>
      %dma_start3A_152 = arith.constant 0 : i32
      %dma_start3A_153 = arith.constant 0 : i32
      %dma_start3A_154 = tpu.memref_slice %arg6[%arg1, %run_scoped3A_66, %dma_start3A_152, %dma_start3A_153] : memref<16x2x50x100xi32, #tpu.memory_space<hbm>> -> memref<1x1x50x100xi32, #tpu.memory_space<hbm>>
      %dma_start3A_155 = tpu.memref_squeeze %dma_start3A_154 : memref<1x1x50x100xi32, #tpu.memory_space<hbm>> -> memref<50x100xi32, #tpu.memory_space<hbm>>
      tpu.enqueue_dma source(%dma_start3A_155 : memref<50x100xi32, #tpu.memory_space<hbm>>) target(%arg10 : memref<50x100xi32, #tpu.memory_space<vmem>>) target_semaphore(%run_scoped3A_147 : memref<!tpu.dma_semaphore, #tpu.memory_space<semaphore_mem>>)
      %dma_wait3A_156 = arith.constant 0 : i32
      %dma_wait3A_157 = arith.constant 0 : i32
      %dma_wait3A_158 = tpu.memref_slice %arg6[%arg1, %run_scoped3A_66, %dma_wait3A_156, %dma_wait3A_157] : memref<16x2x50x100xi32, #tpu.memory_space<hbm>> -> memref<1x1x50x100xi32, #tpu.memory_space<hbm>>
      %dma_wait3A_159 = tpu.memref_squeeze %dma_wait3A_158 : memref<1x1x50x100xi32, #tpu.memory_space<hbm>> -> memref<50x100xi32, #tpu.memory_space<hbm>>
      %dma_wait3A_160 = arith.constant 0 : i32
      %dma_wait3A_161 = arith.constant 0 : i32
      %dma_wait3A_162 = tpu.memref_slice %arg6[%arg1, %run_scoped3A_66, %dma_wait3A_160, %dma_wait3A_161] : memref<16x2x50x100xi32, #tpu.memory_space<hbm>> -> memref<1x1x50x100xi32, #tpu.memory_space<hbm>>
      %dma_wait3A_163 = tpu.memref_squeeze %dma_wait3A_162 : memref<1x1x50x100xi32, #tpu.memory_space<hbm>> -> memref<50x100xi32, #tpu.memory_space<hbm>>
      tpu.wait_dma2 semaphore(%run_scoped3A_147 : memref<!tpu.dma_semaphore, #tpu.memory_space<semaphore_mem>>) src(%dma_wait3A_163 : memref<50x100xi32, #tpu.memory_space<hbm>>) dst(%arg10 : memref<50x100xi32, #tpu.memory_space<vmem>>)
      tpu.yield
    }) : () -> ()
    %eq3A_67 = arith.constant 0 : i32
    %eq3A_68 = arith.cmpi eq, %arg0, %eq3A_67 : i32
    %convert_element_type3A_69 = arith.extui %eq3A_68 : i1 to i32
    %cond3A_70 = arith.constant 0 : i32
    %cond3A_71 = arith.cmpi ne, %convert_element_type3A_69, %cond3A_70 : i32
    scf.if %cond3A_71 {
      %dma_start3A_147 = arith.constant 0 : i32
      %dma_start3A_148 = arith.constant 0 : i32
      %dma_start3A_149 = tpu.memref_slice %arg9[%dma_start3A_147, %dma_start3A_148] : memref<50x100xi32, #tpu.memory_space<vmem>> -> memref<1x100xi32, #tpu.memory_space<vmem>>
      %dma_start3A_150 = tpu.memref_squeeze %dma_start3A_149 : memref<1x100xi32, #tpu.memory_space<vmem>> -> memref<100xi32, #tpu.memory_space<vmem>>
      %dma_start3A_151 = arith.constant 0 : i32
      %dma_start3A_152 = arith.constant 0 : i32
      %dma_start3A_153 = tpu.memref_slice %arg2[%dma_start3A_151, %dma_start3A_152] : memref<10000x128xf32, #tpu.memory_space<hbm>> -> memref<10000x128xf32, #tpu.memory_space<hbm>>
      tpu.enqueue_indirect_dma source(%dma_start3A_153 : memref<10000x128xf32, #tpu.memory_space<hbm>>) target(%arg11 : memref<100x128xf32, #tpu.memory_space<vmem>>) offsets(%dma_start3A_150 : memref<100xi32, #tpu.memory_space<vmem>>) semaphore(%arg15 : memref<!tpu.dma_semaphore, #tpu.memory_space<semaphore_mem>>)
    } else {
    }
    %eq3A_72 = arith.constant 1 : i32
    %eq3A_73 = arith.cmpi eq, %arg0, %eq3A_72 : i32
    %convert_element_type3A_74 = arith.extui %eq3A_73 : i1 to i32
    %cond3A_75 = arith.constant 0 : i32
    %cond3A_76 = arith.cmpi ne, %convert_element_type3A_74, %cond3A_75 : i32
    scf.if %cond3A_76 {
      %dma_start3A_147 = arith.constant 0 : i32
      %dma_start3A_148 = arith.constant 0 : i32
      %dma_start3A_149 = tpu.memref_slice %arg9[%dma_start3A_147, %dma_start3A_148] : memref<50x100xi32, #tpu.memory_space<vmem>> -> memref<1x100xi32, #tpu.memory_space<vmem>>
      %dma_start3A_150 = tpu.memref_squeeze %dma_start3A_149 : memref<1x100xi32, #tpu.memory_space<vmem>> -> memref<100xi32, #tpu.memory_space<vmem>>
      %dma_start3A_151 = arith.constant 0 : i32
      %dma_start3A_152 = arith.constant 0 : i32
      %dma_start3A_153 = tpu.memref_slice %arg3[%dma_start3A_151, %dma_start3A_152] : memref<10000x128xf32, #tpu.memory_space<hbm>> -> memref<10000x128xf32, #tpu.memory_space<hbm>>
      tpu.enqueue_indirect_dma source(%dma_start3A_153 : memref<10000x128xf32, #tpu.memory_space<hbm>>) target(%arg11 : memref<100x128xf32, #tpu.memory_space<vmem>>) offsets(%dma_start3A_150 : memref<100xi32, #tpu.memory_space<vmem>>) semaphore(%arg15 : memref<!tpu.dma_semaphore, #tpu.memory_space<semaphore_mem>>)
    } else {
    }
    %eq3A_77 = arith.constant 0 : i32
    %eq3A_78 = arith.cmpi eq, %arg0, %eq3A_77 : i32
    %convert_element_type3A_79 = arith.extui %eq3A_78 : i1 to i32
    %cond3A_80 = arith.constant 0 : i32
    %cond3A_81 = arith.cmpi ne, %convert_element_type3A_79, %cond3A_80 : i32
    scf.if %cond3A_81 {
      %dma_start3A_147 = arith.constant 1 : i32
      %dma_start3A_148 = arith.constant 0 : i32
      %dma_start3A_149 = tpu.memref_slice %arg9[%dma_start3A_147, %dma_start3A_148] : memref<50x100xi32, #tpu.memory_space<vmem>> -> memref<1x100xi32, #tpu.memory_space<vmem>>
      %dma_start3A_150 = tpu.memref_squeeze %dma_start3A_149 : memref<1x100xi32, #tpu.memory_space<vmem>> -> memref<100xi32, #tpu.memory_space<vmem>>
      %dma_start3A_151 = arith.constant 0 : i32
      %dma_start3A_152 = arith.constant 0 : i32
      %dma_start3A_153 = tpu.memref_slice %arg2[%dma_start3A_151, %dma_start3A_152] : memref<10000x128xf32, #tpu.memory_space<hbm>> -> memref<10000x128xf32, #tpu.memory_space<hbm>>
      tpu.enqueue_indirect_dma source(%dma_start3A_153 : memref<10000x128xf32, #tpu.memory_space<hbm>>) target(%arg12 : memref<100x128xf32, #tpu.memory_space<vmem>>) offsets(%dma_start3A_150 : memref<100xi32, #tpu.memory_space<vmem>>) semaphore(%arg16 : memref<!tpu.dma_semaphore, #tpu.memory_space<semaphore_mem>>)
    } else {
    }
    %eq3A_82 = arith.constant 1 : i32
    %eq3A_83 = arith.cmpi eq, %arg0, %eq3A_82 : i32
    %convert_element_type3A_84 = arith.extui %eq3A_83 : i1 to i32
    %cond3A_85 = arith.constant 0 : i32
    %cond3A_86 = arith.cmpi ne, %convert_element_type3A_84, %cond3A_85 : i32
    scf.if %cond3A_86 {
      %dma_start3A_147 = arith.constant 1 : i32
      %dma_start3A_148 = arith.constant 0 : i32
      %dma_start3A_149 = tpu.memref_slice %arg9[%dma_start3A_147, %dma_start3A_148] : memref<50x100xi32, #tpu.memory_space<vmem>> -> memref<1x100xi32, #tpu.memory_space<vmem>>
      %dma_start3A_150 = tpu.memref_squeeze %dma_start3A_149 : memref<1x100xi32, #tpu.memory_space<vmem>> -> memref<100xi32, #tpu.memory_space<vmem>>
      %dma_start3A_151 = arith.constant 0 : i32
      %dma_start3A_152 = arith.constant 0 : i32
      %dma_start3A_153 = tpu.memref_slice %arg3[%dma_start3A_151, %dma_start3A_152] : memref<10000x128xf32, #tpu.memory_space<hbm>> -> memref<10000x128xf32, #tpu.memory_space<hbm>>
      tpu.enqueue_indirect_dma source(%dma_start3A_153 : memref<10000x128xf32, #tpu.memory_space<hbm>>) target(%arg12 : memref<100x128xf32, #tpu.memory_space<vmem>>) offsets(%dma_start3A_150 : memref<100xi32, #tpu.memory_space<vmem>>) semaphore(%arg16 : memref<!tpu.dma_semaphore, #tpu.memory_space<semaphore_mem>>)
    } else {
    }
    %scan3A_87 = arith.constant 0 : i32
    %scan3A_88 = arith.constant 16 : i32
    %scan3A_89 = arith.addi %scan3A_87, %scan3A_88 : i32
    %scan3A_90 = arith.constant 1 : i32
    scf.for %scan3A_147 = %scan3A_87 to %scan3A_89 step %scan3A_90  : i32 {
      %mul3A_148 = arith.constant 3 : i32
      %mul3A_149 = arith.muli %scan3A_147, %mul3A_148 : i32
      %add3A = arith.constant 0 : i32
      %add3A_150 = arith.addi %add3A, %mul3A_149 : i32
      %add3A_151 = arith.constant 0 : i32
      %add3A_152 = arith.addi %add3A_150, %add3A_151 : i32
      %dma_wait3A_153 = arith.constant 0 : i32
      %dma_wait3A_154 = arith.constant 0 : i32
      %dma_wait3A_155 = tpu.memref_slice %arg2[%dma_wait3A_153, %dma_wait3A_154] : memref<10000x128xf32, #tpu.memory_space<hbm>> -> memref<100x128xf32, #tpu.memory_space<hbm>>
      %dma_wait3A_156 = arith.constant 0 : i32
      %dma_wait3A_157 = arith.constant 0 : i32
      %dma_wait3A_158 = tpu.memref_slice %arg2[%dma_wait3A_156, %dma_wait3A_157] : memref<10000x128xf32, #tpu.memory_space<hbm>> -> memref<100x128xf32, #tpu.memory_space<hbm>>
      tpu.wait_dma2 semaphore(%arg15 : memref<!tpu.dma_semaphore, #tpu.memory_space<semaphore_mem>>) src(%dma_wait3A_158 : memref<100x128xf32, #tpu.memory_space<hbm>>) dst(%arg11 : memref<100x128xf32, #tpu.memory_space<vmem>>)
      %ge3A = arith.constant 1 : i32
      %ge3A_159 = arith.cmpi sge, %add3A_152, %ge3A : i32
      %convert_element_type3A_160 = arith.extui %ge3A_159 : i1 to i32
      %cond3A_161 = arith.constant 0 : i32
      %cond3A_162 = arith.cmpi ne, %convert_element_type3A_160, %cond3A_161 : i32
      scf.if %cond3A_162 {
        %dma_wait3A_243 = arith.constant 0 : i32
        %dma_wait3A_244 = arith.constant 0 : i32
        %dma_wait3A_245 = tpu.memref_slice %arg2[%dma_wait3A_243, %dma_wait3A_244] : memref<10000x128xf32, #tpu.memory_space<hbm>> -> memref<100x128xf32, #tpu.memory_space<hbm>>
        %dma_wait3A_246 = arith.constant 0 : i32
        %dma_wait3A_247 = arith.constant 0 : i32
        %dma_wait3A_248 = tpu.memref_slice %arg2[%dma_wait3A_246, %dma_wait3A_247] : memref<10000x128xf32, #tpu.memory_space<hbm>> -> memref<100x128xf32, #tpu.memory_space<hbm>>
        tpu.wait_dma2 semaphore(%arg20 : memref<!tpu.dma_semaphore, #tpu.memory_space<semaphore_mem>>) src(%dma_wait3A_248 : memref<100x128xf32, #tpu.memory_space<hbm>>) dst(%arg13 : memref<100x128xf32, #tpu.memory_space<vmem>>)
      } else {
      }
      %add3A_163 = arith.constant 2 : i32
      %add3A_164 = arith.addi %add3A_152, %add3A_163 : i32
      %eq3A_165 = arith.constant 0 : i32
      %eq3A_166 = arith.cmpi eq, %arg0, %eq3A_165 : i32
      %convert_element_type3A_167 = arith.extui %eq3A_166 : i1 to i32
      %cond3A_168 = arith.constant 0 : i32
      %cond3A_169 = arith.cmpi ne, %convert_element_type3A_167, %cond3A_168 : i32
      scf.if %cond3A_169 {
        %dma_start3A_243 = arith.constant 0 : i32
        %dma_start3A_244 = tpu.memref_slice %arg9[%add3A_164, %dma_start3A_243] : memref<50x100xi32, #tpu.memory_space<vmem>> -> memref<1x100xi32, #tpu.memory_space<vmem>>
        %dma_start3A_245 = tpu.memref_squeeze %dma_start3A_244 : memref<1x100xi32, #tpu.memory_space<vmem>> -> memref<100xi32, #tpu.memory_space<vmem>>
        %dma_start3A_246 = arith.constant 0 : i32
        %dma_start3A_247 = arith.constant 0 : i32
        %dma_start3A_248 = tpu.memref_slice %arg2[%dma_start3A_246, %dma_start3A_247] : memref<10000x128xf32, #tpu.memory_space<hbm>> -> memref<10000x128xf32, #tpu.memory_space<hbm>>
        tpu.enqueue_indirect_dma source(%dma_start3A_248 : memref<10000x128xf32, #tpu.memory_space<hbm>>) target(%arg13 : memref<100x128xf32, #tpu.memory_space<vmem>>) offsets(%dma_start3A_245 : memref<100xi32, #tpu.memory_space<vmem>>) semaphore(%arg17 : memref<!tpu.dma_semaphore, #tpu.memory_space<semaphore_mem>>)
      } else {
      }
      %eq3A_170 = arith.constant 1 : i32
      %eq3A_171 = arith.cmpi eq, %arg0, %eq3A_170 : i32
      %convert_element_type3A_172 = arith.extui %eq3A_171 : i1 to i32
      %cond3A_173 = arith.constant 0 : i32
      %cond3A_174 = arith.cmpi ne, %convert_element_type3A_172, %cond3A_173 : i32
      scf.if %cond3A_174 {
        %dma_start3A_243 = arith.constant 0 : i32
        %dma_start3A_244 = tpu.memref_slice %arg9[%add3A_164, %dma_start3A_243] : memref<50x100xi32, #tpu.memory_space<vmem>> -> memref<1x100xi32, #tpu.memory_space<vmem>>
        %dma_start3A_245 = tpu.memref_squeeze %dma_start3A_244 : memref<1x100xi32, #tpu.memory_space<vmem>> -> memref<100xi32, #tpu.memory_space<vmem>>
        %dma_start3A_246 = arith.constant 0 : i32
        %dma_start3A_247 = arith.constant 0 : i32
        %dma_start3A_248 = tpu.memref_slice %arg3[%dma_start3A_246, %dma_start3A_247] : memref<10000x128xf32, #tpu.memory_space<hbm>> -> memref<10000x128xf32, #tpu.memory_space<hbm>>
        tpu.enqueue_indirect_dma source(%dma_start3A_248 : memref<10000x128xf32, #tpu.memory_space<hbm>>) target(%arg13 : memref<100x128xf32, #tpu.memory_space<vmem>>) offsets(%dma_start3A_245 : memref<100xi32, #tpu.memory_space<vmem>>) semaphore(%arg17 : memref<!tpu.dma_semaphore, #tpu.memory_space<semaphore_mem>>)
      } else {
      }
      %dma_start3A_175 = arith.constant 0 : i32
      %dma_start3A_176 = tpu.memref_slice %arg10[%add3A_152, %dma_start3A_175] : memref<50x100xi32, #tpu.memory_space<vmem>> -> memref<1x100xi32, #tpu.memory_space<vmem>>
      %dma_start3A_177 = tpu.memref_squeeze %dma_start3A_176 : memref<1x100xi32, #tpu.memory_space<vmem>> -> memref<100xi32, #tpu.memory_space<vmem>>
      %dma_start3A_178 = arith.constant 0 : i32
      %dma_start3A_179 = arith.constant 0 : i32
      %dma_start3A_180 = tpu.memref_slice %arg14[%dma_start3A_178, %dma_start3A_179] : memref<10000x128xf32, #tpu.memory_space<vmem_shared>> -> memref<10000x128xf32, #tpu.memory_space<vmem_shared>>
      tpu.enqueue_indirect_dma source(%arg11 : memref<100x128xf32, #tpu.memory_space<vmem>>) target(%dma_start3A_180 : memref<10000x128xf32, #tpu.memory_space<vmem_shared>>) offsets(%dma_start3A_177 : memref<100xi32, #tpu.memory_space<vmem>>) semaphore(%arg18 : memref<!tpu.dma_semaphore, #tpu.memory_space<semaphore_mem>>) {add = true}
      %add3A_181 = arith.constant 1 : i32
      %add3A_182 = arith.addi %add3A_150, %add3A_181 : i32
      %dma_wait3A_183 = arith.constant 0 : i32
      %dma_wait3A_184 = arith.constant 0 : i32
      %dma_wait3A_185 = tpu.memref_slice %arg2[%dma_wait3A_183, %dma_wait3A_184] : memref<10000x128xf32, #tpu.memory_space<hbm>> -> memref<100x128xf32, #tpu.memory_space<hbm>>
      %dma_wait3A_186 = arith.constant 0 : i32
      %dma_wait3A_187 = arith.constant 0 : i32
      %dma_wait3A_188 = tpu.memref_slice %arg2[%dma_wait3A_186, %dma_wait3A_187] : memref<10000x128xf32, #tpu.memory_space<hbm>> -> memref<100x128xf32, #tpu.memory_space<hbm>>
      tpu.wait_dma2 semaphore(%arg16 : memref<!tpu.dma_semaphore, #tpu.memory_space<semaphore_mem>>) src(%dma_wait3A_188 : memref<100x128xf32, #tpu.memory_space<hbm>>) dst(%arg12 : memref<100x128xf32, #tpu.memory_space<vmem>>)
      %ge3A_189 = arith.constant 1 : i32
      %ge3A_190 = arith.cmpi sge, %add3A_182, %ge3A_189 : i32
      %convert_element_type3A_191 = arith.extui %ge3A_190 : i1 to i32
      %cond3A_192 = arith.constant 0 : i32
      %cond3A_193 = arith.cmpi ne, %convert_element_type3A_191, %cond3A_192 : i32
      scf.if %cond3A_193 {
        %dma_wait3A_243 = arith.constant 0 : i32
        %dma_wait3A_244 = arith.constant 0 : i32
        %dma_wait3A_245 = tpu.memref_slice %arg2[%dma_wait3A_243, %dma_wait3A_244] : memref<10000x128xf32, #tpu.memory_space<hbm>> -> memref<100x128xf32, #tpu.memory_space<hbm>>
        %dma_wait3A_246 = arith.constant 0 : i32
        %dma_wait3A_247 = arith.constant 0 : i32
        %dma_wait3A_248 = tpu.memref_slice %arg2[%dma_wait3A_246, %dma_wait3A_247] : memref<10000x128xf32, #tpu.memory_space<hbm>> -> memref<100x128xf32, #tpu.memory_space<hbm>>
        tpu.wait_dma2 semaphore(%arg18 : memref<!tpu.dma_semaphore, #tpu.memory_space<semaphore_mem>>) src(%dma_wait3A_248 : memref<100x128xf32, #tpu.memory_space<hbm>>) dst(%arg11 : memref<100x128xf32, #tpu.memory_space<vmem>>)
      } else {
      }
      %add3A_194 = arith.constant 2 : i32
      %add3A_195 = arith.addi %add3A_182, %add3A_194 : i32
      %eq3A_196 = arith.constant 0 : i32
      %eq3A_197 = arith.cmpi eq, %arg0, %eq3A_196 : i32
      %convert_element_type3A_198 = arith.extui %eq3A_197 : i1 to i32
      %cond3A_199 = arith.constant 0 : i32
      %cond3A_200 = arith.cmpi ne, %convert_element_type3A_198, %cond3A_199 : i32
      scf.if %cond3A_200 {
        %dma_start3A_243 = arith.constant 0 : i32
        %dma_start3A_244 = tpu.memref_slice %arg9[%add3A_195, %dma_start3A_243] : memref<50x100xi32, #tpu.memory_space<vmem>> -> memref<1x100xi32, #tpu.memory_space<vmem>>
        %dma_start3A_245 = tpu.memref_squeeze %dma_start3A_244 : memref<1x100xi32, #tpu.memory_space<vmem>> -> memref<100xi32, #tpu.memory_space<vmem>>
        %dma_start3A_246 = arith.constant 0 : i32
        %dma_start3A_247 = arith.constant 0 : i32
        %dma_start3A_248 = tpu.memref_slice %arg2[%dma_start3A_246, %dma_start3A_247] : memref<10000x128xf32, #tpu.memory_space<hbm>> -> memref<10000x128xf32, #tpu.memory_space<hbm>>
        tpu.enqueue_indirect_dma source(%dma_start3A_248 : memref<10000x128xf32, #tpu.memory_space<hbm>>) target(%arg11 : memref<100x128xf32, #tpu.memory_space<vmem>>) offsets(%dma_start3A_245 : memref<100xi32, #tpu.memory_space<vmem>>) semaphore(%arg15 : memref<!tpu.dma_semaphore, #tpu.memory_space<semaphore_mem>>)
      } else {
      }
      %eq3A_201 = arith.constant 1 : i32
      %eq3A_202 = arith.cmpi eq, %arg0, %eq3A_201 : i32
      %convert_element_type3A_203 = arith.extui %eq3A_202 : i1 to i32
      %cond3A_204 = arith.constant 0 : i32
      %cond3A_205 = arith.cmpi ne, %convert_element_type3A_203, %cond3A_204 : i32
      scf.if %cond3A_205 {
        %dma_start3A_243 = arith.constant 0 : i32
        %dma_start3A_244 = tpu.memref_slice %arg9[%add3A_195, %dma_start3A_243] : memref<50x100xi32, #tpu.memory_space<vmem>> -> memref<1x100xi32, #tpu.memory_space<vmem>>
        %dma_start3A_245 = tpu.memref_squeeze %dma_start3A_244 : memref<1x100xi32, #tpu.memory_space<vmem>> -> memref<100xi32, #tpu.memory_space<vmem>>
        %dma_start3A_246 = arith.constant 0 : i32
        %dma_start3A_247 = arith.constant 0 : i32
        %dma_start3A_248 = tpu.memref_slice %arg3[%dma_start3A_246, %dma_start3A_247] : memref<10000x128xf32, #tpu.memory_space<hbm>> -> memref<10000x128xf32, #tpu.memory_space<hbm>>
        tpu.enqueue_indirect_dma source(%dma_start3A_248 : memref<10000x128xf32, #tpu.memory_space<hbm>>) target(%arg11 : memref<100x128xf32, #tpu.memory_space<vmem>>) offsets(%dma_start3A_245 : memref<100xi32, #tpu.memory_space<vmem>>) semaphore(%arg15 : memref<!tpu.dma_semaphore, #tpu.memory_space<semaphore_mem>>)
      } else {
      }
      %dma_start3A_206 = arith.constant 0 : i32
      %dma_start3A_207 = tpu.memref_slice %arg10[%add3A_182, %dma_start3A_206] : memref<50x100xi32, #tpu.memory_space<vmem>> -> memref<1x100xi32, #tpu.memory_space<vmem>>
      %dma_start3A_208 = tpu.memref_squeeze %dma_start3A_207 : memref<1x100xi32, #tpu.memory_space<vmem>> -> memref<100xi32, #tpu.memory_space<vmem>>
      %dma_start3A_209 = arith.constant 0 : i32
      %dma_start3A_210 = arith.constant 0 : i32
      %dma_start3A_211 = tpu.memref_slice %arg14[%dma_start3A_209, %dma_start3A_210] : memref<10000x128xf32, #tpu.memory_space<vmem_shared>> -> memref<10000x128xf32, #tpu.memory_space<vmem_shared>>
      tpu.enqueue_indirect_dma source(%arg12 : memref<100x128xf32, #tpu.memory_space<vmem>>) target(%dma_start3A_211 : memref<10000x128xf32, #tpu.memory_space<vmem_shared>>) offsets(%dma_start3A_208 : memref<100xi32, #tpu.memory_space<vmem>>) semaphore(%arg19 : memref<!tpu.dma_semaphore, #tpu.memory_space<semaphore_mem>>) {add = true}
      %add3A_212 = arith.constant 2 : i32
      %add3A_213 = arith.addi %add3A_150, %add3A_212 : i32
      %dma_wait3A_214 = arith.constant 0 : i32
      %dma_wait3A_215 = arith.constant 0 : i32
      %dma_wait3A_216 = tpu.memref_slice %arg2[%dma_wait3A_214, %dma_wait3A_215] : memref<10000x128xf32, #tpu.memory_space<hbm>> -> memref<100x128xf32, #tpu.memory_space<hbm>>
      %dma_wait3A_217 = arith.constant 0 : i32
      %dma_wait3A_218 = arith.constant 0 : i32
      %dma_wait3A_219 = tpu.memref_slice %arg2[%dma_wait3A_217, %dma_wait3A_218] : memref<10000x128xf32, #tpu.memory_space<hbm>> -> memref<100x128xf32, #tpu.memory_space<hbm>>
      tpu.wait_dma2 semaphore(%arg17 : memref<!tpu.dma_semaphore, #tpu.memory_space<semaphore_mem>>) src(%dma_wait3A_219 : memref<100x128xf32, #tpu.memory_space<hbm>>) dst(%arg13 : memref<100x128xf32, #tpu.memory_space<vmem>>)
      %ge3A_220 = arith.constant 1 : i32
      %ge3A_221 = arith.cmpi sge, %add3A_213, %ge3A_220 : i32
      %convert_element_type3A_222 = arith.extui %ge3A_221 : i1 to i32
      %cond3A_223 = arith.constant 0 : i32
      %cond3A_224 = arith.cmpi ne, %convert_element_type3A_222, %cond3A_223 : i32
      scf.if %cond3A_224 {
        %dma_wait3A_243 = arith.constant 0 : i32
        %dma_wait3A_244 = arith.constant 0 : i32
        %dma_wait3A_245 = tpu.memref_slice %arg2[%dma_wait3A_243, %dma_wait3A_244] : memref<10000x128xf32, #tpu.memory_space<hbm>> -> memref<100x128xf32, #tpu.memory_space<hbm>>
        %dma_wait3A_246 = arith.constant 0 : i32
        %dma_wait3A_247 = arith.constant 0 : i32
        %dma_wait3A_248 = tpu.memref_slice %arg2[%dma_wait3A_246, %dma_wait3A_247] : memref<10000x128xf32, #tpu.memory_space<hbm>> -> memref<100x128xf32, #tpu.memory_space<hbm>>
        tpu.wait_dma2 semaphore(%arg19 : memref<!tpu.dma_semaphore, #tpu.memory_space<semaphore_mem>>) src(%dma_wait3A_248 : memref<100x128xf32, #tpu.memory_space<hbm>>) dst(%arg12 : memref<100x128xf32, #tpu.memory_space<vmem>>)
      } else {
      }
      %add3A_225 = arith.constant 2 : i32
      %add3A_226 = arith.addi %add3A_213, %add3A_225 : i32
      %eq3A_227 = arith.constant 0 : i32
      %eq3A_228 = arith.cmpi eq, %arg0, %eq3A_227 : i32
      %convert_element_type3A_229 = arith.extui %eq3A_228 : i1 to i32
      %cond3A_230 = arith.constant 0 : i32
      %cond3A_231 = arith.cmpi ne, %convert_element_type3A_229, %cond3A_230 : i32
      scf.if %cond3A_231 {
        %dma_start3A_243 = arith.constant 0 : i32
        %dma_start3A_244 = tpu.memref_slice %arg9[%add3A_226, %dma_start3A_243] : memref<50x100xi32, #tpu.memory_space<vmem>> -> memref<1x100xi32, #tpu.memory_space<vmem>>
        %dma_start3A_245 = tpu.memref_squeeze %dma_start3A_244 : memref<1x100xi32, #tpu.memory_space<vmem>> -> memref<100xi32, #tpu.memory_space<vmem>>
        %dma_start3A_246 = arith.constant 0 : i32
        %dma_start3A_247 = arith.constant 0 : i32
        %dma_start3A_248 = tpu.memref_slice %arg2[%dma_start3A_246, %dma_start3A_247] : memref<10000x128xf32, #tpu.memory_space<hbm>> -> memref<10000x128xf32, #tpu.memory_space<hbm>>
        tpu.enqueue_indirect_dma source(%dma_start3A_248 : memref<10000x128xf32, #tpu.memory_space<hbm>>) target(%arg12 : memref<100x128xf32, #tpu.memory_space<vmem>>) offsets(%dma_start3A_245 : memref<100xi32, #tpu.memory_space<vmem>>) semaphore(%arg16 : memref<!tpu.dma_semaphore, #tpu.memory_space<semaphore_mem>>)
      } else {
      }
      %eq3A_232 = arith.constant 1 : i32
      %eq3A_233 = arith.cmpi eq, %arg0, %eq3A_232 : i32
      %convert_element_type3A_234 = arith.extui %eq3A_233 : i1 to i32
      %cond3A_235 = arith.constant 0 : i32
      %cond3A_236 = arith.cmpi ne, %convert_element_type3A_234, %cond3A_235 : i32
      scf.if %cond3A_236 {
        %dma_start3A_243 = arith.constant 0 : i32
        %dma_start3A_244 = tpu.memref_slice %arg9[%add3A_226, %dma_start3A_243] : memref<50x100xi32, #tpu.memory_space<vmem>> -> memref<1x100xi32, #tpu.memory_space<vmem>>
        %dma_start3A_245 = tpu.memref_squeeze %dma_start3A_244 : memref<1x100xi32, #tpu.memory_space<vmem>> -> memref<100xi32, #tpu.memory_space<vmem>>
        %dma_start3A_246 = arith.constant 0 : i32
        %dma_start3A_247 = arith.constant 0 : i32
        %dma_start3A_248 = tpu.memref_slice %arg3[%dma_start3A_246, %dma_start3A_247] : memref<10000x128xf32, #tpu.memory_space<hbm>> -> memref<10000x128xf32, #tpu.memory_space<hbm>>
        tpu.enqueue_indirect_dma source(%dma_start3A_248 : memref<10000x128xf32, #tpu.memory_space<hbm>>) target(%arg12 : memref<100x128xf32, #tpu.memory_space<vmem>>) offsets(%dma_start3A_245 : memref<100xi32, #tpu.memory_space<vmem>>) semaphore(%arg16 : memref<!tpu.dma_semaphore, #tpu.memory_space<semaphore_mem>>)
      } else {
      }
      %dma_start3A_237 = arith.constant 0 : i32
      %dma_start3A_238 = tpu.memref_slice %arg10[%add3A_213, %dma_start3A_237] : memref<50x100xi32, #tpu.memory_space<vmem>> -> memref<1x100xi32, #tpu.memory_space<vmem>>
      %dma_start3A_239 = tpu.memref_squeeze %dma_start3A_238 : memref<1x100xi32, #tpu.memory_space<vmem>> -> memref<100xi32, #tpu.memory_space<vmem>>
      %dma_start3A_240 = arith.constant 0 : i32
      %dma_start3A_241 = arith.constant 0 : i32
      %dma_start3A_242 = tpu.memref_slice %arg14[%dma_start3A_240, %dma_start3A_241] : memref<10000x128xf32, #tpu.memory_space<vmem_shared>> -> memref<10000x128xf32, #tpu.memory_space<vmem_shared>>
      tpu.enqueue_indirect_dma source(%arg13 : memref<100x128xf32, #tpu.memory_space<vmem>>) target(%dma_start3A_242 : memref<10000x128xf32, #tpu.memory_space<vmem_shared>>) offsets(%dma_start3A_239 : memref<100xi32, #tpu.memory_space<vmem>>) semaphore(%arg20 : memref<!tpu.dma_semaphore, #tpu.memory_space<semaphore_mem>>) {add = true}
    }
    %scan3A_91 = arith.constant 16 : i32
    %dma_wait3A_92 = arith.constant 0 : i32
    %dma_wait3A_93 = arith.constant 0 : i32
    %dma_wait3A_94 = tpu.memref_slice %arg2[%dma_wait3A_92, %dma_wait3A_93] : memref<10000x128xf32, #tpu.memory_space<hbm>> -> memref<100x128xf32, #tpu.memory_space<hbm>>
    %dma_wait3A_95 = arith.constant 0 : i32
    %dma_wait3A_96 = arith.constant 0 : i32
    %dma_wait3A_97 = tpu.memref_slice %arg2[%dma_wait3A_95, %dma_wait3A_96] : memref<10000x128xf32, #tpu.memory_space<hbm>> -> memref<100x128xf32, #tpu.memory_space<hbm>>
    tpu.wait_dma2 semaphore(%arg15 : memref<!tpu.dma_semaphore, #tpu.memory_space<semaphore_mem>>) src(%dma_wait3A_97 : memref<100x128xf32, #tpu.memory_space<hbm>>) dst(%arg11 : memref<100x128xf32, #tpu.memory_space<vmem>>)
    %dma_wait3A_98 = arith.constant 0 : i32
    %dma_wait3A_99 = arith.constant 0 : i32
    %dma_wait3A_100 = tpu.memref_slice %arg2[%dma_wait3A_98, %dma_wait3A_99] : memref<10000x128xf32, #tpu.memory_space<hbm>> -> memref<100x128xf32, #tpu.memory_space<hbm>>
    %dma_wait3A_101 = arith.constant 0 : i32
    %dma_wait3A_102 = arith.constant 0 : i32
    %dma_wait3A_103 = tpu.memref_slice %arg2[%dma_wait3A_101, %dma_wait3A_102] : memref<10000x128xf32, #tpu.memory_space<hbm>> -> memref<100x128xf32, #tpu.memory_space<hbm>>
    tpu.wait_dma2 semaphore(%arg20 : memref<!tpu.dma_semaphore, #tpu.memory_space<semaphore_mem>>) src(%dma_wait3A_103 : memref<100x128xf32, #tpu.memory_space<hbm>>) dst(%arg13 : memref<100x128xf32, #tpu.memory_space<vmem>>)
    %dma_start3A_104 = arith.constant 48 : i32
    %dma_start3A_105 = arith.constant 0 : i32
    %dma_start3A_106 = tpu.memref_slice %arg10[%dma_start3A_104, %dma_start3A_105] : memref<50x100xi32, #tpu.memory_space<vmem>> -> memref<1x100xi32, #tpu.memory_space<vmem>>
    %dma_start3A_107 = tpu.memref_squeeze %dma_start3A_106 : memref<1x100xi32, #tpu.memory_space<vmem>> -> memref<100xi32, #tpu.memory_space<vmem>>
    %dma_start3A_108 = arith.constant 0 : i32
    %dma_start3A_109 = arith.constant 0 : i32
    %dma_start3A_110 = tpu.memref_slice %arg14[%dma_start3A_108, %dma_start3A_109] : memref<10000x128xf32, #tpu.memory_space<vmem_shared>> -> memref<10000x128xf32, #tpu.memory_space<vmem_shared>>
    tpu.enqueue_indirect_dma source(%arg11 : memref<100x128xf32, #tpu.memory_space<vmem>>) target(%dma_start3A_110 : memref<10000x128xf32, #tpu.memory_space<vmem_shared>>) offsets(%dma_start3A_107 : memref<100xi32, #tpu.memory_space<vmem>>) semaphore(%arg18 : memref<!tpu.dma_semaphore, #tpu.memory_space<semaphore_mem>>) {add = true}
    %dma_wait3A_111 = arith.constant 0 : i32
    %dma_wait3A_112 = arith.constant 0 : i32
    %dma_wait3A_113 = tpu.memref_slice %arg2[%dma_wait3A_111, %dma_wait3A_112] : memref<10000x128xf32, #tpu.memory_space<hbm>> -> memref<100x128xf32, #tpu.memory_space<hbm>>
    %dma_wait3A_114 = arith.constant 0 : i32
    %dma_wait3A_115 = arith.constant 0 : i32
    %dma_wait3A_116 = tpu.memref_slice %arg2[%dma_wait3A_114, %dma_wait3A_115] : memref<10000x128xf32, #tpu.memory_space<hbm>> -> memref<100x128xf32, #tpu.memory_space<hbm>>
    tpu.wait_dma2 semaphore(%arg16 : memref<!tpu.dma_semaphore, #tpu.memory_space<semaphore_mem>>) src(%dma_wait3A_116 : memref<100x128xf32, #tpu.memory_space<hbm>>) dst(%arg12 : memref<100x128xf32, #tpu.memory_space<vmem>>)
    %dma_wait3A_117 = arith.constant 0 : i32
    %dma_wait3A_118 = arith.constant 0 : i32
    %dma_wait3A_119 = tpu.memref_slice %arg2[%dma_wait3A_117, %dma_wait3A_118] : memref<10000x128xf32, #tpu.memory_space<hbm>> -> memref<100x128xf32, #tpu.memory_space<hbm>>
    %dma_wait3A_120 = arith.constant 0 : i32
    %dma_wait3A_121 = arith.constant 0 : i32
    %dma_wait3A_122 = tpu.memref_slice %arg2[%dma_wait3A_120, %dma_wait3A_121] : memref<10000x128xf32, #tpu.memory_space<hbm>> -> memref<100x128xf32, #tpu.memory_space<hbm>>
    tpu.wait_dma2 semaphore(%arg18 : memref<!tpu.dma_semaphore, #tpu.memory_space<semaphore_mem>>) src(%dma_wait3A_122 : memref<100x128xf32, #tpu.memory_space<hbm>>) dst(%arg11 : memref<100x128xf32, #tpu.memory_space<vmem>>)
    %dma_start3A_123 = arith.constant 49 : i32
    %dma_start3A_124 = arith.constant 0 : i32
    %dma_start3A_125 = tpu.memref_slice %arg10[%dma_start3A_123, %dma_start3A_124] : memref<50x100xi32, #tpu.memory_space<vmem>> -> memref<1x100xi32, #tpu.memory_space<vmem>>
    %dma_start3A_126 = tpu.memref_squeeze %dma_start3A_125 : memref<1x100xi32, #tpu.memory_space<vmem>> -> memref<100xi32, #tpu.memory_space<vmem>>
    %dma_start3A_127 = arith.constant 0 : i32
    %dma_start3A_128 = arith.constant 0 : i32
    %dma_start3A_129 = tpu.memref_slice %arg14[%dma_start3A_127, %dma_start3A_128] : memref<10000x128xf32, #tpu.memory_space<vmem_shared>> -> memref<10000x128xf32, #tpu.memory_space<vmem_shared>>
    tpu.enqueue_indirect_dma source(%arg12 : memref<100x128xf32, #tpu.memory_space<vmem>>) target(%dma_start3A_129 : memref<10000x128xf32, #tpu.memory_space<vmem_shared>>) offsets(%dma_start3A_126 : memref<100xi32, #tpu.memory_space<vmem>>) semaphore(%arg19 : memref<!tpu.dma_semaphore, #tpu.memory_space<semaphore_mem>>) {add = true}
    %dma_wait3A_130 = arith.constant 0 : i32
    %dma_wait3A_131 = arith.constant 0 : i32
    %dma_wait3A_132 = tpu.memref_slice %arg2[%dma_wait3A_130, %dma_wait3A_131] : memref<10000x128xf32, #tpu.memory_space<hbm>> -> memref<100x128xf32, #tpu.memory_space<hbm>>
    %dma_wait3A_133 = arith.constant 0 : i32
    %dma_wait3A_134 = arith.constant 0 : i32
    %dma_wait3A_135 = tpu.memref_slice %arg2[%dma_wait3A_133, %dma_wait3A_134] : memref<10000x128xf32, #tpu.memory_space<hbm>> -> memref<100x128xf32, #tpu.memory_space<hbm>>
    tpu.wait_dma2 semaphore(%arg19 : memref<!tpu.dma_semaphore, #tpu.memory_space<semaphore_mem>>) src(%dma_wait3A_135 : memref<100x128xf32, #tpu.memory_space<hbm>>) dst(%arg12 : memref<100x128xf32, #tpu.memory_space<vmem>>)
    %barrier3A_136 = arith.constant 0 : index
    tpu.barrier barrier_id(%barrier3A_136)
    %eq3A_137 = arith.constant 0 : i32
    %eq3A_138 = arith.cmpi eq, %arg0, %eq3A_137 : i32
    %convert_element_type3A_139 = arith.extui %eq3A_138 : i1 to i32
    %cond3A_140 = arith.constant 0 : i32
    %cond3A_141 = arith.cmpi ne, %convert_element_type3A_139, %cond3A_140 : i32
    scf.if %cond3A_141 {
      "tpu.region"() ({
        %run_scoped3A_147 = tpu.sem_alloc : memref<!tpu.dma_semaphore, #tpu.memory_space<semaphore_mem>>
        %dma_start3A_148 = arith.constant 0 : i32
        %dma_start3A_149 = tpu.memref_slice %arg7[%mul3A_0, %dma_start3A_148] : memref<10000x128xf32, #tpu.memory_space<hbm>> -> memref<625x128xf32, #tpu.memory_space<hbm>>
        %dma_start3A_150 = arith.constant 0 : i32
        %dma_start3A_151 = tpu.memref_slice %arg14[%mul3A_0, %dma_start3A_150] : memref<10000x128xf32, #tpu.memory_space<vmem_shared>> -> memref<625x128xf32, #tpu.memory_space<vmem_shared>>
        tpu.enqueue_dma source(%dma_start3A_151 : memref<625x128xf32, #tpu.memory_space<vmem_shared>>) target(%dma_start3A_149 : memref<625x128xf32, #tpu.memory_space<hbm>>) target_semaphore(%run_scoped3A_147 : memref<!tpu.dma_semaphore, #tpu.memory_space<semaphore_mem>>)
        %dma_wait3A_152 = arith.constant 0 : i32
        %dma_wait3A_153 = tpu.memref_slice %arg7[%mul3A_0, %dma_wait3A_152] : memref<10000x128xf32, #tpu.memory_space<hbm>> -> memref<625x128xf32, #tpu.memory_space<hbm>>
        %dma_wait3A_154 = arith.constant 0 : i32
        %dma_wait3A_155 = tpu.memref_slice %arg14[%mul3A_0, %dma_wait3A_154] : memref<10000x128xf32, #tpu.memory_space<vmem_shared>> -> memref<625x128xf32, #tpu.memory_space<vmem_shared>>
        tpu.wait_dma2 semaphore(%run_scoped3A_147 : memref<!tpu.dma_semaphore, #tpu.memory_space<semaphore_mem>>) src(%dma_wait3A_155 : memref<625x128xf32, #tpu.memory_space<vmem_shared>>) dst(%dma_wait3A_153 : memref<625x128xf32, #tpu.memory_space<hbm>>)
        tpu.yield
      }) : () -> ()
    } else {
    }
    %eq3A_142 = arith.constant 1 : i32
    %eq3A_143 = arith.cmpi eq, %arg0, %eq3A_142 : i32
    %convert_element_type3A_144 = arith.extui %eq3A_143 : i1 to i32
    %cond3A_145 = arith.constant 0 : i32
    %cond3A_146 = arith.cmpi ne, %convert_element_type3A_144, %cond3A_145 : i32
    scf.if %cond3A_146 {
      "tpu.region"() ({
        %run_scoped3A_147 = tpu.sem_alloc : memref<!tpu.dma_semaphore, #tpu.memory_space<semaphore_mem>>
        %dma_start3A_148 = arith.constant 0 : i32
        %dma_start3A_149 = tpu.memref_slice %arg8[%mul3A_0, %dma_start3A_148] : memref<10000x128xf32, #tpu.memory_space<hbm>> -> memref<625x128xf32, #tpu.memory_space<hbm>>
        %dma_start3A_150 = arith.constant 0 : i32
        %dma_start3A_151 = tpu.memref_slice %arg14[%mul3A_0, %dma_start3A_150] : memref<10000x128xf32, #tpu.memory_space<vmem_shared>> -> memref<625x128xf32, #tpu.memory_space<vmem_shared>>
        tpu.enqueue_dma source(%dma_start3A_151 : memref<625x128xf32, #tpu.memory_space<vmem_shared>>) target(%dma_start3A_149 : memref<625x128xf32, #tpu.memory_space<hbm>>) target_semaphore(%run_scoped3A_147 : memref<!tpu.dma_semaphore, #tpu.memory_space<semaphore_mem>>)
        %dma_wait3A_152 = arith.constant 0 : i32
        %dma_wait3A_153 = tpu.memref_slice %arg8[%mul3A_0, %dma_wait3A_152] : memref<10000x128xf32, #tpu.memory_space<hbm>> -> memref<625x128xf32, #tpu.memory_space<hbm>>
        %dma_wait3A_154 = arith.constant 0 : i32
        %dma_wait3A_155 = tpu.memref_slice %arg14[%mul3A_0, %dma_wait3A_154] : memref<10000x128xf32, #tpu.memory_space<vmem_shared>> -> memref<625x128xf32, #tpu.memory_space<vmem_shared>>
        tpu.wait_dma2 semaphore(%run_scoped3A_147 : memref<!tpu.dma_semaphore, #tpu.memory_space<semaphore_mem>>) src(%dma_wait3A_155 : memref<625x128xf32, #tpu.memory_space<vmem_shared>>) dst(%dma_wait3A_153 : memref<625x128xf32, #tpu.memory_space<hbm>>)
        tpu.yield
      }) : () -> ()
    } else {
    }
    return
  }
}

module attributes {stable_mosaic.version = 14 : i64} {
  func.func @_mm_body(%arg0: i32, %arg1: memref<1000x128xf32, #tpu.memory_space<vmem>>, %arg2: memref<1000x128xf32, #tpu.memory_space<vmem>>, %arg3: memref<256x256xf32, #tpu.memory_space<vmem>>, %arg4: memref<1x256xf32, #tpu.memory_space<vmem>>, %arg5: memref<1000x128xf32, #tpu.memory_space<vmem>>, %arg6: memref<1000x128xf32, #tpu.memory_space<vmem>>) attributes {dimension_semantics = [#tpu.dimension_semantics<arbitrary>], iteration_bounds = array<i64: 10>, scalar_prefetch = 0 : i64, scratch_operands = 0 : i64, tpu.core_type = #tpu.core_type<tc>, window_params = [{transform_indices = @transform_0, window_bounds = array<i64: 1000, 128>}, {transform_indices = @transform_1, window_bounds = array<i64: 1000, 128>}, {pipeline_mode = #tpu.pipeline_mode<synchronous>, transform_indices = @transform_2, window_bounds = array<i64: 256, 256>}, {pipeline_mode = #tpu.pipeline_mode<synchronous>, transform_indices = @transform_3, window_bounds = array<i64: 1, 256>}, {transform_indices = @transform_4, window_bounds = array<i64: 1000, 128>}, {transform_indices = @transform_5, window_bounds = array<i64: 1000, 128>}]} {
    %get3A = arith.constant 0 : index
    %get3A_0 = arith.constant 0 : index
    %get3A_1 = vector.load %arg1[%get3A, %get3A_0] : memref<1000x128xf32, #tpu.memory_space<vmem>>, vector<1000x128xf32>
    %get3A_2 = arith.constant 0 : index
    %get3A_3 = arith.constant 0 : index
    %get3A_4 = vector.load %arg2[%get3A_2, %get3A_3] : memref<1000x128xf32, #tpu.memory_space<vmem>>, vector<1000x128xf32>
    %get3A_5 = arith.constant 0 : index
    %get3A_6 = arith.constant 0 : index
    %get3A_7 = vector.load %arg3[%get3A_5, %get3A_6] : memref<256x256xf32, #tpu.memory_space<vmem>>, vector<128x256xf32>
    %dot_general3A = arith.constant dense<0.000000e+00> : vector<1000x256xf32>
    %dot_general3A_8 = tpu.matmul %get3A_1, %get3A_7, %dot_general3A {dimension_numbers = #tpu.dot_dimension_numbers<[1], [0], [0], [1], [0, 0, 1, 1], [], []>, transpose_lhs_hint = false} : vector<1000x128xf32>, vector<128x256xf32>, vector<1000x256xf32> -> vector<1000x256xf32>
    %get3A_9 = arith.constant 128 : index
    %get3A_10 = arith.constant 0 : index
    %get3A_11 = vector.load %arg3[%get3A_9, %get3A_10] : memref<256x256xf32, #tpu.memory_space<vmem>>, vector<128x256xf32>
    %dot_general3A_12 = arith.constant dense<0.000000e+00> : vector<1000x256xf32>
    %dot_general3A_13 = tpu.matmul %get3A_4, %get3A_11, %dot_general3A_12 {dimension_numbers = #tpu.dot_dimension_numbers<[1], [0], [0], [1], [0, 0, 1, 1], [], []>, transpose_lhs_hint = false} : vector<1000x128xf32>, vector<128x256xf32>, vector<1000x256xf32> -> vector<1000x256xf32>
    %add3A = arith.addf %dot_general3A_8, %dot_general3A_13 : vector<1000x256xf32>
    %get3A_14 = arith.constant 0 : index
    %get3A_15 = arith.constant 0 : index
    %get3A_16 = vector.load %arg4[%get3A_14, %get3A_15] : memref<1x256xf32, #tpu.memory_space<vmem>>, vector<1x256xf32>
    %add3A_17 = vector.broadcast %get3A_16 : vector<1x256xf32> to vector<1000x256xf32>
    %add3A_18 = arith.addf %add3A, %add3A_17 : vector<1000x256xf32>
    %slice3A = vector.extract_strided_slice %add3A_18 {offsets = [0, 0], sizes = [1000, 128], strides = [1, 1]} : vector<1000x256xf32> to vector<1000x128xf32>
    %swap3A = arith.constant 0 : index
    %swap3A_19 = arith.constant 0 : index
    %swap3A_20 = vector.load %arg5[%swap3A, %swap3A_19] : memref<1000x128xf32, #tpu.memory_space<vmem>>, vector<1000x128xf32>
    tpu.vector_store %arg5[%swap3A, %swap3A_19], %slice3A {strides = array<i32>} : memref<1000x128xf32, #tpu.memory_space<vmem>>, vector<1000x128xf32>,
    %slice3A_21 = vector.extract_strided_slice %add3A_18 {offsets = [0, 128], sizes = [1000, 128], strides = [1, 1]} : vector<1000x256xf32> to vector<1000x128xf32>
    %swap3A_22 = arith.constant 0 : index
    %swap3A_23 = arith.constant 0 : index
    %swap3A_24 = vector.load %arg6[%swap3A_22, %swap3A_23] : memref<1000x128xf32, #tpu.memory_space<vmem>>, vector<1000x128xf32>
    tpu.vector_store %arg6[%swap3A_22, %swap3A_23], %slice3A_21 {strides = array<i32>} : memref<1000x128xf32, #tpu.memory_space<vmem>>, vector<1000x128xf32>,
    return
  }
  func.func @transform_0(%arg0: i32) -> (i32, i32) {
    %c0_i32 = arith.constant 0 : i32
    %c0_i32_0 = arith.constant 0 : i32
    return %arg0, %c0_i32 : i32, i32
  }
  func.func @transform_1(%arg0: i32) -> (i32, i32) {
    %c0_i32 = arith.constant 0 : i32
    %c0_i32_0 = arith.constant 0 : i32
    return %arg0, %c0_i32 : i32, i32
  }
  func.func @transform_2(%arg0: i32) -> (i32, i32) {
    %c0_i32 = arith.constant 0 : i32
    %c0_i32_0 = arith.constant 0 : i32
    %c0_i32_1 = arith.constant 0 : i32
    return %c0_i32, %c0_i32_0 : i32, i32
  }
  func.func @transform_3(%arg0: i32) -> (i32, i32) {
    %c0_i32 = arith.constant 0 : i32
    %c0_i32_0 = arith.constant 0 : i32
    %c0_i32_1 = arith.constant 0 : i32
    return %c0_i32, %c0_i32_0 : i32, i32
  }
  func.func @transform_4(%arg0: i32) -> (i32, i32) {
    %c0_i32 = arith.constant 0 : i32
    %c0_i32_0 = arith.constant 0 : i32
    return %arg0, %c0_i32 : i32, i32
  }
  func.func @transform_5(%arg0: i32) -> (i32, i32) {
    %c0_i32 = arith.constant 0 : i32
    %c0_i32_0 = arith.constant 0 : i32
    return %arg0, %c0_i32 : i32, i32
  }
}

module attributes {stable_mosaic.version = 14 : i64} {
  func.func @_mm_body(%arg0: i32, %arg1: memref<1000x128xf32, #tpu.memory_space<vmem>>, %arg2: memref<1000x128xf32, #tpu.memory_space<vmem>>, %arg3: memref<256x256xf32, #tpu.memory_space<vmem>>, %arg4: memref<1x256xf32, #tpu.memory_space<vmem>>, %arg5: memref<1000x128xf32, #tpu.memory_space<vmem>>, %arg6: memref<1000x128xf32, #tpu.memory_space<vmem>>) attributes {dimension_semantics = [#tpu.dimension_semantics<arbitrary>], iteration_bounds = array<i64: 10>, scalar_prefetch = 0 : i64, scratch_operands = 0 : i64, tpu.core_type = #tpu.core_type<tc>, window_params = [{transform_indices = @transform_0, window_bounds = array<i64: 1000, 128>}, {transform_indices = @transform_1, window_bounds = array<i64: 1000, 128>}, {pipeline_mode = #tpu.pipeline_mode<synchronous>, transform_indices = @transform_2, window_bounds = array<i64: 256, 256>}, {pipeline_mode = #tpu.pipeline_mode<synchronous>, transform_indices = @transform_3, window_bounds = array<i64: 1, 256>}, {transform_indices = @transform_4, window_bounds = array<i64: 1000, 128>}, {transform_indices = @transform_5, window_bounds = array<i64: 1000, 128>}]} {
    %get3A = arith.constant 0 : index
    %get3A_0 = arith.constant 0 : index
    %get3A_1 = vector.load %arg1[%get3A, %get3A_0] : memref<1000x128xf32, #tpu.memory_space<vmem>>, vector<1000x128xf32>
    %get3A_2 = arith.constant 0 : index
    %get3A_3 = arith.constant 0 : index
    %get3A_4 = vector.load %arg2[%get3A_2, %get3A_3] : memref<1000x128xf32, #tpu.memory_space<vmem>>, vector<1000x128xf32>
    %max3A = arith.constant 0.000000e+00 : f32
    %max3A_5 = vector.broadcast %max3A : f32 to vector<1000x128xf32>
    %max3A_6 = arith.maximumf %get3A_1, %max3A_5 : vector<1000x128xf32>
    %max3A_7 = arith.constant 0.000000e+00 : f32
    %max3A_8 = vector.broadcast %max3A_7 : f32 to vector<1000x128xf32>
    %max3A_9 = arith.maximumf %get3A_4, %max3A_8 : vector<1000x128xf32>
    %get3A_10 = arith.constant 0 : index
    %get3A_11 = arith.constant 0 : index
    %get3A_12 = vector.load %arg3[%get3A_10, %get3A_11] : memref<256x256xf32, #tpu.memory_space<vmem>>, vector<128x256xf32>
    %dot_general3A = arith.constant dense<0.000000e+00> : vector<1000x256xf32>
    %dot_general3A_13 = tpu.matmul %max3A_6, %get3A_12, %dot_general3A {dimension_numbers = #tpu.dot_dimension_numbers<[1], [0], [0], [1], [0, 0, 1, 1], [], []>, transpose_lhs_hint = false} : vector<1000x128xf32>, vector<128x256xf32>, vector<1000x256xf32> -> vector<1000x256xf32>
    %get3A_14 = arith.constant 128 : index
    %get3A_15 = arith.constant 0 : index
    %get3A_16 = vector.load %arg3[%get3A_14, %get3A_15] : memref<256x256xf32, #tpu.memory_space<vmem>>, vector<128x256xf32>
    %dot_general3A_17 = arith.constant dense<0.000000e+00> : vector<1000x256xf32>
    %dot_general3A_18 = tpu.matmul %max3A_9, %get3A_16, %dot_general3A_17 {dimension_numbers = #tpu.dot_dimension_numbers<[1], [0], [0], [1], [0, 0, 1, 1], [], []>, transpose_lhs_hint = false} : vector<1000x128xf32>, vector<128x256xf32>, vector<1000x256xf32> -> vector<1000x256xf32>
    %add3A = arith.addf %dot_general3A_13, %dot_general3A_18 : vector<1000x256xf32>
    %get3A_19 = arith.constant 0 : index
    %get3A_20 = arith.constant 0 : index
    %get3A_21 = vector.load %arg4[%get3A_19, %get3A_20] : memref<1x256xf32, #tpu.memory_space<vmem>>, vector<1x256xf32>
    %add3A_22 = vector.broadcast %get3A_21 : vector<1x256xf32> to vector<1000x256xf32>
    %add3A_23 = arith.addf %add3A, %add3A_22 : vector<1000x256xf32>
    %slice3A = vector.extract_strided_slice %add3A_23 {offsets = [0, 0], sizes = [1000, 128], strides = [1, 1]} : vector<1000x256xf32> to vector<1000x128xf32>
    %swap3A = arith.constant 0 : index
    %swap3A_24 = arith.constant 0 : index
    %swap3A_25 = vector.load %arg5[%swap3A, %swap3A_24] : memref<1000x128xf32, #tpu.memory_space<vmem>>, vector<1000x128xf32>
    tpu.vector_store %arg5[%swap3A, %swap3A_24], %slice3A {strides = array<i32>} : memref<1000x128xf32, #tpu.memory_space<vmem>>, vector<1000x128xf32>,
    %slice3A_26 = vector.extract_strided_slice %add3A_23 {offsets = [0, 128], sizes = [1000, 128], strides = [1, 1]} : vector<1000x256xf32> to vector<1000x128xf32>
    %swap3A_27 = arith.constant 0 : index
    %swap3A_28 = arith.constant 0 : index
    %swap3A_29 = vector.load %arg6[%swap3A_27, %swap3A_28] : memref<1000x128xf32, #tpu.memory_space<vmem>>, vector<1000x128xf32>
    tpu.vector_store %arg6[%swap3A_27, %swap3A_28], %slice3A_26 {strides = array<i32>} : memref<1000x128xf32, #tpu.memory_space<vmem>>, vector<1000x128xf32>,
    return
  }
  func.func @transform_0(%arg0: i32) -> (i32, i32) {
    %c0_i32 = arith.constant 0 : i32
    %c0_i32_0 = arith.constant 0 : i32
    return %arg0, %c0_i32 : i32, i32
  }
  func.func @transform_1(%arg0: i32) -> (i32, i32) {
    %c0_i32 = arith.constant 0 : i32
    %c0_i32_0 = arith.constant 0 : i32
    return %arg0, %c0_i32 : i32, i32
  }
  func.func @transform_2(%arg0: i32) -> (i32, i32) {
    %c0_i32 = arith.constant 0 : i32
    %c0_i32_0 = arith.constant 0 : i32
    %c0_i32_1 = arith.constant 0 : i32
    return %c0_i32, %c0_i32_0 : i32, i32
  }
  func.func @transform_3(%arg0: i32) -> (i32, i32) {
    %c0_i32 = arith.constant 0 : i32
    %c0_i32_0 = arith.constant 0 : i32
    %c0_i32_1 = arith.constant 0 : i32
    return %c0_i32, %c0_i32_0 : i32, i32
  }
  func.func @transform_4(%arg0: i32) -> (i32, i32) {
    %c0_i32 = arith.constant 0 : i32
    %c0_i32_0 = arith.constant 0 : i32
    return %arg0, %c0_i32 : i32, i32
  }
  func.func @transform_5(%arg0: i32) -> (i32, i32) {
    %c0_i32 = arith.constant 0 : i32
    %c0_i32_0 = arith.constant 0 : i32
    return %arg0, %c0_i32 : i32, i32
  }
}

</mosaic_0001>

<sc_bundles>
// kernel: kernel.11.cloned.1.call-start
scs
__scs_entry_jumppad:
0x0: {  	(pc) =	sbr.rel $0x88, $3  }
0x1: {  	(tag) =	ssettag $0x0;
	lr =	simm.s32 $0x1  }
0x2: {  	[smem:$0x3F99] =	sst lr;
	_ =	strace $0xD0000000  }
0x3: {  	_ = 	snop  }
0x4: {  	_ = 	snop  }
0x5: {  	_ = 	snop  }
0x6: {  	_ = 	snop  }
0x7: {  	_ = 	snop  }
__scs_overlays_trampoline_lowered:
0x8: {  	[smem:$0x3FA8] =	sst s0  }
0x9: {  	[smem:$0x3FA9] =	sst s1  }
0xa: {  	[smem:$0x3FAA] =	sst s2  }
0xb: {  	[smem:$0x3FAB] =	sst s3  }
0xc: {  	[smem:$0x3FAC] =	sst s4  }
0xd: {  	[smem:$0x3FAD] =	sst s5  }
0xe: {  	[smem:$0x3FAE] =	sst s6  }
0xf: {  	[smem:$0x3FAF] =	sst s7  }
0x10: {  	[smem:$0x3FB0] =	sst s8  }
0x11: {  	[smem:$0x3FB1] =	sst s9;
	s0 =	simm.s32 @!p0 $0x0  }
0x12: {  	s1 =	sld [smem:$0x3F97];
	s0 =	simm.s32 @p0 $0x1  }
0x13: {  	[smem:$0x3FB2] =	sst s0;
	s0 =	simm.s32 @!p1 $0x0  }
0x14: {  	s2 =	sld [smem:$0x3F96];
	s0 =	simm.s32 @p1 $0x1  }
0x15: {  	[smem:$0x3FB3] =	sst s0;
	s0 =	simm.s32 @!p2 $0x0  }
0x16: {  	s3 =	sld [smem:$0x3FDB];
	s0 =	simm.s32 @p2 $0x1  }
0x17: {  	s4 =	simm.s32 $0x1BF5;
	[smem:$0x3FB5] =	sst s0  }
0x18: {  	s0 =	sld [smem:$0x3F98];
	_ =	swait.ge [sflag:s4], $0x0  }
0x19: {  	s7 =	sld [smem:$0x3F99]  }
0x1a: {  	s8 =	sadd.s32 $0xFFFFE003, lr  }
0x1b: {  	s9 =	sadd.s32 $0xFFFFFEF7, lr;
	s5 =	simm.s32 $0xFFFFFFFF;
	p2 =	slt.u32 s8, $0xFFFFF086  }
0x1c: {  	p1 =	slt.u32 s9, $0xF7A;
	s5 =	simm.s32 @!p2 $0x0  }
0x1d: {  	s5 =	simm.s32 @p1 $0x1;
	p0 =	seq.s32 s7, s2  }
0x1e: {  	s7 =	smul.u32 @!p0 $0xF7A, s2;
	p2 =	seq.s32 @!p0 s5, $0x0  }
0x1f: {  	s9 =	smul.u32 $0xF7A, s1;
	s8 =	simm.s32 @!p0 $0x1BF5;
	p2 =	por !p2, p0  }
0x20: {  	[sflag:s8] =	ssyncset.s32 @!p0 $0xFFFFF086;
	s6 =	sadd.s32 @!p0 s3, s7;
	s7 =	simm.s32 @!p0 $0x108  }
0x21: {  	s3 =	sadd.s32 s3, s9;
	s6 =	sadd.s32 @!p0 $0x88, s6;
	s7 =	simm.s32 @p2 $0x1082  }
0x22: {  	[simem:s7], [sflag:s8] =	dma.local @!p0 [hbm:s6], $0xF7A  }
0x23: {  	s9 =	sor.u32 $0xD0000000, s2;
	s6 =	simm.s32 $0x108;
	_ =	swait.ge @!p0 [sflag:s8], $0x0  }
0x24: {  	s3 =	sadd.s32 $0x88, s3;
	s6 =	simm.s32 @!p1 $0x1082;
	[sflag:s4] =	ssyncset.s32 $0xFFFFF086  }
0x25: {  	[simem:s6], [sflag:s4] =	dma.local [hbm:s3], $0xF7A  }
0x26: {  	[smem:$0x3F99] =	sst s1;
	(tag) =	ssettag s2;
	_ =	strace s9  }
0x27: {  	s1 =	sld [smem:$0x3FA9]  }
0x28: {  	s2 =	sld [smem:$0x3FAA]  }
0x29: {  	s4 =	sld [smem:$0x3FAC]  }
0x2a: {  	p0 =	seq.s32 s5, $0x0;
	s5 =	sld [smem:$0x3FAD]  }
0x2b: {  	s6 =	sld [smem:$0x3FAE]  }
0x2c: {  	s7 =	sld [smem:$0x3FAF]  }
0x2d: {  	s3 =	simm.s32 $0x108;
	s8 =	sld [smem:$0x3FB0]  }
0x2e: {  	s3 =	simm.s32 @!p0 $0x1082;
	s9 =	sld [smem:$0x3FB1]  }
0x2f: {  	lr =	sadd.s32 s0, s3;
	s0 =	sld [smem:$0x3FA8]  }
0x30: {  	s3 =	sld [smem:$0x3FAB]  }
0x31: {  	[smem:$0x3FB4] =	sst s10  }
0x32: {  	s10 =	sld [smem:$0x3FB2];
	_ =	sdelay $0x3  }
0x33: {  	p0 =	seq.s32 s10, $0x1;
	s10 =	sld [smem:$0x3FB4];
	_ =	sdelay $0x3  }
0x34: {  	[smem:$0x3FB4] =	sst s10  }
0x35: {  	s10 =	sld [smem:$0x3FB3];
	_ =	sdelay $0x3  }
0x36: {  	p1 =	seq.s32 s10, $0x1;
	s10 =	sld [smem:$0x3FB4];
	_ =	sdelay $0x3  }
0x37: {  	[smem:$0x3FB4] =	sst s10  }
0x38: {  	s10 =	sld [smem:$0x3FB5]  }
0x39: {  	_ = 	snop;
	(pc) =	sbr.ind lr, $3  }
0x3a: {  	_ = 	snop  }
0x3b: {  	_ = 	snop  }
0x3c: {  	p2 =	seq.s32 s10, $0x1;
	s10 =	sld [smem:$0x3FB4]  }
0x3d: {  	_ =	shalt  }
0x3e: {  	_ =	shalt  }
0x3f: {  	_ =	shalt  }
0x40: {  	_ =	shalt  }
0x41: {  	_ =	shalt  }
0x42: {  	_ =	shalt  }
0x43: {  	_ =	shalt  }
0x44: {  	_ =	shalt  }
0x45: {  	_ =	shalt  }
0x46: {  	_ =	shalt  }
0x47: {  	_ =	shalt  }
0x48: {  	_ =	shalt  }
0x49: {  	_ =	shalt  }
0x4a: {  	_ =	shalt  }
0x4b: {  	_ =	shalt  }
0x4c: {  	_ =	shalt  }
0x4d: {  	_ =	shalt  }
0x4e: {  	_ =	shalt  }
0x4f: {  	_ =	shalt  }
0x50: {  	_ =	shalt  }
0x51: {  	_ =	shalt  }
0x52: {  	_ =	shalt  }
0x53: {  	_ =	shalt  }
0x54: {  	_ =	shalt  }
0x55: {  	_ =	shalt  }
0x56: {  	_ =	shalt  }
0x57: {  	_ =	shalt  }
0x58: {  	_ =	shalt  }
0x59: {  	_ =	shalt  }
0x5a: {  	_ =	shalt  }
0x5b: {  	_ =	shalt  }
0x5c: {  	_ =	shalt  }
0x5d: {  	_ =	shalt  }
0x5e: {  	_ =	shalt  }
0x5f: {  	_ =	shalt  }
0x60: {  	_ =	shalt  }
0x61: {  	_ =	shalt  }
0x62: {  	_ =	shalt  }
0x63: {  	_ =	shalt  }
0x64: {  	_ =	shalt  }
0x65: {  	_ =	shalt  }
0x66: {  	_ =	shalt  }
0x67: {  	_ =	shalt  }
0x68: {  	_ =	shalt  }
0x69: {  	_ =	shalt  }
0x6a: {  	_ =	shalt  }
0x6b: {  	_ =	shalt  }
0x6c: {  	_ =	shalt  }
0x6d: {  	_ =	shalt  }
0x6e: {  	_ =	shalt  }
0x6f: {  	_ =	shalt  }
0x70: {  	_ =	shalt  }
0x71: {  	_ =	shalt  }
0x72: {  	_ =	shalt  }
0x73: {  	_ =	shalt  }
0x74: {  	_ =	shalt  }
0x75: {  	_ =	shalt  }
0x76: {  	_ =	shalt  }
0x77: {  	_ =	shalt  }
0x78: {  	_ =	shalt  }
0x79: {  	_ =	shalt  }
0x7a: {  	_ =	shalt  }
0x7b: {  	_ =	shalt  }
0x7c: {  	_ =	shalt  }
0x7d: {  	_ =	shalt  }
0x7e: {  	_ =	shalt  }
0x7f: {  	_ =	shalt  }
0x80: {  	_ =	shalt  }
0x81: {  	_ =	shalt  }
0x82: {  	_ =	shalt  }
0x83: {  	_ =	shalt  }
0x84: {  	_ =	shalt  }
0x85: {  	_ =	shalt  }
0x86: {  	_ =	shalt  }
0x87: {  	_ =	shalt  }
.Lfunc_end0:
.L_simem_size_0:
called_computation.1_lowered:
.L_overlay_start_0:
0x88: {  	s2 =	sld [smem:$0x3FD9]  }
0x89: {  	s3 =	sld [smem:$0x3FFE];
	_ =	sdelay $0x1  }
0x8a: {  	s1 =	srdreg.scid  }
0x8b: {  	s0 =	sand.u32 $0x1, s1  }
0x8c: {  	s17 =	sshll.u32 s0, $0xA;
	s2 =	sadd.s32 s3, s2  }
0x8d: {  	s2 =	sadd.s32 s2, s17  }
0x8e: {  	[smem:$0x3FC0] =	sst s2  }
0x8f: {  	_ = 	snop  }
0x90: {  	s2 =	sld [smem:$0x3FD0];
	(tm) =	ssettm $0x1  }
0x91: {  	s18 =	sld [smem:$0x3FFB];
	_ =	sdelay $0x3  }
0x92: {  	_ =	strace s18  }
0x93: {  	s3 =	sld [smem:$0x3FFC];
	_ =	sdelay $0x3  }
0x94: {  	_ =	strace s3  }
0x95: {  	s3 =	sld [smem:$0x3FFD];
	_ =	sdelay $0x3  }
0x96: {  	_ =	strace s3  }
0x97: {  	_ =	strace $0x8FFFFFFF  }
0x98: {  	s19 =	sld [smem:$0x3FDB];
	_ =	sdelay $0x1  }
0x99: {  	s4 =	simm.s32 $_scs_section_size  }
0x9a: {  	s5 =	simm.s32 $_size__tile_overlayer_lowered;
	s6 =	simm.s32 $_tile_overlayer_lowered  }
0x9b: {  	s22 =	simm.s32 $0x1BFF;
	s21 =	sshll.u32 s6, $0x1;
	s3 =	sadd.s32 s4, s19  }
0x9c: {  	s7 =	simm.s32 $0x0;
	s20 =	sshll.u32 s5, $0x1;
	s5 =	sadd.s32 s21, s3  }
0x9d: {  	[timem:s7], [sflag:s22] =	dma.local [hbm:s5], s20  }
0x9e: {  	_ =	swait.ge [sflag:s22], s20  }
0x9f: {  	s4 =	ssub.s32 $0x0, s20;
	[sflag:s22] =	ssyncset.done $0x0  }
0xa0: {  	[sflag:s22] =	ssyncadd.s32 s4;
	_ =	sdelay $0x1  }
0xa1: {  	s23 =	simm.s32 $0x1B8B  }
0xa2: {  	_ =	swait.ge [sflag:s23], $0x1  }
0xa3: {  	[sflag:s23] =	ssyncset.done $0x0  }
0xa4: {  	s25 =	simm.s32 $0x1B8E;
	s24 =	sld [smem:$0x3FFE];
	[sflag:s23] =	ssyncadd.s32 $0xFFFFFFFF  }
0xa5: {  	s26 =	simm.s32 $execute0_lowered;
	[smem:$0x3FD2] =	sst s25  }
0xa6: {  	s5 =	sshll.u32 s26, $0x1;
	_ =	strace $0x80000049;
	[dreg:$0x1] =	wrdreg $0xFFFFFFFF  }
0xa7: {  	s28 =	simm.s32 $_size_execute0_lowered;
	s3 =	sadd.s32 s3, s5;
	[dreg:$0x0] =	wrdreg $0x0  }
0xa8: {  	s5 =	sshll.u32 s28, $0x1;
	[dreg:$0x2] =	wrdreg s3  }
0xa9: {  	[dreg:$0x3] =	wrdreg s5  }
0xaa: {  	[dreg:$0x4] =	wrdreg $0xC0  }
0xab: {  	_ =	task [dreg:s7], $0x5FFFF  }
0xac: {  	[dreg:$0x1] =	wrdreg $0xFFFFFFFF  }
0xad: {  	[dreg:$0x0] =	wrdreg $0x60  }
0xae: {  	[dreg:$0x2] =	wrdreg s2  }
0xaf: {  	[dreg:$0x3] =	wrdreg s24  }
0xb0: {  	[dreg:$0x4] =	wrdreg $0xBEA00  }
0xb1: {  	[dreg:$0x5] =	wrdreg $0x9  }
0xb2: {  	_ =	task.clear_ibuf [dreg:s7], $0x6FFFF;
	_ =	strace $0x90000049  }
0xb3: {  	s29 =	simm.s32 $0x9;
	_ =	strace $0x8000004B  }
0xb4: {  	_ =	swait.ge [sflag:s29], $0x1  }
0xb5: {  	[sflag:s29] =	ssyncadd.s32 $0xFFFFFFFF  }
0xb6: {  	_ =	strace $0x9000004B  }
0xb7: {  	_ =	sfence  }
0xb8: {  	s30 =	sld [smem:$0x0];
	_ =	sdelay $0x2  }
0xb9: {  	s31 =	sshll.u32 s1, $0xD;
	s1 =	sshrl.u32 s1, $0x2  }
0xba: {  	s3 =	sand.u32 $0x4000, s31;
	s1 =	sadd.s32 s1, s30  }
0xbb: {  	s0 =	sor.u32 s3, s0;
	s1 =	sshll.u32 s1, $0x11  }
0xbc: {  	s0 =	sor.u32 s1, s0  }
0xbd: {  	s0 =	sadd.s32 $0x8F2B, s0  }
0xbe: {  	[sflag:s0] =	ssyncadd.remote.s32 $0x1  }
0xbf: {  	_ =	sfence.sel $0xFFFF  }
0xc0: {  	[dreg:$0x0] =	wrdreg $0xFFFFFFFF;
	(pc) =	sbr.abs _section_cstart, $3  }
0xc1: {  	[dreg:$0x1] =	wrdreg $0xFFFFFFFF  }
0xc2: {  	_ =	task.clear_ibuf [dreg:s7], $0x2FFFF;
	_ =	strace $0x9FFFFFFF  }
0xc3: {  	(tm) =	ssettm $0x7FFFFFFF  }
tec
execute0_lowered:
.L_overlay_start_1:
0x0: {  	(tag) =	ssettag $0x1  }
0x1: {  	s2 =	rddreg [dreg:$0x0]  }
0x2: {  	s0 =	rddreg [dreg:$0x1]  }
0x3: {  	s3 =	rddreg [dreg:$0x2];
	s19 =	stileid.u32;
	s4 =	simm.s32 $0x0  }
0x4: {  	s8 =	srdreg.scid;
	s15 =	simm.s32 $0x7;
	s16 =	simm.s32 $0x1450  }
0x5: {  	s17 =	simm.s32 $0x64;
	s18 =	simm.s32 $0x28A0;
	s20 =	simm.s32 $0x5AA0  }
0x6: {  	s28 =	simm.s32 $0x5;
	s29 =	simm.s32 $0x1520;
	s30 =	simm.s32 $0x8CA0  }
0x7: {  	s31 =	simm.s32 $0x6;
	s1 =	smul.u32 $0x13880, s19;
	[smem:$0x7FF] =	sst s4  }
0x8: {  	s5 =	sadd.s32 $0xDE00, s0;
	s10 =	sadd.s32 $0x8C00, s0;
	s8 =	sand.u32 $0x1, s8  }
0x9: {  	s9 =	smul.u32 $0x28A0, s19;
	s11 =	sadd.s32 $0x3A00, s0;
	s14 =	sadd.s32 $0x5C200, s0  }
0xa: {  	s26 =	sshll.u32 s19, $0x6;
	s19 =	simm.s32 $0x0;
	_ =	strace $0x8000004A  }
0xb: {  	s12 =	ssub.s32 $0x2, s8;
	p0 =	seq.s32 s8, $0x0;
	s6 =	sshrl.u32 s1, $0x3  }
0xc: {  	s13 =	sshrl.u32 s12, $0x1;
	s9 =	sshrl.u32 s9, $0x3;
	s1 =	sadd.s32 s1, s3  }
0xd: {  	s7 =	sadd.s32 s6, s0;
	s0 =	sadd.s32 $0x83400, s0;
	s13 =	ssub.s32 s12, s13  }
0xe: {  	s21 =	sadd.s32 s10, s9;
	s22 =	sadd.s32 s11, s9;
	[dreg:$0x6] =	wrdreg s1  }
0xf: {  	s23 =	sadd.s32 $0x28A, s9;
	s12 =	smov.u32 s5;
	[dreg:$0x4] =	wrdreg s21  }
0x10: {  	[dreg:$0x5] =	wrdreg s22;
	s7 =	sadd.s32 $0x35000, s7;
	s24 =	sadd.s32 s10, s23  }
0x11: {  	s1 =	sadd.s32 s11, s23;
	s25 =	smax.u32 s13, $0x1;
	s12 =	smov.u32 @p0 s2  }
0x12: {  	s0 =	smov.u32 @p0 s14;
	s21 =	sor.u32 $0x1C07, s26;
	[dreg:$0x7] =	wrdreg s7  }
0x13: {  	s22 =	simm.s32 $0x1;
	s23 =	simm.s32 $0x2;
	[dreg:$0x8] =	wrdreg s24  }
0x14: {  	s11 =	simm.s32 $0x14B8;
	s26 =	simm.s32 $0x3;
	[dreg:$0x9] =	wrdreg s1  }
0x15: {  	[dreg:$0xa] =	wrdreg s25;
	s0 =	sadd.s32 s0, s6;
	s24 =	simm.s32 $0x4  }
0x16: {  	s1 =	simm.s32 $0x2838;
	[dreg:$0xb] =	wrdreg s0;
	s0 =	simm.s32 $0x27D0  }
.LBB2_1:
0x17: {  	s6 =	rddreg [dreg:$0x4]  }
0x18: {  	[tilespmem:s4], [sflag:$0x7] =	stream.linear.gather [hbm4b:s6+s4], $0x1450, $0x38;
	[tilespmem:$0x1F720] =	vst v63  }
0x19: {  	_ =	swait.ge [sflag:s15], $0x1450  }
0x1a: {  	[sflag:s15] =	ssyncset.done $0x0  }
0x1b: {  	s7 =	rddreg [dreg:$0x5];
	[sflag:s15] =	ssyncadd.s32 $0xFFFFEBB0  }
0x1c: {  	[tilespmem:s16], [sflag:$0x7] =	stream.linear.gather [hbm4b:s7+s4], $0x1450, $0x38;
	[tilespmem:$0x1F720] =	vst v63  }
0x1d: {  	_ =	swait.ge [sflag:s15], $0x1450  }
0x1e: {  	[sflag:s15] =	ssyncset.done $0x0  }
0x1f: {  	s9 =	rddreg [dreg:$0x6];
	[sflag:s15] =	ssyncadd.s32 $0xFFFFEBB0  }
0x20: {  	[tilespmem:s18], [sflag:$0x1] =	stream.indirect.gather [hbm4b:s12+s17], $0x80, s4, s17, $0xb8;
	[tilespmem:$0x1F720] =	vst v63  }
0x21: {  	s8 =	simm.s32 $0x68;
	s7 =	rddreg [dreg:$0x7];
	s6 =	sshrl.u32 s9, $0x3  }
0x22: {  	[tilespmem:s20], [sflag:$0x2] =	stream.indirect.gather [hbm4b:s12+s17], $0x80, s8, s17, $0xb8;
	[tilespmem:$0x1F720] =	vst v63  }
0x23: {  	[spmem:s6], [sflag:s21] =	dma.local [hbm:s7], $0x2710  }
0x24: {  	_ =	swait.ge [sflag:s15], $0x2710  }
0x25: {  	[sflag:s15] =	ssyncset.done $0x0  }
0x26: {  	[sflag:s15] =	ssyncadd.s32 $0xFFFFD8F0  }
0x27: {  	[bflag:$0x0] =	sbarrier.arrive $0xFFFF  }
0x28: {  	_ =	swait.ge [sflag:s22], $0x3200  }
0x29: {  	s9 =	simm.s32 @p0 $0x8CA0;
	[sflag:s22] =	ssyncset.done $0x0  }
0x2a: {  	s8 =	simm.s32 @p0 $0xD0;
	s7 =	simm.s32 @p0 $0x64;
	[sflag:s22] =	ssyncadd.s32 $0xFFFFCE00  }
0x2b: {  	[tilespmem:s9], [sflag:$0x3] =	stream.indirect.gather @p0 [hbm4b:s2+s7], $0x80, s8, s7, $0xb8;
	[tilespmem:$0x1F720] =	vst v63  }
0x2c: {  	s10 =	simm.s32 @!p0 $0x8CA0;
	s8 =	simm.s32 @!p0 $0x64;
	s9 =	simm.s32 @!p0 $0xD0  }
0x2d: {  	[tilespmem:s10], [sflag:$0x3] =	stream.indirect.gather @!p0 [hbm4b:s5+s8], $0x80, s9, s8, $0xb8;
	[tilespmem:$0x1F720] =	vst v63  }
0x2e: {  	_ = 	snop  }
0x2f: {  	[spmem:s3] =	stream.indirect.scatter.add.f32 [tilespmem:s18], [sflag:$0x4], $0x80, s16, s17, $0xb8;
	[tilespmem:$0x1F720] =	vst v63  }
0x30: {  	_ =	swait.ge [sflag:s23], $0x3200  }
0x31: {  	[sflag:s23] =	ssyncset.done $0x0  }
0x32: {  	[sflag:s23] =	ssyncadd.s32 $0xFFFFCE00  }
0x33: {  	_ =	swait.ge [sflag:s24], $0x3200  }
0x34: {  	[sflag:s24] =	ssyncset.done $0x0  }
0x35: {  	s9 =	simm.s32 @p0 $0x138;
	s10 =	simm.s32 @p0 $0x28A0;
	[sflag:s24] =	ssyncadd.s32 $0xFFFFCE00  }
0x36: {  	[tilespmem:s10], [sflag:$0x1] =	stream.indirect.gather @p0 [hbm4b:s2+s7], $0x80, s9, s7, $0xb8;
	[tilespmem:$0x1F720] =	vst v63  }
0x37: {  	s9 =	simm.s32 @!p0 $0x138;
	s10 =	simm.s32 @!p0 $0x28A0  }
0x38: {  	[tilespmem:s10], [sflag:$0x1] =	stream.indirect.gather @!p0 [hbm4b:s5+s8], $0x80, s9, s8, $0xb8;
	[tilespmem:$0x1F720] =	vst v63  }
0x39: {  	_ = 	snop  }
0x3a: {  	[spmem:s3] =	stream.indirect.scatter.add.f32 [tilespmem:s20], [sflag:$0x5], $0x80, s11, s17, $0xb8;
	[tilespmem:$0x1F720] =	vst v63  }
0x3b: {  	_ =	swait.ge [sflag:s26], $0x3200  }
0x3c: {  	[sflag:s26] =	ssyncset.done $0x0  }
0x3d: {  	[sflag:s26] =	ssyncadd.s32 $0xFFFFCE00  }
0x3e: {  	_ =	swait.ge [sflag:s28], $0x3200  }
0x3f: {  	[sflag:s28] =	ssyncset.done $0x0  }
0x40: {  	s9 =	simm.s32 @p0 $0x1A0;
	s10 =	simm.s32 @p0 $0x5AA0;
	[sflag:s28] =	ssyncadd.s32 $0xFFFFCE00  }
0x41: {  	[tilespmem:s10], [sflag:$0x2] =	stream.indirect.gather @p0 [hbm4b:s2+s7], $0x80, s9, s7, $0xb8;
	[tilespmem:$0x1F720] =	vst v63  }
0x42: {  	s7 =	simm.s32 @!p0 $0x1A0;
	s9 =	simm.s32 @!p0 $0x5AA0  }
0x43: {  	[tilespmem:s9], [sflag:$0x2] =	stream.indirect.gather @!p0 [hbm4b:s5+s8], $0x80, s7, s8, $0xb8;
	[tilespmem:$0x1F720] =	vst v63  }
0x44: {  	_ = 	snop  }
0x45: {  	[spmem:s3] =	stream.indirect.scatter.add.f32 [tilespmem:s30], [sflag:$0x6], $0x80, s29, s17, $0xb8;
	[tilespmem:$0x1F720] =	vst v63  }
0x46: {  	_ =	swait.ge [sflag:s22], $0x3200  }
0x47: {  	[sflag:s22] =	ssyncset.done $0x0  }
0x48: {  	[sflag:s22] =	ssyncadd.s32 $0xFFFFCE00  }
0x49: {  	_ =	swait.ge [sflag:s31], $0x3200  }
0x4a: {  	[sflag:s31] =	ssyncset.done $0x0  }
0x4b: {  	s10 =	simm.s32 $0x208;
	[sflag:s31] =	ssyncadd.s32 $0xFFFFCE00  }
0x4c: {  	[tilespmem:s30], [sflag:$0x3] =	stream.indirect.gather [hbm4b:s12+s17], $0x80, s10, s17, $0xb8;
	[tilespmem:$0x1F720] =	vst v63  }
0x4d: {  	s11 =	simm.s32 $0x1588  }
0x4e: {  	[spmem:s3] =	stream.indirect.scatter.add.f32 [tilespmem:s18], [sflag:$0x4], $0x80, s11, s17, $0xb8;
	[tilespmem:$0x1F720] =	vst v63  }
0x4f: {  	_ =	swait.ge [sflag:s23], $0x3200  }
0x50: {  	[sflag:s23] =	ssyncset.done $0x0  }
0x51: {  	[sflag:s23] =	ssyncadd.s32 $0xFFFFCE00  }
0x52: {  	_ =	swait.ge [sflag:s24], $0x3200  }
0x53: {  	[sflag:s24] =	ssyncset.done $0x0  }
0x54: {  	s13 =	simm.s32 $0x270;
	[sflag:s24] =	ssyncadd.s32 $0xFFFFCE00  }
0x55: {  	[tilespmem:s18], [sflag:$0x1] =	stream.indirect.gather [hbm4b:s12+s17], $0x80, s13, s17, $0xb8;
	[tilespmem:$0x1F720] =	vst v63  }
0x56: {  	s14 =	simm.s32 $0x15F0  }
0x57: {  	[spmem:s3] =	stream.indirect.scatter.add.f32 [tilespmem:s20], [sflag:$0x5], $0x80, s14, s17, $0xb8;
	[tilespmem:$0x1F720] =	vst v63  }
0x58: {  	_ =	swait.ge [sflag:s26], $0x3200  }
0x59: {  	[sflag:s26] =	ssyncset.done $0x0  }
0x5a: {  	[sflag:s26] =	ssyncadd.s32 $0xFFFFCE00  }
0x5b: {  	_ =	swait.ge [sflag:s28], $0x3200  }
0x5c: {  	s25 =	simm.s32 $0x2D8;
	[sflag:s28] =	ssyncset.done $0x0  }
0x5d: {  	s7 =	simm.s32 $0x4E0;
	s8 =	simm.s32 $0x1658;
	[sflag:s28] =	ssyncadd.s32 $0xFFFFCE00  }
0x5e: {  	[tilespmem:s20], [sflag:$0x2] =	stream.indirect.gather [hbm4b:s12+s17], $0x80, s25, s17, $0xb8;
	[tilespmem:$0x1F720] =	vst v63  }
.LBB2_2:
0x5f: {  	[spmem:s3] =	stream.indirect.scatter.add.f32 [tilespmem:s30], [sflag:$0x6], $0x80, s8, s17, $0xb8;
	[tilespmem:$0x1F720] =	vst v63  }
0x60: {  	s8 =	smov.u32 s7  }
0x61: {  	p1 =	sne.s32 s7, $0x4440;
	s7 =	sadd.s32 $0x4E0, s7;
	_ =	swait.ge [sflag:s22], $0x3200  }
0x62: {  	[sflag:s22] =	ssyncset.done $0x0  }
0x63: {  	[sflag:s22] =	ssyncadd.s32 $0xFFFFCE00  }
0x64: {  	_ =	swait.ge [sflag:s31], $0x3200  }
0x65: {  	s8 =	sshra.s32 s8, $0x2;
	[sflag:s31] =	ssyncset.done $0x0  }
0x66: {  	s9 =	sadd.s32 $0x208, s8;
	[sflag:s31] =	ssyncadd.s32 $0xFFFFCE00  }
0x67: {  	[tilespmem:s30], [sflag:$0x3] =	stream.indirect.gather [hbm4b:s12+s17], $0x80, s9, s17, $0xb8;
	[tilespmem:$0x1F720] =	vst v63  }
0x68: {  	s9 =	sadd.s32 $0x1588, s8  }
0x69: {  	[spmem:s3] =	stream.indirect.scatter.add.f32 [tilespmem:s18], [sflag:$0x4], $0x80, s9, s17, $0xb8;
	[tilespmem:$0x1F720] =	vst v63  }
0x6a: {  	_ =	swait.ge [sflag:s23], $0x3200  }
0x6b: {  	[sflag:s23] =	ssyncset.done $0x0  }
0x6c: {  	[sflag:s23] =	ssyncadd.s32 $0xFFFFCE00  }
0x6d: {  	_ =	swait.ge [sflag:s24], $0x3200  }
0x6e: {  	[sflag:s24] =	ssyncset.done $0x0  }
0x6f: {  	s9 =	sadd.s32 $0x270, s8;
	[sflag:s24] =	ssyncadd.s32 $0xFFFFCE00  }
0x70: {  	[tilespmem:s18], [sflag:$0x1] =	stream.indirect.gather [hbm4b:s12+s17], $0x80, s9, s17, $0xb8;
	[tilespmem:$0x1F720] =	vst v63  }
0x71: {  	s9 =	sadd.s32 $0x15F0, s8  }
0x72: {  	[spmem:s3] =	stream.indirect.scatter.add.f32 [tilespmem:s20], [sflag:$0x5], $0x80, s9, s17, $0xb8;
	[tilespmem:$0x1F720] =	vst v63  }
0x73: {  	_ =	swait.ge [sflag:s26], $0x3200  }
0x74: {  	[sflag:s26] =	ssyncset.done $0x0  }
0x75: {  	[sflag:s26] =	ssyncadd.s32 $0xFFFFCE00  }
.Ltmp0:
0x76: {  	_ =	swait.ge [sflag:s28], $0x3200;
	(pc) =	sbr.rel @p1 .LBB2_2-.Ltmp0, $4  }
0x77: {  	[sflag:s28] =	ssyncset.done $0x0  }
0x78: {  	s9 =	sadd.s32 $0x2D8, s8;
	[sflag:s28] =	ssyncadd.s32 $0xFFFFCE00  }
0x79: {  	[tilespmem:s20], [sflag:$0x2] =	stream.indirect.gather [hbm4b:s12+s17], $0x80, s9, s17, $0xb8;
	[tilespmem:$0x1F720] =	vst v63  }
0x7a: {  	s8 =	sadd.s32 $0x1658, s8  }
0x7b: {  	[spmem:s3] =	stream.indirect.scatter.add.f32 [tilespmem:s30], [sflag:$0x6], $0x80, s8, s17, $0xb8;
	[tilespmem:$0x1F720] =	vst v63  }
0x7c: {  	_ =	swait.ge [sflag:s22], $0x3200  }
0x7d: {  	[sflag:s22] =	ssyncset.done $0x0  }
0x7e: {  	[sflag:s22] =	ssyncadd.s32 $0xFFFFCE00  }
0x7f: {  	_ =	swait.ge [sflag:s31], $0x3200  }
0x80: {  	[sflag:s31] =	ssyncset.done $0x0  }
0x81: {  	[sflag:s31] =	ssyncadd.s32 $0xFFFFCE00  }
0x82: {  	[spmem:s3] =	stream.indirect.scatter.add.f32 [tilespmem:s18], [sflag:$0x4], $0x80, s0, s17, $0xb8;
	[tilespmem:$0x1F720] =	vst v63  }
0x83: {  	_ =	swait.ge [sflag:s23], $0x3200  }
0x84: {  	[sflag:s23] =	ssyncset.done $0x0  }
0x85: {  	[sflag:s23] =	ssyncadd.s32 $0xFFFFCE00  }
0x86: {  	_ =	swait.ge [sflag:s24], $0x3200  }
0x87: {  	[sflag:s24] =	ssyncset.done $0x0  }
0x88: {  	[sflag:s24] =	ssyncadd.s32 $0xFFFFCE00  }
0x89: {  	[spmem:s3] =	stream.indirect.scatter.add.f32 [tilespmem:s20], [sflag:$0x5], $0x80, s1, s17, $0xb8;
	[tilespmem:$0x1F720] =	vst v63  }
0x8a: {  	_ =	swait.ge [sflag:s28], $0x3200  }
0x8b: {  	[sflag:s28] =	ssyncset.done $0x0  }
0x8c: {  	s7 =	rddreg [dreg:$0x8];
	[sflag:s28] =	ssyncadd.s32 $0xFFFFCE00  }
0x8d: {  	[tilespmem:s4], [sflag:$0x7] =	stream.linear.gather [hbm4b:s7+s4], $0x1450, $0x38;
	[tilespmem:$0x1F720] =	vst v63  }
0x8e: {  	_ =	swait.ge [sflag:s15], $0x1450  }
0x8f: {  	[sflag:s15] =	ssyncset.done $0x0  }
0x90: {  	s8 =	rddreg [dreg:$0x9];
	[sflag:s15] =	ssyncadd.s32 $0xFFFFEBB0  }
0x91: {  	[tilespmem:s16], [sflag:$0x7] =	stream.linear.gather [hbm4b:s8+s4], $0x1450, $0x38;
	[tilespmem:$0x1F720] =	vst v63  }
0x92: {  	_ =	swait.ge [sflag:s15], $0x1450  }
0x93: {  	s9 =	simm.s32 @p0 $0x28A0;
	[sflag:s15] =	ssyncset.done $0x0  }
0x94: {  	s7 =	simm.s32 @p0 $0x64;
	s8 =	simm.s32 @p0 $0x0;
	[sflag:s15] =	ssyncadd.s32 $0xFFFFEBB0  }
0x95: {  	[tilespmem:s9], [sflag:$0x1] =	stream.indirect.gather @p0 [hbm4b:s2+s7], $0x80, s8, s7, $0xb8;
	[tilespmem:$0x1F720] =	vst v63  }
0x96: {  	s10 =	simm.s32 @p0 $0x5AA0;
	s8 =	simm.s32 @p0 $0x68  }
0x97: {  	[tilespmem:s10], [sflag:$0x2] =	stream.indirect.gather @p0 [hbm4b:s2+s7], $0x80, s8, s7, $0xb8;
	[tilespmem:$0x1F720] =	vst v63  }
0x98: {  	s8 =	simm.s32 @p0 $0x1  }
0x99: {  	_ =	swait.ge @p0 [sflag:s8], $0x3200  }
0x9a: {  	[sflag:s8] =	ssyncset.done @p0 $0x0  }
0x9b: {  	s11 =	simm.s32 @p0 $0x8CA0;
	[sflag:s8] =	ssyncadd.s32 @p0 $0xFFFFCE00;
	s8 =	simm.s32 @p0 $0xD0  }
0x9c: {  	[tilespmem:s11], [sflag:$0x3] =	stream.indirect.gather @p0 [hbm4b:s2+s7], $0x80, s8, s7, $0xb8;
	[tilespmem:$0x1F720] =	vst v63  }
0x9d: {  	s13 =	simm.s32 @!p0 $0x28A0;
	s8 =	simm.s32 @!p0 $0x64;
	s11 =	simm.s32 @!p0 $0x0  }
0x9e: {  	[tilespmem:s13], [sflag:$0x1] =	stream.indirect.gather @!p0 [hbm4b:s5+s8], $0x80, s11, s8, $0xb8;
	[tilespmem:$0x1F720] =	vst v63  }
0x9f: {  	s14 =	simm.s32 @!p0 $0x5AA0;
	s11 =	simm.s32 @!p0 $0x68  }
0xa0: {  	[tilespmem:s14], [sflag:$0x2] =	stream.indirect.gather @!p0 [hbm4b:s5+s8], $0x80, s11, s8, $0xb8;
	[tilespmem:$0x1F720] =	vst v63  }
0xa1: {  	s11 =	simm.s32 @!p0 $0x1  }
0xa2: {  	_ =	swait.ge @!p0 [sflag:s11], $0x3200  }
0xa3: {  	[sflag:s11] =	ssyncset.done @!p0 $0x0  }
0xa4: {  	s25 =	simm.s32 @!p0 $0x8CA0;
	[sflag:s11] =	ssyncadd.s32 @!p0 $0xFFFFCE00;
	s11 =	simm.s32 @!p0 $0xD0  }
0xa5: {  	[tilespmem:s25], [sflag:$0x3] =	stream.indirect.gather @!p0 [hbm4b:s5+s8], $0x80, s11, s8, $0xb8;
	[tilespmem:$0x1F720] =	vst v63  }
0xa6: {  	_ = 	snop  }
0xa7: {  	[spmem:s3] =	stream.indirect.scatter.add.f32 [tilespmem:s18], [sflag:$0x4], $0x80, s16, s17, $0xb8;
	[tilespmem:$0x1F720] =	vst v63  }
0xa8: {  	_ =	swait.ge [sflag:s23], $0x3200  }
0xa9: {  	[sflag:s23] =	ssyncset.done $0x0  }
0xaa: {  	[sflag:s23] =	ssyncadd.s32 $0xFFFFCE00  }
0xab: {  	_ =	swait.ge [sflag:s24], $0x3200  }
0xac: {  	[sflag:s24] =	ssyncset.done $0x0  }
0xad: {  	s11 =	simm.s32 @p0 $0x138;
	[sflag:s24] =	ssyncadd.s32 $0xFFFFCE00  }
0xae: {  	[tilespmem:s9], [sflag:$0x1] =	stream.indirect.gather @p0 [hbm4b:s2+s7], $0x80, s11, s7, $0xb8;
	[tilespmem:$0x1F720] =	vst v63  }
0xaf: {  	s9 =	simm.s32 @!p0 $0x138  }
0xb0: {  	[tilespmem:s13], [sflag:$0x1] =	stream.indirect.gather @!p0 [hbm4b:s5+s8], $0x80, s9, s8, $0xb8;
	[tilespmem:$0x1F720] =	vst v63  }
0xb1: {  	s11 =	simm.s32 $0x14B8  }
0xb2: {  	[spmem:s3] =	stream.indirect.scatter.add.f32 [tilespmem:s20], [sflag:$0x5], $0x80, s11, s17, $0xb8;
	[tilespmem:$0x1F720] =	vst v63  }
0xb3: {  	_ =	swait.ge [sflag:s26], $0x3200  }
0xb4: {  	[sflag:s26] =	ssyncset.done $0x0  }
0xb5: {  	[sflag:s26] =	ssyncadd.s32 $0xFFFFCE00  }
0xb6: {  	_ =	swait.ge [sflag:s28], $0x3200  }
0xb7: {  	[sflag:s28] =	ssyncset.done $0x0  }
0xb8: {  	s9 =	simm.s32 @p0 $0x1A0;
	[sflag:s28] =	ssyncadd.s32 $0xFFFFCE00  }
0xb9: {  	[tilespmem:s10], [sflag:$0x2] =	stream.indirect.gather @p0 [hbm4b:s2+s7], $0x80, s9, s7, $0xb8;
	[tilespmem:$0x1F720] =	vst v63  }
0xba: {  	s7 =	simm.s32 @!p0 $0x1A0  }
0xbb: {  	[tilespmem:s14], [sflag:$0x2] =	stream.indirect.gather @!p0 [hbm4b:s5+s8], $0x80, s7, s8, $0xb8;
	[tilespmem:$0x1F720] =	vst v63  }
0xbc: {  	_ = 	snop  }
0xbd: {  	[spmem:s3] =	stream.indirect.scatter.add.f32 [tilespmem:s30], [sflag:$0x6], $0x80, s29, s17, $0xb8;
	[tilespmem:$0x1F720] =	vst v63  }
0xbe: {  	_ =	swait.ge [sflag:s22], $0x3200  }
0xbf: {  	[sflag:s22] =	ssyncset.done $0x0  }
0xc0: {  	[sflag:s22] =	ssyncadd.s32 $0xFFFFCE00  }
0xc1: {  	_ =	swait.ge [sflag:s31], $0x3200  }
0xc2: {  	[sflag:s31] =	ssyncset.done $0x0  }
0xc3: {  	s9 =	simm.s32 $0x208;
	[sflag:s31] =	ssyncadd.s32 $0xFFFFCE00  }
0xc4: {  	[tilespmem:s30], [sflag:$0x3] =	stream.indirect.gather [hbm4b:s12+s17], $0x80, s9, s17, $0xb8;
	[tilespmem:$0x1F720] =	vst v63  }
0xc5: {  	s10 =	simm.s32 $0x1588  }
0xc6: {  	[spmem:s3] =	stream.indirect.scatter.add.f32 [tilespmem:s18], [sflag:$0x4], $0x80, s10, s17, $0xb8;
	[tilespmem:$0x1F720] =	vst v63  }
0xc7: {  	_ =	swait.ge [sflag:s23], $0x3200  }
0xc8: {  	[sflag:s23] =	ssyncset.done $0x0  }
0xc9: {  	[sflag:s23] =	ssyncadd.s32 $0xFFFFCE00  }
0xca: {  	_ =	swait.ge [sflag:s24], $0x3200  }
0xcb: {  	[sflag:s24] =	ssyncset.done $0x0  }
0xcc: {  	s13 =	simm.s32 $0x270;
	[sflag:s24] =	ssyncadd.s32 $0xFFFFCE00  }
0xcd: {  	[tilespmem:s18], [sflag:$0x1] =	stream.indirect.gather [hbm4b:s12+s17], $0x80, s13, s17, $0xb8;
	[tilespmem:$0x1F720] =	vst v63  }
0xce: {  	s14 =	simm.s32 $0x15F0  }
0xcf: {  	[spmem:s3] =	stream.indirect.scatter.add.f32 [tilespmem:s20], [sflag:$0x5], $0x80, s14, s17, $0xb8;
	[tilespmem:$0x1F720] =	vst v63  }
0xd0: {  	_ =	swait.ge [sflag:s26], $0x3200  }
0xd1: {  	[sflag:s26] =	ssyncset.done $0x0  }
0xd2: {  	[sflag:s26] =	ssyncadd.s32 $0xFFFFCE00  }
0xd3: {  	_ =	swait.ge [sflag:s28], $0x3200  }
0xd4: {  	s25 =	simm.s32 $0x2D8;
	[sflag:s28] =	ssyncset.done $0x0  }
0xd5: {  	s7 =	simm.s32 $0x4E0;
	s8 =	simm.s32 $0x1658;
	[sflag:s28] =	ssyncadd.s32 $0xFFFFCE00  }
0xd6: {  	[tilespmem:s20], [sflag:$0x2] =	stream.indirect.gather [hbm4b:s12+s17], $0x80, s25, s17, $0xb8;
	[tilespmem:$0x1F720] =	vst v63  }
.LBB2_4:
0xd7: {  	[spmem:s3] =	stream.indirect.scatter.add.f32 [tilespmem:s30], [sflag:$0x6], $0x80, s8, s17, $0xb8;
	[tilespmem:$0x1F720] =	vst v63  }
0xd8: {  	s8 =	smov.u32 s7  }
0xd9: {  	p1 =	sne.s32 s7, $0x4440;
	s7 =	sadd.s32 $0x4E0, s7;
	_ =	swait.ge [sflag:s22], $0x3200  }
0xda: {  	[sflag:s22] =	ssyncset.done $0x0  }
0xdb: {  	[sflag:s22] =	ssyncadd.s32 $0xFFFFCE00  }
0xdc: {  	_ =	swait.ge [sflag:s31], $0x3200  }
0xdd: {  	s8 =	sshra.s32 s8, $0x2;
	[sflag:s31] =	ssyncset.done $0x0  }
0xde: {  	s9 =	sadd.s32 $0x208, s8;
	[sflag:s31] =	ssyncadd.s32 $0xFFFFCE00  }
0xdf: {  	[tilespmem:s30], [sflag:$0x3] =	stream.indirect.gather [hbm4b:s12+s17], $0x80, s9, s17, $0xb8;
	[tilespmem:$0x1F720] =	vst v63  }
0xe0: {  	s9 =	sadd.s32 $0x1588, s8  }
0xe1: {  	[spmem:s3] =	stream.indirect.scatter.add.f32 [tilespmem:s18], [sflag:$0x4], $0x80, s9, s17, $0xb8;
	[tilespmem:$0x1F720] =	vst v63  }
0xe2: {  	_ =	swait.ge [sflag:s23], $0x3200  }
0xe3: {  	[sflag:s23] =	ssyncset.done $0x0  }
0xe4: {  	[sflag:s23] =	ssyncadd.s32 $0xFFFFCE00  }
0xe5: {  	_ =	swait.ge [sflag:s24], $0x3200  }
0xe6: {  	[sflag:s24] =	ssyncset.done $0x0  }
0xe7: {  	s9 =	sadd.s32 $0x270, s8;
	[sflag:s24] =	ssyncadd.s32 $0xFFFFCE00  }
0xe8: {  	[tilespmem:s18], [sflag:$0x1] =	stream.indirect.gather [hbm4b:s12+s17], $0x80, s9, s17, $0xb8;
	[tilespmem:$0x1F720] =	vst v63  }
0xe9: {  	s9 =	sadd.s32 $0x15F0, s8  }
0xea: {  	[spmem:s3] =	stream.indirect.scatter.add.f32 [tilespmem:s20], [sflag:$0x5], $0x80, s9, s17, $0xb8;
	[tilespmem:$0x1F720] =	vst v63  }
0xeb: {  	_ =	swait.ge [sflag:s26], $0x3200  }
0xec: {  	[sflag:s26] =	ssyncset.done $0x0  }
0xed: {  	[sflag:s26] =	ssyncadd.s32 $0xFFFFCE00  }
.Ltmp1:
0xee: {  	_ =	swait.ge [sflag:s28], $0x3200;
	(pc) =	sbr.rel @p1 .LBB2_4-.Ltmp1, $4  }
0xef: {  	[sflag:s28] =	ssyncset.done $0x0  }
0xf0: {  	s9 =	sadd.s32 $0x2D8, s8;
	[sflag:s28] =	ssyncadd.s32 $0xFFFFCE00  }
0xf1: {  	[tilespmem:s20], [sflag:$0x2] =	stream.indirect.gather [hbm4b:s12+s17], $0x80, s9, s17, $0xb8;
	[tilespmem:$0x1F720] =	vst v63  }
0xf2: {  	s8 =	sadd.s32 $0x1658, s8  }
0xf3: {  	[spmem:s3] =	stream.indirect.scatter.add.f32 [tilespmem:s30], [sflag:$0x6], $0x80, s8, s17, $0xb8;
	[tilespmem:$0x1F720] =	vst v63  }
0xf4: {  	_ =	swait.ge [sflag:s22], $0x3200  }
0xf5: {  	[sflag:s22] =	ssyncset.done $0x0  }
0xf6: {  	[sflag:s22] =	ssyncadd.s32 $0xFFFFCE00  }
0xf7: {  	_ =	swait.ge [sflag:s31], $0x3200  }
0xf8: {  	[sflag:s31] =	ssyncset.done $0x0  }
0xf9: {  	[sflag:s31] =	ssyncadd.s32 $0xFFFFCE00  }
0xfa: {  	[spmem:s3] =	stream.indirect.scatter.add.f32 [tilespmem:s18], [sflag:$0x4], $0x80, s0, s17, $0xb8;
	[tilespmem:$0x1F720] =	vst v63  }
0xfb: {  	_ =	swait.ge [sflag:s23], $0x3200  }
0xfc: {  	[sflag:s23] =	ssyncset.done $0x0  }
0xfd: {  	[sflag:s23] =	ssyncadd.s32 $0xFFFFCE00  }
0xfe: {  	_ =	swait.ge [sflag:s24], $0x3200  }
0xff: {  	[sflag:s24] =	ssyncset.done $0x0  }
0x100: {  	[sflag:s24] =	ssyncadd.s32 $0xFFFFCE00  }
0x101: {  	[spmem:s3] =	stream.indirect.scatter.add.f32 [tilespmem:s20], [sflag:$0x5], $0x80, s1, s17, $0xb8;
	[tilespmem:$0x1F720] =	vst v63  }
0x102: {  	_ =	swait.ge [sflag:s28], $0x3200  }
0x103: {  	[sflag:s28] =	ssyncset.done $0x0  }
0x104: {  	[sflag:s28] =	ssyncadd.s32 $0xFFFFCE00  }
0x105: {  	[bflag:$0x0] =	sbarrier.arrive $0xFFFF  }
0x106: {  	s7 =	rddreg [dreg:$0xb]  }
0x107: {  	[hbm:s7], [sflag:s21] =	dma.local [spmem:s6], $0x2710  }
0x108: {  	_ =	swait.ge [sflag:s15], $0x2710  }
0x109: {  	s19 =	sadd.s32 $0x1, s19;
	s25 =	rddreg [dreg:$0xa]  }
0x10a: {  	p1 =	sne.s32 s19, s25  }
.Ltmp2:
0x10b: {  	_ = 	snop;
	(pc) =	sbr.rel @p1 .LBB2_1-.Ltmp2, $3  }
0x10c: {  	_ =	sdelay $0x1  }
0x10d: {  	[sflag:s15] =	ssyncset.done $0x0  }
0x10e: {  	[sflag:s15] =	ssyncadd.s32 $0xFFFFD8F0  }
0x10f: {  	_ =	sfence.sel $0x180000  }
0x110: {  	[bflag:$0x0] =	sbarrier.arrive $0xFFFF  }
0x111: {  	_ =	strace $0x9000004A  }
0x112: {  	s0 =	stileid.u32;
	[bflag:$0x2] =	sbarrier.arrive $0xFFFF  }
0x113: {  	p0 =	sne.s32 s0, $0x0;
	s0 =	rddreg [dreg:$0x3]  }
0x114: {  	s0 =	sadd.s32 @!p0 $0x100000, s0  }
0x115: {  	[sflag:s0] =	ssyncadd.tile.s32 @!p0 $0x1;
	_ =	shalt  }
.Lfunc_end2:
_tile_overlayer_lowered:
.L_overlay_start_2:
0x116: {  	(tag) =	ssettag $0x2  }
0x117: {  	s0 =	rddreg [dreg:$0x0];
	s2 =	stileid.u32  }
0x118: {  	s1 =	rddreg [dreg:$0x1];
	p0 =	sne.s32 s2, $0x0  }
0x119: {  	s3 =	rddreg [dreg:$0x2];
	[bflag:$0x3] =	sbarrier.arrive $0xFFFF;
	s2 =	simm.s32 @!p0 $0x1C07  }
0x11a: {  	[timem:s3], [sflag:s2] =	dma.local @!p0 [hbm:s0], s1  }
0x11b: {  	s0 =	simm.s32 @!p0 $0x7  }
0x11c: {  	_ =	swait.ge @!p0 [sflag:s0], s1  }
0x11d: {  	s1 =	ssub.s32 @!p0 $0x0, s1;
	[sflag:s0] =	ssyncset.done @!p0 $0x0  }
0x11e: {  	[sflag:s0] =	ssyncadd.s32 @!p0 s1  }
0x11f: {  	[bflag:$0x3] =	sbarrier.arrive $0xFFFF  }
0x120: {  	_ =	shalt  }

// kernel: kernel.14.cloned.1.call-start
scs
__scs_entry_jumppad:
0x0: {  	(pc) =	sbr.rel $0x88, $3  }
0x1: {  	(tag) =	ssettag $0x0;
	lr =	simm.s32 $0x1  }
0x2: {  	[smem:$0x3F99] =	sst lr;
	_ =	strace $0xD0000000  }
0x3: {  	_ = 	snop  }
0x4: {  	_ = 	snop  }
0x5: {  	_ = 	snop  }
0x6: {  	_ = 	snop  }
0x7: {  	_ = 	snop  }
__scs_overlays_trampoline_lowered:
0x8: {  	[smem:$0x3FA8] =	sst s0  }
0x9: {  	[smem:$0x3FA9] =	sst s1  }
0xa: {  	[smem:$0x3FAA] =	sst s2  }
0xb: {  	[smem:$0x3FAB] =	sst s3  }
0xc: {  	[smem:$0x3FAC] =	sst s4  }
0xd: {  	[smem:$0x3FAD] =	sst s5  }
0xe: {  	[smem:$0x3FAE] =	sst s6  }
0xf: {  	[smem:$0x3FAF] =	sst s7  }
0x10: {  	[smem:$0x3FB0] =	sst s8  }
0x11: {  	[smem:$0x3FB1] =	sst s9;
	s0 =	simm.s32 @!p0 $0x0  }
0x12: {  	s1 =	sld [smem:$0x3F97];
	s0 =	simm.s32 @p0 $0x1  }
0x13: {  	[smem:$0x3FB2] =	sst s0;
	s0 =	simm.s32 @!p1 $0x0  }
0x14: {  	s2 =	sld [smem:$0x3F96];
	s0 =	simm.s32 @p1 $0x1  }
0x15: {  	[smem:$0x3FB3] =	sst s0;
	s0 =	simm.s32 @!p2 $0x0  }
0x16: {  	s3 =	sld [smem:$0x3FDB];
	s0 =	simm.s32 @p2 $0x1  }
0x17: {  	s4 =	simm.s32 $0x1BF5;
	[smem:$0x3FB5] =	sst s0  }
0x18: {  	s0 =	sld [smem:$0x3F98];
	_ =	swait.ge [sflag:s4], $0x0  }
0x19: {  	s7 =	sld [smem:$0x3F99]  }
0x1a: {  	s8 =	sadd.s32 $0xFFFFE003, lr  }
0x1b: {  	s9 =	sadd.s32 $0xFFFFFEF7, lr;
	s5 =	simm.s32 $0xFFFFFFFF;
	p2 =	slt.u32 s8, $0xFFFFF086  }
0x1c: {  	p1 =	slt.u32 s9, $0xF7A;
	s5 =	simm.s32 @!p2 $0x0  }
0x1d: {  	s5 =	simm.s32 @p1 $0x1;
	p0 =	seq.s32 s7, s2  }
0x1e: {  	s7 =	smul.u32 @!p0 $0xF7A, s2;
	p2 =	seq.s32 @!p0 s5, $0x0  }
0x1f: {  	s9 =	smul.u32 $0xF7A, s1;
	s8 =	simm.s32 @!p0 $0x1BF5;
	p2 =	por !p2, p0  }
0x20: {  	[sflag:s8] =	ssyncset.s32 @!p0 $0xFFFFF086;
	s6 =	sadd.s32 @!p0 s3, s7;
	s7 =	simm.s32 @!p0 $0x108  }
0x21: {  	s3 =	sadd.s32 s3, s9;
	s6 =	sadd.s32 @!p0 $0x88, s6;
	s7 =	simm.s32 @p2 $0x1082  }
0x22: {  	[simem:s7], [sflag:s8] =	dma.local @!p0 [hbm:s6], $0xF7A  }
0x23: {  	s9 =	sor.u32 $0xD0000000, s2;
	s6 =	simm.s32 $0x108;
	_ =	swait.ge @!p0 [sflag:s8], $0x0  }
0x24: {  	s3 =	sadd.s32 $0x88, s3;
	s6 =	simm.s32 @!p1 $0x1082;
	[sflag:s4] =	ssyncset.s32 $0xFFFFF086  }
0x25: {  	[simem:s6], [sflag:s4] =	dma.local [hbm:s3], $0xF7A  }
0x26: {  	[smem:$0x3F99] =	sst s1;
	(tag) =	ssettag s2;
	_ =	strace s9  }
0x27: {  	s1 =	sld [smem:$0x3FA9]  }
0x28: {  	s2 =	sld [smem:$0x3FAA]  }
0x29: {  	s4 =	sld [smem:$0x3FAC]  }
0x2a: {  	p0 =	seq.s32 s5, $0x0;
	s5 =	sld [smem:$0x3FAD]  }
0x2b: {  	s6 =	sld [smem:$0x3FAE]  }
0x2c: {  	s7 =	sld [smem:$0x3FAF]  }
0x2d: {  	s3 =	simm.s32 $0x108;
	s8 =	sld [smem:$0x3FB0]  }
0x2e: {  	s3 =	simm.s32 @!p0 $0x1082;
	s9 =	sld [smem:$0x3FB1]  }
0x2f: {  	lr =	sadd.s32 s0, s3;
	s0 =	sld [smem:$0x3FA8]  }
0x30: {  	s3 =	sld [smem:$0x3FAB]  }
0x31: {  	[smem:$0x3FB4] =	sst s10  }
0x32: {  	s10 =	sld [smem:$0x3FB2];
	_ =	sdelay $0x3  }
0x33: {  	p0 =	seq.s32 s10, $0x1;
	s10 =	sld [smem:$0x3FB4];
	_ =	sdelay $0x3  }
0x34: {  	[smem:$0x3FB4] =	sst s10  }
0x35: {  	s10 =	sld [smem:$0x3FB3];
	_ =	sdelay $0x3  }
0x36: {  	p1 =	seq.s32 s10, $0x1;
	s10 =	sld [smem:$0x3FB4];
	_ =	sdelay $0x3  }
0x37: {  	[smem:$0x3FB4] =	sst s10  }
0x38: {  	s10 =	sld [smem:$0x3FB5]  }
0x39: {  	_ = 	snop;
	(pc) =	sbr.ind lr, $3  }
0x3a: {  	_ = 	snop  }
0x3b: {  	_ = 	snop  }
0x3c: {  	p2 =	seq.s32 s10, $0x1;
	s10 =	sld [smem:$0x3FB4]  }
0x3d: {  	_ =	shalt  }
0x3e: {  	_ =	shalt  }
0x3f: {  	_ =	shalt  }
0x40: {  	_ =	shalt  }
0x41: {  	_ =	shalt  }
0x42: {  	_ =	shalt  }
0x43: {  	_ =	shalt  }
0x44: {  	_ =	shalt  }
0x45: {  	_ =	shalt  }
0x46: {  	_ =	shalt  }
0x47: {  	_ =	shalt  }
0x48: {  	_ =	shalt  }
0x49: {  	_ =	shalt  }
0x4a: {  	_ =	shalt  }
0x4b: {  	_ =	shalt  }
0x4c: {  	_ =	shalt  }
0x4d: {  	_ =	shalt  }
0x4e: {  	_ =	shalt  }
0x4f: {  	_ =	shalt  }
0x50: {  	_ =	shalt  }
0x51: {  	_ =	shalt  }
0x52: {  	_ =	shalt  }
0x53: {  	_ =	shalt  }
0x54: {  	_ =	shalt  }
0x55: {  	_ =	shalt  }
0x56: {  	_ =	shalt  }
0x57: {  	_ =	shalt  }
0x58: {  	_ =	shalt  }
0x59: {  	_ =	shalt  }
0x5a: {  	_ =	shalt  }
0x5b: {  	_ =	shalt  }
0x5c: {  	_ =	shalt  }
0x5d: {  	_ =	shalt  }
0x5e: {  	_ =	shalt  }
0x5f: {  	_ =	shalt  }
0x60: {  	_ =	shalt  }
0x61: {  	_ =	shalt  }
0x62: {  	_ =	shalt  }
0x63: {  	_ =	shalt  }
0x64: {  	_ =	shalt  }
0x65: {  	_ =	shalt  }
0x66: {  	_ =	shalt  }
0x67: {  	_ =	shalt  }
0x68: {  	_ =	shalt  }
0x69: {  	_ =	shalt  }
0x6a: {  	_ =	shalt  }
0x6b: {  	_ =	shalt  }
0x6c: {  	_ =	shalt  }
0x6d: {  	_ =	shalt  }
0x6e: {  	_ =	shalt  }
0x6f: {  	_ =	shalt  }
0x70: {  	_ =	shalt  }
0x71: {  	_ =	shalt  }
0x72: {  	_ =	shalt  }
0x73: {  	_ =	shalt  }
0x74: {  	_ =	shalt  }
0x75: {  	_ =	shalt  }
0x76: {  	_ =	shalt  }
0x77: {  	_ =	shalt  }
0x78: {  	_ =	shalt  }
0x79: {  	_ =	shalt  }
0x7a: {  	_ =	shalt  }
0x7b: {  	_ =	shalt  }
0x7c: {  	_ =	shalt  }
0x7d: {  	_ =	shalt  }
0x7e: {  	_ =	shalt  }
0x7f: {  	_ =	shalt  }
0x80: {  	_ =	shalt  }
0x81: {  	_ =	shalt  }
0x82: {  	_ =	shalt  }
0x83: {  	_ =	shalt  }
0x84: {  	_ =	shalt  }
0x85: {  	_ =	shalt  }
0x86: {  	_ =	shalt  }
0x87: {  	_ =	shalt  }
.Lfunc_end0:
.L_simem_size_0:
called_computation.2_lowered:
.L_overlay_start_0:
0x88: {  	s2 =	sld [smem:$0x3FD9]  }
0x89: {  	s3 =	sld [smem:$0x3FFE];
	_ =	sdelay $0x1  }
0x8a: {  	s1 =	srdreg.scid  }
0x8b: {  	s0 =	sand.u32 $0x1, s1  }
0x8c: {  	s17 =	sshll.u32 s0, $0xA;
	s2 =	sadd.s32 s3, s2  }
0x8d: {  	s2 =	sadd.s32 s2, s17  }
0x8e: {  	[smem:$0x3FC0] =	sst s2  }
0x8f: {  	_ = 	snop  }
0x90: {  	s2 =	sld [smem:$0x3FD0];
	(tm) =	ssettm $0x1  }
0x91: {  	s18 =	sld [smem:$0x3FFB];
	_ =	sdelay $0x3  }
0x92: {  	_ =	strace s18  }
0x93: {  	s3 =	sld [smem:$0x3FFC];
	_ =	sdelay $0x3  }
0x94: {  	_ =	strace s3  }
0x95: {  	s3 =	sld [smem:$0x3FFD];
	_ =	sdelay $0x3  }
0x96: {  	_ =	strace s3  }
0x97: {  	_ =	strace $0x8FFFFFFF  }
0x98: {  	s19 =	sld [smem:$0x3FDB];
	_ =	sdelay $0x1  }
0x99: {  	s4 =	simm.s32 $_scs_section_size  }
0x9a: {  	s5 =	simm.s32 $_size__tile_overlayer_lowered;
	s6 =	simm.s32 $_tile_overlayer_lowered  }
0x9b: {  	s22 =	simm.s32 $0x1BFF;
	s21 =	sshll.u32 s6, $0x1;
	s3 =	sadd.s32 s4, s19  }
0x9c: {  	s7 =	simm.s32 $0x0;
	s20 =	sshll.u32 s5, $0x1;
	s5 =	sadd.s32 s21, s3  }
0x9d: {  	[timem:s7], [sflag:s22] =	dma.local [hbm:s5], s20  }
0x9e: {  	_ =	swait.ge [sflag:s22], s20  }
0x9f: {  	s4 =	ssub.s32 $0x0, s20;
	[sflag:s22] =	ssyncset.done $0x0  }
0xa0: {  	[sflag:s22] =	ssyncadd.s32 s4;
	_ =	sdelay $0x1  }
0xa1: {  	s23 =	simm.s32 $0x1B8B  }
0xa2: {  	_ =	swait.ge [sflag:s23], $0x1  }
0xa3: {  	[sflag:s23] =	ssyncset.done $0x0  }
0xa4: {  	s25 =	simm.s32 $0x1B8E;
	s24 =	sld [smem:$0x3FFE];
	[sflag:s23] =	ssyncadd.s32 $0xFFFFFFFF  }
0xa5: {  	s26 =	simm.s32 $execute0_lowered;
	[smem:$0x3FD2] =	sst s25  }
0xa6: {  	s5 =	sshll.u32 s26, $0x1;
	_ =	strace $0x8000004C;
	[dreg:$0x1] =	wrdreg $0xFFFFFFFF  }
0xa7: {  	s28 =	simm.s32 $_size_execute0_lowered;
	s3 =	sadd.s32 s3, s5;
	[dreg:$0x0] =	wrdreg $0x0  }
0xa8: {  	s5 =	sshll.u32 s28, $0x1;
	[dreg:$0x2] =	wrdreg s3  }
0xa9: {  	[dreg:$0x3] =	wrdreg s5  }
0xaa: {  	[dreg:$0x4] =	wrdreg $0xC0  }
0xab: {  	_ =	task [dreg:s7], $0x5FFFF  }
0xac: {  	[dreg:$0x1] =	wrdreg $0xFFFFFFFF  }
0xad: {  	[dreg:$0x0] =	wrdreg $0x60  }
0xae: {  	[dreg:$0x2] =	wrdreg s2  }
0xaf: {  	[dreg:$0x3] =	wrdreg s24  }
0xb0: {  	[dreg:$0x4] =	wrdreg $0xBEA00  }
0xb1: {  	[dreg:$0x5] =	wrdreg $0x9  }
0xb2: {  	_ =	task.clear_ibuf [dreg:s7], $0x6FFFF;
	_ =	strace $0x9000004C  }
0xb3: {  	s29 =	simm.s32 $0x9;
	_ =	strace $0x8000004E  }
0xb4: {  	_ =	swait.ge [sflag:s29], $0x1  }
0xb5: {  	[sflag:s29] =	ssyncadd.s32 $0xFFFFFFFF  }
0xb6: {  	_ =	strace $0x9000004E  }
0xb7: {  	_ =	sfence  }
0xb8: {  	s30 =	sld [smem:$0x0];
	_ =	sdelay $0x2  }
0xb9: {  	s31 =	sshll.u32 s1, $0xD;
	s1 =	sshrl.u32 s1, $0x2  }
0xba: {  	s3 =	sand.u32 $0x4000, s31;
	s1 =	sadd.s32 s1, s30  }
0xbb: {  	s0 =	sor.u32 s3, s0;
	s1 =	sshll.u32 s1, $0x11  }
0xbc: {  	s0 =	sor.u32 s1, s0  }
0xbd: {  	s0 =	sadd.s32 $0x8F2B, s0  }
0xbe: {  	[sflag:s0] =	ssyncadd.remote.s32 $0x1  }
0xbf: {  	_ =	sfence.sel $0xFFFF  }
0xc0: {  	[dreg:$0x0] =	wrdreg $0xFFFFFFFF;
	(pc) =	sbr.abs _section_cstart, $3  }
0xc1: {  	[dreg:$0x1] =	wrdreg $0xFFFFFFFF  }
0xc2: {  	_ =	task.clear_ibuf [dreg:s7], $0x2FFFF;
	_ =	strace $0x9FFFFFFF  }
0xc3: {  	(tm) =	ssettm $0x7FFFFFFF  }
tec
execute0_lowered:
.L_overlay_start_1:
0x0: {  	(tag) =	ssettag $0x1  }
0x1: {  	s2 =	rddreg [dreg:$0x0]  }
0x2: {  	s0 =	rddreg [dreg:$0x1]  }
0x3: {  	s3 =	rddreg [dreg:$0x2];
	s19 =	stileid.u32;
	s4 =	simm.s32 $0x0  }
0x4: {  	s8 =	srdreg.scid;
	s15 =	simm.s32 $0x7;
	s16 =	simm.s32 $0x1450  }
0x5: {  	s17 =	simm.s32 $0x64;
	s18 =	simm.s32 $0x28A0;
	s20 =	simm.s32 $0x5AA0  }
0x6: {  	s28 =	simm.s32 $0x5;
	s29 =	simm.s32 $0x1520;
	s30 =	simm.s32 $0x8CA0  }
0x7: {  	s31 =	simm.s32 $0x6;
	s1 =	smul.u32 $0x13880, s19;
	[smem:$0x7FF] =	sst s4  }
0x8: {  	s5 =	sadd.s32 $0xDE00, s0;
	s10 =	sadd.s32 $0x8C00, s0;
	s8 =	sand.u32 $0x1, s8  }
0x9: {  	s9 =	smul.u32 $0x28A0, s19;
	s11 =	sadd.s32 $0x3A00, s0;
	s14 =	sadd.s32 $0x5C200, s0  }
0xa: {  	s26 =	sshll.u32 s19, $0x6;
	s19 =	simm.s32 $0x0;
	_ =	strace $0x8000004D  }
0xb: {  	s12 =	ssub.s32 $0x2, s8;
	p0 =	seq.s32 s8, $0x0;
	s6 =	sshrl.u32 s1, $0x3  }
0xc: {  	s13 =	sshrl.u32 s12, $0x1;
	s9 =	sshrl.u32 s9, $0x3;
	s1 =	sadd.s32 s1, s3  }
0xd: {  	s7 =	sadd.s32 s6, s0;
	s0 =	sadd.s32 $0x83400, s0;
	s13 =	ssub.s32 s12, s13  }
0xe: {  	s21 =	sadd.s32 s10, s9;
	s22 =	sadd.s32 s11, s9;
	[dreg:$0x6] =	wrdreg s1  }
0xf: {  	s23 =	sadd.s32 $0x28A, s9;
	s12 =	smov.u32 s5;
	[dreg:$0x4] =	wrdreg s21  }
0x10: {  	[dreg:$0x5] =	wrdreg s22;
	s7 =	sadd.s32 $0x35000, s7;
	s24 =	sadd.s32 s10, s23  }
0x11: {  	s1 =	sadd.s32 s11, s23;
	s25 =	smax.u32 s13, $0x1;
	s12 =	smov.u32 @p0 s2  }
0x12: {  	s0 =	smov.u32 @p0 s14;
	s21 =	sor.u32 $0x1C07, s26;
	[dreg:$0x7] =	wrdreg s7  }
0x13: {  	s22 =	simm.s32 $0x1;
	s23 =	simm.s32 $0x2;
	[dreg:$0x8] =	wrdreg s24  }
0x14: {  	s11 =	simm.s32 $0x14B8;
	s26 =	simm.s32 $0x3;
	[dreg:$0x9] =	wrdreg s1  }
0x15: {  	[dreg:$0xa] =	wrdreg s25;
	s0 =	sadd.s32 s0, s6;
	s24 =	simm.s32 $0x4  }
0x16: {  	s1 =	simm.s32 $0x2838;
	[dreg:$0xb] =	wrdreg s0;
	s0 =	simm.s32 $0x27D0  }
.LBB2_1:
0x17: {  	s6 =	rddreg [dreg:$0x4]  }
0x18: {  	[tilespmem:s4], [sflag:$0x7] =	stream.linear.gather [hbm4b:s6+s4], $0x1450, $0x38;
	[tilespmem:$0x1F720] =	vst v63  }
0x19: {  	_ =	swait.ge [sflag:s15], $0x1450  }
0x1a: {  	[sflag:s15] =	ssyncset.done $0x0  }
0x1b: {  	s7 =	rddreg [dreg:$0x5];
	[sflag:s15] =	ssyncadd.s32 $0xFFFFEBB0  }
0x1c: {  	[tilespmem:s16], [sflag:$0x7] =	stream.linear.gather [hbm4b:s7+s4], $0x1450, $0x38;
	[tilespmem:$0x1F720] =	vst v63  }
0x1d: {  	_ =	swait.ge [sflag:s15], $0x1450  }
0x1e: {  	[sflag:s15] =	ssyncset.done $0x0  }
0x1f: {  	s9 =	rddreg [dreg:$0x6];
	[sflag:s15] =	ssyncadd.s32 $0xFFFFEBB0  }
0x20: {  	[tilespmem:s18], [sflag:$0x1] =	stream.indirect.gather [hbm4b:s12+s17], $0x80, s4, s17, $0xb8;
	[tilespmem:$0x1F720] =	vst v63  }
0x21: {  	s8 =	simm.s32 $0x68;
	s7 =	rddreg [dreg:$0x7];
	s6 =	sshrl.u32 s9, $0x3  }
0x22: {  	[tilespmem:s20], [sflag:$0x2] =	stream.indirect.gather [hbm4b:s12+s17], $0x80, s8, s17, $0xb8;
	[tilespmem:$0x1F720] =	vst v63  }
0x23: {  	[spmem:s6], [sflag:s21] =	dma.local [hbm:s7], $0x2710  }
0x24: {  	_ =	swait.ge [sflag:s15], $0x2710  }
0x25: {  	[sflag:s15] =	ssyncset.done $0x0  }
0x26: {  	[sflag:s15] =	ssyncadd.s32 $0xFFFFD8F0  }
0x27: {  	[bflag:$0x0] =	sbarrier.arrive $0xFFFF  }
0x28: {  	_ =	swait.ge [sflag:s22], $0x3200  }
0x29: {  	s9 =	simm.s32 @p0 $0x8CA0;
	[sflag:s22] =	ssyncset.done $0x0  }
0x2a: {  	s8 =	simm.s32 @p0 $0xD0;
	s7 =	simm.s32 @p0 $0x64;
	[sflag:s22] =	ssyncadd.s32 $0xFFFFCE00  }
0x2b: {  	[tilespmem:s9], [sflag:$0x3] =	stream.indirect.gather @p0 [hbm4b:s2+s7], $0x80, s8, s7, $0xb8;
	[tilespmem:$0x1F720] =	vst v63  }
0x2c: {  	s10 =	simm.s32 @!p0 $0x8CA0;
	s8 =	simm.s32 @!p0 $0x64;
	s9 =	simm.s32 @!p0 $0xD0  }
0x2d: {  	[tilespmem:s10], [sflag:$0x3] =	stream.indirect.gather @!p0 [hbm4b:s5+s8], $0x80, s9, s8, $0xb8;
	[tilespmem:$0x1F720] =	vst v63  }
0x2e: {  	_ = 	snop  }
0x2f: {  	[spmem:s3] =	stream.indirect.scatter.add.f32 [tilespmem:s18], [sflag:$0x4], $0x80, s16, s17, $0xb8;
	[tilespmem:$0x1F720] =	vst v63  }
0x30: {  	_ =	swait.ge [sflag:s23], $0x3200  }
0x31: {  	[sflag:s23] =	ssyncset.done $0x0  }
0x32: {  	[sflag:s23] =	ssyncadd.s32 $0xFFFFCE00  }
0x33: {  	_ =	swait.ge [sflag:s24], $0x3200  }
0x34: {  	[sflag:s24] =	ssyncset.done $0x0  }
0x35: {  	s9 =	simm.s32 @p0 $0x138;
	s10 =	simm.s32 @p0 $0x28A0;
	[sflag:s24] =	ssyncadd.s32 $0xFFFFCE00  }
0x36: {  	[tilespmem:s10], [sflag:$0x1] =	stream.indirect.gather @p0 [hbm4b:s2+s7], $0x80, s9, s7, $0xb8;
	[tilespmem:$0x1F720] =	vst v63  }
0x37: {  	s9 =	simm.s32 @!p0 $0x138;
	s10 =	simm.s32 @!p0 $0x28A0  }
0x38: {  	[tilespmem:s10], [sflag:$0x1] =	stream.indirect.gather @!p0 [hbm4b:s5+s8], $0x80, s9, s8, $0xb8;
	[tilespmem:$0x1F720] =	vst v63  }
0x39: {  	_ = 	snop  }
0x3a: {  	[spmem:s3] =	stream.indirect.scatter.add.f32 [tilespmem:s20], [sflag:$0x5], $0x80, s11, s17, $0xb8;
	[tilespmem:$0x1F720] =	vst v63  }
0x3b: {  	_ =	swait.ge [sflag:s26], $0x3200  }
0x3c: {  	[sflag:s26] =	ssyncset.done $0x0  }
0x3d: {  	[sflag:s26] =	ssyncadd.s32 $0xFFFFCE00  }
0x3e: {  	_ =	swait.ge [sflag:s28], $0x3200  }
0x3f: {  	[sflag:s28] =	ssyncset.done $0x0  }
0x40: {  	s9 =	simm.s32 @p0 $0x1A0;
	s10 =	simm.s32 @p0 $0x5AA0;
	[sflag:s28] =	ssyncadd.s32 $0xFFFFCE00  }
0x41: {  	[tilespmem:s10], [sflag:$0x2] =	stream.indirect.gather @p0 [hbm4b:s2+s7], $0x80, s9, s7, $0xb8;
	[tilespmem:$0x1F720] =	vst v63  }
0x42: {  	s7 =	simm.s32 @!p0 $0x1A0;
	s9 =	simm.s32 @!p0 $0x5AA0  }
0x43: {  	[tilespmem:s9], [sflag:$0x2] =	stream.indirect.gather @!p0 [hbm4b:s5+s8], $0x80, s7, s8, $0xb8;
	[tilespmem:$0x1F720] =	vst v63  }
0x44: {  	_ = 	snop  }
0x45: {  	[spmem:s3] =	stream.indirect.scatter.add.f32 [tilespmem:s30], [sflag:$0x6], $0x80, s29, s17, $0xb8;
	[tilespmem:$0x1F720] =	vst v63  }
0x46: {  	_ =	swait.ge [sflag:s22], $0x3200  }
0x47: {  	[sflag:s22] =	ssyncset.done $0x0  }
0x48: {  	[sflag:s22] =	ssyncadd.s32 $0xFFFFCE00  }
0x49: {  	_ =	swait.ge [sflag:s31], $0x3200  }
0x4a: {  	[sflag:s31] =	ssyncset.done $0x0  }
0x4b: {  	s10 =	simm.s32 $0x208;
	[sflag:s31] =	ssyncadd.s32 $0xFFFFCE00  }
0x4c: {  	[tilespmem:s30], [sflag:$0x3] =	stream.indirect.gather [hbm4b:s12+s17], $0x80, s10, s17, $0xb8;
	[tilespmem:$0x1F720] =	vst v63  }
0x4d: {  	s11 =	simm.s32 $0x1588  }
0x4e: {  	[spmem:s3] =	stream.indirect.scatter.add.f32 [tilespmem:s18], [sflag:$0x4], $0x80, s11, s17, $0xb8;
	[tilespmem:$0x1F720] =	vst v63  }
0x4f: {  	_ =	swait.ge [sflag:s23], $0x3200  }
0x50: {  	[sflag:s23] =	ssyncset.done $0x0  }
0x51: {  	[sflag:s23] =	ssyncadd.s32 $0xFFFFCE00  }
0x52: {  	_ =	swait.ge [sflag:s24], $0x3200  }
0x53: {  	[sflag:s24] =	ssyncset.done $0x0  }
0x54: {  	s13 =	simm.s32 $0x270;
	[sflag:s24] =	ssyncadd.s32 $0xFFFFCE00  }
0x55: {  	[tilespmem:s18], [sflag:$0x1] =	stream.indirect.gather [hbm4b:s12+s17], $0x80, s13, s17, $0xb8;
	[tilespmem:$0x1F720] =	vst v63  }
0x56: {  	s14 =	simm.s32 $0x15F0  }
0x57: {  	[spmem:s3] =	stream.indirect.scatter.add.f32 [tilespmem:s20], [sflag:$0x5], $0x80, s14, s17, $0xb8;
	[tilespmem:$0x1F720] =	vst v63  }
0x58: {  	_ =	swait.ge [sflag:s26], $0x3200  }
0x59: {  	[sflag:s26] =	ssyncset.done $0x0  }
0x5a: {  	[sflag:s26] =	ssyncadd.s32 $0xFFFFCE00  }
0x5b: {  	_ =	swait.ge [sflag:s28], $0x3200  }
0x5c: {  	s25 =	simm.s32 $0x2D8;
	[sflag:s28] =	ssyncset.done $0x0  }
0x5d: {  	s7 =	simm.s32 $0x4E0;
	s8 =	simm.s32 $0x1658;
	[sflag:s28] =	ssyncadd.s32 $0xFFFFCE00  }
0x5e: {  	[tilespmem:s20], [sflag:$0x2] =	stream.indirect.gather [hbm4b:s12+s17], $0x80, s25, s17, $0xb8;
	[tilespmem:$0x1F720] =	vst v63  }
.LBB2_2:
0x5f: {  	[spmem:s3] =	stream.indirect.scatter.add.f32 [tilespmem:s30], [sflag:$0x6], $0x80, s8, s17, $0xb8;
	[tilespmem:$0x1F720] =	vst v63  }
0x60: {  	s8 =	smov.u32 s7  }
0x61: {  	p1 =	sne.s32 s7, $0x4440;
	s7 =	sadd.s32 $0x4E0, s7;
	_ =	swait.ge [sflag:s22], $0x3200  }
0x62: {  	[sflag:s22] =	ssyncset.done $0x0  }
0x63: {  	[sflag:s22] =	ssyncadd.s32 $0xFFFFCE00  }
0x64: {  	_ =	swait.ge [sflag:s31], $0x3200  }
0x65: {  	s8 =	sshra.s32 s8, $0x2;
	[sflag:s31] =	ssyncset.done $0x0  }
0x66: {  	s9 =	sadd.s32 $0x208, s8;
	[sflag:s31] =	ssyncadd.s32 $0xFFFFCE00  }
0x67: {  	[tilespmem:s30], [sflag:$0x3] =	stream.indirect.gather [hbm4b:s12+s17], $0x80, s9, s17, $0xb8;
	[tilespmem:$0x1F720] =	vst v63  }
0x68: {  	s9 =	sadd.s32 $0x1588, s8  }
0x69: {  	[spmem:s3] =	stream.indirect.scatter.add.f32 [tilespmem:s18], [sflag:$0x4], $0x80, s9, s17, $0xb8;
	[tilespmem:$0x1F720] =	vst v63  }
0x6a: {  	_ =	swait.ge [sflag:s23], $0x3200  }
0x6b: {  	[sflag:s23] =	ssyncset.done $0x0  }
0x6c: {  	[sflag:s23] =	ssyncadd.s32 $0xFFFFCE00  }
0x6d: {  	_ =	swait.ge [sflag:s24], $0x3200  }
0x6e: {  	[sflag:s24] =	ssyncset.done $0x0  }
0x6f: {  	s9 =	sadd.s32 $0x270, s8;
	[sflag:s24] =	ssyncadd.s32 $0xFFFFCE00  }
0x70: {  	[tilespmem:s18], [sflag:$0x1] =	stream.indirect.gather [hbm4b:s12+s17], $0x80, s9, s17, $0xb8;
	[tilespmem:$0x1F720] =	vst v63  }
0x71: {  	s9 =	sadd.s32 $0x15F0, s8  }
0x72: {  	[spmem:s3] =	stream.indirect.scatter.add.f32 [tilespmem:s20], [sflag:$0x5], $0x80, s9, s17, $0xb8;
	[tilespmem:$0x1F720] =	vst v63  }
0x73: {  	_ =	swait.ge [sflag:s26], $0x3200  }
0x74: {  	[sflag:s26] =	ssyncset.done $0x0  }
0x75: {  	[sflag:s26] =	ssyncadd.s32 $0xFFFFCE00  }
.Ltmp0:
0x76: {  	_ =	swait.ge [sflag:s28], $0x3200;
	(pc) =	sbr.rel @p1 .LBB2_2-.Ltmp0, $4  }
0x77: {  	[sflag:s28] =	ssyncset.done $0x0  }
0x78: {  	s9 =	sadd.s32 $0x2D8, s8;
	[sflag:s28] =	ssyncadd.s32 $0xFFFFCE00  }
0x79: {  	[tilespmem:s20], [sflag:$0x2] =	stream.indirect.gather [hbm4b:s12+s17], $0x80, s9, s17, $0xb8;
	[tilespmem:$0x1F720] =	vst v63  }
0x7a: {  	s8 =	sadd.s32 $0x1658, s8  }
0x7b: {  	[spmem:s3] =	stream.indirect.scatter.add.f32 [tilespmem:s30], [sflag:$0x6], $0x80, s8, s17, $0xb8;
	[tilespmem:$0x1F720] =	vst v63  }
0x7c: {  	_ =	swait.ge [sflag:s22], $0x3200  }
0x7d: {  	[sflag:s22] =	ssyncset.done $0x0  }
0x7e: {  	[sflag:s22] =	ssyncadd.s32 $0xFFFFCE00  }
0x7f: {  	_ =	swait.ge [sflag:s31], $0x3200  }
0x80: {  	[sflag:s31] =	ssyncset.done $0x0  }
0x81: {  	[sflag:s31] =	ssyncadd.s32 $0xFFFFCE00  }
0x82: {  	[spmem:s3] =	stream.indirect.scatter.add.f32 [tilespmem:s18], [sflag:$0x4], $0x80, s0, s17, $0xb8;
	[tilespmem:$0x1F720] =	vst v63  }
0x83: {  	_ =	swait.ge [sflag:s23], $0x3200  }
0x84: {  	[sflag:s23] =	ssyncset.done $0x0  }
0x85: {  	[sflag:s23] =	ssyncadd.s32 $0xFFFFCE00  }
0x86: {  	_ =	swait.ge [sflag:s24], $0x3200  }
0x87: {  	[sflag:s24] =	ssyncset.done $0x0  }
0x88: {  	[sflag:s24] =	ssyncadd.s32 $0xFFFFCE00  }
0x89: {  	[spmem:s3] =	stream.indirect.scatter.add.f32 [tilespmem:s20], [sflag:$0x5], $0x80, s1, s17, $0xb8;
	[tilespmem:$0x1F720] =	vst v63  }
0x8a: {  	_ =	swait.ge [sflag:s28], $0x3200  }
0x8b: {  	[sflag:s28] =	ssyncset.done $0x0  }
0x8c: {  	s7 =	rddreg [dreg:$0x8];
	[sflag:s28] =	ssyncadd.s32 $0xFFFFCE00  }
0x8d: {  	[tilespmem:s4], [sflag:$0x7] =	stream.linear.gather [hbm4b:s7+s4], $0x1450, $0x38;
	[tilespmem:$0x1F720] =	vst v63  }
0x8e: {  	_ =	swait.ge [sflag:s15], $0x1450  }
0x8f: {  	[sflag:s15] =	ssyncset.done $0x0  }
0x90: {  	s8 =	rddreg [dreg:$0x9];
	[sflag:s15] =	ssyncadd.s32 $0xFFFFEBB0  }
0x91: {  	[tilespmem:s16], [sflag:$0x7] =	stream.linear.gather [hbm4b:s8+s4], $0x1450, $0x38;
	[tilespmem:$0x1F720] =	vst v63  }
0x92: {  	_ =	swait.ge [sflag:s15], $0x1450  }
0x93: {  	s9 =	simm.s32 @p0 $0x28A0;
	[sflag:s15] =	ssyncset.done $0x0  }
0x94: {  	s7 =	simm.s32 @p0 $0x64;
	s8 =	simm.s32 @p0 $0x0;
	[sflag:s15] =	ssyncadd.s32 $0xFFFFEBB0  }
0x95: {  	[tilespmem:s9], [sflag:$0x1] =	stream.indirect.gather @p0 [hbm4b:s2+s7], $0x80, s8, s7, $0xb8;
	[tilespmem:$0x1F720] =	vst v63  }
0x96: {  	s10 =	simm.s32 @p0 $0x5AA0;
	s8 =	simm.s32 @p0 $0x68  }
0x97: {  	[tilespmem:s10], [sflag:$0x2] =	stream.indirect.gather @p0 [hbm4b:s2+s7], $0x80, s8, s7, $0xb8;
	[tilespmem:$0x1F720] =	vst v63  }
0x98: {  	s8 =	simm.s32 @p0 $0x1  }
0x99: {  	_ =	swait.ge @p0 [sflag:s8], $0x3200  }
0x9a: {  	[sflag:s8] =	ssyncset.done @p0 $0x0  }
0x9b: {  	s11 =	simm.s32 @p0 $0x8CA0;
	[sflag:s8] =	ssyncadd.s32 @p0 $0xFFFFCE00;
	s8 =	simm.s32 @p0 $0xD0  }
0x9c: {  	[tilespmem:s11], [sflag:$0x3] =	stream.indirect.gather @p0 [hbm4b:s2+s7], $0x80, s8, s7, $0xb8;
	[tilespmem:$0x1F720] =	vst v63  }
0x9d: {  	s13 =	simm.s32 @!p0 $0x28A0;
	s8 =	simm.s32 @!p0 $0x64;
	s11 =	simm.s32 @!p0 $0x0  }
0x9e: {  	[tilespmem:s13], [sflag:$0x1] =	stream.indirect.gather @!p0 [hbm4b:s5+s8], $0x80, s11, s8, $0xb8;
	[tilespmem:$0x1F720] =	vst v63  }
0x9f: {  	s14 =	simm.s32 @!p0 $0x5AA0;
	s11 =	simm.s32 @!p0 $0x68  }
0xa0: {  	[tilespmem:s14], [sflag:$0x2] =	stream.indirect.gather @!p0 [hbm4b:s5+s8], $0x80, s11, s8, $0xb8;
	[tilespmem:$0x1F720] =	vst v63  }
0xa1: {  	s11 =	simm.s32 @!p0 $0x1  }
0xa2: {  	_ =	swait.ge @!p0 [sflag:s11], $0x3200  }
0xa3: {  	[sflag:s11] =	ssyncset.done @!p0 $0x0  }
0xa4: {  	s25 =	simm.s32 @!p0 $0x8CA0;
	[sflag:s11] =	ssyncadd.s32 @!p0 $0xFFFFCE00;
	s11 =	simm.s32 @!p0 $0xD0  }
0xa5: {  	[tilespmem:s25], [sflag:$0x3] =	stream.indirect.gather @!p0 [hbm4b:s5+s8], $0x80, s11, s8, $0xb8;
	[tilespmem:$0x1F720] =	vst v63  }
0xa6: {  	_ = 	snop  }
0xa7: {  	[spmem:s3] =	stream.indirect.scatter.add.f32 [tilespmem:s18], [sflag:$0x4], $0x80, s16, s17, $0xb8;
	[tilespmem:$0x1F720] =	vst v63  }
0xa8: {  	_ =	swait.ge [sflag:s23], $0x3200  }
0xa9: {  	[sflag:s23] =	ssyncset.done $0x0  }
0xaa: {  	[sflag:s23] =	ssyncadd.s32 $0xFFFFCE00  }
0xab: {  	_ =	swait.ge [sflag:s24], $0x3200  }
0xac: {  	[sflag:s24] =	ssyncset.done $0x0  }
0xad: {  	s11 =	simm.s32 @p0 $0x138;
	[sflag:s24] =	ssyncadd.s32 $0xFFFFCE00  }
0xae: {  	[tilespmem:s9], [sflag:$0x1] =	stream.indirect.gather @p0 [hbm4b:s2+s7], $0x80, s11, s7, $0xb8;
	[tilespmem:$0x1F720] =	vst v63  }
0xaf: {  	s9 =	simm.s32 @!p0 $0x138  }
0xb0: {  	[tilespmem:s13], [sflag:$0x1] =	stream.indirect.gather @!p0 [hbm4b:s5+s8], $0x80, s9, s8, $0xb8;
	[tilespmem:$0x1F720] =	vst v63  }
0xb1: {  	s11 =	simm.s32 $0x14B8  }
0xb2: {  	[spmem:s3] =	stream.indirect.scatter.add.f32 [tilespmem:s20], [sflag:$0x5], $0x80, s11, s17, $0xb8;
	[tilespmem:$0x1F720] =	vst v63  }
0xb3: {  	_ =	swait.ge [sflag:s26], $0x3200  }
0xb4: {  	[sflag:s26] =	ssyncset.done $0x0  }
0xb5: {  	[sflag:s26] =	ssyncadd.s32 $0xFFFFCE00  }
0xb6: {  	_ =	swait.ge [sflag:s28], $0x3200  }
0xb7: {  	[sflag:s28] =	ssyncset.done $0x0  }
0xb8: {  	s9 =	simm.s32 @p0 $0x1A0;
	[sflag:s28] =	ssyncadd.s32 $0xFFFFCE00  }
0xb9: {  	[tilespmem:s10], [sflag:$0x2] =	stream.indirect.gather @p0 [hbm4b:s2+s7], $0x80, s9, s7, $0xb8;
	[tilespmem:$0x1F720] =	vst v63  }
0xba: {  	s7 =	simm.s32 @!p0 $0x1A0  }
0xbb: {  	[tilespmem:s14], [sflag:$0x2] =	stream.indirect.gather @!p0 [hbm4b:s5+s8], $0x80, s7, s8, $0xb8;
	[tilespmem:$0x1F720] =	vst v63  }
0xbc: {  	_ = 	snop  }
0xbd: {  	[spmem:s3] =	stream.indirect.scatter.add.f32 [tilespmem:s30], [sflag:$0x6], $0x80, s29, s17, $0xb8;
	[tilespmem:$0x1F720] =	vst v63  }
0xbe: {  	_ =	swait.ge [sflag:s22], $0x3200  }
0xbf: {  	[sflag:s22] =	ssyncset.done $0x0  }
0xc0: {  	[sflag:s22] =	ssyncadd.s32 $0xFFFFCE00  }
0xc1: {  	_ =	swait.ge [sflag:s31], $0x3200  }
0xc2: {  	[sflag:s31] =	ssyncset.done $0x0  }
0xc3: {  	s9 =	simm.s32 $0x208;
	[sflag:s31] =	ssyncadd.s32 $0xFFFFCE00  }
0xc4: {  	[tilespmem:s30], [sflag:$0x3] =	stream.indirect.gather [hbm4b:s12+s17], $0x80, s9, s17, $0xb8;
	[tilespmem:$0x1F720] =	vst v63  }
0xc5: {  	s10 =	simm.s32 $0x1588  }
0xc6: {  	[spmem:s3] =	stream.indirect.scatter.add.f32 [tilespmem:s18], [sflag:$0x4], $0x80, s10, s17, $0xb8;
	[tilespmem:$0x1F720] =	vst v63  }
0xc7: {  	_ =	swait.ge [sflag:s23], $0x3200  }
0xc8: {  	[sflag:s23] =	ssyncset.done $0x0  }
0xc9: {  	[sflag:s23] =	ssyncadd.s32 $0xFFFFCE00  }
0xca: {  	_ =	swait.ge [sflag:s24], $0x3200  }
0xcb: {  	[sflag:s24] =	ssyncset.done $0x0  }
0xcc: {  	s13 =	simm.s32 $0x270;
	[sflag:s24] =	ssyncadd.s32 $0xFFFFCE00  }
0xcd: {  	[tilespmem:s18], [sflag:$0x1] =	stream.indirect.gather [hbm4b:s12+s17], $0x80, s13, s17, $0xb8;
	[tilespmem:$0x1F720] =	vst v63  }
0xce: {  	s14 =	simm.s32 $0x15F0  }
0xcf: {  	[spmem:s3] =	stream.indirect.scatter.add.f32 [tilespmem:s20], [sflag:$0x5], $0x80, s14, s17, $0xb8;
	[tilespmem:$0x1F720] =	vst v63  }
0xd0: {  	_ =	swait.ge [sflag:s26], $0x3200  }
0xd1: {  	[sflag:s26] =	ssyncset.done $0x0  }
0xd2: {  	[sflag:s26] =	ssyncadd.s32 $0xFFFFCE00  }
0xd3: {  	_ =	swait.ge [sflag:s28], $0x3200  }
0xd4: {  	s25 =	simm.s32 $0x2D8;
	[sflag:s28] =	ssyncset.done $0x0  }
0xd5: {  	s7 =	simm.s32 $0x4E0;
	s8 =	simm.s32 $0x1658;
	[sflag:s28] =	ssyncadd.s32 $0xFFFFCE00  }
0xd6: {  	[tilespmem:s20], [sflag:$0x2] =	stream.indirect.gather [hbm4b:s12+s17], $0x80, s25, s17, $0xb8;
	[tilespmem:$0x1F720] =	vst v63  }
.LBB2_4:
0xd7: {  	[spmem:s3] =	stream.indirect.scatter.add.f32 [tilespmem:s30], [sflag:$0x6], $0x80, s8, s17, $0xb8;
	[tilespmem:$0x1F720] =	vst v63  }
0xd8: {  	s8 =	smov.u32 s7  }
0xd9: {  	p1 =	sne.s32 s7, $0x4440;
	s7 =	sadd.s32 $0x4E0, s7;
	_ =	swait.ge [sflag:s22], $0x3200  }
0xda: {  	[sflag:s22] =	ssyncset.done $0x0  }
0xdb: {  	[sflag:s22] =	ssyncadd.s32 $0xFFFFCE00  }
0xdc: {  	_ =	swait.ge [sflag:s31], $0x3200  }
0xdd: {  	s8 =	sshra.s32 s8, $0x2;
	[sflag:s31] =	ssyncset.done $0x0  }
0xde: {  	s9 =	sadd.s32 $0x208, s8;
	[sflag:s31] =	ssyncadd.s32 $0xFFFFCE00  }
0xdf: {  	[tilespmem:s30], [sflag:$0x3] =	stream.indirect.gather [hbm4b:s12+s17], $0x80, s9, s17, $0xb8;
	[tilespmem:$0x1F720] =	vst v63  }
0xe0: {  	s9 =	sadd.s32 $0x1588, s8  }
0xe1: {  	[spmem:s3] =	stream.indirect.scatter.add.f32 [tilespmem:s18], [sflag:$0x4], $0x80, s9, s17, $0xb8;
	[tilespmem:$0x1F720] =	vst v63  }
0xe2: {  	_ =	swait.ge [sflag:s23], $0x3200  }
0xe3: {  	[sflag:s23] =	ssyncset.done $0x0  }
0xe4: {  	[sflag:s23] =	ssyncadd.s32 $0xFFFFCE00  }
0xe5: {  	_ =	swait.ge [sflag:s24], $0x3200  }
0xe6: {  	[sflag:s24] =	ssyncset.done $0x0  }
0xe7: {  	s9 =	sadd.s32 $0x270, s8;
	[sflag:s24] =	ssyncadd.s32 $0xFFFFCE00  }
0xe8: {  	[tilespmem:s18], [sflag:$0x1] =	stream.indirect.gather [hbm4b:s12+s17], $0x80, s9, s17, $0xb8;
	[tilespmem:$0x1F720] =	vst v63  }
0xe9: {  	s9 =	sadd.s32 $0x15F0, s8  }
0xea: {  	[spmem:s3] =	stream.indirect.scatter.add.f32 [tilespmem:s20], [sflag:$0x5], $0x80, s9, s17, $0xb8;
	[tilespmem:$0x1F720] =	vst v63  }
0xeb: {  	_ =	swait.ge [sflag:s26], $0x3200  }
0xec: {  	[sflag:s26] =	ssyncset.done $0x0  }
0xed: {  	[sflag:s26] =	ssyncadd.s32 $0xFFFFCE00  }
.Ltmp1:
0xee: {  	_ =	swait.ge [sflag:s28], $0x3200;
	(pc) =	sbr.rel @p1 .LBB2_4-.Ltmp1, $4  }
0xef: {  	[sflag:s28] =	ssyncset.done $0x0  }
0xf0: {  	s9 =	sadd.s32 $0x2D8, s8;
	[sflag:s28] =	ssyncadd.s32 $0xFFFFCE00  }
0xf1: {  	[tilespmem:s20], [sflag:$0x2] =	stream.indirect.gather [hbm4b:s12+s17], $0x80, s9, s17, $0xb8;
	[tilespmem:$0x1F720] =	vst v63  }
0xf2: {  	s8 =	sadd.s32 $0x1658, s8  }
0xf3: {  	[spmem:s3] =	stream.indirect.scatter.add.f32 [tilespmem:s30], [sflag:$0x6], $0x80, s8, s17, $0xb8;
	[tilespmem:$0x1F720] =	vst v63  }
0xf4: {  	_ =	swait.ge [sflag:s22], $0x3200  }
0xf5: {  	[sflag:s22] =	ssyncset.done $0x0  }
0xf6: {  	[sflag:s22] =	ssyncadd.s32 $0xFFFFCE00  }
0xf7: {  	_ =	swait.ge [sflag:s31], $0x3200  }
0xf8: {  	[sflag:s31] =	ssyncset.done $0x0  }
0xf9: {  	[sflag:s31] =	ssyncadd.s32 $0xFFFFCE00  }
0xfa: {  	[spmem:s3] =	stream.indirect.scatter.add.f32 [tilespmem:s18], [sflag:$0x4], $0x80, s0, s17, $0xb8;
	[tilespmem:$0x1F720] =	vst v63  }
0xfb: {  	_ =	swait.ge [sflag:s23], $0x3200  }
0xfc: {  	[sflag:s23] =	ssyncset.done $0x0  }
0xfd: {  	[sflag:s23] =	ssyncadd.s32 $0xFFFFCE00  }
0xfe: {  	_ =	swait.ge [sflag:s24], $0x3200  }
0xff: {  	[sflag:s24] =	ssyncset.done $0x0  }
0x100: {  	[sflag:s24] =	ssyncadd.s32 $0xFFFFCE00  }
0x101: {  	[spmem:s3] =	stream.indirect.scatter.add.f32 [tilespmem:s20], [sflag:$0x5], $0x80, s1, s17, $0xb8;
	[tilespmem:$0x1F720] =	vst v63  }
0x102: {  	_ =	swait.ge [sflag:s28], $0x3200  }
0x103: {  	[sflag:s28] =	ssyncset.done $0x0  }
0x104: {  	[sflag:s28] =	ssyncadd.s32 $0xFFFFCE00  }
0x105: {  	[bflag:$0x0] =	sbarrier.arrive $0xFFFF  }
0x106: {  	s7 =	rddreg [dreg:$0xb]  }
0x107: {  	[hbm:s7], [sflag:s21] =	dma.local [spmem:s6], $0x2710  }
0x108: {  	_ =	swait.ge [sflag:s15], $0x2710  }
0x109: {  	s19 =	sadd.s32 $0x1, s19;
	s25 =	rddreg [dreg:$0xa]  }
0x10a: {  	p1 =	sne.s32 s19, s25  }
.Ltmp2:
0x10b: {  	_ = 	snop;
	(pc) =	sbr.rel @p1 .LBB2_1-.Ltmp2, $3  }
0x10c: {  	_ =	sdelay $0x1  }
0x10d: {  	[sflag:s15] =	ssyncset.done $0x0  }
0x10e: {  	[sflag:s15] =	ssyncadd.s32 $0xFFFFD8F0  }
0x10f: {  	_ =	sfence.sel $0x180000  }
0x110: {  	[bflag:$0x0] =	sbarrier.arrive $0xFFFF  }
0x111: {  	_ =	strace $0x9000004D  }
0x112: {  	s0 =	stileid.u32;
	[bflag:$0x2] =	sbarrier.arrive $0xFFFF  }
0x113: {  	p0 =	sne.s32 s0, $0x0;
	s0 =	rddreg [dreg:$0x3]  }
0x114: {  	s0 =	sadd.s32 @!p0 $0x100000, s0  }
0x115: {  	[sflag:s0] =	ssyncadd.tile.s32 @!p0 $0x1;
	_ =	shalt  }
.Lfunc_end2:
_tile_overlayer_lowered:
.L_overlay_start_2:
0x116: {  	(tag) =	ssettag $0x2  }
0x117: {  	s0 =	rddreg [dreg:$0x0];
	s2 =	stileid.u32  }
0x118: {  	s1 =	rddreg [dreg:$0x1];
	p0 =	sne.s32 s2, $0x0  }
0x119: {  	s3 =	rddreg [dreg:$0x2];
	[bflag:$0x3] =	sbarrier.arrive $0xFFFF;
	s2 =	simm.s32 @!p0 $0x1C07  }
0x11a: {  	[timem:s3], [sflag:s2] =	dma.local @!p0 [hbm:s0], s1  }
0x11b: {  	s0 =	simm.s32 @!p0 $0x7  }
0x11c: {  	_ =	swait.ge @!p0 [sflag:s0], s1  }
0x11d: {  	s1 =	ssub.s32 @!p0 $0x0, s1;
	[sflag:s0] =	ssyncset.done @!p0 $0x0  }
0x11e: {  	[sflag:s0] =	ssyncadd.s32 @!p0 s1  }
0x11f: {  	[bflag:$0x3] =	sbarrier.arrive $0xFFFF  }
0x120: {  	_ =	shalt  }

// kernel: kernel.8.cloned.1.call-start
scs
__scs_entry_jumppad:
0x0: {  	(pc) =	sbr.rel $0x88, $3  }
0x1: {  	(tag) =	ssettag $0x0;
	lr =	simm.s32 $0x1  }
0x2: {  	[smem:$0x3F99] =	sst lr;
	_ =	strace $0xD0000000  }
0x3: {  	_ = 	snop  }
0x4: {  	_ = 	snop  }
0x5: {  	_ = 	snop  }
0x6: {  	_ = 	snop  }
0x7: {  	_ = 	snop  }
__scs_overlays_trampoline_lowered:
0x8: {  	[smem:$0x3FA8] =	sst s0  }
0x9: {  	[smem:$0x3FA9] =	sst s1  }
0xa: {  	[smem:$0x3FAA] =	sst s2  }
0xb: {  	[smem:$0x3FAB] =	sst s3  }
0xc: {  	[smem:$0x3FAC] =	sst s4  }
0xd: {  	[smem:$0x3FAD] =	sst s5  }
0xe: {  	[smem:$0x3FAE] =	sst s6  }
0xf: {  	[smem:$0x3FAF] =	sst s7  }
0x10: {  	[smem:$0x3FB0] =	sst s8  }
0x11: {  	[smem:$0x3FB1] =	sst s9;
	s0 =	simm.s32 @!p0 $0x0  }
0x12: {  	s1 =	sld [smem:$0x3F97];
	s0 =	simm.s32 @p0 $0x1  }
0x13: {  	[smem:$0x3FB2] =	sst s0;
	s0 =	simm.s32 @!p1 $0x0  }
0x14: {  	s2 =	sld [smem:$0x3F96];
	s0 =	simm.s32 @p1 $0x1  }
0x15: {  	[smem:$0x3FB3] =	sst s0;
	s0 =	simm.s32 @!p2 $0x0  }
0x16: {  	s3 =	sld [smem:$0x3FDB];
	s0 =	simm.s32 @p2 $0x1  }
0x17: {  	s4 =	simm.s32 $0x1BF5;
	[smem:$0x3FB5] =	sst s0  }
0x18: {  	s0 =	sld [smem:$0x3F98];
	_ =	swait.ge [sflag:s4], $0x0  }
0x19: {  	s7 =	sld [smem:$0x3F99]  }
0x1a: {  	s8 =	sadd.s32 $0xFFFFE003, lr  }
0x1b: {  	s9 =	sadd.s32 $0xFFFFFEF7, lr;
	s5 =	simm.s32 $0xFFFFFFFF;
	p2 =	slt.u32 s8, $0xFFFFF086  }
0x1c: {  	p1 =	slt.u32 s9, $0xF7A;
	s5 =	simm.s32 @!p2 $0x0  }
0x1d: {  	s5 =	simm.s32 @p1 $0x1;
	p0 =	seq.s32 s7, s2  }
0x1e: {  	s7 =	smul.u32 @!p0 $0xF7A, s2;
	p2 =	seq.s32 @!p0 s5, $0x0  }
0x1f: {  	s9 =	smul.u32 $0xF7A, s1;
	s8 =	simm.s32 @!p0 $0x1BF5;
	p2 =	por !p2, p0  }
0x20: {  	[sflag:s8] =	ssyncset.s32 @!p0 $0xFFFFF086;
	s6 =	sadd.s32 @!p0 s3, s7;
	s7 =	simm.s32 @!p0 $0x108  }
0x21: {  	s3 =	sadd.s32 s3, s9;
	s6 =	sadd.s32 @!p0 $0x88, s6;
	s7 =	simm.s32 @p2 $0x1082  }
0x22: {  	[simem:s7], [sflag:s8] =	dma.local @!p0 [hbm:s6], $0xF7A  }
0x23: {  	s9 =	sor.u32 $0xD0000000, s2;
	s6 =	simm.s32 $0x108;
	_ =	swait.ge @!p0 [sflag:s8], $0x0  }
0x24: {  	s3 =	sadd.s32 $0x88, s3;
	s6 =	simm.s32 @!p1 $0x1082;
	[sflag:s4] =	ssyncset.s32 $0xFFFFF086  }
0x25: {  	[simem:s6], [sflag:s4] =	dma.local [hbm:s3], $0xF7A  }
0x26: {  	[smem:$0x3F99] =	sst s1;
	(tag) =	ssettag s2;
	_ =	strace s9  }
0x27: {  	s1 =	sld [smem:$0x3FA9]  }
0x28: {  	s2 =	sld [smem:$0x3FAA]  }
0x29: {  	s4 =	sld [smem:$0x3FAC]  }
0x2a: {  	p0 =	seq.s32 s5, $0x0;
	s5 =	sld [smem:$0x3FAD]  }
0x2b: {  	s6 =	sld [smem:$0x3FAE]  }
0x2c: {  	s7 =	sld [smem:$0x3FAF]  }
0x2d: {  	s3 =	simm.s32 $0x108;
	s8 =	sld [smem:$0x3FB0]  }
0x2e: {  	s3 =	simm.s32 @!p0 $0x1082;
	s9 =	sld [smem:$0x3FB1]  }
0x2f: {  	lr =	sadd.s32 s0, s3;
	s0 =	sld [smem:$0x3FA8]  }
0x30: {  	s3 =	sld [smem:$0x3FAB]  }
0x31: {  	[smem:$0x3FB4] =	sst s10  }
0x32: {  	s10 =	sld [smem:$0x3FB2];
	_ =	sdelay $0x3  }
0x33: {  	p0 =	seq.s32 s10, $0x1;
	s10 =	sld [smem:$0x3FB4];
	_ =	sdelay $0x3  }
0x34: {  	[smem:$0x3FB4] =	sst s10  }
0x35: {  	s10 =	sld [smem:$0x3FB3];
	_ =	sdelay $0x3  }
0x36: {  	p1 =	seq.s32 s10, $0x1;
	s10 =	sld [smem:$0x3FB4];
	_ =	sdelay $0x3  }
0x37: {  	[smem:$0x3FB4] =	sst s10  }
0x38: {  	s10 =	sld [smem:$0x3FB5]  }
0x39: {  	_ = 	snop;
	(pc) =	sbr.ind lr, $3  }
0x3a: {  	_ = 	snop  }
0x3b: {  	_ = 	snop  }
0x3c: {  	p2 =	seq.s32 s10, $0x1;
	s10 =	sld [smem:$0x3FB4]  }
0x3d: {  	_ =	shalt  }
0x3e: {  	_ =	shalt  }
0x3f: {  	_ =	shalt  }
0x40: {  	_ =	shalt  }
0x41: {  	_ =	shalt  }
0x42: {  	_ =	shalt  }
0x43: {  	_ =	shalt  }
0x44: {  	_ =	shalt  }
0x45: {  	_ =	shalt  }
0x46: {  	_ =	shalt  }
0x47: {  	_ =	shalt  }
0x48: {  	_ =	shalt  }
0x49: {  	_ =	shalt  }
0x4a: {  	_ =	shalt  }
0x4b: {  	_ =	shalt  }
0x4c: {  	_ =	shalt  }
0x4d: {  	_ =	shalt  }
0x4e: {  	_ =	shalt  }
0x4f: {  	_ =	shalt  }
0x50: {  	_ =	shalt  }
0x51: {  	_ =	shalt  }
0x52: {  	_ =	shalt  }
0x53: {  	_ =	shalt  }
0x54: {  	_ =	shalt  }
0x55: {  	_ =	shalt  }
0x56: {  	_ =	shalt  }
0x57: {  	_ =	shalt  }
0x58: {  	_ =	shalt  }
0x59: {  	_ =	shalt  }
0x5a: {  	_ =	shalt  }
0x5b: {  	_ =	shalt  }
0x5c: {  	_ =	shalt  }
0x5d: {  	_ =	shalt  }
0x5e: {  	_ =	shalt  }
0x5f: {  	_ =	shalt  }
0x60: {  	_ =	shalt  }
0x61: {  	_ =	shalt  }
0x62: {  	_ =	shalt  }
0x63: {  	_ =	shalt  }
0x64: {  	_ =	shalt  }
0x65: {  	_ =	shalt  }
0x66: {  	_ =	shalt  }
0x67: {  	_ =	shalt  }
0x68: {  	_ =	shalt  }
0x69: {  	_ =	shalt  }
0x6a: {  	_ =	shalt  }
0x6b: {  	_ =	shalt  }
0x6c: {  	_ =	shalt  }
0x6d: {  	_ =	shalt  }
0x6e: {  	_ =	shalt  }
0x6f: {  	_ =	shalt  }
0x70: {  	_ =	shalt  }
0x71: {  	_ =	shalt  }
0x72: {  	_ =	shalt  }
0x73: {  	_ =	shalt  }
0x74: {  	_ =	shalt  }
0x75: {  	_ =	shalt  }
0x76: {  	_ =	shalt  }
0x77: {  	_ =	shalt  }
0x78: {  	_ =	shalt  }
0x79: {  	_ =	shalt  }
0x7a: {  	_ =	shalt  }
0x7b: {  	_ =	shalt  }
0x7c: {  	_ =	shalt  }
0x7d: {  	_ =	shalt  }
0x7e: {  	_ =	shalt  }
0x7f: {  	_ =	shalt  }
0x80: {  	_ =	shalt  }
0x81: {  	_ =	shalt  }
0x82: {  	_ =	shalt  }
0x83: {  	_ =	shalt  }
0x84: {  	_ =	shalt  }
0x85: {  	_ =	shalt  }
0x86: {  	_ =	shalt  }
0x87: {  	_ =	shalt  }
.Lfunc_end0:
.L_simem_size_0:
called_computation_lowered:
.L_overlay_start_0:
0x88: {  	s2 =	sld [smem:$0x3FD9]  }
0x89: {  	s3 =	sld [smem:$0x3FFE];
	_ =	sdelay $0x1  }
0x8a: {  	s1 =	srdreg.scid  }
0x8b: {  	s0 =	sand.u32 $0x1, s1  }
0x8c: {  	s17 =	sshll.u32 s0, $0xA;
	s2 =	sadd.s32 s3, s2  }
0x8d: {  	s2 =	sadd.s32 s2, s17  }
0x8e: {  	[smem:$0x3FC0] =	sst s2  }
0x8f: {  	_ = 	snop  }
0x90: {  	s2 =	sld [smem:$0x3FD0];
	(tm) =	ssettm $0x1  }
0x91: {  	s18 =	sld [smem:$0x3FFB];
	_ =	sdelay $0x3  }
0x92: {  	_ =	strace s18  }
0x93: {  	s3 =	sld [smem:$0x3FFC];
	_ =	sdelay $0x3  }
0x94: {  	_ =	strace s3  }
0x95: {  	s3 =	sld [smem:$0x3FFD];
	_ =	sdelay $0x3  }
0x96: {  	_ =	strace s3  }
0x97: {  	_ =	strace $0x8FFFFFFF  }
0x98: {  	s19 =	sld [smem:$0x3FDB];
	_ =	sdelay $0x1  }
0x99: {  	s4 =	simm.s32 $_scs_section_size  }
0x9a: {  	s5 =	simm.s32 $_size__tile_overlayer_lowered;
	s6 =	simm.s32 $_tile_overlayer_lowered  }
0x9b: {  	s22 =	simm.s32 $0x1BFF;
	s21 =	sshll.u32 s6, $0x1;
	s3 =	sadd.s32 s4, s19  }
0x9c: {  	s7 =	simm.s32 $0x0;
	s20 =	sshll.u32 s5, $0x1;
	s5 =	sadd.s32 s21, s3  }
0x9d: {  	[timem:s7], [sflag:s22] =	dma.local [hbm:s5], s20  }
0x9e: {  	_ =	swait.ge [sflag:s22], s20  }
0x9f: {  	s4 =	ssub.s32 $0x0, s20;
	[sflag:s22] =	ssyncset.done $0x0  }
0xa0: {  	[sflag:s22] =	ssyncadd.s32 s4;
	_ =	sdelay $0x1  }
0xa1: {  	s23 =	simm.s32 $0x1B8B  }
0xa2: {  	_ =	swait.ge [sflag:s23], $0x1  }
0xa3: {  	[sflag:s23] =	ssyncset.done $0x0  }
0xa4: {  	s25 =	simm.s32 $0x1B8E;
	s24 =	sld [smem:$0x3FFE];
	[sflag:s23] =	ssyncadd.s32 $0xFFFFFFFF  }
0xa5: {  	s26 =	simm.s32 $execute0_lowered;
	[smem:$0x3FD2] =	sst s25  }
0xa6: {  	s5 =	sshll.u32 s26, $0x1;
	_ =	strace $0x80000046;
	[dreg:$0x1] =	wrdreg $0xFFFFFFFF  }
0xa7: {  	s28 =	simm.s32 $_size_execute0_lowered;
	s3 =	sadd.s32 s3, s5;
	[dreg:$0x0] =	wrdreg $0x0  }
0xa8: {  	s5 =	sshll.u32 s28, $0x1;
	[dreg:$0x2] =	wrdreg s3  }
0xa9: {  	[dreg:$0x3] =	wrdreg s5  }
0xaa: {  	[dreg:$0x4] =	wrdreg $0xC0  }
0xab: {  	_ =	task [dreg:s7], $0x5FFFF  }
0xac: {  	[dreg:$0x1] =	wrdreg $0xFFFFFFFF  }
0xad: {  	[dreg:$0x0] =	wrdreg $0x60  }
0xae: {  	[dreg:$0x2] =	wrdreg s2  }
0xaf: {  	[dreg:$0x3] =	wrdreg s24  }
0xb0: {  	[dreg:$0x4] =	wrdreg $0xBEA00  }
0xb1: {  	[dreg:$0x5] =	wrdreg $0x9  }
0xb2: {  	_ =	task.clear_ibuf [dreg:s7], $0x6FFFF;
	_ =	strace $0x90000046  }
0xb3: {  	s29 =	simm.s32 $0x9;
	_ =	strace $0x80000048  }
0xb4: {  	_ =	swait.ge [sflag:s29], $0x1  }
0xb5: {  	[sflag:s29] =	ssyncadd.s32 $0xFFFFFFFF  }
0xb6: {  	_ =	strace $0x90000048  }
0xb7: {  	_ =	sfence  }
0xb8: {  	s30 =	sld [smem:$0x0];
	_ =	sdelay $0x2  }
0xb9: {  	s31 =	sshll.u32 s1, $0xD;
	s1 =	sshrl.u32 s1, $0x2  }
0xba: {  	s3 =	sand.u32 $0x4000, s31;
	s1 =	sadd.s32 s1, s30  }
0xbb: {  	s0 =	sor.u32 s3, s0;
	s1 =	sshll.u32 s1, $0x11  }
0xbc: {  	s0 =	sor.u32 s1, s0  }
0xbd: {  	s0 =	sadd.s32 $0x8F2B, s0  }
0xbe: {  	[sflag:s0] =	ssyncadd.remote.s32 $0x1  }
0xbf: {  	_ =	sfence.sel $0xFFFF  }
0xc0: {  	[dreg:$0x0] =	wrdreg $0xFFFFFFFF;
	(pc) =	sbr.abs _section_cstart, $3  }
0xc1: {  	[dreg:$0x1] =	wrdreg $0xFFFFFFFF  }
0xc2: {  	_ =	task.clear_ibuf [dreg:s7], $0x2FFFF;
	_ =	strace $0x9FFFFFFF  }
0xc3: {  	(tm) =	ssettm $0x7FFFFFFF  }
tec
execute0_lowered:
.L_overlay_start_1:
0x0: {  	(tag) =	ssettag $0x1  }
0x1: {  	s2 =	rddreg [dreg:$0x0]  }
0x2: {  	s0 =	rddreg [dreg:$0x1]  }
0x3: {  	s3 =	rddreg [dreg:$0x2];
	s19 =	stileid.u32;
	s4 =	simm.s32 $0x0  }
0x4: {  	s8 =	srdreg.scid;
	s15 =	simm.s32 $0x7;
	s16 =	simm.s32 $0x1450  }
0x5: {  	s17 =	simm.s32 $0x64;
	s18 =	simm.s32 $0x28A0;
	s20 =	simm.s32 $0x5AA0  }
0x6: {  	s28 =	simm.s32 $0x5;
	s29 =	simm.s32 $0x1520;
	s30 =	simm.s32 $0x8CA0  }
0x7: {  	s31 =	simm.s32 $0x6;
	s1 =	smul.u32 $0x13880, s19;
	[smem:$0x7FF] =	sst s4  }
0x8: {  	s5 =	sadd.s32 $0xDE00, s0;
	s10 =	sadd.s32 $0x8C00, s0;
	s8 =	sand.u32 $0x1, s8  }
0x9: {  	s9 =	smul.u32 $0x28A0, s19;
	s11 =	sadd.s32 $0x3A00, s0;
	s14 =	sadd.s32 $0x5C200, s0  }
0xa: {  	s26 =	sshll.u32 s19, $0x6;
	s19 =	simm.s32 $0x0;
	_ =	strace $0x80000047  }
0xb: {  	s12 =	ssub.s32 $0x2, s8;
	p0 =	seq.s32 s8, $0x0;
	s6 =	sshrl.u32 s1, $0x3  }
0xc: {  	s13 =	sshrl.u32 s12, $0x1;
	s9 =	sshrl.u32 s9, $0x3;
	s1 =	sadd.s32 s1, s3  }
0xd: {  	s7 =	sadd.s32 s6, s0;
	s0 =	sadd.s32 $0x83400, s0;
	s13 =	ssub.s32 s12, s13  }
0xe: {  	s21 =	sadd.s32 s10, s9;
	s22 =	sadd.s32 s11, s9;
	[dreg:$0x6] =	wrdreg s1  }
0xf: {  	s23 =	sadd.s32 $0x28A, s9;
	s12 =	smov.u32 s5;
	[dreg:$0x4] =	wrdreg s21  }
0x10: {  	[dreg:$0x5] =	wrdreg s22;
	s7 =	sadd.s32 $0x35000, s7;
	s24 =	sadd.s32 s10, s23  }
0x11: {  	s1 =	sadd.s32 s11, s23;
	s25 =	smax.u32 s13, $0x1;
	s12 =	smov.u32 @p0 s2  }
0x12: {  	s0 =	smov.u32 @p0 s14;
	s21 =	sor.u32 $0x1C07, s26;
	[dreg:$0x7] =	wrdreg s7  }
0x13: {  	s22 =	simm.s32 $0x1;
	s23 =	simm.s32 $0x2;
	[dreg:$0x8] =	wrdreg s24  }
0x14: {  	s11 =	simm.s32 $0x14B8;
	s26 =	simm.s32 $0x3;
	[dreg:$0x9] =	wrdreg s1  }
0x15: {  	[dreg:$0xa] =	wrdreg s25;
	s0 =	sadd.s32 s0, s6;
	s24 =	simm.s32 $0x4  }
0x16: {  	s1 =	simm.s32 $0x2838;
	[dreg:$0xb] =	wrdreg s0;
	s0 =	simm.s32 $0x27D0  }
.LBB2_1:
0x17: {  	s6 =	rddreg [dreg:$0x4]  }
0x18: {  	[tilespmem:s4], [sflag:$0x7] =	stream.linear.gather [hbm4b:s6+s4], $0x1450, $0x38;
	[tilespmem:$0x1F720] =	vst v63  }
0x19: {  	_ =	swait.ge [sflag:s15], $0x1450  }
0x1a: {  	[sflag:s15] =	ssyncset.done $0x0  }
0x1b: {  	s7 =	rddreg [dreg:$0x5];
	[sflag:s15] =	ssyncadd.s32 $0xFFFFEBB0  }
0x1c: {  	[tilespmem:s16], [sflag:$0x7] =	stream.linear.gather [hbm4b:s7+s4], $0x1450, $0x38;
	[tilespmem:$0x1F720] =	vst v63  }
0x1d: {  	_ =	swait.ge [sflag:s15], $0x1450  }
0x1e: {  	[sflag:s15] =	ssyncset.done $0x0  }
0x1f: {  	s9 =	rddreg [dreg:$0x6];
	[sflag:s15] =	ssyncadd.s32 $0xFFFFEBB0  }
0x20: {  	[tilespmem:s18], [sflag:$0x1] =	stream.indirect.gather [hbm4b:s12+s17], $0x80, s4, s17, $0xb8;
	[tilespmem:$0x1F720] =	vst v63  }
0x21: {  	s8 =	simm.s32 $0x68;
	s7 =	rddreg [dreg:$0x7];
	s6 =	sshrl.u32 s9, $0x3  }
0x22: {  	[tilespmem:s20], [sflag:$0x2] =	stream.indirect.gather [hbm4b:s12+s17], $0x80, s8, s17, $0xb8;
	[tilespmem:$0x1F720] =	vst v63  }
0x23: {  	[spmem:s6], [sflag:s21] =	dma.local [hbm:s7], $0x2710  }
0x24: {  	_ =	swait.ge [sflag:s15], $0x2710  }
0x25: {  	[sflag:s15] =	ssyncset.done $0x0  }
0x26: {  	[sflag:s15] =	ssyncadd.s32 $0xFFFFD8F0  }
0x27: {  	[bflag:$0x0] =	sbarrier.arrive $0xFFFF  }
0x28: {  	_ =	swait.ge [sflag:s22], $0x3200  }
0x29: {  	s9 =	simm.s32 @p0 $0x8CA0;
	[sflag:s22] =	ssyncset.done $0x0  }
0x2a: {  	s8 =	simm.s32 @p0 $0xD0;
	s7 =	simm.s32 @p0 $0x64;
	[sflag:s22] =	ssyncadd.s32 $0xFFFFCE00  }
0x2b: {  	[tilespmem:s9], [sflag:$0x3] =	stream.indirect.gather @p0 [hbm4b:s2+s7], $0x80, s8, s7, $0xb8;
	[tilespmem:$0x1F720] =	vst v63  }
0x2c: {  	s10 =	simm.s32 @!p0 $0x8CA0;
	s8 =	simm.s32 @!p0 $0x64;
	s9 =	simm.s32 @!p0 $0xD0  }
0x2d: {  	[tilespmem:s10], [sflag:$0x3] =	stream.indirect.gather @!p0 [hbm4b:s5+s8], $0x80, s9, s8, $0xb8;
	[tilespmem:$0x1F720] =	vst v63  }
0x2e: {  	_ = 	snop  }
0x2f: {  	[spmem:s3] =	stream.indirect.scatter.add.f32 [tilespmem:s18], [sflag:$0x4], $0x80, s16, s17, $0xb8;
	[tilespmem:$0x1F720] =	vst v63  }
0x30: {  	_ =	swait.ge [sflag:s23], $0x3200  }
0x31: {  	[sflag:s23] =	ssyncset.done $0x0  }
0x32: {  	[sflag:s23] =	ssyncadd.s32 $0xFFFFCE00  }
0x33: {  	_ =	swait.ge [sflag:s24], $0x3200  }
0x34: {  	[sflag:s24] =	ssyncset.done $0x0  }
0x35: {  	s9 =	simm.s32 @p0 $0x138;
	s10 =	simm.s32 @p0 $0x28A0;
	[sflag:s24] =	ssyncadd.s32 $0xFFFFCE00  }
0x36: {  	[tilespmem:s10], [sflag:$0x1] =	stream.indirect.gather @p0 [hbm4b:s2+s7], $0x80, s9, s7, $0xb8;
	[tilespmem:$0x1F720] =	vst v63  }
0x37: {  	s9 =	simm.s32 @!p0 $0x138;
	s10 =	simm.s32 @!p0 $0x28A0  }
0x38: {  	[tilespmem:s10], [sflag:$0x1] =	stream.indirect.gather @!p0 [hbm4b:s5+s8], $0x80, s9, s8, $0xb8;
	[tilespmem:$0x1F720] =	vst v63  }
0x39: {  	_ = 	snop  }
0x3a: {  	[spmem:s3] =	stream.indirect.scatter.add.f32 [tilespmem:s20], [sflag:$0x5], $0x80, s11, s17, $0xb8;
	[tilespmem:$0x1F720] =	vst v63  }
0x3b: {  	_ =	swait.ge [sflag:s26], $0x3200  }
0x3c: {  	[sflag:s26] =	ssyncset.done $0x0  }
0x3d: {  	[sflag:s26] =	ssyncadd.s32 $0xFFFFCE00  }
0x3e: {  	_ =	swait.ge [sflag:s28], $0x3200  }
0x3f: {  	[sflag:s28] =	ssyncset.done $0x0  }
0x40: {  	s9 =	simm.s32 @p0 $0x1A0;
	s10 =	simm.s32 @p0 $0x5AA0;
	[sflag:s28] =	ssyncadd.s32 $0xFFFFCE00  }
0x41: {  	[tilespmem:s10], [sflag:$0x2] =	stream.indirect.gather @p0 [hbm4b:s2+s7], $0x80, s9, s7, $0xb8;
	[tilespmem:$0x1F720] =	vst v63  }
0x42: {  	s7 =	simm.s32 @!p0 $0x1A0;
	s9 =	simm.s32 @!p0 $0x5AA0  }
0x43: {  	[tilespmem:s9], [sflag:$0x2] =	stream.indirect.gather @!p0 [hbm4b:s5+s8], $0x80, s7, s8, $0xb8;
	[tilespmem:$0x1F720] =	vst v63  }
0x44: {  	_ = 	snop  }
0x45: {  	[spmem:s3] =	stream.indirect.scatter.add.f32 [tilespmem:s30], [sflag:$0x6], $0x80, s29, s17, $0xb8;
	[tilespmem:$0x1F720] =	vst v63  }
0x46: {  	_ =	swait.ge [sflag:s22], $0x3200  }
0x47: {  	[sflag:s22] =	ssyncset.done $0x0  }
0x48: {  	[sflag:s22] =	ssyncadd.s32 $0xFFFFCE00  }
0x49: {  	_ =	swait.ge [sflag:s31], $0x3200  }
0x4a: {  	[sflag:s31] =	ssyncset.done $0x0  }
0x4b: {  	s10 =	simm.s32 $0x208;
	[sflag:s31] =	ssyncadd.s32 $0xFFFFCE00  }
0x4c: {  	[tilespmem:s30], [sflag:$0x3] =	stream.indirect.gather [hbm4b:s12+s17], $0x80, s10, s17, $0xb8;
	[tilespmem:$0x1F720] =	vst v63  }
0x4d: {  	s11 =	simm.s32 $0x1588  }
0x4e: {  	[spmem:s3] =	stream.indirect.scatter.add.f32 [tilespmem:s18], [sflag:$0x4], $0x80, s11, s17, $0xb8;
	[tilespmem:$0x1F720] =	vst v63  }
0x4f: {  	_ =	swait.ge [sflag:s23], $0x3200  }
0x50: {  	[sflag:s23] =	ssyncset.done $0x0  }
0x51: {  	[sflag:s23] =	ssyncadd.s32 $0xFFFFCE00  }
0x52: {  	_ =	swait.ge [sflag:s24], $0x3200  }
0x53: {  	[sflag:s24] =	ssyncset.done $0x0  }
0x54: {  	s13 =	simm.s32 $0x270;
	[sflag:s24] =	ssyncadd.s32 $0xFFFFCE00  }
0x55: {  	[tilespmem:s18], [sflag:$0x1] =	stream.indirect.gather [hbm4b:s12+s17], $0x80, s13, s17, $0xb8;
	[tilespmem:$0x1F720] =	vst v63  }
0x56: {  	s14 =	simm.s32 $0x15F0  }
0x57: {  	[spmem:s3] =	stream.indirect.scatter.add.f32 [tilespmem:s20], [sflag:$0x5], $0x80, s14, s17, $0xb8;
	[tilespmem:$0x1F720] =	vst v63  }
0x58: {  	_ =	swait.ge [sflag:s26], $0x3200  }
0x59: {  	[sflag:s26] =	ssyncset.done $0x0  }
0x5a: {  	[sflag:s26] =	ssyncadd.s32 $0xFFFFCE00  }
0x5b: {  	_ =	swait.ge [sflag:s28], $0x3200  }
0x5c: {  	s25 =	simm.s32 $0x2D8;
	[sflag:s28] =	ssyncset.done $0x0  }
0x5d: {  	s7 =	simm.s32 $0x4E0;
	s8 =	simm.s32 $0x1658;
	[sflag:s28] =	ssyncadd.s32 $0xFFFFCE00  }
0x5e: {  	[tilespmem:s20], [sflag:$0x2] =	stream.indirect.gather [hbm4b:s12+s17], $0x80, s25, s17, $0xb8;
	[tilespmem:$0x1F720] =	vst v63  }
.LBB2_2:
0x5f: {  	[spmem:s3] =	stream.indirect.scatter.add.f32 [tilespmem:s30], [sflag:$0x6], $0x80, s8, s17, $0xb8;
	[tilespmem:$0x1F720] =	vst v63  }
0x60: {  	s8 =	smov.u32 s7  }
0x61: {  	p1 =	sne.s32 s7, $0x4440;
	s7 =	sadd.s32 $0x4E0, s7;
	_ =	swait.ge [sflag:s22], $0x3200  }
0x62: {  	[sflag:s22] =	ssyncset.done $0x0  }
0x63: {  	[sflag:s22] =	ssyncadd.s32 $0xFFFFCE00  }
0x64: {  	_ =	swait.ge [sflag:s31], $0x3200  }
0x65: {  	s8 =	sshra.s32 s8, $0x2;
	[sflag:s31] =	ssyncset.done $0x0  }
0x66: {  	s9 =	sadd.s32 $0x208, s8;
	[sflag:s31] =	ssyncadd.s32 $0xFFFFCE00  }
0x67: {  	[tilespmem:s30], [sflag:$0x3] =	stream.indirect.gather [hbm4b:s12+s17], $0x80, s9, s17, $0xb8;
	[tilespmem:$0x1F720] =	vst v63  }
0x68: {  	s9 =	sadd.s32 $0x1588, s8  }
0x69: {  	[spmem:s3] =	stream.indirect.scatter.add.f32 [tilespmem:s18], [sflag:$0x4], $0x80, s9, s17, $0xb8;
	[tilespmem:$0x1F720] =	vst v63  }
0x6a: {  	_ =	swait.ge [sflag:s23], $0x3200  }
0x6b: {  	[sflag:s23] =	ssyncset.done $0x0  }
0x6c: {  	[sflag:s23] =	ssyncadd.s32 $0xFFFFCE00  }
0x6d: {  	_ =	swait.ge [sflag:s24], $0x3200  }
0x6e: {  	[sflag:s24] =	ssyncset.done $0x0  }
0x6f: {  	s9 =	sadd.s32 $0x270, s8;
	[sflag:s24] =	ssyncadd.s32 $0xFFFFCE00  }
0x70: {  	[tilespmem:s18], [sflag:$0x1] =	stream.indirect.gather [hbm4b:s12+s17], $0x80, s9, s17, $0xb8;
	[tilespmem:$0x1F720] =	vst v63  }
0x71: {  	s9 =	sadd.s32 $0x15F0, s8  }
0x72: {  	[spmem:s3] =	stream.indirect.scatter.add.f32 [tilespmem:s20], [sflag:$0x5], $0x80, s9, s17, $0xb8;
	[tilespmem:$0x1F720] =	vst v63  }
0x73: {  	_ =	swait.ge [sflag:s26], $0x3200  }
0x74: {  	[sflag:s26] =	ssyncset.done $0x0  }
0x75: {  	[sflag:s26] =	ssyncadd.s32 $0xFFFFCE00  }
.Ltmp0:
0x76: {  	_ =	swait.ge [sflag:s28], $0x3200;
	(pc) =	sbr.rel @p1 .LBB2_2-.Ltmp0, $4  }
0x77: {  	[sflag:s28] =	ssyncset.done $0x0  }
0x78: {  	s9 =	sadd.s32 $0x2D8, s8;
	[sflag:s28] =	ssyncadd.s32 $0xFFFFCE00  }
0x79: {  	[tilespmem:s20], [sflag:$0x2] =	stream.indirect.gather [hbm4b:s12+s17], $0x80, s9, s17, $0xb8;
	[tilespmem:$0x1F720] =	vst v63  }
0x7a: {  	s8 =	sadd.s32 $0x1658, s8  }
0x7b: {  	[spmem:s3] =	stream.indirect.scatter.add.f32 [tilespmem:s30], [sflag:$0x6], $0x80, s8, s17, $0xb8;
	[tilespmem:$0x1F720] =	vst v63  }
0x7c: {  	_ =	swait.ge [sflag:s22], $0x3200  }
0x7d: {  	[sflag:s22] =	ssyncset.done $0x0  }
0x7e: {  	[sflag:s22] =	ssyncadd.s32 $0xFFFFCE00  }
0x7f: {  	_ =	swait.ge [sflag:s31], $0x3200  }
0x80: {  	[sflag:s31] =	ssyncset.done $0x0  }
0x81: {  	[sflag:s31] =	ssyncadd.s32 $0xFFFFCE00  }
0x82: {  	[spmem:s3] =	stream.indirect.scatter.add.f32 [tilespmem:s18], [sflag:$0x4], $0x80, s0, s17, $0xb8;
	[tilespmem:$0x1F720] =	vst v63  }
0x83: {  	_ =	swait.ge [sflag:s23], $0x3200  }
0x84: {  	[sflag:s23] =	ssyncset.done $0x0  }
0x85: {  	[sflag:s23] =	ssyncadd.s32 $0xFFFFCE00  }
0x86: {  	_ =	swait.ge [sflag:s24], $0x3200  }
0x87: {  	[sflag:s24] =	ssyncset.done $0x0  }
0x88: {  	[sflag:s24] =	ssyncadd.s32 $0xFFFFCE00  }
0x89: {  	[spmem:s3] =	stream.indirect.scatter.add.f32 [tilespmem:s20], [sflag:$0x5], $0x80, s1, s17, $0xb8;
	[tilespmem:$0x1F720] =	vst v63  }
0x8a: {  	_ =	swait.ge [sflag:s28], $0x3200  }
0x8b: {  	[sflag:s28] =	ssyncset.done $0x0  }
0x8c: {  	s7 =	rddreg [dreg:$0x8];
	[sflag:s28] =	ssyncadd.s32 $0xFFFFCE00  }
0x8d: {  	[tilespmem:s4], [sflag:$0x7] =	stream.linear.gather [hbm4b:s7+s4], $0x1450, $0x38;
	[tilespmem:$0x1F720] =	vst v63  }
0x8e: {  	_ =	swait.ge [sflag:s15], $0x1450  }
0x8f: {  	[sflag:s15] =	ssyncset.done $0x0  }
0x90: {  	s8 =	rddreg [dreg:$0x9];
	[sflag:s15] =	ssyncadd.s32 $0xFFFFEBB0  }
0x91: {  	[tilespmem:s16], [sflag:$0x7] =	stream.linear.gather [hbm4b:s8+s4], $0x1450, $0x38;
	[tilespmem:$0x1F720] =	vst v63  }
0x92: {  	_ =	swait.ge [sflag:s15], $0x1450  }
0x93: {  	s9 =	simm.s32 @p0 $0x28A0;
	[sflag:s15] =	ssyncset.done $0x0  }
0x94: {  	s7 =	simm.s32 @p0 $0x64;
	s8 =	simm.s32 @p0 $0x0;
	[sflag:s15] =	ssyncadd.s32 $0xFFFFEBB0  }
0x95: {  	[tilespmem:s9], [sflag:$0x1] =	stream.indirect.gather @p0 [hbm4b:s2+s7], $0x80, s8, s7, $0xb8;
	[tilespmem:$0x1F720] =	vst v63  }
0x96: {  	s10 =	simm.s32 @p0 $0x5AA0;
	s8 =	simm.s32 @p0 $0x68  }
0x97: {  	[tilespmem:s10], [sflag:$0x2] =	stream.indirect.gather @p0 [hbm4b:s2+s7], $0x80, s8, s7, $0xb8;
	[tilespmem:$0x1F720] =	vst v63  }
0x98: {  	s8 =	simm.s32 @p0 $0x1  }
0x99: {  	_ =	swait.ge @p0 [sflag:s8], $0x3200  }
0x9a: {  	[sflag:s8] =	ssyncset.done @p0 $0x0  }
0x9b: {  	s11 =	simm.s32 @p0 $0x8CA0;
	[sflag:s8] =	ssyncadd.s32 @p0 $0xFFFFCE00;
	s8 =	simm.s32 @p0 $0xD0  }
0x9c: {  	[tilespmem:s11], [sflag:$0x3] =	stream.indirect.gather @p0 [hbm4b:s2+s7], $0x80, s8, s7, $0xb8;
	[tilespmem:$0x1F720] =	vst v63  }
0x9d: {  	s13 =	simm.s32 @!p0 $0x28A0;
	s8 =	simm.s32 @!p0 $0x64;
	s11 =	simm.s32 @!p0 $0x0  }
0x9e: {  	[tilespmem:s13], [sflag:$0x1] =	stream.indirect.gather @!p0 [hbm4b:s5+s8], $0x80, s11, s8, $0xb8;
	[tilespmem:$0x1F720] =	vst v63  }
0x9f: {  	s14 =	simm.s32 @!p0 $0x5AA0;
	s11 =	simm.s32 @!p0 $0x68  }
0xa0: {  	[tilespmem:s14], [sflag:$0x2] =	stream.indirect.gather @!p0 [hbm4b:s5+s8], $0x80, s11, s8, $0xb8;
	[tilespmem:$0x1F720] =	vst v63  }
0xa1: {  	s11 =	simm.s32 @!p0 $0x1  }
0xa2: {  	_ =	swait.ge @!p0 [sflag:s11], $0x3200  }
0xa3: {  	[sflag:s11] =	ssyncset.done @!p0 $0x0  }
0xa4: {  	s25 =	simm.s32 @!p0 $0x8CA0;
	[sflag:s11] =	ssyncadd.s32 @!p0 $0xFFFFCE00;
	s11 =	simm.s32 @!p0 $0xD0  }
0xa5: {  	[tilespmem:s25], [sflag:$0x3] =	stream.indirect.gather @!p0 [hbm4b:s5+s8], $0x80, s11, s8, $0xb8;
	[tilespmem:$0x1F720] =	vst v63  }
0xa6: {  	_ = 	snop  }
0xa7: {  	[spmem:s3] =	stream.indirect.scatter.add.f32 [tilespmem:s18], [sflag:$0x4], $0x80, s16, s17, $0xb8;
	[tilespmem:$0x1F720] =	vst v63  }
0xa8: {  	_ =	swait.ge [sflag:s23], $0x3200  }
0xa9: {  	[sflag:s23] =	ssyncset.done $0x0  }
0xaa: {  	[sflag:s23] =	ssyncadd.s32 $0xFFFFCE00  }
0xab: {  	_ =	swait.ge [sflag:s24], $0x3200  }
0xac: {  	[sflag:s24] =	ssyncset.done $0x0  }
0xad: {  	s11 =	simm.s32 @p0 $0x138;
	[sflag:s24] =	ssyncadd.s32 $0xFFFFCE00  }
0xae: {  	[tilespmem:s9], [sflag:$0x1] =	stream.indirect.gather @p0 [hbm4b:s2+s7], $0x80, s11, s7, $0xb8;
	[tilespmem:$0x1F720] =	vst v63  }
0xaf: {  	s9 =	simm.s32 @!p0 $0x138  }
0xb0: {  	[tilespmem:s13], [sflag:$0x1] =	stream.indirect.gather @!p0 [hbm4b:s5+s8], $0x80, s9, s8, $0xb8;
	[tilespmem:$0x1F720] =	vst v63  }
0xb1: {  	s11 =	simm.s32 $0x14B8  }
0xb2: {  	[spmem:s3] =	stream.indirect.scatter.add.f32 [tilespmem:s20], [sflag:$0x5], $0x80, s11, s17, $0xb8;
	[tilespmem:$0x1F720] =	vst v63  }
0xb3: {  	_ =	swait.ge [sflag:s26], $0x3200  }
0xb4: {  	[sflag:s26] =	ssyncset.done $0x0  }
0xb5: {  	[sflag:s26] =	ssyncadd.s32 $0xFFFFCE00  }
0xb6: {  	_ =	swait.ge [sflag:s28], $0x3200  }
0xb7: {  	[sflag:s28] =	ssyncset.done $0x0  }
0xb8: {  	s9 =	simm.s32 @p0 $0x1A0;
	[sflag:s28] =	ssyncadd.s32 $0xFFFFCE00  }
0xb9: {  	[tilespmem:s10], [sflag:$0x2] =	stream.indirect.gather @p0 [hbm4b:s2+s7], $0x80, s9, s7, $0xb8;
	[tilespmem:$0x1F720] =	vst v63  }
0xba: {  	s7 =	simm.s32 @!p0 $0x1A0  }
0xbb: {  	[tilespmem:s14], [sflag:$0x2] =	stream.indirect.gather @!p0 [hbm4b:s5+s8], $0x80, s7, s8, $0xb8;
	[tilespmem:$0x1F720] =	vst v63  }
0xbc: {  	_ = 	snop  }
0xbd: {  	[spmem:s3] =	stream.indirect.scatter.add.f32 [tilespmem:s30], [sflag:$0x6], $0x80, s29, s17, $0xb8;
	[tilespmem:$0x1F720] =	vst v63  }
0xbe: {  	_ =	swait.ge [sflag:s22], $0x3200  }
0xbf: {  	[sflag:s22] =	ssyncset.done $0x0  }
0xc0: {  	[sflag:s22] =	ssyncadd.s32 $0xFFFFCE00  }
0xc1: {  	_ =	swait.ge [sflag:s31], $0x3200  }
0xc2: {  	[sflag:s31] =	ssyncset.done $0x0  }
0xc3: {  	s9 =	simm.s32 $0x208;
	[sflag:s31] =	ssyncadd.s32 $0xFFFFCE00  }
0xc4: {  	[tilespmem:s30], [sflag:$0x3] =	stream.indirect.gather [hbm4b:s12+s17], $0x80, s9, s17, $0xb8;
	[tilespmem:$0x1F720] =	vst v63  }
0xc5: {  	s10 =	simm.s32 $0x1588  }
0xc6: {  	[spmem:s3] =	stream.indirect.scatter.add.f32 [tilespmem:s18], [sflag:$0x4], $0x80, s10, s17, $0xb8;
	[tilespmem:$0x1F720] =	vst v63  }
0xc7: {  	_ =	swait.ge [sflag:s23], $0x3200  }
0xc8: {  	[sflag:s23] =	ssyncset.done $0x0  }
0xc9: {  	[sflag:s23] =	ssyncadd.s32 $0xFFFFCE00  }
0xca: {  	_ =	swait.ge [sflag:s24], $0x3200  }
0xcb: {  	[sflag:s24] =	ssyncset.done $0x0  }
0xcc: {  	s13 =	simm.s32 $0x270;
	[sflag:s24] =	ssyncadd.s32 $0xFFFFCE00  }
0xcd: {  	[tilespmem:s18], [sflag:$0x1] =	stream.indirect.gather [hbm4b:s12+s17], $0x80, s13, s17, $0xb8;
	[tilespmem:$0x1F720] =	vst v63  }
0xce: {  	s14 =	simm.s32 $0x15F0  }
0xcf: {  	[spmem:s3] =	stream.indirect.scatter.add.f32 [tilespmem:s20], [sflag:$0x5], $0x80, s14, s17, $0xb8;
	[tilespmem:$0x1F720] =	vst v63  }
0xd0: {  	_ =	swait.ge [sflag:s26], $0x3200  }
0xd1: {  	[sflag:s26] =	ssyncset.done $0x0  }
0xd2: {  	[sflag:s26] =	ssyncadd.s32 $0xFFFFCE00  }
0xd3: {  	_ =	swait.ge [sflag:s28], $0x3200  }
0xd4: {  	s25 =	simm.s32 $0x2D8;
	[sflag:s28] =	ssyncset.done $0x0  }
0xd5: {  	s7 =	simm.s32 $0x4E0;
	s8 =	simm.s32 $0x1658;
	[sflag:s28] =	ssyncadd.s32 $0xFFFFCE00  }
0xd6: {  	[tilespmem:s20], [sflag:$0x2] =	stream.indirect.gather [hbm4b:s12+s17], $0x80, s25, s17, $0xb8;
	[tilespmem:$0x1F720] =	vst v63  }
.LBB2_4:
0xd7: {  	[spmem:s3] =	stream.indirect.scatter.add.f32 [tilespmem:s30], [sflag:$0x6], $0x80, s8, s17, $0xb8;
	[tilespmem:$0x1F720] =	vst v63  }
0xd8: {  	s8 =	smov.u32 s7  }
0xd9: {  	p1 =	sne.s32 s7, $0x4440;
	s7 =	sadd.s32 $0x4E0, s7;
	_ =	swait.ge [sflag:s22], $0x3200  }
0xda: {  	[sflag:s22] =	ssyncset.done $0x0  }
0xdb: {  	[sflag:s22] =	ssyncadd.s32 $0xFFFFCE00  }
0xdc: {  	_ =	swait.ge [sflag:s31], $0x3200  }
0xdd: {  	s8 =	sshra.s32 s8, $0x2;
	[sflag:s31] =	ssyncset.done $0x0  }
0xde: {  	s9 =	sadd.s32 $0x208, s8;
	[sflag:s31] =	ssyncadd.s32 $0xFFFFCE00  }
0xdf: {  	[tilespmem:s30], [sflag:$0x3] =	stream.indirect.gather [hbm4b:s12+s17], $0x80, s9, s17, $0xb8;
	[tilespmem:$0x1F720] =	vst v63  }
0xe0: {  	s9 =	sadd.s32 $0x1588, s8  }
0xe1: {  	[spmem:s3] =	stream.indirect.scatter.add.f32 [tilespmem:s18], [sflag:$0x4], $0x80, s9, s17, $0xb8;
	[tilespmem:$0x1F720] =	vst v63  }
0xe2: {  	_ =	swait.ge [sflag:s23], $0x3200  }
0xe3: {  	[sflag:s23] =	ssyncset.done $0x0  }
0xe4: {  	[sflag:s23] =	ssyncadd.s32 $0xFFFFCE00  }
0xe5: {  	_ =	swait.ge [sflag:s24], $0x3200  }
0xe6: {  	[sflag:s24] =	ssyncset.done $0x0  }
0xe7: {  	s9 =	sadd.s32 $0x270, s8;
	[sflag:s24] =	ssyncadd.s32 $0xFFFFCE00  }
0xe8: {  	[tilespmem:s18], [sflag:$0x1] =	stream.indirect.gather [hbm4b:s12+s17], $0x80, s9, s17, $0xb8;
	[tilespmem:$0x1F720] =	vst v63  }
0xe9: {  	s9 =	sadd.s32 $0x15F0, s8  }
0xea: {  	[spmem:s3] =	stream.indirect.scatter.add.f32 [tilespmem:s20], [sflag:$0x5], $0x80, s9, s17, $0xb8;
	[tilespmem:$0x1F720] =	vst v63  }
0xeb: {  	_ =	swait.ge [sflag:s26], $0x3200  }
0xec: {  	[sflag:s26] =	ssyncset.done $0x0  }
0xed: {  	[sflag:s26] =	ssyncadd.s32 $0xFFFFCE00  }
.Ltmp1:
0xee: {  	_ =	swait.ge [sflag:s28], $0x3200;
	(pc) =	sbr.rel @p1 .LBB2_4-.Ltmp1, $4  }
0xef: {  	[sflag:s28] =	ssyncset.done $0x0  }
0xf0: {  	s9 =	sadd.s32 $0x2D8, s8;
	[sflag:s28] =	ssyncadd.s32 $0xFFFFCE00  }
0xf1: {  	[tilespmem:s20], [sflag:$0x2] =	stream.indirect.gather [hbm4b:s12+s17], $0x80, s9, s17, $0xb8;
	[tilespmem:$0x1F720] =	vst v63  }
0xf2: {  	s8 =	sadd.s32 $0x1658, s8  }
0xf3: {  	[spmem:s3] =	stream.indirect.scatter.add.f32 [tilespmem:s30], [sflag:$0x6], $0x80, s8, s17, $0xb8;
	[tilespmem:$0x1F720] =	vst v63  }
0xf4: {  	_ =	swait.ge [sflag:s22], $0x3200  }
0xf5: {  	[sflag:s22] =	ssyncset.done $0x0  }
0xf6: {  	[sflag:s22] =	ssyncadd.s32 $0xFFFFCE00  }
0xf7: {  	_ =	swait.ge [sflag:s31], $0x3200  }
0xf8: {  	[sflag:s31] =	ssyncset.done $0x0  }
0xf9: {  	[sflag:s31] =	ssyncadd.s32 $0xFFFFCE00  }
0xfa: {  	[spmem:s3] =	stream.indirect.scatter.add.f32 [tilespmem:s18], [sflag:$0x4], $0x80, s0, s17, $0xb8;
	[tilespmem:$0x1F720] =	vst v63  }
0xfb: {  	_ =	swait.ge [sflag:s23], $0x3200  }
0xfc: {  	[sflag:s23] =	ssyncset.done $0x0  }
0xfd: {  	[sflag:s23] =	ssyncadd.s32 $0xFFFFCE00  }
0xfe: {  	_ =	swait.ge [sflag:s24], $0x3200  }
0xff: {  	[sflag:s24] =	ssyncset.done $0x0  }
0x100: {  	[sflag:s24] =	ssyncadd.s32 $0xFFFFCE00  }
0x101: {  	[spmem:s3] =	stream.indirect.scatter.add.f32 [tilespmem:s20], [sflag:$0x5], $0x80, s1, s17, $0xb8;
	[tilespmem:$0x1F720] =	vst v63  }
0x102: {  	_ =	swait.ge [sflag:s28], $0x3200  }
0x103: {  	[sflag:s28] =	ssyncset.done $0x0  }
0x104: {  	[sflag:s28] =	ssyncadd.s32 $0xFFFFCE00  }
0x105: {  	[bflag:$0x0] =	sbarrier.arrive $0xFFFF  }
0x106: {  	s7 =	rddreg [dreg:$0xb]  }
0x107: {  	[hbm:s7], [sflag:s21] =	dma.local [spmem:s6], $0x2710  }
0x108: {  	_ =	swait.ge [sflag:s15], $0x2710  }
0x109: {  	s19 =	sadd.s32 $0x1, s19;
	s25 =	rddreg [dreg:$0xa]  }
0x10a: {  	p1 =	sne.s32 s19, s25  }
.Ltmp2:
0x10b: {  	_ = 	snop;
	(pc) =	sbr.rel @p1 .LBB2_1-.Ltmp2, $3  }
0x10c: {  	_ =	sdelay $0x1  }
0x10d: {  	[sflag:s15] =	ssyncset.done $0x0  }
0x10e: {  	[sflag:s15] =	ssyncadd.s32 $0xFFFFD8F0  }
0x10f: {  	_ =	sfence.sel $0x180000  }
0x110: {  	[bflag:$0x0] =	sbarrier.arrive $0xFFFF  }
0x111: {  	_ =	strace $0x90000047  }
0x112: {  	s0 =	stileid.u32;
	[bflag:$0x2] =	sbarrier.arrive $0xFFFF  }
0x113: {  	p0 =	sne.s32 s0, $0x0;
	s0 =	rddreg [dreg:$0x3]  }
0x114: {  	s0 =	sadd.s32 @!p0 $0x100000, s0  }
0x115: {  	[sflag:s0] =	ssyncadd.tile.s32 @!p0 $0x1;
	_ =	shalt  }
.Lfunc_end2:
_tile_overlayer_lowered:
.L_overlay_start_2:
0x116: {  	(tag) =	ssettag $0x2  }
0x117: {  	s0 =	rddreg [dreg:$0x0];
	s2 =	stileid.u32  }
0x118: {  	s1 =	rddreg [dreg:$0x1];
	p0 =	sne.s32 s2, $0x0  }
0x119: {  	s3 =	rddreg [dreg:$0x2];
	[bflag:$0x3] =	sbarrier.arrive $0xFFFF;
	s2 =	simm.s32 @!p0 $0x1C07  }
0x11a: {  	[timem:s3], [sflag:s2] =	dma.local @!p0 [hbm:s0], s1  }
0x11b: {  	s0 =	simm.s32 @!p0 $0x7  }
0x11c: {  	_ =	swait.ge @!p0 [sflag:s0], s1  }
0x11d: {  	s1 =	ssub.s32 @!p0 $0x0, s1;
	[sflag:s0] =	ssyncset.done @!p0 $0x0  }
0x11e: {  	[sflag:s0] =	ssyncadd.s32 @!p0 s1  }
0x11f: {  	[bflag:$0x3] =	sbarrier.arrive $0xFFFF  }
0x120: {  	_ =	shalt  }

</sc_bundles>
